<compile_context>
chip_gen: v7x
topology: tpu7x:2x2x1
jax: 0.10.2.dev20260603
libtpu: 0.0.44.dev20260713+nightly
codegen_flags: <defaults>
</compile_context>

<pallas_src>
import functools

import jax
import jax.numpy as jnp
from jax import lax
from jax.experimental import pallas as pl
from jax.experimental.pallas import tpu as pltpu
from jax.experimental.pallas import tpu_sc as plsc

K = 20
TILE = 512
F32 = jnp.float32


def _dot(a, b, dims):
    return lax.dot_general(a, b, (dims, ((), ())), preferred_element_type=F32)


def _p0_kernel(x_ref, w1a_ref, wz_ref, y_ref, z_ref):
    xb = x_ref[0]
    y_ref[0] = _dot(xb, w1a_ref[...], ((0,), (1,)))
    z_ref[0] = _dot(xb, wz_ref[...], ((0,), (1,)))


def _p1_kernel(xt_ref, xb_ref, yb_ref, z_ref, idx_ref, sumh_ref, sumsq_ref):
    b = pl.program_id(0)
    t = pl.program_id(1)
    n_total = xb_ref.shape[2]
    xt = xt_ref[0]
    xb = xb_ref[0]
    yb = yb_ref[0]
    z = z_ref[0]

    inner = _dot(xt, xb, ((0,), (0,)))
    xxp = jnp.sum(xt * xt, axis=0)
    xxb = jnp.sum(xb * xb, axis=0)
    d = 2.0 * inner - xxp[:, None] - xxb[None, :]

    iota = lax.broadcasted_iota(jnp.int32, d.shape, 1)
    neg = jnp.float32(-jnp.inf)
    for j in range(K):
        m = jnp.argmax(d, axis=1).astype(jnp.int32)[:, None]
        d = jnp.where(iota == m, neg, d)
        idx_ref[0, :, pl.ds(j, 1)] = m + b * n_total

    khot = (d == neg).astype(F32)
    s = _dot(khot, yb, ((1,), (0,)))
    s2 = _dot(khot, yb * yb, ((1,), (0,)))
    sh = jnp.sum(s, axis=0) + K * jnp.sum(z, axis=0)
    sq = (jnp.sum(s2, axis=0) + 2.0 * jnp.sum(s * z, axis=0)
          + K * jnp.sum(z * z, axis=0))

    @pl.when(jnp.logical_and(b == 0, t == 0))
    def _init():
        sumh_ref[...] = jnp.zeros_like(sumh_ref)
        sumsq_ref[...] = jnp.zeros_like(sumsq_ref)
    sumh_ref[0, :] = sumh_ref[0, :] + sh
    sumsq_ref[0, :] = sumsq_ref[0, :] + sq


def _sc_gather_kernel(e_per_w, chunk, y_hbm, idx_hbm, g_hbm, idx_v,
                      rows0, rows1, rows2, rows3,
                      sg0, sg1, sg2, sg3, ss0, ss1, ss2, ss3):
    nc = 2
    nb = 4
    wid = lax.axis_index("s") * nc + lax.axis_index("c")
    base = wid * e_per_w
    n_chunks = e_per_w // chunk
    rows = (rows0, rows1, rows2, rows3)
    sg = (sg0, sg1, sg2, sg3)
    ss = (ss0, ss1, ss2, ss3)
    pltpu.sync_copy(idx_hbm.at[pl.ds(base, e_per_w)], idx_v)
    gathers = {}
    scatters = {}

    def fire_gather(q):
        gathers[q] = pltpu.async_copy(
            y_hbm.at[idx_v.at[pl.ds(q * chunk, chunk)]],
            rows[q % nb], sg[q % nb])

    for q in range(min(nb - 1, n_chunks)):
        fire_gather(q)
    for i in range(n_chunks):
        nxt = i + nb - 1
        if nxt < n_chunks:
            if nxt - nb >= 0:
                scatters[nxt - nb].wait()
            fire_gather(nxt)
        gathers[i].wait()
        scatters[i] = pltpu.async_copy(
            rows[i % nb], g_hbm.at[pl.ds(base + i * chunk, chunk)],
            ss[i % nb])
    for i in range(max(0, n_chunks - nb), n_chunks):
        scatters[i].wait()


def _p2_kernel(g_ref, z_ref, s1_ref, t1_ref,
               x1_ref, muhr_ref, mhr_ref):
    b = pl.program_id(0)
    t = pl.program_id(1)
    c1 = z_ref.shape[2]
    z = z_ref[0]
    z2 = jnp.concatenate([z, z], axis=1)
    s1 = s1_ref[...]
    t1 = t1_ref[...]
    s12 = jnp.concatenate([s1, s1], axis=1)
    t12 = jnp.concatenate([t1, t1], axis=1)
    hps = []
    for j2 in range(K // 2):
        hp = jnp.maximum((g_ref[0, j2] + z2) * s12 + t12, 0.0)
        hps.append(hp)
    mp = hps[0]
    for j2 in range(1, K // 2):
        mp = jnp.maximum(mp, hps[j2])
    mx = jnp.maximum(mp[:, :c1], mp[:, c1:])
    mx2 = jnp.concatenate([mx, mx], axis=1)
    ssum = jnp.zeros_like(mp)
    num = jnp.zeros_like(mp)
    mu = jnp.zeros((2 * c1,), F32)
    mm = jnp.zeros((2 * c1, 2 * c1), F32)
    for j2 in range(K // 2):
        e = jnp.exp(hps[j2] - mx2)
        ssum = ssum + e
        num = num + hps[j2] * e
        mu = mu + jnp.sum(hps[j2], axis=0)
        mm = mm + _dot(hps[j2], hps[j2], ((0,), (0,)))
    x1_ref[0] = ((num[:, :c1] + num[:, c1:])
                 / (ssum[:, :c1] + ssum[:, c1:]))

    @pl.when(jnp.logical_and(b == 0, t == 0))
    def _init():
        muhr_ref[...] = jnp.zeros_like(muhr_ref)
        mhr_ref[...] = jnp.zeros_like(mhr_ref)
    muhr_ref[0, :] = muhr_ref[0, :] + mu
    mhr_ref[...] = mhr_ref[...] + mm


def _p2b_kernel(mu_ref, mm_ref, w2_ref, g2_ref, b2_ref, n_samples,
                s2_ref, t2_ref):
    minv = jnp.float32(1.0 / n_samples)
    c1 = w2_ref.shape[1]
    w2 = w2_ref[...]
    mup = mu_ref[...]
    mmp = mm_ref[...]
    mean_hr = (mup[:, :c1] + mup[:, c1:]) * minv
    mm_hr = (mmp[:c1, :c1] + mmp[c1:, c1:]) * minv
    mean_c = _dot(w2, mean_hr, ((1,), (1,)))
    u = _dot(w2, mm_hr, ((1,), (0,)))
    e2 = jnp.sum(u * w2, axis=1, keepdims=True)
    var = e2 - mean_c * mean_c
    rstd = lax.rsqrt(var + 1e-5)
    gg = g2_ref[...]
    sc = gg * rstd
    tc = b2_ref[...] - mean_c * sc
    s2_ref[...] = jnp.reshape(sc, s2_ref.shape)
    t2_ref[...] = jnp.reshape(tc, t2_ref.shape)


def _p3_kernel(g_ref, z_ref, s1_ref, t1_ref, s2_ref, t2_ref, w2p_ref, x1_ref,
               x2_ref, muv_ref, mv_ref):
    b = pl.program_id(0)
    t = pl.program_id(1)
    c1 = z_ref.shape[2]
    c2 = s2_ref.shape[1]
    z = z_ref[0]
    z2 = jnp.concatenate([z, z], axis=1)
    s1 = s1_ref[...]
    t1 = t1_ref[...]
    s12 = jnp.concatenate([s1, s1], axis=1)
    t12 = jnp.concatenate([t1, t1], axis=1)
    s2 = s2_ref[...]
    t2 = t2_ref[...]
    s22 = jnp.concatenate([s2, s2], axis=1)
    t22 = jnp.concatenate([t2, t2], axis=1)
    w2p = w2p_ref[...]
    hr2s = []
    for j2 in range(K // 2):
        hp = jnp.maximum((g_ref[0, j2] + z2) * s12 + t12, 0.0)
        h2p = _dot(hp, w2p, ((1,), (0,)))
        hr2s.append(jnp.maximum(h2p * s22 + t22, 0.0))
    mp = hr2s[0]
    for j2 in range(1, K // 2):
        mp = jnp.maximum(mp, hr2s[j2])
    mx = jnp.maximum(mp[:, :c2], mp[:, c2:])
    mx2 = jnp.concatenate([mx, mx], axis=1)
    ssum = jnp.zeros_like(mp)
    num = jnp.zeros_like(mp)
    for j2 in range(K // 2):
        e = jnp.exp(hr2s[j2] - mx2)
        ssum = ssum + e
        num = num + hr2s[j2] * e
    x2 = ((num[:, :c2] + num[:, c2:])
          / (ssum[:, :c2] + ssum[:, c2:]))
    x2_ref[0] = x2

    v = jnp.concatenate([x1_ref[0], x2], axis=1)
    mu = jnp.sum(v, axis=0)
    mm = _dot(v, v, ((0,), (0,)))

    @pl.when(jnp.logical_and(b == 0, t == 0))
    def _init():
        muv_ref[...] = jnp.zeros_like(muv_ref)
        mv_ref[...] = jnp.zeros_like(mv_ref)
    muv_ref[0, :] = muv_ref[0, :] + mu
    mv_ref[...] = mv_ref[...] + mm


def _p3b_kernel(mu_ref, mm_ref, wo_ref, go_ref, bo_ref, n_samples,
                so_ref, to_ref):
    minv = jnp.float32(1.0 / n_samples)
    wo = wo_ref[...]
    mean_v = mu_ref[...] * minv
    mean_c = _dot(wo, mean_v, ((1,), (1,)))
    u = _dot(wo, mm_ref[...] * minv, ((1,), (0,)))
    e2 = jnp.sum(u * wo, axis=1, keepdims=True)
    var = e2 - mean_c * mean_c
    rstd = lax.rsqrt(var + 1e-5)
    go = go_ref[...]
    so_ref[...] = go * rstd
    to_ref[...] = bo_ref[...] - mean_c * go * rstd


def _p4_kernel(x1_ref, x2_ref, wo_ref, so_ref, to_ref, out_ref):
    v = jnp.concatenate([x1_ref[0], x2_ref[0]], axis=1)
    o = _dot(wo_ref[...], v, ((1,), (1,)))
    out_ref[0] = jnp.maximum(o * so_ref[...] + to_ref[...], 0.0)


def kernel(x, W1, g1, b1, W2, g2, b2, Wout, gout, bout):
    B, C, N = x.shape
    C1 = W1.shape[0]
    C2 = W2.shape[0]
    CO = Wout.shape[0]
    CV = Wout.shape[1]
    T = N // TILE
    W1a = W1[:, :C]
    Wz = W1[:, C:] - W1[:, :C]

    y, z = pl.pallas_call(
        _p0_kernel,
        grid=(B,),
        in_specs=[
            pl.BlockSpec((1, C, N), lambda b: (b, 0, 0)),
            pl.BlockSpec((C1, C), lambda b: (0, 0)),
            pl.BlockSpec((C1, C), lambda b: (0, 0)),
        ],
        out_specs=[
            pl.BlockSpec((1, N, C1), lambda b: (b, 0, 0)),
            pl.BlockSpec((1, N, C1), lambda b: (b, 0, 0)),
        ],
        out_shape=[
            jax.ShapeDtypeStruct((B, N, C1), F32),
            jax.ShapeDtypeStruct((B, N, C1), F32),
        ],
    )(x, W1a, Wz)

    idx, sumh, sumsq = pl.pallas_call(
        _p1_kernel,
        grid=(B, T),
        in_specs=[
            pl.BlockSpec((1, C, TILE), lambda b, t: (b, 0, t)),
            pl.BlockSpec((1, C, N), lambda b, t: (b, 0, 0)),
            pl.BlockSpec((1, N, C1), lambda b, t: (b, 0, 0)),
            pl.BlockSpec((1, TILE, C1), lambda b, t: (b, t, 0)),
        ],
        out_specs=[
            pl.BlockSpec((1, TILE, K), lambda b, t: (b, t, 0)),
            pl.BlockSpec((1, C1), lambda b, t: (0, 0)),
            pl.BlockSpec((1, C1), lambda b, t: (0, 0)),
        ],
        out_shape=[
            jax.ShapeDtypeStruct((B, N, K), jnp.int32),
            jax.ShapeDtypeStruct((1, C1), F32),
            jax.ShapeDtypeStruct((1, C1), F32),
        ],
    )(x, x, y, z)

    n_edges = B * N * K
    n_workers = 32
    e_per_w = n_edges // n_workers
    chunk = 320
    mesh = plsc.VectorSubcoreMesh(core_axis_name="c", subcore_axis_name="s")
    gather = pl.kernel(
        functools.partial(_sc_gather_kernel, e_per_w, chunk),
        mesh=mesh,
        out_type=jax.ShapeDtypeStruct((n_edges, C1), F32),
        scratch_types=(
            [pltpu.VMEM((e_per_w,), jnp.int32)]
            + [pltpu.VMEM((chunk, C1), F32) for _ in range(4)]
            + [pltpu.SemaphoreType.DMA for _ in range(8)]
        ),
        compiler_params=pltpu.CompilerParams(use_tc_tiling_on_sc=False),
    )
    idxp = jnp.transpose(idx.reshape(B, N, K // 2, 2),
                         (0, 2, 1, 3)).reshape(n_edges)
    g = gather(y.reshape(B * N, C1), idxp)
    gpk = g.reshape(B, K // 2, N, 2 * C1)

    m_edges = B * N * K
    mean1 = sumh / m_edges
    var1 = sumsq / m_edges - mean1 * mean1
    rstd1 = 1.0 / jnp.sqrt(var1 + 1e-5)
    s1 = g1.reshape(1, C1) * rstd1
    t1 = b1.reshape(1, C1) - mean1 * s1

    x1, muhr, mhr = pl.pallas_call(
        _p2_kernel,
        grid=(B, T),
        in_specs=[
            pl.BlockSpec((1, K // 2, TILE, 2 * C1),
                         lambda b, t: (b, 0, t, 0)),
            pl.BlockSpec((1, TILE, C1), lambda b, t: (b, t, 0)),
            pl.BlockSpec((1, C1), lambda b, t: (0, 0)),
            pl.BlockSpec((1, C1), lambda b, t: (0, 0)),
        ],
        out_specs=[
            pl.BlockSpec((1, TILE, C1), lambda b, t: (b, t, 0)),
            pl.BlockSpec((1, 2 * C1), lambda b, t: (0, 0)),
            pl.BlockSpec((2 * C1, 2 * C1), lambda b, t: (0, 0)),
        ],
        out_shape=[
            jax.ShapeDtypeStruct((B, N, C1), F32),
            jax.ShapeDtypeStruct((1, 2 * C1), F32),
            jax.ShapeDtypeStruct((2 * C1, 2 * C1), F32),
        ],
    )(gpk, z, s1, t1)

    s2, t2 = pl.pallas_call(
        lambda mu, mm, w2, g2r, b2r, s2o, t2o: _p2b_kernel(
            mu, mm, w2, g2r, b2r, m_edges, s2o, t2o),
        out_shape=[
            jax.ShapeDtypeStruct((1, C2), F32),
            jax.ShapeDtypeStruct((1, C2), F32),
        ],
    )(muhr, mhr, W2, g2.reshape(C2, 1), b2.reshape(C2, 1))

    w2p = jnp.zeros((2 * C1, 2 * C2), F32)
    w2p = w2p.at[:C1, :C2].set(W2.T)
    w2p = w2p.at[C1:, C2:].set(W2.T)

    x2, muv, mv = pl.pallas_call(
        _p3_kernel,
        grid=(B, T),
        in_specs=[
            pl.BlockSpec((1, K // 2, TILE, 2 * C1),
                         lambda b, t: (b, 0, t, 0)),
            pl.BlockSpec((1, TILE, C1), lambda b, t: (b, t, 0)),
            pl.BlockSpec((1, C1), lambda b, t: (0, 0)),
            pl.BlockSpec((1, C1), lambda b, t: (0, 0)),
            pl.BlockSpec((1, C2), lambda b, t: (0, 0)),
            pl.BlockSpec((1, C2), lambda b, t: (0, 0)),
            pl.BlockSpec((2 * C1, 2 * C2), lambda b, t: (0, 0)),
            pl.BlockSpec((1, TILE, C1), lambda b, t: (b, t, 0)),
        ],
        out_specs=[
            pl.BlockSpec((1, TILE, C2), lambda b, t: (b, t, 0)),
            pl.BlockSpec((1, CV), lambda b, t: (0, 0)),
            pl.BlockSpec((CV, CV), lambda b, t: (0, 0)),
        ],
        out_shape=[
            jax.ShapeDtypeStruct((B, N, C2), F32),
            jax.ShapeDtypeStruct((1, CV), F32),
            jax.ShapeDtypeStruct((CV, CV), F32),
        ],
    )(gpk, z, s1, t1, s2, t2, w2p, x1)

    so, to = pl.pallas_call(
        lambda mu, mm, wo, gor, bor, soo, too: _p3b_kernel(
            mu, mm, wo, gor, bor, B * N, soo, too),
        out_shape=[
            jax.ShapeDtypeStruct((CO, 1), F32),
            jax.ShapeDtypeStruct((CO, 1), F32),
        ],
    )(muv, mv, Wout, gout.reshape(CO, 1), bout.reshape(CO, 1))

    out = pl.pallas_call(
        _p4_kernel,
        grid=(B, T),
        in_specs=[
            pl.BlockSpec((1, TILE, C1), lambda b, t: (b, t, 0)),
            pl.BlockSpec((1, TILE, C2), lambda b, t: (b, t, 0)),
            pl.BlockSpec((CO, CV), lambda b, t: (0, 0)),
            pl.BlockSpec((CO, 1), lambda b, t: (0, 0)),
            pl.BlockSpec((CO, 1), lambda b, t: (0, 0)),
        ],
        out_specs=pl.BlockSpec((1, CO, TILE), lambda b, t: (b, 0, t)),
        out_shape=jax.ShapeDtypeStruct((B, CO, N), F32),
    )(x1, x2, Wout, so, to)
    return out

# --- scband reference (transcript-rebuilt; emitter-appended) ---
"""Pipeline reference for scband-hmnet-48833778155889 (READ-ONLY COPY).

The authoritative reference and input builder live on the scoring server;
editing this copy changes nothing except your own understanding.
"""

import jax, jax.numpy as jnp
import numpy as np

K_NEIGHBORS = 20


def knn(x, k=K_NEIGHBORS):
    # x: [B, C, N]; torch code sorts 'distance' (negative squared dist) descending -> nearest first
    inner = -2.0 * jnp.einsum('bcn,bcm->bnm', x, x)
    xx = jnp.sum(x ** 2, axis=1)  # [B, N]
    distance = -xx[:, :, None] - inner - xx[:, None, :]
    _, idx = jax.lax.top_k(distance, k)  # [B, N, k]
    return idx


def get_graph_feature(x, k=K_NEIGHBORS):
    # x: [B, C, N] -> [B, 2C, N, k]
    B, C, N = x.shape
    idx = knn(x, k)  # [B, N, k]
    xt = jnp.transpose(x, (0, 2, 1))  # [B, N, C]
    gather = jax.vmap(lambda xb, ib: xb[ib])  # per-batch gather
    feature = gather(xt, idx)  # [B, N, k, C]
    xc = jnp.broadcast_to(xt[:, :, None, :], (B, N, k, C))
    feat = jnp.concatenate([feature - xc, xc], axis=3)  # [B, N, k, 2C]
    return jnp.transpose(feat, (0, 3, 1, 2))  # [B, 2C, N, k]


def batchnorm(x, g, b, axes, eps=1e-5):
    m = jnp.mean(x, axis=axes, keepdims=True)
    v = jnp.var(x, axis=axes, keepdims=True)
    xn = (x - m) / jnp.sqrt(v + eps)
    shape = [1] * x.ndim
    shape[1] = -1
    return xn * g.reshape(shape) + b.reshape(shape)


def setup_inputs(seed: int = 0) -> dict:
    key = jax.random.key(seed)
    ks = jax.random.split(key, 9)
    B, C, N = 8, 64, 2048
    x = jax.random.normal(ks[0], (B, C, N), dtype=jnp.float32)
    W1 = jax.random.normal(ks[1], (64, 2 * C), dtype=jnp.float32) * 0.05
    g1 = jnp.ones((64,), dtype=jnp.float32)
    b1 = jnp.zeros((64,), dtype=jnp.float32)
    W2 = jax.random.normal(ks[2], (128, 64), dtype=jnp.float32) * 0.05
    g2 = jnp.ones((128,), dtype=jnp.float32)
    b2 = jnp.zeros((128,), dtype=jnp.float32)
    Wout = jax.random.normal(ks[3], (256, 192), dtype=jnp.float32) * 0.05
    gout = jnp.ones((256,), dtype=jnp.float32)
    bout = jnp.zeros((256,), dtype=jnp.float32)
    return {'x': x, 'W1': W1, 'g1': g1, 'b1': b1, 'W2': W2, 'g2': g2, 'b2': b2,
            'Wout': Wout, 'gout': gout, 'bout': bout}


def reference(x, W1, g1, b1, W2, g2, b2, Wout, gout, bout):
    # Faithful GACLayer forward (the message-passing core of HMNet):
    # knn graph build -> neighbor gather -> edge MLP (1x1 convs + BN + ReLU)
    # -> per-neighbor softmax attention reduce (twice) -> output 1x1 conv + BN + ReLU
    f = get_graph_feature(x)  # [B, 2C, N, k]
    h = jnp.einsum('oi,binm->bonm', W1, f)
    h = jax.nn.relu(batchnorm(h, g1, b1, (0, 2, 3)))
    a1 = jax.nn.softmax(h, axis=-1)
    x1 = jnp.sum(h * a1, axis=-1)  # [B, 64, N]
    h2 = jnp.einsum('oi,binm->bonm', W2, h)
    h2 = jax.nn.relu(batchnorm(h2, g2, b2, (0, 2, 3)))
    a2 = jax.nn.softmax(h2, axis=-1)
    x2 = jnp.sum(h2 * a2, axis=-1)  # [B, 128, N]
    out = jnp.concatenate([x1, x2], axis=1)  # [B, 192, N]
    out = jnp.einsum('oi,bin->bon', Wout, out)
    out = jax.nn.relu(batchnorm(out, gout, bout, (0, 2)))
    return out  # [B, 256, N]

if __name__ == "__main__":
    import jax
    _d = setup_inputs()
    print(jax.jit(kernel)(*tuple(_d.values())))

</pallas_src>

<mosaic_0001>
#map = affine_map<(d0, d1) -> (0, 0)>
#map1 = affine_map<(d0, d1) -> (0)>
module attributes {stable_mosaic.version = 14 : i64} {
  func.func @_sc_gather_kernel(%arg0: i32, %arg1: i32, %arg2: memref<16384x64xf32, #tpu.memory_space<hbm>>, %arg3: memref<327680xi32, #tpu.memory_space<hbm>>, %arg4: memref<327680x64xf32, #tpu.memory_space<hbm>>, %arg5: memref<10240xi32, #tpu.memory_space<vmem>>, %arg6: memref<320x64xf32, #tpu.memory_space<vmem>>, %arg7: memref<320x64xf32, #tpu.memory_space<vmem>>, %arg8: memref<320x64xf32, #tpu.memory_space<vmem>>, %arg9: memref<320x64xf32, #tpu.memory_space<vmem>>, %arg10: memref<!tpu.dma_semaphore, #tpu.memory_space<semaphore_mem>>, %arg11: memref<!tpu.dma_semaphore, #tpu.memory_space<semaphore_mem>>, %arg12: memref<!tpu.dma_semaphore, #tpu.memory_space<semaphore_mem>>, %arg13: memref<!tpu.dma_semaphore, #tpu.memory_space<semaphore_mem>>, %arg14: memref<!tpu.dma_semaphore, #tpu.memory_space<semaphore_mem>>, %arg15: memref<!tpu.dma_semaphore, #tpu.memory_space<semaphore_mem>>, %arg16: memref<!tpu.dma_semaphore, #tpu.memory_space<semaphore_mem>>, %arg17: memref<!tpu.dma_semaphore, #tpu.memory_space<semaphore_mem>>) attributes {dimension_semantics = [#tpu.dimension_semantics<core_parallel>, #tpu.dimension_semantics<subcore_parallel>], iteration_bounds = array<i64: 2, 16>, scalar_prefetch = 0 : i64, scratch_operands = 13 : i64, tpu.core_type = #tpu.core_type<sc_vector_subcore>, window_params = [{transform_indices = #map}, {transform_indices = #map1}, {transform_indices = #map}]} {
    %mul3A = arith.constant 2 : i32
    %mul3A_0 = arith.muli %arg1, %mul3A : i32
    %add3A = arith.addi %mul3A_0, %arg0 : i32
    %mul3A_1 = arith.constant 10240 : i32
    %mul3A_2 = arith.muli %add3A, %mul3A_1 : i32
    "tpu.region"() ({
      %run_scoped3A = tpu.sem_alloc : memref<!tpu.dma_semaphore, #tpu.memory_space<semaphore_mem>>
      %dma_start3A_641 = tpu.memref_slice %arg3[%mul3A_2] : memref<327680xi32, #tpu.memory_space<hbm>> -> memref<10240xi32, #tpu.memory_space<hbm>>
      %dma_start3A_642 = tpu.memref_slice %arg3[%mul3A_2] : memref<327680xi32, #tpu.memory_space<hbm>> -> memref<10240xi32, #tpu.memory_space<hbm>>
      tpu.enqueue_dma source(%dma_start3A_642 : memref<10240xi32, #tpu.memory_space<hbm>>) target(%arg5 : memref<10240xi32, #tpu.memory_space<vmem>>) target_semaphore(%run_scoped3A : memref<!tpu.dma_semaphore, #tpu.memory_space<semaphore_mem>>)
      %dma_wait3A_643 = tpu.memref_slice %arg3[%mul3A_2] : memref<327680xi32, #tpu.memory_space<hbm>> -> memref<10240xi32, #tpu.memory_space<hbm>>
      %dma_wait3A_644 = tpu.memref_slice %arg3[%mul3A_2] : memref<327680xi32, #tpu.memory_space<hbm>> -> memref<10240xi32, #tpu.memory_space<hbm>>
      tpu.wait_dma2 semaphore(%run_scoped3A : memref<!tpu.dma_semaphore, #tpu.memory_space<semaphore_mem>>) src(%dma_wait3A_644 : memref<10240xi32, #tpu.memory_space<hbm>>) dst(%arg5 : memref<10240xi32, #tpu.memory_space<vmem>>)
      tpu.yield
    }) : () -> ()
    %dma_start3A = arith.constant 0 : i32
    %dma_start3A_3 = tpu.memref_slice %arg5[%dma_start3A] : memref<10240xi32, #tpu.memory_space<vmem>> -> memref<320xi32, #tpu.memory_space<vmem>>
    %dma_start3A_4 = arith.constant 0 : i32
    %dma_start3A_5 = arith.constant 0 : i32
    %dma_start3A_6 = tpu.memref_slice %arg2[%dma_start3A_4, %dma_start3A_5] : memref<16384x64xf32, #tpu.memory_space<hbm>> -> memref<16384x64xf32, #tpu.memory_space<hbm>>
    tpu.enqueue_indirect_dma source(%dma_start3A_6 : memref<16384x64xf32, #tpu.memory_space<hbm>>) target(%arg6 : memref<320x64xf32, #tpu.memory_space<vmem>>) offsets(%dma_start3A_3 : memref<320xi32, #tpu.memory_space<vmem>>) semaphore(%arg10 : memref<!tpu.dma_semaphore, #tpu.memory_space<semaphore_mem>>)
    %dma_start3A_7 = arith.constant 320 : i32
    %dma_start3A_8 = tpu.memref_slice %arg5[%dma_start3A_7] : memref<10240xi32, #tpu.memory_space<vmem>> -> memref<320xi32, #tpu.memory_space<vmem>>
    %dma_start3A_9 = arith.constant 0 : i32
    %dma_start3A_10 = arith.constant 0 : i32
    %dma_start3A_11 = tpu.memref_slice %arg2[%dma_start3A_9, %dma_start3A_10] : memref<16384x64xf32, #tpu.memory_space<hbm>> -> memref<16384x64xf32, #tpu.memory_space<hbm>>
    tpu.enqueue_indirect_dma source(%dma_start3A_11 : memref<16384x64xf32, #tpu.memory_space<hbm>>) target(%arg7 : memref<320x64xf32, #tpu.memory_space<vmem>>) offsets(%dma_start3A_8 : memref<320xi32, #tpu.memory_space<vmem>>) semaphore(%arg11 : memref<!tpu.dma_semaphore, #tpu.memory_space<semaphore_mem>>)
    %dma_start3A_12 = arith.constant 640 : i32
    %dma_start3A_13 = tpu.memref_slice %arg5[%dma_start3A_12] : memref<10240xi32, #tpu.memory_space<vmem>> -> memref<320xi32, #tpu.memory_space<vmem>>
    %dma_start3A_14 = arith.constant 0 : i32
    %dma_start3A_15 = arith.constant 0 : i32
    %dma_start3A_16 = tpu.memref_slice %arg2[%dma_start3A_14, %dma_start3A_15] : memref<16384x64xf32, #tpu.memory_space<hbm>> -> memref<16384x64xf32, #tpu.memory_space<hbm>>
    tpu.enqueue_indirect_dma source(%dma_start3A_16 : memref<16384x64xf32, #tpu.memory_space<hbm>>) target(%arg8 : memref<320x64xf32, #tpu.memory_space<vmem>>) offsets(%dma_start3A_13 : memref<320xi32, #tpu.memory_space<vmem>>) semaphore(%arg12 : memref<!tpu.dma_semaphore, #tpu.memory_space<semaphore_mem>>)
    %dma_start3A_17 = arith.constant 960 : i32
    %dma_start3A_18 = tpu.memref_slice %arg5[%dma_start3A_17] : memref<10240xi32, #tpu.memory_space<vmem>> -> memref<320xi32, #tpu.memory_space<vmem>>
    %dma_start3A_19 = arith.constant 0 : i32
    %dma_start3A_20 = arith.constant 0 : i32
    %dma_start3A_21 = tpu.memref_slice %arg2[%dma_start3A_19, %dma_start3A_20] : memref<16384x64xf32, #tpu.memory_space<hbm>> -> memref<16384x64xf32, #tpu.memory_space<hbm>>
    tpu.enqueue_indirect_dma source(%dma_start3A_21 : memref<16384x64xf32, #tpu.memory_space<hbm>>) target(%arg9 : memref<320x64xf32, #tpu.memory_space<vmem>>) offsets(%dma_start3A_18 : memref<320xi32, #tpu.memory_space<vmem>>) semaphore(%arg13 : memref<!tpu.dma_semaphore, #tpu.memory_space<semaphore_mem>>)
    %dma_wait3A = arith.constant 0 : i32
    %dma_wait3A_22 = tpu.memref_slice %arg5[%dma_wait3A] : memref<10240xi32, #tpu.memory_space<vmem>> -> memref<320xi32, #tpu.memory_space<vmem>>
    %dma_wait3A_23 = arith.constant 0 : i32
    %dma_wait3A_24 = arith.constant 0 : i32
    %dma_wait3A_25 = tpu.memref_slice %arg2[%dma_wait3A_23, %dma_wait3A_24] : memref<16384x64xf32, #tpu.memory_space<hbm>> -> memref<16384x64xf32, #tpu.memory_space<hbm>>
    tpu.wait_indirect_dma semaphore(%arg10 : memref<!tpu.dma_semaphore, #tpu.memory_space<semaphore_mem>>) src(%dma_wait3A_25 : memref<16384x64xf32, #tpu.memory_space<hbm>>) dst(%arg6 : memref<320x64xf32, #tpu.memory_space<vmem>>)
    %add3A_26 = arith.constant 0 : i32
    %add3A_27 = arith.addi %mul3A_2, %add3A_26 : i32
    %dma_start3A_28 = arith.constant 0 : i32
    %dma_start3A_29 = tpu.memref_slice %arg4[%add3A_27, %dma_start3A_28] : memref<327680x64xf32, #tpu.memory_space<hbm>> -> memref<320x64xf32, #tpu.memory_space<hbm>>
    %dma_start3A_30 = arith.constant 0 : i32
    %dma_start3A_31 = tpu.memref_slice %arg4[%add3A_27, %dma_start3A_30] : memref<327680x64xf32, #tpu.memory_space<hbm>> -> memref<320x64xf32, #tpu.memory_space<hbm>>
    tpu.enqueue_dma source(%arg6 : memref<320x64xf32, #tpu.memory_space<vmem>>) target(%dma_start3A_31 : memref<320x64xf32, #tpu.memory_space<hbm>>) target_semaphore(%arg14 : memref<!tpu.dma_semaphore, #tpu.memory_space<semaphore_mem>>)
    %dma_wait3A_32 = arith.constant 0 : i32
    %dma_wait3A_33 = tpu.memref_slice %arg4[%add3A_27, %dma_wait3A_32] : memref<327680x64xf32, #tpu.memory_space<hbm>> -> memref<320x64xf32, #tpu.memory_space<hbm>>
    %dma_wait3A_34 = arith.constant 0 : i32
    %dma_wait3A_35 = tpu.memref_slice %arg4[%add3A_27, %dma_wait3A_34] : memref<327680x64xf32, #tpu.memory_space<hbm>> -> memref<320x64xf32, #tpu.memory_space<hbm>>
    tpu.wait_dma2 semaphore(%arg14 : memref<!tpu.dma_semaphore, #tpu.memory_space<semaphore_mem>>) src(%arg6 : memref<320x64xf32, #tpu.memory_space<vmem>>) dst(%dma_wait3A_35 : memref<320x64xf32, #tpu.memory_space<hbm>>)
    %dma_start3A_36 = arith.constant 1280 : i32
    %dma_start3A_37 = tpu.memref_slice %arg5[%dma_start3A_36] : memref<10240xi32, #tpu.memory_space<vmem>> -> memref<320xi32, #tpu.memory_space<vmem>>
    %dma_start3A_38 = arith.constant 0 : i32
    %dma_start3A_39 = arith.constant 0 : i32
    %dma_start3A_40 = tpu.memref_slice %arg2[%dma_start3A_38, %dma_start3A_39] : memref<16384x64xf32, #tpu.memory_space<hbm>> -> memref<16384x64xf32, #tpu.memory_space<hbm>>
    tpu.enqueue_indirect_dma source(%dma_start3A_40 : memref<16384x64xf32, #tpu.memory_space<hbm>>) target(%arg6 : memref<320x64xf32, #tpu.memory_space<vmem>>) offsets(%dma_start3A_37 : memref<320xi32, #tpu.memory_space<vmem>>) semaphore(%arg10 : memref<!tpu.dma_semaphore, #tpu.memory_space<semaphore_mem>>)
    %dma_wait3A_41 = arith.constant 320 : i32
    %dma_wait3A_42 = tpu.memref_slice %arg5[%dma_wait3A_41] : memref<10240xi32, #tpu.memory_space<vmem>> -> memref<320xi32, #tpu.memory_space<vmem>>
    %dma_wait3A_43 = arith.constant 0 : i32
    %dma_wait3A_44 = arith.constant 0 : i32
    %dma_wait3A_45 = tpu.memref_slice %arg2[%dma_wait3A_43, %dma_wait3A_44] : memref<16384x64xf32, #tpu.memory_space<hbm>> -> memref<16384x64xf32, #tpu.memory_space<hbm>>
    tpu.wait_indirect_dma semaphore(%arg11 : memref<!tpu.dma_semaphore, #tpu.memory_space<semaphore_mem>>) src(%dma_wait3A_45 : memref<16384x64xf32, #tpu.memory_space<hbm>>) dst(%arg7 : memref<320x64xf32, #tpu.memory_space<vmem>>)
    %add3A_46 = arith.constant 320 : i32
    %add3A_47 = arith.addi %mul3A_2, %add3A_46 : i32
    %dma_start3A_48 = arith.constant 0 : i32
    %dma_start3A_49 = tpu.memref_slice %arg4[%add3A_47, %dma_start3A_48] : memref<327680x64xf32, #tpu.memory_space<hbm>> -> memref<320x64xf32, #tpu.memory_space<hbm>>
    %dma_start3A_50 = arith.constant 0 : i32
    %dma_start3A_51 = tpu.memref_slice %arg4[%add3A_47, %dma_start3A_50] : memref<327680x64xf32, #tpu.memory_space<hbm>> -> memref<320x64xf32, #tpu.memory_space<hbm>>
    tpu.enqueue_dma source(%arg7 : memref<320x64xf32, #tpu.memory_space<vmem>>) target(%dma_start3A_51 : memref<320x64xf32, #tpu.memory_space<hbm>>) target_semaphore(%arg15 : memref<!tpu.dma_semaphore, #tpu.memory_space<semaphore_mem>>)
    %dma_wait3A_52 = arith.constant 0 : i32
    %dma_wait3A_53 = tpu.memref_slice %arg4[%add3A_47, %dma_wait3A_52] : memref<327680x64xf32, #tpu.memory_space<hbm>> -> memref<320x64xf32, #tpu.memory_space<hbm>>
    %dma_wait3A_54 = arith.constant 0 : i32
    %dma_wait3A_55 = tpu.memref_slice %arg4[%add3A_47, %dma_wait3A_54] : memref<327680x64xf32, #tpu.memory_space<hbm>> -> memref<320x64xf32, #tpu.memory_space<hbm>>
    tpu.wait_dma2 semaphore(%arg15 : memref<!tpu.dma_semaphore, #tpu.memory_space<semaphore_mem>>) src(%arg7 : memref<320x64xf32, #tpu.memory_space<vmem>>) dst(%dma_wait3A_55 : memref<320x64xf32, #tpu.memory_space<hbm>>)
    %dma_start3A_56 = arith.constant 1600 : i32
    %dma_start3A_57 = tpu.memref_slice %arg5[%dma_start3A_56] : memref<10240xi32, #tpu.memory_space<vmem>> -> memref<320xi32, #tpu.memory_space<vmem>>
    %dma_start3A_58 = arith.constant 0 : i32
    %dma_start3A_59 = arith.constant 0 : i32
    %dma_start3A_60 = tpu.memref_slice %arg2[%dma_start3A_58, %dma_start3A_59] : memref<16384x64xf32, #tpu.memory_space<hbm>> -> memref<16384x64xf32, #tpu.memory_space<hbm>>
    tpu.enqueue_indirect_dma source(%dma_start3A_60 : memref<16384x64xf32, #tpu.memory_space<hbm>>) target(%arg7 : memref<320x64xf32, #tpu.memory_space<vmem>>) offsets(%dma_start3A_57 : memref<320xi32, #tpu.memory_space<vmem>>) semaphore(%arg11 : memref<!tpu.dma_semaphore, #tpu.memory_space<semaphore_mem>>)
    %dma_wait3A_61 = arith.constant 640 : i32
    %dma_wait3A_62 = tpu.memref_slice %arg5[%dma_wait3A_61] : memref<10240xi32, #tpu.memory_space<vmem>> -> memref<320xi32, #tpu.memory_space<vmem>>
    %dma_wait3A_63 = arith.constant 0 : i32
    %dma_wait3A_64 = arith.constant 0 : i32
    %dma_wait3A_65 = tpu.memref_slice %arg2[%dma_wait3A_63, %dma_wait3A_64] : memref<16384x64xf32, #tpu.memory_space<hbm>> -> memref<16384x64xf32, #tpu.memory_space<hbm>>
    tpu.wait_indirect_dma semaphore(%arg12 : memref<!tpu.dma_semaphore, #tpu.memory_space<semaphore_mem>>) src(%dma_wait3A_65 : memref<16384x64xf32, #tpu.memory_space<hbm>>) dst(%arg8 : memref<320x64xf32, #tpu.memory_space<vmem>>)
    %add3A_66 = arith.constant 640 : i32
    %add3A_67 = arith.addi %mul3A_2, %add3A_66 : i32
    %dma_start3A_68 = arith.constant 0 : i32
    %dma_start3A_69 = tpu.memref_slice %arg4[%add3A_67, %dma_start3A_68] : memref<327680x64xf32, #tpu.memory_space<hbm>> -> memref<320x64xf32, #tpu.memory_space<hbm>>
    %dma_start3A_70 = arith.constant 0 : i32
    %dma_start3A_71 = tpu.memref_slice %arg4[%add3A_67, %dma_start3A_70] : memref<327680x64xf32, #tpu.memory_space<hbm>> -> memref<320x64xf32, #tpu.memory_space<hbm>>
    tpu.enqueue_dma source(%arg8 : memref<320x64xf32, #tpu.memory_space<vmem>>) target(%dma_start3A_71 : memref<320x64xf32, #tpu.memory_space<hbm>>) target_semaphore(%arg16 : memref<!tpu.dma_semaphore, #tpu.memory_space<semaphore_mem>>)
    %dma_wait3A_72 = arith.constant 0 : i32
    %dma_wait3A_73 = tpu.memref_slice %arg4[%add3A_67, %dma_wait3A_72] : memref<327680x64xf32, #tpu.memory_space<hbm>> -> memref<320x64xf32, #tpu.memory_space<hbm>>
    %dma_wait3A_74 = arith.constant 0 : i32
    %dma_wait3A_75 = tpu.memref_slice %arg4[%add3A_67, %dma_wait3A_74] : memref<327680x64xf32, #tpu.memory_space<hbm>> -> memref<320x64xf32, #tpu.memory_space<hbm>>
    tpu.wait_dma2 semaphore(%arg16 : memref<!tpu.dma_semaphore, #tpu.memory_space<semaphore_mem>>) src(%arg8 : memref<320x64xf32, #tpu.memory_space<vmem>>) dst(%dma_wait3A_75 : memref<320x64xf32, #tpu.memory_space<hbm>>)
    %dma_start3A_76 = arith.constant 1920 : i32
    %dma_start3A_77 = tpu.memref_slice %arg5[%dma_start3A_76] : memref<10240xi32, #tpu.memory_space<vmem>> -> memref<320xi32, #tpu.memory_space<vmem>>
    %dma_start3A_78 = arith.constant 0 : i32
    %dma_start3A_79 = arith.constant 0 : i32
    %dma_start3A_80 = tpu.memref_slice %arg2[%dma_start3A_78, %dma_start3A_79] : memref<16384x64xf32, #tpu.memory_space<hbm>> -> memref<16384x64xf32, #tpu.memory_space<hbm>>
    tpu.enqueue_indirect_dma source(%dma_start3A_80 : memref<16384x64xf32, #tpu.memory_space<hbm>>) target(%arg8 : memref<320x64xf32, #tpu.memory_space<vmem>>) offsets(%dma_start3A_77 : memref<320xi32, #tpu.memory_space<vmem>>) semaphore(%arg12 : memref<!tpu.dma_semaphore, #tpu.memory_space<semaphore_mem>>)
    %dma_wait3A_81 = arith.constant 960 : i32
    %dma_wait3A_82 = tpu.memref_slice %arg5[%dma_wait3A_81] : memref<10240xi32, #tpu.memory_space<vmem>> -> memref<320xi32, #tpu.memory_space<vmem>>
    %dma_wait3A_83 = arith.constant 0 : i32
    %dma_wait3A_84 = arith.constant 0 : i32
    %dma_wait3A_85 = tpu.memref_slice %arg2[%dma_wait3A_83, %dma_wait3A_84] : memref<16384x64xf32, #tpu.memory_space<hbm>> -> memref<16384x64xf32, #tpu.memory_space<hbm>>
    tpu.wait_indirect_dma semaphore(%arg13 : memref<!tpu.dma_semaphore, #tpu.memory_space<semaphore_mem>>) src(%dma_wait3A_85 : memref<16384x64xf32, #tpu.memory_space<hbm>>) dst(%arg9 : memref<320x64xf32, #tpu.memory_space<vmem>>)
    %add3A_86 = arith.constant 960 : i32
    %add3A_87 = arith.addi %mul3A_2, %add3A_86 : i32
    %dma_start3A_88 = arith.constant 0 : i32
    %dma_start3A_89 = tpu.memref_slice %arg4[%add3A_87, %dma_start3A_88] : memref<327680x64xf32, #tpu.memory_space<hbm>> -> memref<320x64xf32, #tpu.memory_space<hbm>>
    %dma_start3A_90 = arith.constant 0 : i32
    %dma_start3A_91 = tpu.memref_slice %arg4[%add3A_87, %dma_start3A_90] : memref<327680x64xf32, #tpu.memory_space<hbm>> -> memref<320x64xf32, #tpu.memory_space<hbm>>
    tpu.enqueue_dma source(%arg9 : memref<320x64xf32, #tpu.memory_space<vmem>>) target(%dma_start3A_91 : memref<320x64xf32, #tpu.memory_space<hbm>>) target_semaphore(%arg17 : memref<!tpu.dma_semaphore, #tpu.memory_space<semaphore_mem>>)
    %dma_wait3A_92 = arith.constant 0 : i32
    %dma_wait3A_93 = tpu.memref_slice %arg4[%add3A_87, %dma_wait3A_92] : memref<327680x64xf32, #tpu.memory_space<hbm>> -> memref<320x64xf32, #tpu.memory_space<hbm>>
    %dma_wait3A_94 = arith.constant 0 : i32
    %dma_wait3A_95 = tpu.memref_slice %arg4[%add3A_87, %dma_wait3A_94] : memref<327680x64xf32, #tpu.memory_space<hbm>> -> memref<320x64xf32, #tpu.memory_space<hbm>>
    tpu.wait_dma2 semaphore(%arg17 : memref<!tpu.dma_semaphore, #tpu.memory_space<semaphore_mem>>) src(%arg9 : memref<320x64xf32, #tpu.memory_space<vmem>>) dst(%dma_wait3A_95 : memref<320x64xf32, #tpu.memory_space<hbm>>)
    %dma_start3A_96 = arith.constant 2240 : i32
    %dma_start3A_97 = tpu.memref_slice %arg5[%dma_start3A_96] : memref<10240xi32, #tpu.memory_space<vmem>> -> memref<320xi32, #tpu.memory_space<vmem>>
    %dma_start3A_98 = arith.constant 0 : i32
    %dma_start3A_99 = arith.constant 0 : i32
    %dma_start3A_100 = tpu.memref_slice %arg2[%dma_start3A_98, %dma_start3A_99] : memref<16384x64xf32, #tpu.memory_space<hbm>> -> memref<16384x64xf32, #tpu.memory_space<hbm>>
    tpu.enqueue_indirect_dma source(%dma_start3A_100 : memref<16384x64xf32, #tpu.memory_space<hbm>>) target(%arg9 : memref<320x64xf32, #tpu.memory_space<vmem>>) offsets(%dma_start3A_97 : memref<320xi32, #tpu.memory_space<vmem>>) semaphore(%arg13 : memref<!tpu.dma_semaphore, #tpu.memory_space<semaphore_mem>>)
    %dma_wait3A_101 = arith.constant 1280 : i32
    %dma_wait3A_102 = tpu.memref_slice %arg5[%dma_wait3A_101] : memref<10240xi32, #tpu.memory_space<vmem>> -> memref<320xi32, #tpu.memory_space<vmem>>
    %dma_wait3A_103 = arith.constant 0 : i32
    %dma_wait3A_104 = arith.constant 0 : i32
    %dma_wait3A_105 = tpu.memref_slice %arg2[%dma_wait3A_103, %dma_wait3A_104] : memref<16384x64xf32, #tpu.memory_space<hbm>> -> memref<16384x64xf32, #tpu.memory_space<hbm>>
    tpu.wait_indirect_dma semaphore(%arg10 : memref<!tpu.dma_semaphore, #tpu.memory_space<semaphore_mem>>) src(%dma_wait3A_105 : memref<16384x64xf32, #tpu.memory_space<hbm>>) dst(%arg6 : memref<320x64xf32, #tpu.memory_space<vmem>>)
    %add3A_106 = arith.constant 1280 : i32
    %add3A_107 = arith.addi %mul3A_2, %add3A_106 : i32
    %dma_start3A_108 = arith.constant 0 : i32
    %dma_start3A_109 = tpu.memref_slice %arg4[%add3A_107, %dma_start3A_108] : memref<327680x64xf32, #tpu.memory_space<hbm>> -> memref<320x64xf32, #tpu.memory_space<hbm>>
    %dma_start3A_110 = arith.constant 0 : i32
    %dma_start3A_111 = tpu.memref_slice %arg4[%add3A_107, %dma_start3A_110] : memref<327680x64xf32, #tpu.memory_space<hbm>> -> memref<320x64xf32, #tpu.memory_space<hbm>>
    tpu.enqueue_dma source(%arg6 : memref<320x64xf32, #tpu.memory_space<vmem>>) target(%dma_start3A_111 : memref<320x64xf32, #tpu.memory_space<hbm>>) target_semaphore(%arg14 : memref<!tpu.dma_semaphore, #tpu.memory_space<semaphore_mem>>)
    %dma_wait3A_112 = arith.constant 0 : i32
    %dma_wait3A_113 = tpu.memref_slice %arg4[%add3A_107, %dma_wait3A_112] : memref<327680x64xf32, #tpu.memory_space<hbm>> -> memref<320x64xf32, #tpu.memory_space<hbm>>
    %dma_wait3A_114 = arith.constant 0 : i32
    %dma_wait3A_115 = tpu.memref_slice %arg4[%add3A_107, %dma_wait3A_114] : memref<327680x64xf32, #tpu.memory_space<hbm>> -> memref<320x64xf32, #tpu.memory_space<hbm>>
    tpu.wait_dma2 semaphore(%arg14 : memref<!tpu.dma_semaphore, #tpu.memory_space<semaphore_mem>>) src(%arg6 : memref<320x64xf32, #tpu.memory_space<vmem>>) dst(%dma_wait3A_115 : memref<320x64xf32, #tpu.memory_space<hbm>>)
    %dma_start3A_116 = arith.constant 2560 : i32
    %dma_start3A_117 = tpu.memref_slice %arg5[%dma_start3A_116] : memref<10240xi32, #tpu.memory_space<vmem>> -> memref<320xi32, #tpu.memory_space<vmem>>
    %dma_start3A_118 = arith.constant 0 : i32
    %dma_start3A_119 = arith.constant 0 : i32
    %dma_start3A_120 = tpu.memref_slice %arg2[%dma_start3A_118, %dma_start3A_119] : memref<16384x64xf32, #tpu.memory_space<hbm>> -> memref<16384x64xf32, #tpu.memory_space<hbm>>
    tpu.enqueue_indirect_dma source(%dma_start3A_120 : memref<16384x64xf32, #tpu.memory_space<hbm>>) target(%arg6 : memref<320x64xf32, #tpu.memory_space<vmem>>) offsets(%dma_start3A_117 : memref<320xi32, #tpu.memory_space<vmem>>) semaphore(%arg10 : memref<!tpu.dma_semaphore, #tpu.memory_space<semaphore_mem>>)
    %dma_wait3A_121 = arith.constant 1600 : i32
    %dma_wait3A_122 = tpu.memref_slice %arg5[%dma_wait3A_121] : memref<10240xi32, #tpu.memory_space<vmem>> -> memref<320xi32, #tpu.memory_space<vmem>>
    %dma_wait3A_123 = arith.constant 0 : i32
    %dma_wait3A_124 = arith.constant 0 : i32
    %dma_wait3A_125 = tpu.memref_slice %arg2[%dma_wait3A_123, %dma_wait3A_124] : memref<16384x64xf32, #tpu.memory_space<hbm>> -> memref<16384x64xf32, #tpu.memory_space<hbm>>
    tpu.wait_indirect_dma semaphore(%arg11 : memref<!tpu.dma_semaphore, #tpu.memory_space<semaphore_mem>>) src(%dma_wait3A_125 : memref<16384x64xf32, #tpu.memory_space<hbm>>) dst(%arg7 : memref<320x64xf32, #tpu.memory_space<vmem>>)
    %add3A_126 = arith.constant 1600 : i32
    %add3A_127 = arith.addi %mul3A_2, %add3A_126 : i32
    %dma_start3A_128 = arith.constant 0 : i32
    %dma_start3A_129 = tpu.memref_slice %arg4[%add3A_127, %dma_start3A_128] : memref<327680x64xf32, #tpu.memory_space<hbm>> -> memref<320x64xf32, #tpu.memory_space<hbm>>
    %dma_start3A_130 = arith.constant 0 : i32
    %dma_start3A_131 = tpu.memref_slice %arg4[%add3A_127, %dma_start3A_130] : memref<327680x64xf32, #tpu.memory_space<hbm>> -> memref<320x64xf32, #tpu.memory_space<hbm>>
    tpu.enqueue_dma source(%arg7 : memref<320x64xf32, #tpu.memory_space<vmem>>) target(%dma_start3A_131 : memref<320x64xf32, #tpu.memory_space<hbm>>) target_semaphore(%arg15 : memref<!tpu.dma_semaphore, #tpu.memory_space<semaphore_mem>>)
    %dma_wait3A_132 = arith.constant 0 : i32
    %dma_wait3A_133 = tpu.memref_slice %arg4[%add3A_127, %dma_wait3A_132] : memref<327680x64xf32, #tpu.memory_space<hbm>> -> memref<320x64xf32, #tpu.memory_space<hbm>>
    %dma_wait3A_134 = arith.constant 0 : i32
    %dma_wait3A_135 = tpu.memref_slice %arg4[%add3A_127, %dma_wait3A_134] : memref<327680x64xf32, #tpu.memory_space<hbm>> -> memref<320x64xf32, #tpu.memory_space<hbm>>
    tpu.wait_dma2 semaphore(%arg15 : memref<!tpu.dma_semaphore, #tpu.memory_space<semaphore_mem>>) src(%arg7 : memref<320x64xf32, #tpu.memory_space<vmem>>) dst(%dma_wait3A_135 : memref<320x64xf32, #tpu.memory_space<hbm>>)
    %dma_start3A_136 = arith.constant 2880 : i32
    %dma_start3A_137 = tpu.memref_slice %arg5[%dma_start3A_136] : memref<10240xi32, #tpu.memory_space<vmem>> -> memref<320xi32, #tpu.memory_space<vmem>>
    %dma_start3A_138 = arith.constant 0 : i32
    %dma_start3A_139 = arith.constant 0 : i32
    %dma_start3A_140 = tpu.memref_slice %arg2[%dma_start3A_138, %dma_start3A_139] : memref<16384x64xf32, #tpu.memory_space<hbm>> -> memref<16384x64xf32, #tpu.memory_space<hbm>>
    tpu.enqueue_indirect_dma source(%dma_start3A_140 : memref<16384x64xf32, #tpu.memory_space<hbm>>) target(%arg7 : memref<320x64xf32, #tpu.memory_space<vmem>>) offsets(%dma_start3A_137 : memref<320xi32, #tpu.memory_space<vmem>>) semaphore(%arg11 : memref<!tpu.dma_semaphore, #tpu.memory_space<semaphore_mem>>)
    %dma_wait3A_141 = arith.constant 1920 : i32
    %dma_wait3A_142 = tpu.memref_slice %arg5[%dma_wait3A_141] : memref<10240xi32, #tpu.memory_space<vmem>> -> memref<320xi32, #tpu.memory_space<vmem>>
    %dma_wait3A_143 = arith.constant 0 : i32
    %dma_wait3A_144 = arith.constant 0 : i32
    %dma_wait3A_145 = tpu.memref_slice %arg2[%dma_wait3A_143, %dma_wait3A_144] : memref<16384x64xf32, #tpu.memory_space<hbm>> -> memref<16384x64xf32, #tpu.memory_space<hbm>>
    tpu.wait_indirect_dma semaphore(%arg12 : memref<!tpu.dma_semaphore, #tpu.memory_space<semaphore_mem>>) src(%dma_wait3A_145 : memref<16384x64xf32, #tpu.memory_space<hbm>>) dst(%arg8 : memref<320x64xf32, #tpu.memory_space<vmem>>)
    %add3A_146 = arith.constant 1920 : i32
    %add3A_147 = arith.addi %mul3A_2, %add3A_146 : i32
    %dma_start3A_148 = arith.constant 0 : i32
    %dma_start3A_149 = tpu.memref_slice %arg4[%add3A_147, %dma_start3A_148] : memref<327680x64xf32, #tpu.memory_space<hbm>> -> memref<320x64xf32, #tpu.memory_space<hbm>>
    %dma_start3A_150 = arith.constant 0 : i32
    %dma_start3A_151 = tpu.memref_slice %arg4[%add3A_147, %dma_start3A_150] : memref<327680x64xf32, #tpu.memory_space<hbm>> -> memref<320x64xf32, #tpu.memory_space<hbm>>
    tpu.enqueue_dma source(%arg8 : memref<320x64xf32, #tpu.memory_space<vmem>>) target(%dma_start3A_151 : memref<320x64xf32, #tpu.memory_space<hbm>>) target_semaphore(%arg16 : memref<!tpu.dma_semaphore, #tpu.memory_space<semaphore_mem>>)
    %dma_wait3A_152 = arith.constant 0 : i32
    %dma_wait3A_153 = tpu.memref_slice %arg4[%add3A_147, %dma_wait3A_152] : memref<327680x64xf32, #tpu.memory_space<hbm>> -> memref<320x64xf32, #tpu.memory_space<hbm>>
    %dma_wait3A_154 = arith.constant 0 : i32
    %dma_wait3A_155 = tpu.memref_slice %arg4[%add3A_147, %dma_wait3A_154] : memref<327680x64xf32, #tpu.memory_space<hbm>> -> memref<320x64xf32, #tpu.memory_space<hbm>>
    tpu.wait_dma2 semaphore(%arg16 : memref<!tpu.dma_semaphore, #tpu.memory_space<semaphore_mem>>) src(%arg8 : memref<320x64xf32, #tpu.memory_space<vmem>>) dst(%dma_wait3A_155 : memref<320x64xf32, #tpu.memory_space<hbm>>)
    %dma_start3A_156 = arith.constant 3200 : i32
    %dma_start3A_157 = tpu.memref_slice %arg5[%dma_start3A_156] : memref<10240xi32, #tpu.memory_space<vmem>> -> memref<320xi32, #tpu.memory_space<vmem>>
    %dma_start3A_158 = arith.constant 0 : i32
    %dma_start3A_159 = arith.constant 0 : i32
    %dma_start3A_160 = tpu.memref_slice %arg2[%dma_start3A_158, %dma_start3A_159] : memref<16384x64xf32, #tpu.memory_space<hbm>> -> memref<16384x64xf32, #tpu.memory_space<hbm>>
    tpu.enqueue_indirect_dma source(%dma_start3A_160 : memref<16384x64xf32, #tpu.memory_space<hbm>>) target(%arg8 : memref<320x64xf32, #tpu.memory_space<vmem>>) offsets(%dma_start3A_157 : memref<320xi32, #tpu.memory_space<vmem>>) semaphore(%arg12 : memref<!tpu.dma_semaphore, #tpu.memory_space<semaphore_mem>>)
    %dma_wait3A_161 = arith.constant 2240 : i32
    %dma_wait3A_162 = tpu.memref_slice %arg5[%dma_wait3A_161] : memref<10240xi32, #tpu.memory_space<vmem>> -> memref<320xi32, #tpu.memory_space<vmem>>
    %dma_wait3A_163 = arith.constant 0 : i32
    %dma_wait3A_164 = arith.constant 0 : i32
    %dma_wait3A_165 = tpu.memref_slice %arg2[%dma_wait3A_163, %dma_wait3A_164] : memref<16384x64xf32, #tpu.memory_space<hbm>> -> memref<16384x64xf32, #tpu.memory_space<hbm>>
    tpu.wait_indirect_dma semaphore(%arg13 : memref<!tpu.dma_semaphore, #tpu.memory_space<semaphore_mem>>) src(%dma_wait3A_165 : memref<16384x64xf32, #tpu.memory_space<hbm>>) dst(%arg9 : memref<320x64xf32, #tpu.memory_space<vmem>>)
    %add3A_166 = arith.constant 2240 : i32
    %add3A_167 = arith.addi %mul3A_2, %add3A_166 : i32
    %dma_start3A_168 = arith.constant 0 : i32
    %dma_start3A_169 = tpu.memref_slice %arg4[%add3A_167, %dma_start3A_168] : memref<327680x64xf32, #tpu.memory_space<hbm>> -> memref<320x64xf32, #tpu.memory_space<hbm>>
    %dma_start3A_170 = arith.constant 0 : i32
    %dma_start3A_171 = tpu.memref_slice %arg4[%add3A_167, %dma_start3A_170] : memref<327680x64xf32, #tpu.memory_space<hbm>> -> memref<320x64xf32, #tpu.memory_space<hbm>>
    tpu.enqueue_dma source(%arg9 : memref<320x64xf32, #tpu.memory_space<vmem>>) target(%dma_start3A_171 : memref<320x64xf32, #tpu.memory_space<hbm>>) target_semaphore(%arg17 : memref<!tpu.dma_semaphore, #tpu.memory_space<semaphore_mem>>)
    %dma_wait3A_172 = arith.constant 0 : i32
    %dma_wait3A_173 = tpu.memref_slice %arg4[%add3A_167, %dma_wait3A_172] : memref<327680x64xf32, #tpu.memory_space<hbm>> -> memref<320x64xf32, #tpu.memory_space<hbm>>
    %dma_wait3A_174 = arith.constant 0 : i32
    %dma_wait3A_175 = tpu.memref_slice %arg4[%add3A_167, %dma_wait3A_174] : memref<327680x64xf32, #tpu.memory_space<hbm>> -> memref<320x64xf32, #tpu.memory_space<hbm>>
    tpu.wait_dma2 semaphore(%arg17 : memref<!tpu.dma_semaphore, #tpu.memory_space<semaphore_mem>>) src(%arg9 : memref<320x64xf32, #tpu.memory_space<vmem>>) dst(%dma_wait3A_175 : memref<320x64xf32, #tpu.memory_space<hbm>>)
    %dma_start3A_176 = arith.constant 3520 : i32
    %dma_start3A_177 = tpu.memref_slice %arg5[%dma_start3A_176] : memref<10240xi32, #tpu.memory_space<vmem>> -> memref<320xi32, #tpu.memory_space<vmem>>
    %dma_start3A_178 = arith.constant 0 : i32
    %dma_start3A_179 = arith.constant 0 : i32
    %dma_start3A_180 = tpu.memref_slice %arg2[%dma_start3A_178, %dma_start3A_179] : memref<16384x64xf32, #tpu.memory_space<hbm>> -> memref<16384x64xf32, #tpu.memory_space<hbm>>
    tpu.enqueue_indirect_dma source(%dma_start3A_180 : memref<16384x64xf32, #tpu.memory_space<hbm>>) target(%arg9 : memref<320x64xf32, #tpu.memory_space<vmem>>) offsets(%dma_start3A_177 : memref<320xi32, #tpu.memory_space<vmem>>) semaphore(%arg13 : memref<!tpu.dma_semaphore, #tpu.memory_space<semaphore_mem>>)
    %dma_wait3A_181 = arith.constant 2560 : i32
    %dma_wait3A_182 = tpu.memref_slice %arg5[%dma_wait3A_181] : memref<10240xi32, #tpu.memory_space<vmem>> -> memref<320xi32, #tpu.memory_space<vmem>>
    %dma_wait3A_183 = arith.constant 0 : i32
    %dma_wait3A_184 = arith.constant 0 : i32
    %dma_wait3A_185 = tpu.memref_slice %arg2[%dma_wait3A_183, %dma_wait3A_184] : memref<16384x64xf32, #tpu.memory_space<hbm>> -> memref<16384x64xf32, #tpu.memory_space<hbm>>
    tpu.wait_indirect_dma semaphore(%arg10 : memref<!tpu.dma_semaphore, #tpu.memory_space<semaphore_mem>>) src(%dma_wait3A_185 : memref<16384x64xf32, #tpu.memory_space<hbm>>) dst(%arg6 : memref<320x64xf32, #tpu.memory_space<vmem>>)
    %add3A_186 = arith.constant 2560 : i32
    %add3A_187 = arith.addi %mul3A_2, %add3A_186 : i32
    %dma_start3A_188 = arith.constant 0 : i32
    %dma_start3A_189 = tpu.memref_slice %arg4[%add3A_187, %dma_start3A_188] : memref<327680x64xf32, #tpu.memory_space<hbm>> -> memref<320x64xf32, #tpu.memory_space<hbm>>
    %dma_start3A_190 = arith.constant 0 : i32
    %dma_start3A_191 = tpu.memref_slice %arg4[%add3A_187, %dma_start3A_190] : memref<327680x64xf32, #tpu.memory_space<hbm>> -> memref<320x64xf32, #tpu.memory_space<hbm>>
    tpu.enqueue_dma source(%arg6 : memref<320x64xf32, #tpu.memory_space<vmem>>) target(%dma_start3A_191 : memref<320x64xf32, #tpu.memory_space<hbm>>) target_semaphore(%arg14 : memref<!tpu.dma_semaphore, #tpu.memory_space<semaphore_mem>>)
    %dma_wait3A_192 = arith.constant 0 : i32
    %dma_wait3A_193 = tpu.memref_slice %arg4[%add3A_187, %dma_wait3A_192] : memref<327680x64xf32, #tpu.memory_space<hbm>> -> memref<320x64xf32, #tpu.memory_space<hbm>>
    %dma_wait3A_194 = arith.constant 0 : i32
    %dma_wait3A_195 = tpu.memref_slice %arg4[%add3A_187, %dma_wait3A_194] : memref<327680x64xf32, #tpu.memory_space<hbm>> -> memref<320x64xf32, #tpu.memory_space<hbm>>
    tpu.wait_dma2 semaphore(%arg14 : memref<!tpu.dma_semaphore, #tpu.memory_space<semaphore_mem>>) src(%arg6 : memref<320x64xf32, #tpu.memory_space<vmem>>) dst(%dma_wait3A_195 : memref<320x64xf32, #tpu.memory_space<hbm>>)
    %dma_start3A_196 = arith.constant 3840 : i32
    %dma_start3A_197 = tpu.memref_slice %arg5[%dma_start3A_196] : memref<10240xi32, #tpu.memory_space<vmem>> -> memref<320xi32, #tpu.memory_space<vmem>>
    %dma_start3A_198 = arith.constant 0 : i32
    %dma_start3A_199 = arith.constant 0 : i32
    %dma_start3A_200 = tpu.memref_slice %arg2[%dma_start3A_198, %dma_start3A_199] : memref<16384x64xf32, #tpu.memory_space<hbm>> -> memref<16384x64xf32, #tpu.memory_space<hbm>>
    tpu.enqueue_indirect_dma source(%dma_start3A_200 : memref<16384x64xf32, #tpu.memory_space<hbm>>) target(%arg6 : memref<320x64xf32, #tpu.memory_space<vmem>>) offsets(%dma_start3A_197 : memref<320xi32, #tpu.memory_space<vmem>>) semaphore(%arg10 : memref<!tpu.dma_semaphore, #tpu.memory_space<semaphore_mem>>)
    %dma_wait3A_201 = arith.constant 2880 : i32
    %dma_wait3A_202 = tpu.memref_slice %arg5[%dma_wait3A_201] : memref<10240xi32, #tpu.memory_space<vmem>> -> memref<320xi32, #tpu.memory_space<vmem>>
    %dma_wait3A_203 = arith.constant 0 : i32
    %dma_wait3A_204 = arith.constant 0 : i32
    %dma_wait3A_205 = tpu.memref_slice %arg2[%dma_wait3A_203, %dma_wait3A_204] : memref<16384x64xf32, #tpu.memory_space<hbm>> -> memref<16384x64xf32, #tpu.memory_space<hbm>>
    tpu.wait_indirect_dma semaphore(%arg11 : memref<!tpu.dma_semaphore, #tpu.memory_space<semaphore_mem>>) src(%dma_wait3A_205 : memref<16384x64xf32, #tpu.memory_space<hbm>>) dst(%arg7 : memref<320x64xf32, #tpu.memory_space<vmem>>)
    %add3A_206 = arith.constant 2880 : i32
    %add3A_207 = arith.addi %mul3A_2, %add3A_206 : i32
    %dma_start3A_208 = arith.constant 0 : i32
    %dma_start3A_209 = tpu.memref_slice %arg4[%add3A_207, %dma_start3A_208] : memref<327680x64xf32, #tpu.memory_space<hbm>> -> memref<320x64xf32, #tpu.memory_space<hbm>>
    %dma_start3A_210 = arith.constant 0 : i32
    %dma_start3A_211 = tpu.memref_slice %arg4[%add3A_207, %dma_start3A_210] : memref<327680x64xf32, #tpu.memory_space<hbm>> -> memref<320x64xf32, #tpu.memory_space<hbm>>
    tpu.enqueue_dma source(%arg7 : memref<320x64xf32, #tpu.memory_space<vmem>>) target(%dma_start3A_211 : memref<320x64xf32, #tpu.memory_space<hbm>>) target_semaphore(%arg15 : memref<!tpu.dma_semaphore, #tpu.memory_space<semaphore_mem>>)
    %dma_wait3A_212 = arith.constant 0 : i32
    %dma_wait3A_213 = tpu.memref_slice %arg4[%add3A_207, %dma_wait3A_212] : memref<327680x64xf32, #tpu.memory_space<hbm>> -> memref<320x64xf32, #tpu.memory_space<hbm>>
    %dma_wait3A_214 = arith.constant 0 : i32
    %dma_wait3A_215 = tpu.memref_slice %arg4[%add3A_207, %dma_wait3A_214] : memref<327680x64xf32, #tpu.memory_space<hbm>> -> memref<320x64xf32, #tpu.memory_space<hbm>>
    tpu.wait_dma2 semaphore(%arg15 : memref<!tpu.dma_semaphore, #tpu.memory_space<semaphore_mem>>) src(%arg7 : memref<320x64xf32, #tpu.memory_space<vmem>>) dst(%dma_wait3A_215 : memref<320x64xf32, #tpu.memory_space<hbm>>)
    %dma_start3A_216 = arith.constant 4160 : i32
    %dma_start3A_217 = tpu.memref_slice %arg5[%dma_start3A_216] : memref<10240xi32, #tpu.memory_space<vmem>> -> memref<320xi32, #tpu.memory_space<vmem>>
    %dma_start3A_218 = arith.constant 0 : i32
    %dma_start3A_219 = arith.constant 0 : i32
    %dma_start3A_220 = tpu.memref_slice %arg2[%dma_start3A_218, %dma_start3A_219] : memref<16384x64xf32, #tpu.memory_space<hbm>> -> memref<16384x64xf32, #tpu.memory_space<hbm>>
    tpu.enqueue_indirect_dma source(%dma_start3A_220 : memref<16384x64xf32, #tpu.memory_space<hbm>>) target(%arg7 : memref<320x64xf32, #tpu.memory_space<vmem>>) offsets(%dma_start3A_217 : memref<320xi32, #tpu.memory_space<vmem>>) semaphore(%arg11 : memref<!tpu.dma_semaphore, #tpu.memory_space<semaphore_mem>>)
    %dma_wait3A_221 = arith.constant 3200 : i32
    %dma_wait3A_222 = tpu.memref_slice %arg5[%dma_wait3A_221] : memref<10240xi32, #tpu.memory_space<vmem>> -> memref<320xi32, #tpu.memory_space<vmem>>
    %dma_wait3A_223 = arith.constant 0 : i32
    %dma_wait3A_224 = arith.constant 0 : i32
    %dma_wait3A_225 = tpu.memref_slice %arg2[%dma_wait3A_223, %dma_wait3A_224] : memref<16384x64xf32, #tpu.memory_space<hbm>> -> memref<16384x64xf32, #tpu.memory_space<hbm>>
    tpu.wait_indirect_dma semaphore(%arg12 : memref<!tpu.dma_semaphore, #tpu.memory_space<semaphore_mem>>) src(%dma_wait3A_225 : memref<16384x64xf32, #tpu.memory_space<hbm>>) dst(%arg8 : memref<320x64xf32, #tpu.memory_space<vmem>>)
    %add3A_226 = arith.constant 3200 : i32
    %add3A_227 = arith.addi %mul3A_2, %add3A_226 : i32
    %dma_start3A_228 = arith.constant 0 : i32
    %dma_start3A_229 = tpu.memref_slice %arg4[%add3A_227, %dma_start3A_228] : memref<327680x64xf32, #tpu.memory_space<hbm>> -> memref<320x64xf32, #tpu.memory_space<hbm>>
    %dma_start3A_230 = arith.constant 0 : i32
    %dma_start3A_231 = tpu.memref_slice %arg4[%add3A_227, %dma_start3A_230] : memref<327680x64xf32, #tpu.memory_space<hbm>> -> memref<320x64xf32, #tpu.memory_space<hbm>>
    tpu.enqueue_dma source(%arg8 : memref<320x64xf32, #tpu.memory_space<vmem>>) target(%dma_start3A_231 : memref<320x64xf32, #tpu.memory_space<hbm>>) target_semaphore(%arg16 : memref<!tpu.dma_semaphore, #tpu.memory_space<semaphore_mem>>)
    %dma_wait3A_232 = arith.constant 0 : i32
    %dma_wait3A_233 = tpu.memref_slice %arg4[%add3A_227, %dma_wait3A_232] : memref<327680x64xf32, #tpu.memory_space<hbm>> -> memref<320x64xf32, #tpu.memory_space<hbm>>
    %dma_wait3A_234 = arith.constant 0 : i32
    %dma_wait3A_235 = tpu.memref_slice %arg4[%add3A_227, %dma_wait3A_234] : memref<327680x64xf32, #tpu.memory_space<hbm>> -> memref<320x64xf32, #tpu.memory_space<hbm>>
    tpu.wait_dma2 semaphore(%arg16 : memref<!tpu.dma_semaphore, #tpu.memory_space<semaphore_mem>>) src(%arg8 : memref<320x64xf32, #tpu.memory_space<vmem>>) dst(%dma_wait3A_235 : memref<320x64xf32, #tpu.memory_space<hbm>>)
    %dma_start3A_236 = arith.constant 4480 : i32
    %dma_start3A_237 = tpu.memref_slice %arg5[%dma_start3A_236] : memref<10240xi32, #tpu.memory_space<vmem>> -> memref<320xi32, #tpu.memory_space<vmem>>
    %dma_start3A_238 = arith.constant 0 : i32
    %dma_start3A_239 = arith.constant 0 : i32
    %dma_start3A_240 = tpu.memref_slice %arg2[%dma_start3A_238, %dma_start3A_239] : memref<16384x64xf32, #tpu.memory_space<hbm>> -> memref<16384x64xf32, #tpu.memory_space<hbm>>
    tpu.enqueue_indirect_dma source(%dma_start3A_240 : memref<16384x64xf32, #tpu.memory_space<hbm>>) target(%arg8 : memref<320x64xf32, #tpu.memory_space<vmem>>) offsets(%dma_start3A_237 : memref<320xi32, #tpu.memory_space<vmem>>) semaphore(%arg12 : memref<!tpu.dma_semaphore, #tpu.memory_space<semaphore_mem>>)
    %dma_wait3A_241 = arith.constant 3520 : i32
    %dma_wait3A_242 = tpu.memref_slice %arg5[%dma_wait3A_241] : memref<10240xi32, #tpu.memory_space<vmem>> -> memref<320xi32, #tpu.memory_space<vmem>>
    %dma_wait3A_243 = arith.constant 0 : i32
    %dma_wait3A_244 = arith.constant 0 : i32
    %dma_wait3A_245 = tpu.memref_slice %arg2[%dma_wait3A_243, %dma_wait3A_244] : memref<16384x64xf32, #tpu.memory_space<hbm>> -> memref<16384x64xf32, #tpu.memory_space<hbm>>
    tpu.wait_indirect_dma semaphore(%arg13 : memref<!tpu.dma_semaphore, #tpu.memory_space<semaphore_mem>>) src(%dma_wait3A_245 : memref<16384x64xf32, #tpu.memory_space<hbm>>) dst(%arg9 : memref<320x64xf32, #tpu.memory_space<vmem>>)
    %add3A_246 = arith.constant 3520 : i32
    %add3A_247 = arith.addi %mul3A_2, %add3A_246 : i32
    %dma_start3A_248 = arith.constant 0 : i32
    %dma_start3A_249 = tpu.memref_slice %arg4[%add3A_247, %dma_start3A_248] : memref<327680x64xf32, #tpu.memory_space<hbm>> -> memref<320x64xf32, #tpu.memory_space<hbm>>
    %dma_start3A_250 = arith.constant 0 : i32
    %dma_start3A_251 = tpu.memref_slice %arg4[%add3A_247, %dma_start3A_250] : memref<327680x64xf32, #tpu.memory_space<hbm>> -> memref<320x64xf32, #tpu.memory_space<hbm>>
    tpu.enqueue_dma source(%arg9 : memref<320x64xf32, #tpu.memory_space<vmem>>) target(%dma_start3A_251 : memref<320x64xf32, #tpu.memory_space<hbm>>) target_semaphore(%arg17 : memref<!tpu.dma_semaphore, #tpu.memory_space<semaphore_mem>>)
    %dma_wait3A_252 = arith.constant 0 : i32
    %dma_wait3A_253 = tpu.memref_slice %arg4[%add3A_247, %dma_wait3A_252] : memref<327680x64xf32, #tpu.memory_space<hbm>> -> memref<320x64xf32, #tpu.memory_space<hbm>>
    %dma_wait3A_254 = arith.constant 0 : i32
    %dma_wait3A_255 = tpu.memref_slice %arg4[%add3A_247, %dma_wait3A_254] : memref<327680x64xf32, #tpu.memory_space<hbm>> -> memref<320x64xf32, #tpu.memory_space<hbm>>
    tpu.wait_dma2 semaphore(%arg17 : memref<!tpu.dma_semaphore, #tpu.memory_space<semaphore_mem>>) src(%arg9 : memref<320x64xf32, #tpu.memory_space<vmem>>) dst(%dma_wait3A_255 : memref<320x64xf32, #tpu.memory_space<hbm>>)
    %dma_start3A_256 = arith.constant 4800 : i32
    %dma_start3A_257 = tpu.memref_slice %arg5[%dma_start3A_256] : memref<10240xi32, #tpu.memory_space<vmem>> -> memref<320xi32, #tpu.memory_space<vmem>>
    %dma_start3A_258 = arith.constant 0 : i32
    %dma_start3A_259 = arith.constant 0 : i32
    %dma_start3A_260 = tpu.memref_slice %arg2[%dma_start3A_258, %dma_start3A_259] : memref<16384x64xf32, #tpu.memory_space<hbm>> -> memref<16384x64xf32, #tpu.memory_space<hbm>>
    tpu.enqueue_indirect_dma source(%dma_start3A_260 : memref<16384x64xf32, #tpu.memory_space<hbm>>) target(%arg9 : memref<320x64xf32, #tpu.memory_space<vmem>>) offsets(%dma_start3A_257 : memref<320xi32, #tpu.memory_space<vmem>>) semaphore(%arg13 : memref<!tpu.dma_semaphore, #tpu.memory_space<semaphore_mem>>)
    %dma_wait3A_261 = arith.constant 3840 : i32
    %dma_wait3A_262 = tpu.memref_slice %arg5[%dma_wait3A_261] : memref<10240xi32, #tpu.memory_space<vmem>> -> memref<320xi32, #tpu.memory_space<vmem>>
    %dma_wait3A_263 = arith.constant 0 : i32
    %dma_wait3A_264 = arith.constant 0 : i32
    %dma_wait3A_265 = tpu.memref_slice %arg2[%dma_wait3A_263, %dma_wait3A_264] : memref<16384x64xf32, #tpu.memory_space<hbm>> -> memref<16384x64xf32, #tpu.memory_space<hbm>>
    tpu.wait_indirect_dma semaphore(%arg10 : memref<!tpu.dma_semaphore, #tpu.memory_space<semaphore_mem>>) src(%dma_wait3A_265 : memref<16384x64xf32, #tpu.memory_space<hbm>>) dst(%arg6 : memref<320x64xf32, #tpu.memory_space<vmem>>)
    %add3A_266 = arith.constant 3840 : i32
    %add3A_267 = arith.addi %mul3A_2, %add3A_266 : i32
    %dma_start3A_268 = arith.constant 0 : i32
    %dma_start3A_269 = tpu.memref_slice %arg4[%add3A_267, %dma_start3A_268] : memref<327680x64xf32, #tpu.memory_space<hbm>> -> memref<320x64xf32, #tpu.memory_space<hbm>>
    %dma_start3A_270 = arith.constant 0 : i32
    %dma_start3A_271 = tpu.memref_slice %arg4[%add3A_267, %dma_start3A_270] : memref<327680x64xf32, #tpu.memory_space<hbm>> -> memref<320x64xf32, #tpu.memory_space<hbm>>
    tpu.enqueue_dma source(%arg6 : memref<320x64xf32, #tpu.memory_space<vmem>>) target(%dma_start3A_271 : memref<320x64xf32, #tpu.memory_space<hbm>>) target_semaphore(%arg14 : memref<!tpu.dma_semaphore, #tpu.memory_space<semaphore_mem>>)
    %dma_wait3A_272 = arith.constant 0 : i32
    %dma_wait3A_273 = tpu.memref_slice %arg4[%add3A_267, %dma_wait3A_272] : memref<327680x64xf32, #tpu.memory_space<hbm>> -> memref<320x64xf32, #tpu.memory_space<hbm>>
    %dma_wait3A_274 = arith.constant 0 : i32
    %dma_wait3A_275 = tpu.memref_slice %arg4[%add3A_267, %dma_wait3A_274] : memref<327680x64xf32, #tpu.memory_space<hbm>> -> memref<320x64xf32, #tpu.memory_space<hbm>>
    tpu.wait_dma2 semaphore(%arg14 : memref<!tpu.dma_semaphore, #tpu.memory_space<semaphore_mem>>) src(%arg6 : memref<320x64xf32, #tpu.memory_space<vmem>>) dst(%dma_wait3A_275 : memref<320x64xf32, #tpu.memory_space<hbm>>)
    %dma_start3A_276 = arith.constant 5120 : i32
    %dma_start3A_277 = tpu.memref_slice %arg5[%dma_start3A_276] : memref<10240xi32, #tpu.memory_space<vmem>> -> memref<320xi32, #tpu.memory_space<vmem>>
    %dma_start3A_278 = arith.constant 0 : i32
    %dma_start3A_279 = arith.constant 0 : i32
    %dma_start3A_280 = tpu.memref_slice %arg2[%dma_start3A_278, %dma_start3A_279] : memref<16384x64xf32, #tpu.memory_space<hbm>> -> memref<16384x64xf32, #tpu.memory_space<hbm>>
    tpu.enqueue_indirect_dma source(%dma_start3A_280 : memref<16384x64xf32, #tpu.memory_space<hbm>>) target(%arg6 : memref<320x64xf32, #tpu.memory_space<vmem>>) offsets(%dma_start3A_277 : memref<320xi32, #tpu.memory_space<vmem>>) semaphore(%arg10 : memref<!tpu.dma_semaphore, #tpu.memory_space<semaphore_mem>>)
    %dma_wait3A_281 = arith.constant 4160 : i32
    %dma_wait3A_282 = tpu.memref_slice %arg5[%dma_wait3A_281] : memref<10240xi32, #tpu.memory_space<vmem>> -> memref<320xi32, #tpu.memory_space<vmem>>
    %dma_wait3A_283 = arith.constant 0 : i32
    %dma_wait3A_284 = arith.constant 0 : i32
    %dma_wait3A_285 = tpu.memref_slice %arg2[%dma_wait3A_283, %dma_wait3A_284] : memref<16384x64xf32, #tpu.memory_space<hbm>> -> memref<16384x64xf32, #tpu.memory_space<hbm>>
    tpu.wait_indirect_dma semaphore(%arg11 : memref<!tpu.dma_semaphore, #tpu.memory_space<semaphore_mem>>) src(%dma_wait3A_285 : memref<16384x64xf32, #tpu.memory_space<hbm>>) dst(%arg7 : memref<320x64xf32, #tpu.memory_space<vmem>>)
    %add3A_286 = arith.constant 4160 : i32
    %add3A_287 = arith.addi %mul3A_2, %add3A_286 : i32
    %dma_start3A_288 = arith.constant 0 : i32
    %dma_start3A_289 = tpu.memref_slice %arg4[%add3A_287, %dma_start3A_288] : memref<327680x64xf32, #tpu.memory_space<hbm>> -> memref<320x64xf32, #tpu.memory_space<hbm>>
    %dma_start3A_290 = arith.constant 0 : i32
    %dma_start3A_291 = tpu.memref_slice %arg4[%add3A_287, %dma_start3A_290] : memref<327680x64xf32, #tpu.memory_space<hbm>> -> memref<320x64xf32, #tpu.memory_space<hbm>>
    tpu.enqueue_dma source(%arg7 : memref<320x64xf32, #tpu.memory_space<vmem>>) target(%dma_start3A_291 : memref<320x64xf32, #tpu.memory_space<hbm>>) target_semaphore(%arg15 : memref<!tpu.dma_semaphore, #tpu.memory_space<semaphore_mem>>)
    %dma_wait3A_292 = arith.constant 0 : i32
    %dma_wait3A_293 = tpu.memref_slice %arg4[%add3A_287, %dma_wait3A_292] : memref<327680x64xf32, #tpu.memory_space<hbm>> -> memref<320x64xf32, #tpu.memory_space<hbm>>
    %dma_wait3A_294 = arith.constant 0 : i32
    %dma_wait3A_295 = tpu.memref_slice %arg4[%add3A_287, %dma_wait3A_294] : memref<327680x64xf32, #tpu.memory_space<hbm>> -> memref<320x64xf32, #tpu.memory_space<hbm>>
    tpu.wait_dma2 semaphore(%arg15 : memref<!tpu.dma_semaphore, #tpu.memory_space<semaphore_mem>>) src(%arg7 : memref<320x64xf32, #tpu.memory_space<vmem>>) dst(%dma_wait3A_295 : memref<320x64xf32, #tpu.memory_space<hbm>>)
    %dma_start3A_296 = arith.constant 5440 : i32
    %dma_start3A_297 = tpu.memref_slice %arg5[%dma_start3A_296] : memref<10240xi32, #tpu.memory_space<vmem>> -> memref<320xi32, #tpu.memory_space<vmem>>
    %dma_start3A_298 = arith.constant 0 : i32
    %dma_start3A_299 = arith.constant 0 : i32
    %dma_start3A_300 = tpu.memref_slice %arg2[%dma_start3A_298, %dma_start3A_299] : memref<16384x64xf32, #tpu.memory_space<hbm>> -> memref<16384x64xf32, #tpu.memory_space<hbm>>
    tpu.enqueue_indirect_dma source(%dma_start3A_300 : memref<16384x64xf32, #tpu.memory_space<hbm>>) target(%arg7 : memref<320x64xf32, #tpu.memory_space<vmem>>) offsets(%dma_start3A_297 : memref<320xi32, #tpu.memory_space<vmem>>) semaphore(%arg11 : memref<!tpu.dma_semaphore, #tpu.memory_space<semaphore_mem>>)
    %dma_wait3A_301 = arith.constant 4480 : i32
    %dma_wait3A_302 = tpu.memref_slice %arg5[%dma_wait3A_301] : memref<10240xi32, #tpu.memory_space<vmem>> -> memref<320xi32, #tpu.memory_space<vmem>>
    %dma_wait3A_303 = arith.constant 0 : i32
    %dma_wait3A_304 = arith.constant 0 : i32
    %dma_wait3A_305 = tpu.memref_slice %arg2[%dma_wait3A_303, %dma_wait3A_304] : memref<16384x64xf32, #tpu.memory_space<hbm>> -> memref<16384x64xf32, #tpu.memory_space<hbm>>
    tpu.wait_indirect_dma semaphore(%arg12 : memref<!tpu.dma_semaphore, #tpu.memory_space<semaphore_mem>>) src(%dma_wait3A_305 : memref<16384x64xf32, #tpu.memory_space<hbm>>) dst(%arg8 : memref<320x64xf32, #tpu.memory_space<vmem>>)
    %add3A_306 = arith.constant 4480 : i32
    %add3A_307 = arith.addi %mul3A_2, %add3A_306 : i32
    %dma_start3A_308 = arith.constant 0 : i32
    %dma_start3A_309 = tpu.memref_slice %arg4[%add3A_307, %dma_start3A_308] : memref<327680x64xf32, #tpu.memory_space<hbm>> -> memref<320x64xf32, #tpu.memory_space<hbm>>
    %dma_start3A_310 = arith.constant 0 : i32
    %dma_start3A_311 = tpu.memref_slice %arg4[%add3A_307, %dma_start3A_310] : memref<327680x64xf32, #tpu.memory_space<hbm>> -> memref<320x64xf32, #tpu.memory_space<hbm>>
    tpu.enqueue_dma source(%arg8 : memref<320x64xf32, #tpu.memory_space<vmem>>) target(%dma_start3A_311 : memref<320x64xf32, #tpu.memory_space<hbm>>) target_semaphore(%arg16 : memref<!tpu.dma_semaphore, #tpu.memory_space<semaphore_mem>>)
    %dma_wait3A_312 = arith.constant 0 : i32
    %dma_wait3A_313 = tpu.memref_slice %arg4[%add3A_307, %dma_wait3A_312] : memref<327680x64xf32, #tpu.memory_space<hbm>> -> memref<320x64xf32, #tpu.memory_space<hbm>>
    %dma_wait3A_314 = arith.constant 0 : i32
    %dma_wait3A_315 = tpu.memref_slice %arg4[%add3A_307, %dma_wait3A_314] : memref<327680x64xf32, #tpu.memory_space<hbm>> -> memref<320x64xf32, #tpu.memory_space<hbm>>
    tpu.wait_dma2 semaphore(%arg16 : memref<!tpu.dma_semaphore, #tpu.memory_space<semaphore_mem>>) src(%arg8 : memref<320x64xf32, #tpu.memory_space<vmem>>) dst(%dma_wait3A_315 : memref<320x64xf32, #tpu.memory_space<hbm>>)
    %dma_start3A_316 = arith.constant 5760 : i32
    %dma_start3A_317 = tpu.memref_slice %arg5[%dma_start3A_316] : memref<10240xi32, #tpu.memory_space<vmem>> -> memref<320xi32, #tpu.memory_space<vmem>>
    %dma_start3A_318 = arith.constant 0 : i32
    %dma_start3A_319 = arith.constant 0 : i32
    %dma_start3A_320 = tpu.memref_slice %arg2[%dma_start3A_318, %dma_start3A_319] : memref<16384x64xf32, #tpu.memory_space<hbm>> -> memref<16384x64xf32, #tpu.memory_space<hbm>>
    tpu.enqueue_indirect_dma source(%dma_start3A_320 : memref<16384x64xf32, #tpu.memory_space<hbm>>) target(%arg8 : memref<320x64xf32, #tpu.memory_space<vmem>>) offsets(%dma_start3A_317 : memref<320xi32, #tpu.memory_space<vmem>>) semaphore(%arg12 : memref<!tpu.dma_semaphore, #tpu.memory_space<semaphore_mem>>)
    %dma_wait3A_321 = arith.constant 4800 : i32
    %dma_wait3A_322 = tpu.memref_slice %arg5[%dma_wait3A_321] : memref<10240xi32, #tpu.memory_space<vmem>> -> memref<320xi32, #tpu.memory_space<vmem>>
    %dma_wait3A_323 = arith.constant 0 : i32
    %dma_wait3A_324 = arith.constant 0 : i32
    %dma_wait3A_325 = tpu.memref_slice %arg2[%dma_wait3A_323, %dma_wait3A_324] : memref<16384x64xf32, #tpu.memory_space<hbm>> -> memref<16384x64xf32, #tpu.memory_space<hbm>>
    tpu.wait_indirect_dma semaphore(%arg13 : memref<!tpu.dma_semaphore, #tpu.memory_space<semaphore_mem>>) src(%dma_wait3A_325 : memref<16384x64xf32, #tpu.memory_space<hbm>>) dst(%arg9 : memref<320x64xf32, #tpu.memory_space<vmem>>)
    %add3A_326 = arith.constant 4800 : i32
    %add3A_327 = arith.addi %mul3A_2, %add3A_326 : i32
    %dma_start3A_328 = arith.constant 0 : i32
    %dma_start3A_329 = tpu.memref_slice %arg4[%add3A_327, %dma_start3A_328] : memref<327680x64xf32, #tpu.memory_space<hbm>> -> memref<320x64xf32, #tpu.memory_space<hbm>>
    %dma_start3A_330 = arith.constant 0 : i32
    %dma_start3A_331 = tpu.memref_slice %arg4[%add3A_327, %dma_start3A_330] : memref<327680x64xf32, #tpu.memory_space<hbm>> -> memref<320x64xf32, #tpu.memory_space<hbm>>
    tpu.enqueue_dma source(%arg9 : memref<320x64xf32, #tpu.memory_space<vmem>>) target(%dma_start3A_331 : memref<320x64xf32, #tpu.memory_space<hbm>>) target_semaphore(%arg17 : memref<!tpu.dma_semaphore, #tpu.memory_space<semaphore_mem>>)
    %dma_wait3A_332 = arith.constant 0 : i32
    %dma_wait3A_333 = tpu.memref_slice %arg4[%add3A_327, %dma_wait3A_332] : memref<327680x64xf32, #tpu.memory_space<hbm>> -> memref<320x64xf32, #tpu.memory_space<hbm>>
    %dma_wait3A_334 = arith.constant 0 : i32
    %dma_wait3A_335 = tpu.memref_slice %arg4[%add3A_327, %dma_wait3A_334] : memref<327680x64xf32, #tpu.memory_space<hbm>> -> memref<320x64xf32, #tpu.memory_space<hbm>>
    tpu.wait_dma2 semaphore(%arg17 : memref<!tpu.dma_semaphore, #tpu.memory_space<semaphore_mem>>) src(%arg9 : memref<320x64xf32, #tpu.memory_space<vmem>>) dst(%dma_wait3A_335 : memref<320x64xf32, #tpu.memory_space<hbm>>)
    %dma_start3A_336 = arith.constant 6080 : i32
    %dma_start3A_337 = tpu.memref_slice %arg5[%dma_start3A_336] : memref<10240xi32, #tpu.memory_space<vmem>> -> memref<320xi32, #tpu.memory_space<vmem>>
    %dma_start3A_338 = arith.constant 0 : i32
    %dma_start3A_339 = arith.constant 0 : i32
    %dma_start3A_340 = tpu.memref_slice %arg2[%dma_start3A_338, %dma_start3A_339] : memref<16384x64xf32, #tpu.memory_space<hbm>> -> memref<16384x64xf32, #tpu.memory_space<hbm>>
    tpu.enqueue_indirect_dma source(%dma_start3A_340 : memref<16384x64xf32, #tpu.memory_space<hbm>>) target(%arg9 : memref<320x64xf32, #tpu.memory_space<vmem>>) offsets(%dma_start3A_337 : memref<320xi32, #tpu.memory_space<vmem>>) semaphore(%arg13 : memref<!tpu.dma_semaphore, #tpu.memory_space<semaphore_mem>>)
    %dma_wait3A_341 = arith.constant 5120 : i32
    %dma_wait3A_342 = tpu.memref_slice %arg5[%dma_wait3A_341] : memref<10240xi32, #tpu.memory_space<vmem>> -> memref<320xi32, #tpu.memory_space<vmem>>
    %dma_wait3A_343 = arith.constant 0 : i32
    %dma_wait3A_344 = arith.constant 0 : i32
    %dma_wait3A_345 = tpu.memref_slice %arg2[%dma_wait3A_343, %dma_wait3A_344] : memref<16384x64xf32, #tpu.memory_space<hbm>> -> memref<16384x64xf32, #tpu.memory_space<hbm>>
    tpu.wait_indirect_dma semaphore(%arg10 : memref<!tpu.dma_semaphore, #tpu.memory_space<semaphore_mem>>) src(%dma_wait3A_345 : memref<16384x64xf32, #tpu.memory_space<hbm>>) dst(%arg6 : memref<320x64xf32, #tpu.memory_space<vmem>>)
    %add3A_346 = arith.constant 5120 : i32
    %add3A_347 = arith.addi %mul3A_2, %add3A_346 : i32
    %dma_start3A_348 = arith.constant 0 : i32
    %dma_start3A_349 = tpu.memref_slice %arg4[%add3A_347, %dma_start3A_348] : memref<327680x64xf32, #tpu.memory_space<hbm>> -> memref<320x64xf32, #tpu.memory_space<hbm>>
    %dma_start3A_350 = arith.constant 0 : i32
    %dma_start3A_351 = tpu.memref_slice %arg4[%add3A_347, %dma_start3A_350] : memref<327680x64xf32, #tpu.memory_space<hbm>> -> memref<320x64xf32, #tpu.memory_space<hbm>>
    tpu.enqueue_dma source(%arg6 : memref<320x64xf32, #tpu.memory_space<vmem>>) target(%dma_start3A_351 : memref<320x64xf32, #tpu.memory_space<hbm>>) target_semaphore(%arg14 : memref<!tpu.dma_semaphore, #tpu.memory_space<semaphore_mem>>)
    %dma_wait3A_352 = arith.constant 0 : i32
    %dma_wait3A_353 = tpu.memref_slice %arg4[%add3A_347, %dma_wait3A_352] : memref<327680x64xf32, #tpu.memory_space<hbm>> -> memref<320x64xf32, #tpu.memory_space<hbm>>
    %dma_wait3A_354 = arith.constant 0 : i32
    %dma_wait3A_355 = tpu.memref_slice %arg4[%add3A_347, %dma_wait3A_354] : memref<327680x64xf32, #tpu.memory_space<hbm>> -> memref<320x64xf32, #tpu.memory_space<hbm>>
    tpu.wait_dma2 semaphore(%arg14 : memref<!tpu.dma_semaphore, #tpu.memory_space<semaphore_mem>>) src(%arg6 : memref<320x64xf32, #tpu.memory_space<vmem>>) dst(%dma_wait3A_355 : memref<320x64xf32, #tpu.memory_space<hbm>>)
    %dma_start3A_356 = arith.constant 6400 : i32
    %dma_start3A_357 = tpu.memref_slice %arg5[%dma_start3A_356] : memref<10240xi32, #tpu.memory_space<vmem>> -> memref<320xi32, #tpu.memory_space<vmem>>
    %dma_start3A_358 = arith.constant 0 : i32
    %dma_start3A_359 = arith.constant 0 : i32
    %dma_start3A_360 = tpu.memref_slice %arg2[%dma_start3A_358, %dma_start3A_359] : memref<16384x64xf32, #tpu.memory_space<hbm>> -> memref<16384x64xf32, #tpu.memory_space<hbm>>
    tpu.enqueue_indirect_dma source(%dma_start3A_360 : memref<16384x64xf32, #tpu.memory_space<hbm>>) target(%arg6 : memref<320x64xf32, #tpu.memory_space<vmem>>) offsets(%dma_start3A_357 : memref<320xi32, #tpu.memory_space<vmem>>) semaphore(%arg10 : memref<!tpu.dma_semaphore, #tpu.memory_space<semaphore_mem>>)
    %dma_wait3A_361 = arith.constant 5440 : i32
    %dma_wait3A_362 = tpu.memref_slice %arg5[%dma_wait3A_361] : memref<10240xi32, #tpu.memory_space<vmem>> -> memref<320xi32, #tpu.memory_space<vmem>>
    %dma_wait3A_363 = arith.constant 0 : i32
    %dma_wait3A_364 = arith.constant 0 : i32
    %dma_wait3A_365 = tpu.memref_slice %arg2[%dma_wait3A_363, %dma_wait3A_364] : memref<16384x64xf32, #tpu.memory_space<hbm>> -> memref<16384x64xf32, #tpu.memory_space<hbm>>
    tpu.wait_indirect_dma semaphore(%arg11 : memref<!tpu.dma_semaphore, #tpu.memory_space<semaphore_mem>>) src(%dma_wait3A_365 : memref<16384x64xf32, #tpu.memory_space<hbm>>) dst(%arg7 : memref<320x64xf32, #tpu.memory_space<vmem>>)
    %add3A_366 = arith.constant 5440 : i32
    %add3A_367 = arith.addi %mul3A_2, %add3A_366 : i32
    %dma_start3A_368 = arith.constant 0 : i32
    %dma_start3A_369 = tpu.memref_slice %arg4[%add3A_367, %dma_start3A_368] : memref<327680x64xf32, #tpu.memory_space<hbm>> -> memref<320x64xf32, #tpu.memory_space<hbm>>
    %dma_start3A_370 = arith.constant 0 : i32
    %dma_start3A_371 = tpu.memref_slice %arg4[%add3A_367, %dma_start3A_370] : memref<327680x64xf32, #tpu.memory_space<hbm>> -> memref<320x64xf32, #tpu.memory_space<hbm>>
    tpu.enqueue_dma source(%arg7 : memref<320x64xf32, #tpu.memory_space<vmem>>) target(%dma_start3A_371 : memref<320x64xf32, #tpu.memory_space<hbm>>) target_semaphore(%arg15 : memref<!tpu.dma_semaphore, #tpu.memory_space<semaphore_mem>>)
    %dma_wait3A_372 = arith.constant 0 : i32
    %dma_wait3A_373 = tpu.memref_slice %arg4[%add3A_367, %dma_wait3A_372] : memref<327680x64xf32, #tpu.memory_space<hbm>> -> memref<320x64xf32, #tpu.memory_space<hbm>>
    %dma_wait3A_374 = arith.constant 0 : i32
    %dma_wait3A_375 = tpu.memref_slice %arg4[%add3A_367, %dma_wait3A_374] : memref<327680x64xf32, #tpu.memory_space<hbm>> -> memref<320x64xf32, #tpu.memory_space<hbm>>
    tpu.wait_dma2 semaphore(%arg15 : memref<!tpu.dma_semaphore, #tpu.memory_space<semaphore_mem>>) src(%arg7 : memref<320x64xf32, #tpu.memory_space<vmem>>) dst(%dma_wait3A_375 : memref<320x64xf32, #tpu.memory_space<hbm>>)
    %dma_start3A_376 = arith.constant 6720 : i32
    %dma_start3A_377 = tpu.memref_slice %arg5[%dma_start3A_376] : memref<10240xi32, #tpu.memory_space<vmem>> -> memref<320xi32, #tpu.memory_space<vmem>>
    %dma_start3A_378 = arith.constant 0 : i32
    %dma_start3A_379 = arith.constant 0 : i32
    %dma_start3A_380 = tpu.memref_slice %arg2[%dma_start3A_378, %dma_start3A_379] : memref<16384x64xf32, #tpu.memory_space<hbm>> -> memref<16384x64xf32, #tpu.memory_space<hbm>>
    tpu.enqueue_indirect_dma source(%dma_start3A_380 : memref<16384x64xf32, #tpu.memory_space<hbm>>) target(%arg7 : memref<320x64xf32, #tpu.memory_space<vmem>>) offsets(%dma_start3A_377 : memref<320xi32, #tpu.memory_space<vmem>>) semaphore(%arg11 : memref<!tpu.dma_semaphore, #tpu.memory_space<semaphore_mem>>)
    %dma_wait3A_381 = arith.constant 5760 : i32
    %dma_wait3A_382 = tpu.memref_slice %arg5[%dma_wait3A_381] : memref<10240xi32, #tpu.memory_space<vmem>> -> memref<320xi32, #tpu.memory_space<vmem>>
    %dma_wait3A_383 = arith.constant 0 : i32
    %dma_wait3A_384 = arith.constant 0 : i32
    %dma_wait3A_385 = tpu.memref_slice %arg2[%dma_wait3A_383, %dma_wait3A_384] : memref<16384x64xf32, #tpu.memory_space<hbm>> -> memref<16384x64xf32, #tpu.memory_space<hbm>>
    tpu.wait_indirect_dma semaphore(%arg12 : memref<!tpu.dma_semaphore, #tpu.memory_space<semaphore_mem>>) src(%dma_wait3A_385 : memref<16384x64xf32, #tpu.memory_space<hbm>>) dst(%arg8 : memref<320x64xf32, #tpu.memory_space<vmem>>)
    %add3A_386 = arith.constant 5760 : i32
    %add3A_387 = arith.addi %mul3A_2, %add3A_386 : i32
    %dma_start3A_388 = arith.constant 0 : i32
    %dma_start3A_389 = tpu.memref_slice %arg4[%add3A_387, %dma_start3A_388] : memref<327680x64xf32, #tpu.memory_space<hbm>> -> memref<320x64xf32, #tpu.memory_space<hbm>>
    %dma_start3A_390 = arith.constant 0 : i32
    %dma_start3A_391 = tpu.memref_slice %arg4[%add3A_387, %dma_start3A_390] : memref<327680x64xf32, #tpu.memory_space<hbm>> -> memref<320x64xf32, #tpu.memory_space<hbm>>
    tpu.enqueue_dma source(%arg8 : memref<320x64xf32, #tpu.memory_space<vmem>>) target(%dma_start3A_391 : memref<320x64xf32, #tpu.memory_space<hbm>>) target_semaphore(%arg16 : memref<!tpu.dma_semaphore, #tpu.memory_space<semaphore_mem>>)
    %dma_wait3A_392 = arith.constant 0 : i32
    %dma_wait3A_393 = tpu.memref_slice %arg4[%add3A_387, %dma_wait3A_392] : memref<327680x64xf32, #tpu.memory_space<hbm>> -> memref<320x64xf32, #tpu.memory_space<hbm>>
    %dma_wait3A_394 = arith.constant 0 : i32
    %dma_wait3A_395 = tpu.memref_slice %arg4[%add3A_387, %dma_wait3A_394] : memref<327680x64xf32, #tpu.memory_space<hbm>> -> memref<320x64xf32, #tpu.memory_space<hbm>>
    tpu.wait_dma2 semaphore(%arg16 : memref<!tpu.dma_semaphore, #tpu.memory_space<semaphore_mem>>) src(%arg8 : memref<320x64xf32, #tpu.memory_space<vmem>>) dst(%dma_wait3A_395 : memref<320x64xf32, #tpu.memory_space<hbm>>)
    %dma_start3A_396 = arith.constant 7040 : i32
    %dma_start3A_397 = tpu.memref_slice %arg5[%dma_start3A_396] : memref<10240xi32, #tpu.memory_space<vmem>> -> memref<320xi32, #tpu.memory_space<vmem>>
    %dma_start3A_398 = arith.constant 0 : i32
    %dma_start3A_399 = arith.constant 0 : i32
    %dma_start3A_400 = tpu.memref_slice %arg2[%dma_start3A_398, %dma_start3A_399] : memref<16384x64xf32, #tpu.memory_space<hbm>> -> memref<16384x64xf32, #tpu.memory_space<hbm>>
    tpu.enqueue_indirect_dma source(%dma_start3A_400 : memref<16384x64xf32, #tpu.memory_space<hbm>>) target(%arg8 : memref<320x64xf32, #tpu.memory_space<vmem>>) offsets(%dma_start3A_397 : memref<320xi32, #tpu.memory_space<vmem>>) semaphore(%arg12 : memref<!tpu.dma_semaphore, #tpu.memory_space<semaphore_mem>>)
    %dma_wait3A_401 = arith.constant 6080 : i32
    %dma_wait3A_402 = tpu.memref_slice %arg5[%dma_wait3A_401] : memref<10240xi32, #tpu.memory_space<vmem>> -> memref<320xi32, #tpu.memory_space<vmem>>
    %dma_wait3A_403 = arith.constant 0 : i32
    %dma_wait3A_404 = arith.constant 0 : i32
    %dma_wait3A_405 = tpu.memref_slice %arg2[%dma_wait3A_403, %dma_wait3A_404] : memref<16384x64xf32, #tpu.memory_space<hbm>> -> memref<16384x64xf32, #tpu.memory_space<hbm>>
    tpu.wait_indirect_dma semaphore(%arg13 : memref<!tpu.dma_semaphore, #tpu.memory_space<semaphore_mem>>) src(%dma_wait3A_405 : memref<16384x64xf32, #tpu.memory_space<hbm>>) dst(%arg9 : memref<320x64xf32, #tpu.memory_space<vmem>>)
    %add3A_406 = arith.constant 6080 : i32
    %add3A_407 = arith.addi %mul3A_2, %add3A_406 : i32
    %dma_start3A_408 = arith.constant 0 : i32
    %dma_start3A_409 = tpu.memref_slice %arg4[%add3A_407, %dma_start3A_408] : memref<327680x64xf32, #tpu.memory_space<hbm>> -> memref<320x64xf32, #tpu.memory_space<hbm>>
    %dma_start3A_410 = arith.constant 0 : i32
    %dma_start3A_411 = tpu.memref_slice %arg4[%add3A_407, %dma_start3A_410] : memref<327680x64xf32, #tpu.memory_space<hbm>> -> memref<320x64xf32, #tpu.memory_space<hbm>>
    tpu.enqueue_dma source(%arg9 : memref<320x64xf32, #tpu.memory_space<vmem>>) target(%dma_start3A_411 : memref<320x64xf32, #tpu.memory_space<hbm>>) target_semaphore(%arg17 : memref<!tpu.dma_semaphore, #tpu.memory_space<semaphore_mem>>)
    %dma_wait3A_412 = arith.constant 0 : i32
    %dma_wait3A_413 = tpu.memref_slice %arg4[%add3A_407, %dma_wait3A_412] : memref<327680x64xf32, #tpu.memory_space<hbm>> -> memref<320x64xf32, #tpu.memory_space<hbm>>
    %dma_wait3A_414 = arith.constant 0 : i32
    %dma_wait3A_415 = tpu.memref_slice %arg4[%add3A_407, %dma_wait3A_414] : memref<327680x64xf32, #tpu.memory_space<hbm>> -> memref<320x64xf32, #tpu.memory_space<hbm>>
    tpu.wait_dma2 semaphore(%arg17 : memref<!tpu.dma_semaphore, #tpu.memory_space<semaphore_mem>>) src(%arg9 : memref<320x64xf32, #tpu.memory_space<vmem>>) dst(%dma_wait3A_415 : memref<320x64xf32, #tpu.memory_space<hbm>>)
    %dma_start3A_416 = arith.constant 7360 : i32
    %dma_start3A_417 = tpu.memref_slice %arg5[%dma_start3A_416] : memref<10240xi32, #tpu.memory_space<vmem>> -> memref<320xi32, #tpu.memory_space<vmem>>
    %dma_start3A_418 = arith.constant 0 : i32
    %dma_start3A_419 = arith.constant 0 : i32
    %dma_start3A_420 = tpu.memref_slice %arg2[%dma_start3A_418, %dma_start3A_419] : memref<16384x64xf32, #tpu.memory_space<hbm>> -> memref<16384x64xf32, #tpu.memory_space<hbm>>
    tpu.enqueue_indirect_dma source(%dma_start3A_420 : memref<16384x64xf32, #tpu.memory_space<hbm>>) target(%arg9 : memref<320x64xf32, #tpu.memory_space<vmem>>) offsets(%dma_start3A_417 : memref<320xi32, #tpu.memory_space<vmem>>) semaphore(%arg13 : memref<!tpu.dma_semaphore, #tpu.memory_space<semaphore_mem>>)
    %dma_wait3A_421 = arith.constant 6400 : i32
    %dma_wait3A_422 = tpu.memref_slice %arg5[%dma_wait3A_421] : memref<10240xi32, #tpu.memory_space<vmem>> -> memref<320xi32, #tpu.memory_space<vmem>>
    %dma_wait3A_423 = arith.constant 0 : i32
    %dma_wait3A_424 = arith.constant 0 : i32
    %dma_wait3A_425 = tpu.memref_slice %arg2[%dma_wait3A_423, %dma_wait3A_424] : memref<16384x64xf32, #tpu.memory_space<hbm>> -> memref<16384x64xf32, #tpu.memory_space<hbm>>
    tpu.wait_indirect_dma semaphore(%arg10 : memref<!tpu.dma_semaphore, #tpu.memory_space<semaphore_mem>>) src(%dma_wait3A_425 : memref<16384x64xf32, #tpu.memory_space<hbm>>) dst(%arg6 : memref<320x64xf32, #tpu.memory_space<vmem>>)
    %add3A_426 = arith.constant 6400 : i32
    %add3A_427 = arith.addi %mul3A_2, %add3A_426 : i32
    %dma_start3A_428 = arith.constant 0 : i32
    %dma_start3A_429 = tpu.memref_slice %arg4[%add3A_427, %dma_start3A_428] : memref<327680x64xf32, #tpu.memory_space<hbm>> -> memref<320x64xf32, #tpu.memory_space<hbm>>
    %dma_start3A_430 = arith.constant 0 : i32
    %dma_start3A_431 = tpu.memref_slice %arg4[%add3A_427, %dma_start3A_430] : memref<327680x64xf32, #tpu.memory_space<hbm>> -> memref<320x64xf32, #tpu.memory_space<hbm>>
    tpu.enqueue_dma source(%arg6 : memref<320x64xf32, #tpu.memory_space<vmem>>) target(%dma_start3A_431 : memref<320x64xf32, #tpu.memory_space<hbm>>) target_semaphore(%arg14 : memref<!tpu.dma_semaphore, #tpu.memory_space<semaphore_mem>>)
    %dma_wait3A_432 = arith.constant 0 : i32
    %dma_wait3A_433 = tpu.memref_slice %arg4[%add3A_427, %dma_wait3A_432] : memref<327680x64xf32, #tpu.memory_space<hbm>> -> memref<320x64xf32, #tpu.memory_space<hbm>>
    %dma_wait3A_434 = arith.constant 0 : i32
    %dma_wait3A_435 = tpu.memref_slice %arg4[%add3A_427, %dma_wait3A_434] : memref<327680x64xf32, #tpu.memory_space<hbm>> -> memref<320x64xf32, #tpu.memory_space<hbm>>
    tpu.wait_dma2 semaphore(%arg14 : memref<!tpu.dma_semaphore, #tpu.memory_space<semaphore_mem>>) src(%arg6 : memref<320x64xf32, #tpu.memory_space<vmem>>) dst(%dma_wait3A_435 : memref<320x64xf32, #tpu.memory_space<hbm>>)
    %dma_start3A_436 = arith.constant 7680 : i32
    %dma_start3A_437 = tpu.memref_slice %arg5[%dma_start3A_436] : memref<10240xi32, #tpu.memory_space<vmem>> -> memref<320xi32, #tpu.memory_space<vmem>>
    %dma_start3A_438 = arith.constant 0 : i32
    %dma_start3A_439 = arith.constant 0 : i32
    %dma_start3A_440 = tpu.memref_slice %arg2[%dma_start3A_438, %dma_start3A_439] : memref<16384x64xf32, #tpu.memory_space<hbm>> -> memref<16384x64xf32, #tpu.memory_space<hbm>>
    tpu.enqueue_indirect_dma source(%dma_start3A_440 : memref<16384x64xf32, #tpu.memory_space<hbm>>) target(%arg6 : memref<320x64xf32, #tpu.memory_space<vmem>>) offsets(%dma_start3A_437 : memref<320xi32, #tpu.memory_space<vmem>>) semaphore(%arg10 : memref<!tpu.dma_semaphore, #tpu.memory_space<semaphore_mem>>)
    %dma_wait3A_441 = arith.constant 6720 : i32
    %dma_wait3A_442 = tpu.memref_slice %arg5[%dma_wait3A_441] : memref<10240xi32, #tpu.memory_space<vmem>> -> memref<320xi32, #tpu.memory_space<vmem>>
    %dma_wait3A_443 = arith.constant 0 : i32
    %dma_wait3A_444 = arith.constant 0 : i32
    %dma_wait3A_445 = tpu.memref_slice %arg2[%dma_wait3A_443, %dma_wait3A_444] : memref<16384x64xf32, #tpu.memory_space<hbm>> -> memref<16384x64xf32, #tpu.memory_space<hbm>>
    tpu.wait_indirect_dma semaphore(%arg11 : memref<!tpu.dma_semaphore, #tpu.memory_space<semaphore_mem>>) src(%dma_wait3A_445 : memref<16384x64xf32, #tpu.memory_space<hbm>>) dst(%arg7 : memref<320x64xf32, #tpu.memory_space<vmem>>)
    %add3A_446 = arith.constant 6720 : i32
    %add3A_447 = arith.addi %mul3A_2, %add3A_446 : i32
    %dma_start3A_448 = arith.constant 0 : i32
    %dma_start3A_449 = tpu.memref_slice %arg4[%add3A_447, %dma_start3A_448] : memref<327680x64xf32, #tpu.memory_space<hbm>> -> memref<320x64xf32, #tpu.memory_space<hbm>>
    %dma_start3A_450 = arith.constant 0 : i32
    %dma_start3A_451 = tpu.memref_slice %arg4[%add3A_447, %dma_start3A_450] : memref<327680x64xf32, #tpu.memory_space<hbm>> -> memref<320x64xf32, #tpu.memory_space<hbm>>
    tpu.enqueue_dma source(%arg7 : memref<320x64xf32, #tpu.memory_space<vmem>>) target(%dma_start3A_451 : memref<320x64xf32, #tpu.memory_space<hbm>>) target_semaphore(%arg15 : memref<!tpu.dma_semaphore, #tpu.memory_space<semaphore_mem>>)
    %dma_wait3A_452 = arith.constant 0 : i32
    %dma_wait3A_453 = tpu.memref_slice %arg4[%add3A_447, %dma_wait3A_452] : memref<327680x64xf32, #tpu.memory_space<hbm>> -> memref<320x64xf32, #tpu.memory_space<hbm>>
    %dma_wait3A_454 = arith.constant 0 : i32
    %dma_wait3A_455 = tpu.memref_slice %arg4[%add3A_447, %dma_wait3A_454] : memref<327680x64xf32, #tpu.memory_space<hbm>> -> memref<320x64xf32, #tpu.memory_space<hbm>>
    tpu.wait_dma2 semaphore(%arg15 : memref<!tpu.dma_semaphore, #tpu.memory_space<semaphore_mem>>) src(%arg7 : memref<320x64xf32, #tpu.memory_space<vmem>>) dst(%dma_wait3A_455 : memref<320x64xf32, #tpu.memory_space<hbm>>)
    %dma_start3A_456 = arith.constant 8000 : i32
    %dma_start3A_457 = tpu.memref_slice %arg5[%dma_start3A_456] : memref<10240xi32, #tpu.memory_space<vmem>> -> memref<320xi32, #tpu.memory_space<vmem>>
    %dma_start3A_458 = arith.constant 0 : i32
    %dma_start3A_459 = arith.constant 0 : i32
    %dma_start3A_460 = tpu.memref_slice %arg2[%dma_start3A_458, %dma_start3A_459] : memref<16384x64xf32, #tpu.memory_space<hbm>> -> memref<16384x64xf32, #tpu.memory_space<hbm>>
    tpu.enqueue_indirect_dma source(%dma_start3A_460 : memref<16384x64xf32, #tpu.memory_space<hbm>>) target(%arg7 : memref<320x64xf32, #tpu.memory_space<vmem>>) offsets(%dma_start3A_457 : memref<320xi32, #tpu.memory_space<vmem>>) semaphore(%arg11 : memref<!tpu.dma_semaphore, #tpu.memory_space<semaphore_mem>>)
    %dma_wait3A_461 = arith.constant 7040 : i32
    %dma_wait3A_462 = tpu.memref_slice %arg5[%dma_wait3A_461] : memref<10240xi32, #tpu.memory_space<vmem>> -> memref<320xi32, #tpu.memory_space<vmem>>
    %dma_wait3A_463 = arith.constant 0 : i32
    %dma_wait3A_464 = arith.constant 0 : i32
    %dma_wait3A_465 = tpu.memref_slice %arg2[%dma_wait3A_463, %dma_wait3A_464] : memref<16384x64xf32, #tpu.memory_space<hbm>> -> memref<16384x64xf32, #tpu.memory_space<hbm>>
    tpu.wait_indirect_dma semaphore(%arg12 : memref<!tpu.dma_semaphore, #tpu.memory_space<semaphore_mem>>) src(%dma_wait3A_465 : memref<16384x64xf32, #tpu.memory_space<hbm>>) dst(%arg8 : memref<320x64xf32, #tpu.memory_space<vmem>>)
    %add3A_466 = arith.constant 7040 : i32
    %add3A_467 = arith.addi %mul3A_2, %add3A_466 : i32
    %dma_start3A_468 = arith.constant 0 : i32
    %dma_start3A_469 = tpu.memref_slice %arg4[%add3A_467, %dma_start3A_468] : memref<327680x64xf32, #tpu.memory_space<hbm>> -> memref<320x64xf32, #tpu.memory_space<hbm>>
    %dma_start3A_470 = arith.constant 0 : i32
    %dma_start3A_471 = tpu.memref_slice %arg4[%add3A_467, %dma_start3A_470] : memref<327680x64xf32, #tpu.memory_space<hbm>> -> memref<320x64xf32, #tpu.memory_space<hbm>>
    tpu.enqueue_dma source(%arg8 : memref<320x64xf32, #tpu.memory_space<vmem>>) target(%dma_start3A_471 : memref<320x64xf32, #tpu.memory_space<hbm>>) target_semaphore(%arg16 : memref<!tpu.dma_semaphore, #tpu.memory_space<semaphore_mem>>)
    %dma_wait3A_472 = arith.constant 0 : i32
    %dma_wait3A_473 = tpu.memref_slice %arg4[%add3A_467, %dma_wait3A_472] : memref<327680x64xf32, #tpu.memory_space<hbm>> -> memref<320x64xf32, #tpu.memory_space<hbm>>
    %dma_wait3A_474 = arith.constant 0 : i32
    %dma_wait3A_475 = tpu.memref_slice %arg4[%add3A_467, %dma_wait3A_474] : memref<327680x64xf32, #tpu.memory_space<hbm>> -> memref<320x64xf32, #tpu.memory_space<hbm>>
    tpu.wait_dma2 semaphore(%arg16 : memref<!tpu.dma_semaphore, #tpu.memory_space<semaphore_mem>>) src(%arg8 : memref<320x64xf32, #tpu.memory_space<vmem>>) dst(%dma_wait3A_475 : memref<320x64xf32, #tpu.memory_space<hbm>>)
    %dma_start3A_476 = arith.constant 8320 : i32
    %dma_start3A_477 = tpu.memref_slice %arg5[%dma_start3A_476] : memref<10240xi32, #tpu.memory_space<vmem>> -> memref<320xi32, #tpu.memory_space<vmem>>
    %dma_start3A_478 = arith.constant 0 : i32
    %dma_start3A_479 = arith.constant 0 : i32
    %dma_start3A_480 = tpu.memref_slice %arg2[%dma_start3A_478, %dma_start3A_479] : memref<16384x64xf32, #tpu.memory_space<hbm>> -> memref<16384x64xf32, #tpu.memory_space<hbm>>
    tpu.enqueue_indirect_dma source(%dma_start3A_480 : memref<16384x64xf32, #tpu.memory_space<hbm>>) target(%arg8 : memref<320x64xf32, #tpu.memory_space<vmem>>) offsets(%dma_start3A_477 : memref<320xi32, #tpu.memory_space<vmem>>) semaphore(%arg12 : memref<!tpu.dma_semaphore, #tpu.memory_space<semaphore_mem>>)
    %dma_wait3A_481 = arith.constant 7360 : i32
    %dma_wait3A_482 = tpu.memref_slice %arg5[%dma_wait3A_481] : memref<10240xi32, #tpu.memory_space<vmem>> -> memref<320xi32, #tpu.memory_space<vmem>>
    %dma_wait3A_483 = arith.constant 0 : i32
    %dma_wait3A_484 = arith.constant 0 : i32
    %dma_wait3A_485 = tpu.memref_slice %arg2[%dma_wait3A_483, %dma_wait3A_484] : memref<16384x64xf32, #tpu.memory_space<hbm>> -> memref<16384x64xf32, #tpu.memory_space<hbm>>
    tpu.wait_indirect_dma semaphore(%arg13 : memref<!tpu.dma_semaphore, #tpu.memory_space<semaphore_mem>>) src(%dma_wait3A_485 : memref<16384x64xf32, #tpu.memory_space<hbm>>) dst(%arg9 : memref<320x64xf32, #tpu.memory_space<vmem>>)
    %add3A_486 = arith.constant 7360 : i32
    %add3A_487 = arith.addi %mul3A_2, %add3A_486 : i32
    %dma_start3A_488 = arith.constant 0 : i32
    %dma_start3A_489 = tpu.memref_slice %arg4[%add3A_487, %dma_start3A_488] : memref<327680x64xf32, #tpu.memory_space<hbm>> -> memref<320x64xf32, #tpu.memory_space<hbm>>
    %dma_start3A_490 = arith.constant 0 : i32
    %dma_start3A_491 = tpu.memref_slice %arg4[%add3A_487, %dma_start3A_490] : memref<327680x64xf32, #tpu.memory_space<hbm>> -> memref<320x64xf32, #tpu.memory_space<hbm>>
    tpu.enqueue_dma source(%arg9 : memref<320x64xf32, #tpu.memory_space<vmem>>) target(%dma_start3A_491 : memref<320x64xf32, #tpu.memory_space<hbm>>) target_semaphore(%arg17 : memref<!tpu.dma_semaphore, #tpu.memory_space<semaphore_mem>>)
    %dma_wait3A_492 = arith.constant 0 : i32
    %dma_wait3A_493 = tpu.memref_slice %arg4[%add3A_487, %dma_wait3A_492] : memref<327680x64xf32, #tpu.memory_space<hbm>> -> memref<320x64xf32, #tpu.memory_space<hbm>>
    %dma_wait3A_494 = arith.constant 0 : i32
    %dma_wait3A_495 = tpu.memref_slice %arg4[%add3A_487, %dma_wait3A_494] : memref<327680x64xf32, #tpu.memory_space<hbm>> -> memref<320x64xf32, #tpu.memory_space<hbm>>
    tpu.wait_dma2 semaphore(%arg17 : memref<!tpu.dma_semaphore, #tpu.memory_space<semaphore_mem>>) src(%arg9 : memref<320x64xf32, #tpu.memory_space<vmem>>) dst(%dma_wait3A_495 : memref<320x64xf32, #tpu.memory_space<hbm>>)
    %dma_start3A_496 = arith.constant 8640 : i32
    %dma_start3A_497 = tpu.memref_slice %arg5[%dma_start3A_496] : memref<10240xi32, #tpu.memory_space<vmem>> -> memref<320xi32, #tpu.memory_space<vmem>>
    %dma_start3A_498 = arith.constant 0 : i32
    %dma_start3A_499 = arith.constant 0 : i32
    %dma_start3A_500 = tpu.memref_slice %arg2[%dma_start3A_498, %dma_start3A_499] : memref<16384x64xf32, #tpu.memory_space<hbm>> -> memref<16384x64xf32, #tpu.memory_space<hbm>>
    tpu.enqueue_indirect_dma source(%dma_start3A_500 : memref<16384x64xf32, #tpu.memory_space<hbm>>) target(%arg9 : memref<320x64xf32, #tpu.memory_space<vmem>>) offsets(%dma_start3A_497 : memref<320xi32, #tpu.memory_space<vmem>>) semaphore(%arg13 : memref<!tpu.dma_semaphore, #tpu.memory_space<semaphore_mem>>)
    %dma_wait3A_501 = arith.constant 7680 : i32
    %dma_wait3A_502 = tpu.memref_slice %arg5[%dma_wait3A_501] : memref<10240xi32, #tpu.memory_space<vmem>> -> memref<320xi32, #tpu.memory_space<vmem>>
    %dma_wait3A_503 = arith.constant 0 : i32
    %dma_wait3A_504 = arith.constant 0 : i32
    %dma_wait3A_505 = tpu.memref_slice %arg2[%dma_wait3A_503, %dma_wait3A_504] : memref<16384x64xf32, #tpu.memory_space<hbm>> -> memref<16384x64xf32, #tpu.memory_space<hbm>>
    tpu.wait_indirect_dma semaphore(%arg10 : memref<!tpu.dma_semaphore, #tpu.memory_space<semaphore_mem>>) src(%dma_wait3A_505 : memref<16384x64xf32, #tpu.memory_space<hbm>>) dst(%arg6 : memref<320x64xf32, #tpu.memory_space<vmem>>)
    %add3A_506 = arith.constant 7680 : i32
    %add3A_507 = arith.addi %mul3A_2, %add3A_506 : i32
    %dma_start3A_508 = arith.constant 0 : i32
    %dma_start3A_509 = tpu.memref_slice %arg4[%add3A_507, %dma_start3A_508] : memref<327680x64xf32, #tpu.memory_space<hbm>> -> memref<320x64xf32, #tpu.memory_space<hbm>>
    %dma_start3A_510 = arith.constant 0 : i32
    %dma_start3A_511 = tpu.memref_slice %arg4[%add3A_507, %dma_start3A_510] : memref<327680x64xf32, #tpu.memory_space<hbm>> -> memref<320x64xf32, #tpu.memory_space<hbm>>
    tpu.enqueue_dma source(%arg6 : memref<320x64xf32, #tpu.memory_space<vmem>>) target(%dma_start3A_511 : memref<320x64xf32, #tpu.memory_space<hbm>>) target_semaphore(%arg14 : memref<!tpu.dma_semaphore, #tpu.memory_space<semaphore_mem>>)
    %dma_wait3A_512 = arith.constant 0 : i32
    %dma_wait3A_513 = tpu.memref_slice %arg4[%add3A_507, %dma_wait3A_512] : memref<327680x64xf32, #tpu.memory_space<hbm>> -> memref<320x64xf32, #tpu.memory_space<hbm>>
    %dma_wait3A_514 = arith.constant 0 : i32
    %dma_wait3A_515 = tpu.memref_slice %arg4[%add3A_507, %dma_wait3A_514] : memref<327680x64xf32, #tpu.memory_space<hbm>> -> memref<320x64xf32, #tpu.memory_space<hbm>>
    tpu.wait_dma2 semaphore(%arg14 : memref<!tpu.dma_semaphore, #tpu.memory_space<semaphore_mem>>) src(%arg6 : memref<320x64xf32, #tpu.memory_space<vmem>>) dst(%dma_wait3A_515 : memref<320x64xf32, #tpu.memory_space<hbm>>)
    %dma_start3A_516 = arith.constant 8960 : i32
    %dma_start3A_517 = tpu.memref_slice %arg5[%dma_start3A_516] : memref<10240xi32, #tpu.memory_space<vmem>> -> memref<320xi32, #tpu.memory_space<vmem>>
    %dma_start3A_518 = arith.constant 0 : i32
    %dma_start3A_519 = arith.constant 0 : i32
    %dma_start3A_520 = tpu.memref_slice %arg2[%dma_start3A_518, %dma_start3A_519] : memref<16384x64xf32, #tpu.memory_space<hbm>> -> memref<16384x64xf32, #tpu.memory_space<hbm>>
    tpu.enqueue_indirect_dma source(%dma_start3A_520 : memref<16384x64xf32, #tpu.memory_space<hbm>>) target(%arg6 : memref<320x64xf32, #tpu.memory_space<vmem>>) offsets(%dma_start3A_517 : memref<320xi32, #tpu.memory_space<vmem>>) semaphore(%arg10 : memref<!tpu.dma_semaphore, #tpu.memory_space<semaphore_mem>>)
    %dma_wait3A_521 = arith.constant 8000 : i32
    %dma_wait3A_522 = tpu.memref_slice %arg5[%dma_wait3A_521] : memref<10240xi32, #tpu.memory_space<vmem>> -> memref<320xi32, #tpu.memory_space<vmem>>
    %dma_wait3A_523 = arith.constant 0 : i32
    %dma_wait3A_524 = arith.constant 0 : i32
    %dma_wait3A_525 = tpu.memref_slice %arg2[%dma_wait3A_523, %dma_wait3A_524] : memref<16384x64xf32, #tpu.memory_space<hbm>> -> memref<16384x64xf32, #tpu.memory_space<hbm>>
    tpu.wait_indirect_dma semaphore(%arg11 : memref<!tpu.dma_semaphore, #tpu.memory_space<semaphore_mem>>) src(%dma_wait3A_525 : memref<16384x64xf32, #tpu.memory_space<hbm>>) dst(%arg7 : memref<320x64xf32, #tpu.memory_space<vmem>>)
    %add3A_526 = arith.constant 8000 : i32
    %add3A_527 = arith.addi %mul3A_2, %add3A_526 : i32
    %dma_start3A_528 = arith.constant 0 : i32
    %dma_start3A_529 = tpu.memref_slice %arg4[%add3A_527, %dma_start3A_528] : memref<327680x64xf32, #tpu.memory_space<hbm>> -> memref<320x64xf32, #tpu.memory_space<hbm>>
    %dma_start3A_530 = arith.constant 0 : i32
    %dma_start3A_531 = tpu.memref_slice %arg4[%add3A_527, %dma_start3A_530] : memref<327680x64xf32, #tpu.memory_space<hbm>> -> memref<320x64xf32, #tpu.memory_space<hbm>>
    tpu.enqueue_dma source(%arg7 : memref<320x64xf32, #tpu.memory_space<vmem>>) target(%dma_start3A_531 : memref<320x64xf32, #tpu.memory_space<hbm>>) target_semaphore(%arg15 : memref<!tpu.dma_semaphore, #tpu.memory_space<semaphore_mem>>)
    %dma_wait3A_532 = arith.constant 0 : i32
    %dma_wait3A_533 = tpu.memref_slice %arg4[%add3A_527, %dma_wait3A_532] : memref<327680x64xf32, #tpu.memory_space<hbm>> -> memref<320x64xf32, #tpu.memory_space<hbm>>
    %dma_wait3A_534 = arith.constant 0 : i32
    %dma_wait3A_535 = tpu.memref_slice %arg4[%add3A_527, %dma_wait3A_534] : memref<327680x64xf32, #tpu.memory_space<hbm>> -> memref<320x64xf32, #tpu.memory_space<hbm>>
    tpu.wait_dma2 semaphore(%arg15 : memref<!tpu.dma_semaphore, #tpu.memory_space<semaphore_mem>>) src(%arg7 : memref<320x64xf32, #tpu.memory_space<vmem>>) dst(%dma_wait3A_535 : memref<320x64xf32, #tpu.memory_space<hbm>>)
    %dma_start3A_536 = arith.constant 9280 : i32
    %dma_start3A_537 = tpu.memref_slice %arg5[%dma_start3A_536] : memref<10240xi32, #tpu.memory_space<vmem>> -> memref<320xi32, #tpu.memory_space<vmem>>
    %dma_start3A_538 = arith.constant 0 : i32
    %dma_start3A_539 = arith.constant 0 : i32
    %dma_start3A_540 = tpu.memref_slice %arg2[%dma_start3A_538, %dma_start3A_539] : memref<16384x64xf32, #tpu.memory_space<hbm>> -> memref<16384x64xf32, #tpu.memory_space<hbm>>
    tpu.enqueue_indirect_dma source(%dma_start3A_540 : memref<16384x64xf32, #tpu.memory_space<hbm>>) target(%arg7 : memref<320x64xf32, #tpu.memory_space<vmem>>) offsets(%dma_start3A_537 : memref<320xi32, #tpu.memory_space<vmem>>) semaphore(%arg11 : memref<!tpu.dma_semaphore, #tpu.memory_space<semaphore_mem>>)
    %dma_wait3A_541 = arith.constant 8320 : i32
    %dma_wait3A_542 = tpu.memref_slice %arg5[%dma_wait3A_541] : memref<10240xi32, #tpu.memory_space<vmem>> -> memref<320xi32, #tpu.memory_space<vmem>>
    %dma_wait3A_543 = arith.constant 0 : i32
    %dma_wait3A_544 = arith.constant 0 : i32
    %dma_wait3A_545 = tpu.memref_slice %arg2[%dma_wait3A_543, %dma_wait3A_544] : memref<16384x64xf32, #tpu.memory_space<hbm>> -> memref<16384x64xf32, #tpu.memory_space<hbm>>
    tpu.wait_indirect_dma semaphore(%arg12 : memref<!tpu.dma_semaphore, #tpu.memory_space<semaphore_mem>>) src(%dma_wait3A_545 : memref<16384x64xf32, #tpu.memory_space<hbm>>) dst(%arg8 : memref<320x64xf32, #tpu.memory_space<vmem>>)
    %add3A_546 = arith.constant 8320 : i32
    %add3A_547 = arith.addi %mul3A_2, %add3A_546 : i32
    %dma_start3A_548 = arith.constant 0 : i32
    %dma_start3A_549 = tpu.memref_slice %arg4[%add3A_547, %dma_start3A_548] : memref<327680x64xf32, #tpu.memory_space<hbm>> -> memref<320x64xf32, #tpu.memory_space<hbm>>
    %dma_start3A_550 = arith.constant 0 : i32
    %dma_start3A_551 = tpu.memref_slice %arg4[%add3A_547, %dma_start3A_550] : memref<327680x64xf32, #tpu.memory_space<hbm>> -> memref<320x64xf32, #tpu.memory_space<hbm>>
    tpu.enqueue_dma source(%arg8 : memref<320x64xf32, #tpu.memory_space<vmem>>) target(%dma_start3A_551 : memref<320x64xf32, #tpu.memory_space<hbm>>) target_semaphore(%arg16 : memref<!tpu.dma_semaphore, #tpu.memory_space<semaphore_mem>>)
    %dma_wait3A_552 = arith.constant 0 : i32
    %dma_wait3A_553 = tpu.memref_slice %arg4[%add3A_547, %dma_wait3A_552] : memref<327680x64xf32, #tpu.memory_space<hbm>> -> memref<320x64xf32, #tpu.memory_space<hbm>>
    %dma_wait3A_554 = arith.constant 0 : i32
    %dma_wait3A_555 = tpu.memref_slice %arg4[%add3A_547, %dma_wait3A_554] : memref<327680x64xf32, #tpu.memory_space<hbm>> -> memref<320x64xf32, #tpu.memory_space<hbm>>
    tpu.wait_dma2 semaphore(%arg16 : memref<!tpu.dma_semaphore, #tpu.memory_space<semaphore_mem>>) src(%arg8 : memref<320x64xf32, #tpu.memory_space<vmem>>) dst(%dma_wait3A_555 : memref<320x64xf32, #tpu.memory_space<hbm>>)
    %dma_start3A_556 = arith.constant 9600 : i32
    %dma_start3A_557 = tpu.memref_slice %arg5[%dma_start3A_556] : memref<10240xi32, #tpu.memory_space<vmem>> -> memref<320xi32, #tpu.memory_space<vmem>>
    %dma_start3A_558 = arith.constant 0 : i32
    %dma_start3A_559 = arith.constant 0 : i32
    %dma_start3A_560 = tpu.memref_slice %arg2[%dma_start3A_558, %dma_start3A_559] : memref<16384x64xf32, #tpu.memory_space<hbm>> -> memref<16384x64xf32, #tpu.memory_space<hbm>>
    tpu.enqueue_indirect_dma source(%dma_start3A_560 : memref<16384x64xf32, #tpu.memory_space<hbm>>) target(%arg8 : memref<320x64xf32, #tpu.memory_space<vmem>>) offsets(%dma_start3A_557 : memref<320xi32, #tpu.memory_space<vmem>>) semaphore(%arg12 : memref<!tpu.dma_semaphore, #tpu.memory_space<semaphore_mem>>)
    %dma_wait3A_561 = arith.constant 8640 : i32
    %dma_wait3A_562 = tpu.memref_slice %arg5[%dma_wait3A_561] : memref<10240xi32, #tpu.memory_space<vmem>> -> memref<320xi32, #tpu.memory_space<vmem>>
    %dma_wait3A_563 = arith.constant 0 : i32
    %dma_wait3A_564 = arith.constant 0 : i32
    %dma_wait3A_565 = tpu.memref_slice %arg2[%dma_wait3A_563, %dma_wait3A_564] : memref<16384x64xf32, #tpu.memory_space<hbm>> -> memref<16384x64xf32, #tpu.memory_space<hbm>>
    tpu.wait_indirect_dma semaphore(%arg13 : memref<!tpu.dma_semaphore, #tpu.memory_space<semaphore_mem>>) src(%dma_wait3A_565 : memref<16384x64xf32, #tpu.memory_space<hbm>>) dst(%arg9 : memref<320x64xf32, #tpu.memory_space<vmem>>)
    %add3A_566 = arith.constant 8640 : i32
    %add3A_567 = arith.addi %mul3A_2, %add3A_566 : i32
    %dma_start3A_568 = arith.constant 0 : i32
    %dma_start3A_569 = tpu.memref_slice %arg4[%add3A_567, %dma_start3A_568] : memref<327680x64xf32, #tpu.memory_space<hbm>> -> memref<320x64xf32, #tpu.memory_space<hbm>>
    %dma_start3A_570 = arith.constant 0 : i32
    %dma_start3A_571 = tpu.memref_slice %arg4[%add3A_567, %dma_start3A_570] : memref<327680x64xf32, #tpu.memory_space<hbm>> -> memref<320x64xf32, #tpu.memory_space<hbm>>
    tpu.enqueue_dma source(%arg9 : memref<320x64xf32, #tpu.memory_space<vmem>>) target(%dma_start3A_571 : memref<320x64xf32, #tpu.memory_space<hbm>>) target_semaphore(%arg17 : memref<!tpu.dma_semaphore, #tpu.memory_space<semaphore_mem>>)
    %dma_wait3A_572 = arith.constant 0 : i32
    %dma_wait3A_573 = tpu.memref_slice %arg4[%add3A_567, %dma_wait3A_572] : memref<327680x64xf32, #tpu.memory_space<hbm>> -> memref<320x64xf32, #tpu.memory_space<hbm>>
    %dma_wait3A_574 = arith.constant 0 : i32
    %dma_wait3A_575 = tpu.memref_slice %arg4[%add3A_567, %dma_wait3A_574] : memref<327680x64xf32, #tpu.memory_space<hbm>> -> memref<320x64xf32, #tpu.memory_space<hbm>>
    tpu.wait_dma2 semaphore(%arg17 : memref<!tpu.dma_semaphore, #tpu.memory_space<semaphore_mem>>) src(%arg9 : memref<320x64xf32, #tpu.memory_space<vmem>>) dst(%dma_wait3A_575 : memref<320x64xf32, #tpu.memory_space<hbm>>)
    %dma_start3A_576 = arith.constant 9920 : i32
    %dma_start3A_577 = tpu.memref_slice %arg5[%dma_start3A_576] : memref<10240xi32, #tpu.memory_space<vmem>> -> memref<320xi32, #tpu.memory_space<vmem>>
    %dma_start3A_578 = arith.constant 0 : i32
    %dma_start3A_579 = arith.constant 0 : i32
    %dma_start3A_580 = tpu.memref_slice %arg2[%dma_start3A_578, %dma_start3A_579] : memref<16384x64xf32, #tpu.memory_space<hbm>> -> memref<16384x64xf32, #tpu.memory_space<hbm>>
    tpu.enqueue_indirect_dma source(%dma_start3A_580 : memref<16384x64xf32, #tpu.memory_space<hbm>>) target(%arg9 : memref<320x64xf32, #tpu.memory_space<vmem>>) offsets(%dma_start3A_577 : memref<320xi32, #tpu.memory_space<vmem>>) semaphore(%arg13 : memref<!tpu.dma_semaphore, #tpu.memory_space<semaphore_mem>>)
    %dma_wait3A_581 = arith.constant 8960 : i32
    %dma_wait3A_582 = tpu.memref_slice %arg5[%dma_wait3A_581] : memref<10240xi32, #tpu.memory_space<vmem>> -> memref<320xi32, #tpu.memory_space<vmem>>
    %dma_wait3A_583 = arith.constant 0 : i32
    %dma_wait3A_584 = arith.constant 0 : i32
    %dma_wait3A_585 = tpu.memref_slice %arg2[%dma_wait3A_583, %dma_wait3A_584] : memref<16384x64xf32, #tpu.memory_space<hbm>> -> memref<16384x64xf32, #tpu.memory_space<hbm>>
    tpu.wait_indirect_dma semaphore(%arg10 : memref<!tpu.dma_semaphore, #tpu.memory_space<semaphore_mem>>) src(%dma_wait3A_585 : memref<16384x64xf32, #tpu.memory_space<hbm>>) dst(%arg6 : memref<320x64xf32, #tpu.memory_space<vmem>>)
    %add3A_586 = arith.constant 8960 : i32
    %add3A_587 = arith.addi %mul3A_2, %add3A_586 : i32
    %dma_start3A_588 = arith.constant 0 : i32
    %dma_start3A_589 = tpu.memref_slice %arg4[%add3A_587, %dma_start3A_588] : memref<327680x64xf32, #tpu.memory_space<hbm>> -> memref<320x64xf32, #tpu.memory_space<hbm>>
    %dma_start3A_590 = arith.constant 0 : i32
    %dma_start3A_591 = tpu.memref_slice %arg4[%add3A_587, %dma_start3A_590] : memref<327680x64xf32, #tpu.memory_space<hbm>> -> memref<320x64xf32, #tpu.memory_space<hbm>>
    tpu.enqueue_dma source(%arg6 : memref<320x64xf32, #tpu.memory_space<vmem>>) target(%dma_start3A_591 : memref<320x64xf32, #tpu.memory_space<hbm>>) target_semaphore(%arg14 : memref<!tpu.dma_semaphore, #tpu.memory_space<semaphore_mem>>)
    %dma_wait3A_592 = arith.constant 9280 : i32
    %dma_wait3A_593 = tpu.memref_slice %arg5[%dma_wait3A_592] : memref<10240xi32, #tpu.memory_space<vmem>> -> memref<320xi32, #tpu.memory_space<vmem>>
    %dma_wait3A_594 = arith.constant 0 : i32
    %dma_wait3A_595 = arith.constant 0 : i32
    %dma_wait3A_596 = tpu.memref_slice %arg2[%dma_wait3A_594, %dma_wait3A_595] : memref<16384x64xf32, #tpu.memory_space<hbm>> -> memref<16384x64xf32, #tpu.memory_space<hbm>>
    tpu.wait_indirect_dma semaphore(%arg11 : memref<!tpu.dma_semaphore, #tpu.memory_space<semaphore_mem>>) src(%dma_wait3A_596 : memref<16384x64xf32, #tpu.memory_space<hbm>>) dst(%arg7 : memref<320x64xf32, #tpu.memory_space<vmem>>)
    %add3A_597 = arith.constant 9280 : i32
    %add3A_598 = arith.addi %mul3A_2, %add3A_597 : i32
    %dma_start3A_599 = arith.constant 0 : i32
    %dma_start3A_600 = tpu.memref_slice %arg4[%add3A_598, %dma_start3A_599] : memref<327680x64xf32, #tpu.memory_space<hbm>> -> memref<320x64xf32, #tpu.memory_space<hbm>>
    %dma_start3A_601 = arith.constant 0 : i32
    %dma_start3A_602 = tpu.memref_slice %arg4[%add3A_598, %dma_start3A_601] : memref<327680x64xf32, #tpu.memory_space<hbm>> -> memref<320x64xf32, #tpu.memory_space<hbm>>
    tpu.enqueue_dma source(%arg7 : memref<320x64xf32, #tpu.memory_space<vmem>>) target(%dma_start3A_602 : memref<320x64xf32, #tpu.memory_space<hbm>>) target_semaphore(%arg15 : memref<!tpu.dma_semaphore, #tpu.memory_space<semaphore_mem>>)
    %dma_wait3A_603 = arith.constant 9600 : i32
    %dma_wait3A_604 = tpu.memref_slice %arg5[%dma_wait3A_603] : memref<10240xi32, #tpu.memory_space<vmem>> -> memref<320xi32, #tpu.memory_space<vmem>>
    %dma_wait3A_605 = arith.constant 0 : i32
    %dma_wait3A_606 = arith.constant 0 : i32
    %dma_wait3A_607 = tpu.memref_slice %arg2[%dma_wait3A_605, %dma_wait3A_606] : memref<16384x64xf32, #tpu.memory_space<hbm>> -> memref<16384x64xf32, #tpu.memory_space<hbm>>
    tpu.wait_indirect_dma semaphore(%arg12 : memref<!tpu.dma_semaphore, #tpu.memory_space<semaphore_mem>>) src(%dma_wait3A_607 : memref<16384x64xf32, #tpu.memory_space<hbm>>) dst(%arg8 : memref<320x64xf32, #tpu.memory_space<vmem>>)
    %add3A_608 = arith.constant 9600 : i32
    %add3A_609 = arith.addi %mul3A_2, %add3A_608 : i32
    %dma_start3A_610 = arith.constant 0 : i32
    %dma_start3A_611 = tpu.memref_slice %arg4[%add3A_609, %dma_start3A_610] : memref<327680x64xf32, #tpu.memory_space<hbm>> -> memref<320x64xf32, #tpu.memory_space<hbm>>
    %dma_start3A_612 = arith.constant 0 : i32
    %dma_start3A_613 = tpu.memref_slice %arg4[%add3A_609, %dma_start3A_612] : memref<327680x64xf32, #tpu.memory_space<hbm>> -> memref<320x64xf32, #tpu.memory_space<hbm>>
    tpu.enqueue_dma source(%arg8 : memref<320x64xf32, #tpu.memory_space<vmem>>) target(%dma_start3A_613 : memref<320x64xf32, #tpu.memory_space<hbm>>) target_semaphore(%arg16 : memref<!tpu.dma_semaphore, #tpu.memory_space<semaphore_mem>>)
    %dma_wait3A_614 = arith.constant 9920 : i32
    %dma_wait3A_615 = tpu.memref_slice %arg5[%dma_wait3A_614] : memref<10240xi32, #tpu.memory_space<vmem>> -> memref<320xi32, #tpu.memory_space<vmem>>
    %dma_wait3A_616 = arith.constant 0 : i32
    %dma_wait3A_617 = arith.constant 0 : i32
    %dma_wait3A_618 = tpu.memref_slice %arg2[%dma_wait3A_616, %dma_wait3A_617] : memref<16384x64xf32, #tpu.memory_space<hbm>> -> memref<16384x64xf32, #tpu.memory_space<hbm>>
    tpu.wait_indirect_dma semaphore(%arg13 : memref<!tpu.dma_semaphore, #tpu.memory_space<semaphore_mem>>) src(%dma_wait3A_618 : memref<16384x64xf32, #tpu.memory_space<hbm>>) dst(%arg9 : memref<320x64xf32, #tpu.memory_space<vmem>>)
    %add3A_619 = arith.constant 9920 : i32
    %add3A_620 = arith.addi %mul3A_2, %add3A_619 : i32
    %dma_start3A_621 = arith.constant 0 : i32
    %dma_start3A_622 = tpu.memref_slice %arg4[%add3A_620, %dma_start3A_621] : memref<327680x64xf32, #tpu.memory_space<hbm>> -> memref<320x64xf32, #tpu.memory_space<hbm>>
    %dma_start3A_623 = arith.constant 0 : i32
    %dma_start3A_624 = tpu.memref_slice %arg4[%add3A_620, %dma_start3A_623] : memref<327680x64xf32, #tpu.memory_space<hbm>> -> memref<320x64xf32, #tpu.memory_space<hbm>>
    tpu.enqueue_dma source(%arg9 : memref<320x64xf32, #tpu.memory_space<vmem>>) target(%dma_start3A_624 : memref<320x64xf32, #tpu.memory_space<hbm>>) target_semaphore(%arg17 : memref<!tpu.dma_semaphore, #tpu.memory_space<semaphore_mem>>)
    %dma_wait3A_625 = arith.constant 0 : i32
    %dma_wait3A_626 = tpu.memref_slice %arg4[%add3A_587, %dma_wait3A_625] : memref<327680x64xf32, #tpu.memory_space<hbm>> -> memref<320x64xf32, #tpu.memory_space<hbm>>
    %dma_wait3A_627 = arith.constant 0 : i32
    %dma_wait3A_628 = tpu.memref_slice %arg4[%add3A_587, %dma_wait3A_627] : memref<327680x64xf32, #tpu.memory_space<hbm>> -> memref<320x64xf32, #tpu.memory_space<hbm>>
    tpu.wait_dma2 semaphore(%arg14 : memref<!tpu.dma_semaphore, #tpu.memory_space<semaphore_mem>>) src(%arg6 : memref<320x64xf32, #tpu.memory_space<vmem>>) dst(%dma_wait3A_628 : memref<320x64xf32, #tpu.memory_space<hbm>>)
    %dma_wait3A_629 = arith.constant 0 : i32
    %dma_wait3A_630 = tpu.memref_slice %arg4[%add3A_598, %dma_wait3A_629] : memref<327680x64xf32, #tpu.memory_space<hbm>> -> memref<320x64xf32, #tpu.memory_space<hbm>>
    %dma_wait3A_631 = arith.constant 0 : i32
    %dma_wait3A_632 = tpu.memref_slice %arg4[%add3A_598, %dma_wait3A_631] : memref<327680x64xf32, #tpu.memory_space<hbm>> -> memref<320x64xf32, #tpu.memory_space<hbm>>
    tpu.wait_dma2 semaphore(%arg15 : memref<!tpu.dma_semaphore, #tpu.memory_space<semaphore_mem>>) src(%arg7 : memref<320x64xf32, #tpu.memory_space<vmem>>) dst(%dma_wait3A_632 : memref<320x64xf32, #tpu.memory_space<hbm>>)
    %dma_wait3A_633 = arith.constant 0 : i32
    %dma_wait3A_634 = tpu.memref_slice %arg4[%add3A_609, %dma_wait3A_633] : memref<327680x64xf32, #tpu.memory_space<hbm>> -> memref<320x64xf32, #tpu.memory_space<hbm>>
    %dma_wait3A_635 = arith.constant 0 : i32
    %dma_wait3A_636 = tpu.memref_slice %arg4[%add3A_609, %dma_wait3A_635] : memref<327680x64xf32, #tpu.memory_space<hbm>> -> memref<320x64xf32, #tpu.memory_space<hbm>>
    tpu.wait_dma2 semaphore(%arg16 : memref<!tpu.dma_semaphore, #tpu.memory_space<semaphore_mem>>) src(%arg8 : memref<320x64xf32, #tpu.memory_space<vmem>>) dst(%dma_wait3A_636 : memref<320x64xf32, #tpu.memory_space<hbm>>)
    %dma_wait3A_637 = arith.constant 0 : i32
    %dma_wait3A_638 = tpu.memref_slice %arg4[%add3A_620, %dma_wait3A_637] : memref<327680x64xf32, #tpu.memory_space<hbm>> -> memref<320x64xf32, #tpu.memory_space<hbm>>
    %dma_wait3A_639 = arith.constant 0 : i32
    %dma_wait3A_640 = tpu.memref_slice %arg4[%add3A_620, %dma_wait3A_639] : memref<327680x64xf32, #tpu.memory_space<hbm>> -> memref<320x64xf32, #tpu.memory_space<hbm>>
    tpu.wait_dma2 semaphore(%arg17 : memref<!tpu.dma_semaphore, #tpu.memory_space<semaphore_mem>>) src(%arg9 : memref<320x64xf32, #tpu.memory_space<vmem>>) dst(%dma_wait3A_640 : memref<320x64xf32, #tpu.memory_space<hbm>>)
    return
  }
}

module attributes {stable_mosaic.version = 14 : i64} {
  func.func @_p0_kernel(%arg0: i32, %arg1: memref<1x64x2048xf32, #tpu.memory_space<vmem>>, %arg2: memref<64x64xf32, #tpu.memory_space<vmem>>, %arg3: memref<64x64xf32, #tpu.memory_space<vmem>>, %arg4: memref<1x2048x64xf32, #tpu.memory_space<vmem>>, %arg5: memref<1x2048x64xf32, #tpu.memory_space<vmem>>) attributes {dimension_semantics = [#tpu.dimension_semantics<arbitrary>], iteration_bounds = array<i64: 8>, scalar_prefetch = 0 : i64, scratch_operands = 0 : i64, tpu.core_type = #tpu.core_type<tc>, window_params = [{transform_indices = @transform_0, window_bounds = array<i64: 1, 64, 2048>}, {pipeline_mode = #tpu.pipeline_mode<synchronous>, transform_indices = @transform_1, window_bounds = array<i64: 64, 64>}, {pipeline_mode = #tpu.pipeline_mode<synchronous>, transform_indices = @transform_2, window_bounds = array<i64: 64, 64>}, {transform_indices = @transform_3, window_bounds = array<i64: 1, 2048, 64>}, {transform_indices = @transform_4, window_bounds = array<i64: 1, 2048, 64>}]} {
    %get3A = arith.constant 0 : index
    %get3A_0 = arith.constant 0 : index
    %get3A_1 = arith.constant 0 : index
    %get3A_2 = vector.load %arg1[%get3A, %get3A_0, %get3A_1] : memref<1x64x2048xf32, #tpu.memory_space<vmem>>, vector<1x64x2048xf32>
    %get3A_3 = vector.shape_cast %get3A_2 : vector<1x64x2048xf32> to vector<64x2048xf32>
    %get3A_4 = arith.constant 0 : index
    %get3A_5 = arith.constant 0 : index
    %get3A_6 = vector.load %arg2[%get3A_4, %get3A_5] : memref<64x64xf32, #tpu.memory_space<vmem>>, vector<64x64xf32>
    %dot_general3A = arith.constant dense<0.000000e+00> : vector<2048x64xf32>
    %dot_general3A_7 = tpu.matmul %get3A_3, %get3A_6, %dot_general3A {dimension_numbers = #tpu.dot_dimension_numbers<[0], [1], [1], [0], [0, 1, 1, 0], [], []>, transpose_lhs_hint = false} : vector<64x2048xf32>, vector<64x64xf32>, vector<2048x64xf32> -> vector<2048x64xf32>
    %swap3A = arith.constant 0 : index
    %swap3A_8 = arith.constant 0 : index
    %swap3A_9 = arith.constant 0 : index
    %swap3A_10 = vector.load %arg4[%swap3A, %swap3A_8, %swap3A_9] : memref<1x2048x64xf32, #tpu.memory_space<vmem>>, vector<1x2048x64xf32>
    %swap3A_11 = vector.shape_cast %swap3A_10 : vector<1x2048x64xf32> to vector<2048x64xf32>
    %swap3A_12 = vector.shape_cast %dot_general3A_7 : vector<2048x64xf32> to vector<1x2048x64xf32>
    tpu.vector_store %arg4[%swap3A, %swap3A_8, %swap3A_9], %swap3A_12 {strides = array<i32>} : memref<1x2048x64xf32, #tpu.memory_space<vmem>>, vector<1x2048x64xf32>,
    %get3A_13 = arith.constant 0 : index
    %get3A_14 = arith.constant 0 : index
    %get3A_15 = vector.load %arg3[%get3A_13, %get3A_14] : memref<64x64xf32, #tpu.memory_space<vmem>>, vector<64x64xf32>
    %dot_general3A_16 = arith.constant dense<0.000000e+00> : vector<2048x64xf32>
    %dot_general3A_17 = tpu.matmul %get3A_3, %get3A_15, %dot_general3A_16 {dimension_numbers = #tpu.dot_dimension_numbers<[0], [1], [1], [0], [0, 1, 1, 0], [], []>, transpose_lhs_hint = false} : vector<64x2048xf32>, vector<64x64xf32>, vector<2048x64xf32> -> vector<2048x64xf32>
    %swap3A_18 = arith.constant 0 : index
    %swap3A_19 = arith.constant 0 : index
    %swap3A_20 = arith.constant 0 : index
    %swap3A_21 = vector.load %arg5[%swap3A_18, %swap3A_19, %swap3A_20] : memref<1x2048x64xf32, #tpu.memory_space<vmem>>, vector<1x2048x64xf32>
    %swap3A_22 = vector.shape_cast %swap3A_21 : vector<1x2048x64xf32> to vector<2048x64xf32>
    %swap3A_23 = vector.shape_cast %dot_general3A_17 : vector<2048x64xf32> to vector<1x2048x64xf32>
    tpu.vector_store %arg5[%swap3A_18, %swap3A_19, %swap3A_20], %swap3A_23 {strides = array<i32>} : memref<1x2048x64xf32, #tpu.memory_space<vmem>>, vector<1x2048x64xf32>,
    return
  }
  func.func @transform_0(%arg0: i32) -> (i32, i32, i32) {
    %c0_i32 = arith.constant 0 : i32
    %c0_i32_0 = arith.constant 0 : i32
    %c0_i32_1 = arith.constant 0 : i32
    return %arg0, %c0_i32, %c0_i32_0 : i32, i32, i32
  }
  func.func @transform_1(%arg0: i32) -> (i32, i32) {
    %c0_i32 = arith.constant 0 : i32
    %c0_i32_0 = arith.constant 0 : i32
    %c0_i32_1 = arith.constant 0 : i32
    return %c0_i32, %c0_i32_0 : i32, i32
  }
  func.func @transform_2(%arg0: i32) -> (i32, i32) {
    %c0_i32 = arith.constant 0 : i32
    %c0_i32_0 = arith.constant 0 : i32
    %c0_i32_1 = arith.constant 0 : i32
    return %c0_i32, %c0_i32_0 : i32, i32
  }
  func.func @transform_3(%arg0: i32) -> (i32, i32, i32) {
    %c0_i32 = arith.constant 0 : i32
    %c0_i32_0 = arith.constant 0 : i32
    %c0_i32_1 = arith.constant 0 : i32
    return %arg0, %c0_i32, %c0_i32_0 : i32, i32, i32
  }
  func.func @transform_4(%arg0: i32) -> (i32, i32, i32) {
    %c0_i32 = arith.constant 0 : i32
    %c0_i32_0 = arith.constant 0 : i32
    %c0_i32_1 = arith.constant 0 : i32
    return %arg0, %c0_i32, %c0_i32_0 : i32, i32, i32
  }
}

module attributes {stable_mosaic.version = 14 : i64} {
  func.func @_p1_kernel(%arg0: i32, %arg1: i32, %arg2: memref<1x64x512xf32, #tpu.memory_space<vmem>>, %arg3: memref<1x64x2048xf32, #tpu.memory_space<vmem>>, %arg4: memref<1x2048x64xf32, #tpu.memory_space<vmem>>, %arg5: memref<1x512x64xf32, #tpu.memory_space<vmem>>, %arg6: memref<1x512x20xi32, #tpu.memory_space<vmem>>, %arg7: memref<1x64xf32, #tpu.memory_space<vmem>>, %arg8: memref<1x64xf32, #tpu.memory_space<vmem>>) attributes {dimension_semantics = [#tpu.dimension_semantics<arbitrary>, #tpu.dimension_semantics<arbitrary>], iteration_bounds = array<i64: 8, 4>, scalar_prefetch = 0 : i64, scratch_operands = 0 : i64, tpu.core_type = #tpu.core_type<tc>, window_params = [{transform_indices = @transform_0, window_bounds = array<i64: 1, 64, 512>}, {transform_indices = @transform_1, window_bounds = array<i64: 1, 64, 2048>}, {transform_indices = @transform_2, window_bounds = array<i64: 1, 2048, 64>}, {transform_indices = @transform_3, window_bounds = array<i64: 1, 512, 64>}, {transform_indices = @transform_4, window_bounds = array<i64: 1, 512, 20>}, {pipeline_mode = #tpu.pipeline_mode<synchronous>, transform_indices = @transform_5, window_bounds = array<i64: 1, 64>}, {pipeline_mode = #tpu.pipeline_mode<synchronous>, transform_indices = @transform_6, window_bounds = array<i64: 1, 64>}]} {
    %get3A = arith.constant 0 : index
    %get3A_0 = arith.constant 0 : index
    %get3A_1 = arith.constant 0 : index
    %get3A_2 = vector.load %arg2[%get3A, %get3A_0, %get3A_1] : memref<1x64x512xf32, #tpu.memory_space<vmem>>, vector<1x64x512xf32>
    %get3A_3 = vector.shape_cast %get3A_2 : vector<1x64x512xf32> to vector<64x512xf32>
    %get3A_4 = arith.constant 0 : index
    %get3A_5 = arith.constant 0 : index
    %get3A_6 = arith.constant 0 : index
    %get3A_7 = vector.load %arg3[%get3A_4, %get3A_5, %get3A_6] : memref<1x64x2048xf32, #tpu.memory_space<vmem>>, vector<1x64x2048xf32>
    %get3A_8 = vector.shape_cast %get3A_7 : vector<1x64x2048xf32> to vector<64x2048xf32>
    %get3A_9 = arith.constant 0 : index
    %get3A_10 = arith.constant 0 : index
    %get3A_11 = arith.constant 0 : index
    %get3A_12 = vector.load %arg4[%get3A_9, %get3A_10, %get3A_11] : memref<1x2048x64xf32, #tpu.memory_space<vmem>>, vector<1x2048x64xf32>
    %get3A_13 = vector.shape_cast %get3A_12 : vector<1x2048x64xf32> to vector<2048x64xf32>
    %get3A_14 = arith.constant 0 : index
    %get3A_15 = arith.constant 0 : index
    %get3A_16 = arith.constant 0 : index
    %get3A_17 = vector.load %arg5[%get3A_14, %get3A_15, %get3A_16] : memref<1x512x64xf32, #tpu.memory_space<vmem>>, vector<1x512x64xf32>
    %get3A_18 = vector.shape_cast %get3A_17 : vector<1x512x64xf32> to vector<512x64xf32>
    %dot_general3A = arith.constant dense<0.000000e+00> : vector<512x2048xf32>
    %dot_general3A_19 = tpu.matmul %get3A_3, %get3A_8, %dot_general3A {dimension_numbers = #tpu.dot_dimension_numbers<[0], [0], [1], [1], [0, 1, 1, 1], [], []>, transpose_lhs_hint = false} : vector<64x512xf32>, vector<64x2048xf32>, vector<512x2048xf32> -> vector<512x2048xf32>
    %mul3A = arith.mulf %get3A_3, %get3A_3 : vector<64x512xf32>
    %reduce_sum3A = arith.constant dense<0.000000e+00> : vector<512xf32>
    %reduce_sum3A_20 = vector.multi_reduction <add>, %mul3A, %reduce_sum3A [0] : vector<64x512xf32> to vector<512xf32>
    %mul3A_21 = arith.mulf %get3A_8, %get3A_8 : vector<64x2048xf32>
    %reduce_sum3A_22 = arith.constant dense<0.000000e+00> : vector<2048xf32>
    %reduce_sum3A_23 = vector.multi_reduction <add>, %mul3A_21, %reduce_sum3A_22 [0] : vector<64x2048xf32> to vector<2048xf32>
    %mul3A_24 = arith.constant 2.000000e+00 : f32
    %mul3A_25 = vector.broadcast %mul3A_24 : f32 to vector<512x2048xf32>
    %mul3A_26 = arith.mulf %mul3A_25, %dot_general3A_19 : vector<512x2048xf32>
    %broadcast_in_dim3A = vector.shape_cast %reduce_sum3A_20 : vector<512xf32> to vector<512x1xf32>
    %sub3A = vector.broadcast %broadcast_in_dim3A : vector<512x1xf32> to vector<512x2048xf32>
    %sub3A_27 = arith.subf %mul3A_26, %sub3A : vector<512x2048xf32>
    %broadcast_in_dim3A_28 = vector.shape_cast %reduce_sum3A_23 : vector<2048xf32> to vector<1x2048xf32>
    %sub3A_29 = vector.broadcast %broadcast_in_dim3A_28 : vector<1x2048xf32> to vector<512x2048xf32>
    %sub3A_30 = arith.subf %sub3A_27, %sub3A_29 : vector<512x2048xf32>
    %iota3A = tpu.iota {dimensions = array<i32: 1>} : vector<512x2048xi32>
    %argmax3A = tpu.reduce_index %sub3A_30 {axis = 1 : i32, kind = #tpu.reduction_kind<arg_max>} : vector<512x2048xf32> -> vector<512xi32>
    %broadcast_in_dim3A_31 = vector.shape_cast %argmax3A : vector<512xi32> to vector<512x1xi32>
    %eq3A = vector.broadcast %broadcast_in_dim3A_31 : vector<512x1xi32> to vector<512x2048xi32>
    %eq3A_32 = arith.cmpi eq, %iota3A, %eq3A : vector<512x2048xi32>
    %jit3A = arith.constant 0xFF800000 : f32
    %broadcast_in_dim3A_33 = vector.broadcast %jit3A : f32 to vector<512x2048xf32>
    %select_n3A = arith.select %eq3A_32, %broadcast_in_dim3A_33, %sub3A_30 : vector<512x2048xi1>, vector<512x2048xf32>
    %mul3A_34 = arith.constant 2048 : i32
    %mul3A_35 = arith.muli %arg0, %mul3A_34 : i32
    %add3A = vector.broadcast %mul3A_35 : i32 to vector<512x1xi32>
    %add3A_36 = arith.addi %broadcast_in_dim3A_31, %add3A : vector<512x1xi32>
    %swap3A = arith.constant 0 : index
    %swap3A_37 = arith.constant 0 : index
    %swap3A_38 = arith.constant 0 : index
    %swap3A_39 = vector.load %arg6[%swap3A, %swap3A_37, %swap3A_38] : memref<1x512x20xi32, #tpu.memory_space<vmem>>, vector<1x512x1xi32>
    %swap3A_40 = vector.shape_cast %swap3A_39 : vector<1x512x1xi32> to vector<512x1xi32>
    %swap3A_41 = vector.shape_cast %add3A_36 : vector<512x1xi32> to vector<1x512x1xi32>
    tpu.vector_store %arg6[%swap3A, %swap3A_37, %swap3A_38], %swap3A_41 {strides = array<i32>} : memref<1x512x20xi32, #tpu.memory_space<vmem>>, vector<1x512x1xi32>,
    %argmax3A_42 = tpu.reduce_index %select_n3A {axis = 1 : i32, kind = #tpu.reduction_kind<arg_max>} : vector<512x2048xf32> -> vector<512xi32>
    %broadcast_in_dim3A_43 = vector.shape_cast %argmax3A_42 : vector<512xi32> to vector<512x1xi32>
    %eq3A_44 = vector.broadcast %broadcast_in_dim3A_43 : vector<512x1xi32> to vector<512x2048xi32>
    %eq3A_45 = arith.cmpi eq, %iota3A, %eq3A_44 : vector<512x2048xi32>
    %jit3A_46 = arith.constant 0xFF800000 : f32
    %broadcast_in_dim3A_47 = vector.broadcast %jit3A_46 : f32 to vector<512x2048xf32>
    %select_n3A_48 = arith.select %eq3A_45, %broadcast_in_dim3A_47, %select_n3A : vector<512x2048xi1>, vector<512x2048xf32>
    %mul3A_49 = arith.constant 2048 : i32
    %mul3A_50 = arith.muli %arg0, %mul3A_49 : i32
    %add3A_51 = vector.broadcast %mul3A_50 : i32 to vector<512x1xi32>
    %add3A_52 = arith.addi %broadcast_in_dim3A_43, %add3A_51 : vector<512x1xi32>
    %swap3A_53 = arith.constant 0 : index
    %swap3A_54 = arith.constant 0 : index
    %swap3A_55 = arith.constant 1 : index
    %swap3A_56 = vector.load %arg6[%swap3A_53, %swap3A_54, %swap3A_55] : memref<1x512x20xi32, #tpu.memory_space<vmem>>, vector<1x512x1xi32>
    %swap3A_57 = vector.shape_cast %swap3A_56 : vector<1x512x1xi32> to vector<512x1xi32>
    %swap3A_58 = vector.shape_cast %add3A_52 : vector<512x1xi32> to vector<1x512x1xi32>
    tpu.vector_store %arg6[%swap3A_53, %swap3A_54, %swap3A_55], %swap3A_58 {strides = array<i32>} : memref<1x512x20xi32, #tpu.memory_space<vmem>>, vector<1x512x1xi32>,
    %argmax3A_59 = tpu.reduce_index %select_n3A_48 {axis = 1 : i32, kind = #tpu.reduction_kind<arg_max>} : vector<512x2048xf32> -> vector<512xi32>
    %broadcast_in_dim3A_60 = vector.shape_cast %argmax3A_59 : vector<512xi32> to vector<512x1xi32>
    %eq3A_61 = vector.broadcast %broadcast_in_dim3A_60 : vector<512x1xi32> to vector<512x2048xi32>
    %eq3A_62 = arith.cmpi eq, %iota3A, %eq3A_61 : vector<512x2048xi32>
    %jit3A_63 = arith.constant 0xFF800000 : f32
    %broadcast_in_dim3A_64 = vector.broadcast %jit3A_63 : f32 to vector<512x2048xf32>
    %select_n3A_65 = arith.select %eq3A_62, %broadcast_in_dim3A_64, %select_n3A_48 : vector<512x2048xi1>, vector<512x2048xf32>
    %mul3A_66 = arith.constant 2048 : i32
    %mul3A_67 = arith.muli %arg0, %mul3A_66 : i32
    %add3A_68 = vector.broadcast %mul3A_67 : i32 to vector<512x1xi32>
    %add3A_69 = arith.addi %broadcast_in_dim3A_60, %add3A_68 : vector<512x1xi32>
    %swap3A_70 = arith.constant 0 : index
    %swap3A_71 = arith.constant 0 : index
    %swap3A_72 = arith.constant 2 : index
    %swap3A_73 = vector.load %arg6[%swap3A_70, %swap3A_71, %swap3A_72] : memref<1x512x20xi32, #tpu.memory_space<vmem>>, vector<1x512x1xi32>
    %swap3A_74 = vector.shape_cast %swap3A_73 : vector<1x512x1xi32> to vector<512x1xi32>
    %swap3A_75 = vector.shape_cast %add3A_69 : vector<512x1xi32> to vector<1x512x1xi32>
    tpu.vector_store %arg6[%swap3A_70, %swap3A_71, %swap3A_72], %swap3A_75 {strides = array<i32>} : memref<1x512x20xi32, #tpu.memory_space<vmem>>, vector<1x512x1xi32>,
    %argmax3A_76 = tpu.reduce_index %select_n3A_65 {axis = 1 : i32, kind = #tpu.reduction_kind<arg_max>} : vector<512x2048xf32> -> vector<512xi32>
    %broadcast_in_dim3A_77 = vector.shape_cast %argmax3A_76 : vector<512xi32> to vector<512x1xi32>
    %eq3A_78 = vector.broadcast %broadcast_in_dim3A_77 : vector<512x1xi32> to vector<512x2048xi32>
    %eq3A_79 = arith.cmpi eq, %iota3A, %eq3A_78 : vector<512x2048xi32>
    %jit3A_80 = arith.constant 0xFF800000 : f32
    %broadcast_in_dim3A_81 = vector.broadcast %jit3A_80 : f32 to vector<512x2048xf32>
    %select_n3A_82 = arith.select %eq3A_79, %broadcast_in_dim3A_81, %select_n3A_65 : vector<512x2048xi1>, vector<512x2048xf32>
    %mul3A_83 = arith.constant 2048 : i32
    %mul3A_84 = arith.muli %arg0, %mul3A_83 : i32
    %add3A_85 = vector.broadcast %mul3A_84 : i32 to vector<512x1xi32>
    %add3A_86 = arith.addi %broadcast_in_dim3A_77, %add3A_85 : vector<512x1xi32>
    %swap3A_87 = arith.constant 0 : index
    %swap3A_88 = arith.constant 0 : index
    %swap3A_89 = arith.constant 3 : index
    %swap3A_90 = vector.load %arg6[%swap3A_87, %swap3A_88, %swap3A_89] : memref<1x512x20xi32, #tpu.memory_space<vmem>>, vector<1x512x1xi32>
    %swap3A_91 = vector.shape_cast %swap3A_90 : vector<1x512x1xi32> to vector<512x1xi32>
    %swap3A_92 = vector.shape_cast %add3A_86 : vector<512x1xi32> to vector<1x512x1xi32>
    tpu.vector_store %arg6[%swap3A_87, %swap3A_88, %swap3A_89], %swap3A_92 {strides = array<i32>} : memref<1x512x20xi32, #tpu.memory_space<vmem>>, vector<1x512x1xi32>,
    %argmax3A_93 = tpu.reduce_index %select_n3A_82 {axis = 1 : i32, kind = #tpu.reduction_kind<arg_max>} : vector<512x2048xf32> -> vector<512xi32>
    %broadcast_in_dim3A_94 = vector.shape_cast %argmax3A_93 : vector<512xi32> to vector<512x1xi32>
    %eq3A_95 = vector.broadcast %broadcast_in_dim3A_94 : vector<512x1xi32> to vector<512x2048xi32>
    %eq3A_96 = arith.cmpi eq, %iota3A, %eq3A_95 : vector<512x2048xi32>
    %jit3A_97 = arith.constant 0xFF800000 : f32
    %broadcast_in_dim3A_98 = vector.broadcast %jit3A_97 : f32 to vector<512x2048xf32>
    %select_n3A_99 = arith.select %eq3A_96, %broadcast_in_dim3A_98, %select_n3A_82 : vector<512x2048xi1>, vector<512x2048xf32>
    %mul3A_100 = arith.constant 2048 : i32
    %mul3A_101 = arith.muli %arg0, %mul3A_100 : i32
    %add3A_102 = vector.broadcast %mul3A_101 : i32 to vector<512x1xi32>
    %add3A_103 = arith.addi %broadcast_in_dim3A_94, %add3A_102 : vector<512x1xi32>
    %swap3A_104 = arith.constant 0 : index
    %swap3A_105 = arith.constant 0 : index
    %swap3A_106 = arith.constant 4 : index
    %swap3A_107 = vector.load %arg6[%swap3A_104, %swap3A_105, %swap3A_106] : memref<1x512x20xi32, #tpu.memory_space<vmem>>, vector<1x512x1xi32>
    %swap3A_108 = vector.shape_cast %swap3A_107 : vector<1x512x1xi32> to vector<512x1xi32>
    %swap3A_109 = vector.shape_cast %add3A_103 : vector<512x1xi32> to vector<1x512x1xi32>
    tpu.vector_store %arg6[%swap3A_104, %swap3A_105, %swap3A_106], %swap3A_109 {strides = array<i32>} : memref<1x512x20xi32, #tpu.memory_space<vmem>>, vector<1x512x1xi32>,
    %argmax3A_110 = tpu.reduce_index %select_n3A_99 {axis = 1 : i32, kind = #tpu.reduction_kind<arg_max>} : vector<512x2048xf32> -> vector<512xi32>
    %broadcast_in_dim3A_111 = vector.shape_cast %argmax3A_110 : vector<512xi32> to vector<512x1xi32>
    %eq3A_112 = vector.broadcast %broadcast_in_dim3A_111 : vector<512x1xi32> to vector<512x2048xi32>
    %eq3A_113 = arith.cmpi eq, %iota3A, %eq3A_112 : vector<512x2048xi32>
    %jit3A_114 = arith.constant 0xFF800000 : f32
    %broadcast_in_dim3A_115 = vector.broadcast %jit3A_114 : f32 to vector<512x2048xf32>
    %select_n3A_116 = arith.select %eq3A_113, %broadcast_in_dim3A_115, %select_n3A_99 : vector<512x2048xi1>, vector<512x2048xf32>
    %mul3A_117 = arith.constant 2048 : i32
    %mul3A_118 = arith.muli %arg0, %mul3A_117 : i32
    %add3A_119 = vector.broadcast %mul3A_118 : i32 to vector<512x1xi32>
    %add3A_120 = arith.addi %broadcast_in_dim3A_111, %add3A_119 : vector<512x1xi32>
    %swap3A_121 = arith.constant 0 : index
    %swap3A_122 = arith.constant 0 : index
    %swap3A_123 = arith.constant 5 : index
    %swap3A_124 = vector.load %arg6[%swap3A_121, %swap3A_122, %swap3A_123] : memref<1x512x20xi32, #tpu.memory_space<vmem>>, vector<1x512x1xi32>
    %swap3A_125 = vector.shape_cast %swap3A_124 : vector<1x512x1xi32> to vector<512x1xi32>
    %swap3A_126 = vector.shape_cast %add3A_120 : vector<512x1xi32> to vector<1x512x1xi32>
    tpu.vector_store %arg6[%swap3A_121, %swap3A_122, %swap3A_123], %swap3A_126 {strides = array<i32>} : memref<1x512x20xi32, #tpu.memory_space<vmem>>, vector<1x512x1xi32>,
    %argmax3A_127 = tpu.reduce_index %select_n3A_116 {axis = 1 : i32, kind = #tpu.reduction_kind<arg_max>} : vector<512x2048xf32> -> vector<512xi32>
    %broadcast_in_dim3A_128 = vector.shape_cast %argmax3A_127 : vector<512xi32> to vector<512x1xi32>
    %eq3A_129 = vector.broadcast %broadcast_in_dim3A_128 : vector<512x1xi32> to vector<512x2048xi32>
    %eq3A_130 = arith.cmpi eq, %iota3A, %eq3A_129 : vector<512x2048xi32>
    %jit3A_131 = arith.constant 0xFF800000 : f32
    %broadcast_in_dim3A_132 = vector.broadcast %jit3A_131 : f32 to vector<512x2048xf32>
    %select_n3A_133 = arith.select %eq3A_130, %broadcast_in_dim3A_132, %select_n3A_116 : vector<512x2048xi1>, vector<512x2048xf32>
    %mul3A_134 = arith.constant 2048 : i32
    %mul3A_135 = arith.muli %arg0, %mul3A_134 : i32
    %add3A_136 = vector.broadcast %mul3A_135 : i32 to vector<512x1xi32>
    %add3A_137 = arith.addi %broadcast_in_dim3A_128, %add3A_136 : vector<512x1xi32>
    %swap3A_138 = arith.constant 0 : index
    %swap3A_139 = arith.constant 0 : index
    %swap3A_140 = arith.constant 6 : index
    %swap3A_141 = vector.load %arg6[%swap3A_138, %swap3A_139, %swap3A_140] : memref<1x512x20xi32, #tpu.memory_space<vmem>>, vector<1x512x1xi32>
    %swap3A_142 = vector.shape_cast %swap3A_141 : vector<1x512x1xi32> to vector<512x1xi32>
    %swap3A_143 = vector.shape_cast %add3A_137 : vector<512x1xi32> to vector<1x512x1xi32>
    tpu.vector_store %arg6[%swap3A_138, %swap3A_139, %swap3A_140], %swap3A_143 {strides = array<i32>} : memref<1x512x20xi32, #tpu.memory_space<vmem>>, vector<1x512x1xi32>,
    %argmax3A_144 = tpu.reduce_index %select_n3A_133 {axis = 1 : i32, kind = #tpu.reduction_kind<arg_max>} : vector<512x2048xf32> -> vector<512xi32>
    %broadcast_in_dim3A_145 = vector.shape_cast %argmax3A_144 : vector<512xi32> to vector<512x1xi32>
    %eq3A_146 = vector.broadcast %broadcast_in_dim3A_145 : vector<512x1xi32> to vector<512x2048xi32>
    %eq3A_147 = arith.cmpi eq, %iota3A, %eq3A_146 : vector<512x2048xi32>
    %jit3A_148 = arith.constant 0xFF800000 : f32
    %broadcast_in_dim3A_149 = vector.broadcast %jit3A_148 : f32 to vector<512x2048xf32>
    %select_n3A_150 = arith.select %eq3A_147, %broadcast_in_dim3A_149, %select_n3A_133 : vector<512x2048xi1>, vector<512x2048xf32>
    %mul3A_151 = arith.constant 2048 : i32
    %mul3A_152 = arith.muli %arg0, %mul3A_151 : i32
    %add3A_153 = vector.broadcast %mul3A_152 : i32 to vector<512x1xi32>
    %add3A_154 = arith.addi %broadcast_in_dim3A_145, %add3A_153 : vector<512x1xi32>
    %swap3A_155 = arith.constant 0 : index
    %swap3A_156 = arith.constant 0 : index
    %swap3A_157 = arith.constant 7 : index
    %swap3A_158 = vector.load %arg6[%swap3A_155, %swap3A_156, %swap3A_157] : memref<1x512x20xi32, #tpu.memory_space<vmem>>, vector<1x512x1xi32>
    %swap3A_159 = vector.shape_cast %swap3A_158 : vector<1x512x1xi32> to vector<512x1xi32>
    %swap3A_160 = vector.shape_cast %add3A_154 : vector<512x1xi32> to vector<1x512x1xi32>
    tpu.vector_store %arg6[%swap3A_155, %swap3A_156, %swap3A_157], %swap3A_160 {strides = array<i32>} : memref<1x512x20xi32, #tpu.memory_space<vmem>>, vector<1x512x1xi32>,
    %argmax3A_161 = tpu.reduce_index %select_n3A_150 {axis = 1 : i32, kind = #tpu.reduction_kind<arg_max>} : vector<512x2048xf32> -> vector<512xi32>
    %broadcast_in_dim3A_162 = vector.shape_cast %argmax3A_161 : vector<512xi32> to vector<512x1xi32>
    %eq3A_163 = vector.broadcast %broadcast_in_dim3A_162 : vector<512x1xi32> to vector<512x2048xi32>
    %eq3A_164 = arith.cmpi eq, %iota3A, %eq3A_163 : vector<512x2048xi32>
    %jit3A_165 = arith.constant 0xFF800000 : f32
    %broadcast_in_dim3A_166 = vector.broadcast %jit3A_165 : f32 to vector<512x2048xf32>
    %select_n3A_167 = arith.select %eq3A_164, %broadcast_in_dim3A_166, %select_n3A_150 : vector<512x2048xi1>, vector<512x2048xf32>
    %mul3A_168 = arith.constant 2048 : i32
    %mul3A_169 = arith.muli %arg0, %mul3A_168 : i32
    %add3A_170 = vector.broadcast %mul3A_169 : i32 to vector<512x1xi32>
    %add3A_171 = arith.addi %broadcast_in_dim3A_162, %add3A_170 : vector<512x1xi32>
    %swap3A_172 = arith.constant 0 : index
    %swap3A_173 = arith.constant 0 : index
    %swap3A_174 = arith.constant 8 : index
    %swap3A_175 = vector.load %arg6[%swap3A_172, %swap3A_173, %swap3A_174] : memref<1x512x20xi32, #tpu.memory_space<vmem>>, vector<1x512x1xi32>
    %swap3A_176 = vector.shape_cast %swap3A_175 : vector<1x512x1xi32> to vector<512x1xi32>
    %swap3A_177 = vector.shape_cast %add3A_171 : vector<512x1xi32> to vector<1x512x1xi32>
    tpu.vector_store %arg6[%swap3A_172, %swap3A_173, %swap3A_174], %swap3A_177 {strides = array<i32>} : memref<1x512x20xi32, #tpu.memory_space<vmem>>, vector<1x512x1xi32>,
    %argmax3A_178 = tpu.reduce_index %select_n3A_167 {axis = 1 : i32, kind = #tpu.reduction_kind<arg_max>} : vector<512x2048xf32> -> vector<512xi32>
    %broadcast_in_dim3A_179 = vector.shape_cast %argmax3A_178 : vector<512xi32> to vector<512x1xi32>
    %eq3A_180 = vector.broadcast %broadcast_in_dim3A_179 : vector<512x1xi32> to vector<512x2048xi32>
    %eq3A_181 = arith.cmpi eq, %iota3A, %eq3A_180 : vector<512x2048xi32>
    %jit3A_182 = arith.constant 0xFF800000 : f32
    %broadcast_in_dim3A_183 = vector.broadcast %jit3A_182 : f32 to vector<512x2048xf32>
    %select_n3A_184 = arith.select %eq3A_181, %broadcast_in_dim3A_183, %select_n3A_167 : vector<512x2048xi1>, vector<512x2048xf32>
    %mul3A_185 = arith.constant 2048 : i32
    %mul3A_186 = arith.muli %arg0, %mul3A_185 : i32
    %add3A_187 = vector.broadcast %mul3A_186 : i32 to vector<512x1xi32>
    %add3A_188 = arith.addi %broadcast_in_dim3A_179, %add3A_187 : vector<512x1xi32>
    %swap3A_189 = arith.constant 0 : index
    %swap3A_190 = arith.constant 0 : index
    %swap3A_191 = arith.constant 9 : index
    %swap3A_192 = vector.load %arg6[%swap3A_189, %swap3A_190, %swap3A_191] : memref<1x512x20xi32, #tpu.memory_space<vmem>>, vector<1x512x1xi32>
    %swap3A_193 = vector.shape_cast %swap3A_192 : vector<1x512x1xi32> to vector<512x1xi32>
    %swap3A_194 = vector.shape_cast %add3A_188 : vector<512x1xi32> to vector<1x512x1xi32>
    tpu.vector_store %arg6[%swap3A_189, %swap3A_190, %swap3A_191], %swap3A_194 {strides = array<i32>} : memref<1x512x20xi32, #tpu.memory_space<vmem>>, vector<1x512x1xi32>,
    %argmax3A_195 = tpu.reduce_index %select_n3A_184 {axis = 1 : i32, kind = #tpu.reduction_kind<arg_max>} : vector<512x2048xf32> -> vector<512xi32>
    %broadcast_in_dim3A_196 = vector.shape_cast %argmax3A_195 : vector<512xi32> to vector<512x1xi32>
    %eq3A_197 = vector.broadcast %broadcast_in_dim3A_196 : vector<512x1xi32> to vector<512x2048xi32>
    %eq3A_198 = arith.cmpi eq, %iota3A, %eq3A_197 : vector<512x2048xi32>
    %jit3A_199 = arith.constant 0xFF800000 : f32
    %broadcast_in_dim3A_200 = vector.broadcast %jit3A_199 : f32 to vector<512x2048xf32>
    %select_n3A_201 = arith.select %eq3A_198, %broadcast_in_dim3A_200, %select_n3A_184 : vector<512x2048xi1>, vector<512x2048xf32>
    %mul3A_202 = arith.constant 2048 : i32
    %mul3A_203 = arith.muli %arg0, %mul3A_202 : i32
    %add3A_204 = vector.broadcast %mul3A_203 : i32 to vector<512x1xi32>
    %add3A_205 = arith.addi %broadcast_in_dim3A_196, %add3A_204 : vector<512x1xi32>
    %swap3A_206 = arith.constant 0 : index
    %swap3A_207 = arith.constant 0 : index
    %swap3A_208 = arith.constant 10 : index
    %swap3A_209 = vector.load %arg6[%swap3A_206, %swap3A_207, %swap3A_208] : memref<1x512x20xi32, #tpu.memory_space<vmem>>, vector<1x512x1xi32>
    %swap3A_210 = vector.shape_cast %swap3A_209 : vector<1x512x1xi32> to vector<512x1xi32>
    %swap3A_211 = vector.shape_cast %add3A_205 : vector<512x1xi32> to vector<1x512x1xi32>
    tpu.vector_store %arg6[%swap3A_206, %swap3A_207, %swap3A_208], %swap3A_211 {strides = array<i32>} : memref<1x512x20xi32, #tpu.memory_space<vmem>>, vector<1x512x1xi32>,
    %argmax3A_212 = tpu.reduce_index %select_n3A_201 {axis = 1 : i32, kind = #tpu.reduction_kind<arg_max>} : vector<512x2048xf32> -> vector<512xi32>
    %broadcast_in_dim3A_213 = vector.shape_cast %argmax3A_212 : vector<512xi32> to vector<512x1xi32>
    %eq3A_214 = vector.broadcast %broadcast_in_dim3A_213 : vector<512x1xi32> to vector<512x2048xi32>
    %eq3A_215 = arith.cmpi eq, %iota3A, %eq3A_214 : vector<512x2048xi32>
    %jit3A_216 = arith.constant 0xFF800000 : f32
    %broadcast_in_dim3A_217 = vector.broadcast %jit3A_216 : f32 to vector<512x2048xf32>
    %select_n3A_218 = arith.select %eq3A_215, %broadcast_in_dim3A_217, %select_n3A_201 : vector<512x2048xi1>, vector<512x2048xf32>
    %mul3A_219 = arith.constant 2048 : i32
    %mul3A_220 = arith.muli %arg0, %mul3A_219 : i32
    %add3A_221 = vector.broadcast %mul3A_220 : i32 to vector<512x1xi32>
    %add3A_222 = arith.addi %broadcast_in_dim3A_213, %add3A_221 : vector<512x1xi32>
    %swap3A_223 = arith.constant 0 : index
    %swap3A_224 = arith.constant 0 : index
    %swap3A_225 = arith.constant 11 : index
    %swap3A_226 = vector.load %arg6[%swap3A_223, %swap3A_224, %swap3A_225] : memref<1x512x20xi32, #tpu.memory_space<vmem>>, vector<1x512x1xi32>
    %swap3A_227 = vector.shape_cast %swap3A_226 : vector<1x512x1xi32> to vector<512x1xi32>
    %swap3A_228 = vector.shape_cast %add3A_222 : vector<512x1xi32> to vector<1x512x1xi32>
    tpu.vector_store %arg6[%swap3A_223, %swap3A_224, %swap3A_225], %swap3A_228 {strides = array<i32>} : memref<1x512x20xi32, #tpu.memory_space<vmem>>, vector<1x512x1xi32>,
    %argmax3A_229 = tpu.reduce_index %select_n3A_218 {axis = 1 : i32, kind = #tpu.reduction_kind<arg_max>} : vector<512x2048xf32> -> vector<512xi32>
    %broadcast_in_dim3A_230 = vector.shape_cast %argmax3A_229 : vector<512xi32> to vector<512x1xi32>
    %eq3A_231 = vector.broadcast %broadcast_in_dim3A_230 : vector<512x1xi32> to vector<512x2048xi32>
    %eq3A_232 = arith.cmpi eq, %iota3A, %eq3A_231 : vector<512x2048xi32>
    %jit3A_233 = arith.constant 0xFF800000 : f32
    %broadcast_in_dim3A_234 = vector.broadcast %jit3A_233 : f32 to vector<512x2048xf32>
    %select_n3A_235 = arith.select %eq3A_232, %broadcast_in_dim3A_234, %select_n3A_218 : vector<512x2048xi1>, vector<512x2048xf32>
    %mul3A_236 = arith.constant 2048 : i32
    %mul3A_237 = arith.muli %arg0, %mul3A_236 : i32
    %add3A_238 = vector.broadcast %mul3A_237 : i32 to vector<512x1xi32>
    %add3A_239 = arith.addi %broadcast_in_dim3A_230, %add3A_238 : vector<512x1xi32>
    %swap3A_240 = arith.constant 0 : index
    %swap3A_241 = arith.constant 0 : index
    %swap3A_242 = arith.constant 12 : index
    %swap3A_243 = vector.load %arg6[%swap3A_240, %swap3A_241, %swap3A_242] : memref<1x512x20xi32, #tpu.memory_space<vmem>>, vector<1x512x1xi32>
    %swap3A_244 = vector.shape_cast %swap3A_243 : vector<1x512x1xi32> to vector<512x1xi32>
    %swap3A_245 = vector.shape_cast %add3A_239 : vector<512x1xi32> to vector<1x512x1xi32>
    tpu.vector_store %arg6[%swap3A_240, %swap3A_241, %swap3A_242], %swap3A_245 {strides = array<i32>} : memref<1x512x20xi32, #tpu.memory_space<vmem>>, vector<1x512x1xi32>,
    %argmax3A_246 = tpu.reduce_index %select_n3A_235 {axis = 1 : i32, kind = #tpu.reduction_kind<arg_max>} : vector<512x2048xf32> -> vector<512xi32>
    %broadcast_in_dim3A_247 = vector.shape_cast %argmax3A_246 : vector<512xi32> to vector<512x1xi32>
    %eq3A_248 = vector.broadcast %broadcast_in_dim3A_247 : vector<512x1xi32> to vector<512x2048xi32>
    %eq3A_249 = arith.cmpi eq, %iota3A, %eq3A_248 : vector<512x2048xi32>
    %jit3A_250 = arith.constant 0xFF800000 : f32
    %broadcast_in_dim3A_251 = vector.broadcast %jit3A_250 : f32 to vector<512x2048xf32>
    %select_n3A_252 = arith.select %eq3A_249, %broadcast_in_dim3A_251, %select_n3A_235 : vector<512x2048xi1>, vector<512x2048xf32>
    %mul3A_253 = arith.constant 2048 : i32
    %mul3A_254 = arith.muli %arg0, %mul3A_253 : i32
    %add3A_255 = vector.broadcast %mul3A_254 : i32 to vector<512x1xi32>
    %add3A_256 = arith.addi %broadcast_in_dim3A_247, %add3A_255 : vector<512x1xi32>
    %swap3A_257 = arith.constant 0 : index
    %swap3A_258 = arith.constant 0 : index
    %swap3A_259 = arith.constant 13 : index
    %swap3A_260 = vector.load %arg6[%swap3A_257, %swap3A_258, %swap3A_259] : memref<1x512x20xi32, #tpu.memory_space<vmem>>, vector<1x512x1xi32>
    %swap3A_261 = vector.shape_cast %swap3A_260 : vector<1x512x1xi32> to vector<512x1xi32>
    %swap3A_262 = vector.shape_cast %add3A_256 : vector<512x1xi32> to vector<1x512x1xi32>
    tpu.vector_store %arg6[%swap3A_257, %swap3A_258, %swap3A_259], %swap3A_262 {strides = array<i32>} : memref<1x512x20xi32, #tpu.memory_space<vmem>>, vector<1x512x1xi32>,
    %argmax3A_263 = tpu.reduce_index %select_n3A_252 {axis = 1 : i32, kind = #tpu.reduction_kind<arg_max>} : vector<512x2048xf32> -> vector<512xi32>
    %broadcast_in_dim3A_264 = vector.shape_cast %argmax3A_263 : vector<512xi32> to vector<512x1xi32>
    %eq3A_265 = vector.broadcast %broadcast_in_dim3A_264 : vector<512x1xi32> to vector<512x2048xi32>
    %eq3A_266 = arith.cmpi eq, %iota3A, %eq3A_265 : vector<512x2048xi32>
    %jit3A_267 = arith.constant 0xFF800000 : f32
    %broadcast_in_dim3A_268 = vector.broadcast %jit3A_267 : f32 to vector<512x2048xf32>
    %select_n3A_269 = arith.select %eq3A_266, %broadcast_in_dim3A_268, %select_n3A_252 : vector<512x2048xi1>, vector<512x2048xf32>
    %mul3A_270 = arith.constant 2048 : i32
    %mul3A_271 = arith.muli %arg0, %mul3A_270 : i32
    %add3A_272 = vector.broadcast %mul3A_271 : i32 to vector<512x1xi32>
    %add3A_273 = arith.addi %broadcast_in_dim3A_264, %add3A_272 : vector<512x1xi32>
    %swap3A_274 = arith.constant 0 : index
    %swap3A_275 = arith.constant 0 : index
    %swap3A_276 = arith.constant 14 : index
    %swap3A_277 = vector.load %arg6[%swap3A_274, %swap3A_275, %swap3A_276] : memref<1x512x20xi32, #tpu.memory_space<vmem>>, vector<1x512x1xi32>
    %swap3A_278 = vector.shape_cast %swap3A_277 : vector<1x512x1xi32> to vector<512x1xi32>
    %swap3A_279 = vector.shape_cast %add3A_273 : vector<512x1xi32> to vector<1x512x1xi32>
    tpu.vector_store %arg6[%swap3A_274, %swap3A_275, %swap3A_276], %swap3A_279 {strides = array<i32>} : memref<1x512x20xi32, #tpu.memory_space<vmem>>, vector<1x512x1xi32>,
    %argmax3A_280 = tpu.reduce_index %select_n3A_269 {axis = 1 : i32, kind = #tpu.reduction_kind<arg_max>} : vector<512x2048xf32> -> vector<512xi32>
    %broadcast_in_dim3A_281 = vector.shape_cast %argmax3A_280 : vector<512xi32> to vector<512x1xi32>
    %eq3A_282 = vector.broadcast %broadcast_in_dim3A_281 : vector<512x1xi32> to vector<512x2048xi32>
    %eq3A_283 = arith.cmpi eq, %iota3A, %eq3A_282 : vector<512x2048xi32>
    %jit3A_284 = arith.constant 0xFF800000 : f32
    %broadcast_in_dim3A_285 = vector.broadcast %jit3A_284 : f32 to vector<512x2048xf32>
    %select_n3A_286 = arith.select %eq3A_283, %broadcast_in_dim3A_285, %select_n3A_269 : vector<512x2048xi1>, vector<512x2048xf32>
    %mul3A_287 = arith.constant 2048 : i32
    %mul3A_288 = arith.muli %arg0, %mul3A_287 : i32
    %add3A_289 = vector.broadcast %mul3A_288 : i32 to vector<512x1xi32>
    %add3A_290 = arith.addi %broadcast_in_dim3A_281, %add3A_289 : vector<512x1xi32>
    %swap3A_291 = arith.constant 0 : index
    %swap3A_292 = arith.constant 0 : index
    %swap3A_293 = arith.constant 15 : index
    %swap3A_294 = vector.load %arg6[%swap3A_291, %swap3A_292, %swap3A_293] : memref<1x512x20xi32, #tpu.memory_space<vmem>>, vector<1x512x1xi32>
    %swap3A_295 = vector.shape_cast %swap3A_294 : vector<1x512x1xi32> to vector<512x1xi32>
    %swap3A_296 = vector.shape_cast %add3A_290 : vector<512x1xi32> to vector<1x512x1xi32>
    tpu.vector_store %arg6[%swap3A_291, %swap3A_292, %swap3A_293], %swap3A_296 {strides = array<i32>} : memref<1x512x20xi32, #tpu.memory_space<vmem>>, vector<1x512x1xi32>,
    %argmax3A_297 = tpu.reduce_index %select_n3A_286 {axis = 1 : i32, kind = #tpu.reduction_kind<arg_max>} : vector<512x2048xf32> -> vector<512xi32>
    %broadcast_in_dim3A_298 = vector.shape_cast %argmax3A_297 : vector<512xi32> to vector<512x1xi32>
    %eq3A_299 = vector.broadcast %broadcast_in_dim3A_298 : vector<512x1xi32> to vector<512x2048xi32>
    %eq3A_300 = arith.cmpi eq, %iota3A, %eq3A_299 : vector<512x2048xi32>
    %jit3A_301 = arith.constant 0xFF800000 : f32
    %broadcast_in_dim3A_302 = vector.broadcast %jit3A_301 : f32 to vector<512x2048xf32>
    %select_n3A_303 = arith.select %eq3A_300, %broadcast_in_dim3A_302, %select_n3A_286 : vector<512x2048xi1>, vector<512x2048xf32>
    %mul3A_304 = arith.constant 2048 : i32
    %mul3A_305 = arith.muli %arg0, %mul3A_304 : i32
    %add3A_306 = vector.broadcast %mul3A_305 : i32 to vector<512x1xi32>
    %add3A_307 = arith.addi %broadcast_in_dim3A_298, %add3A_306 : vector<512x1xi32>
    %swap3A_308 = arith.constant 0 : index
    %swap3A_309 = arith.constant 0 : index
    %swap3A_310 = arith.constant 16 : index
    %swap3A_311 = vector.load %arg6[%swap3A_308, %swap3A_309, %swap3A_310] : memref<1x512x20xi32, #tpu.memory_space<vmem>>, vector<1x512x1xi32>
    %swap3A_312 = vector.shape_cast %swap3A_311 : vector<1x512x1xi32> to vector<512x1xi32>
    %swap3A_313 = vector.shape_cast %add3A_307 : vector<512x1xi32> to vector<1x512x1xi32>
    tpu.vector_store %arg6[%swap3A_308, %swap3A_309, %swap3A_310], %swap3A_313 {strides = array<i32>} : memref<1x512x20xi32, #tpu.memory_space<vmem>>, vector<1x512x1xi32>,
    %argmax3A_314 = tpu.reduce_index %select_n3A_303 {axis = 1 : i32, kind = #tpu.reduction_kind<arg_max>} : vector<512x2048xf32> -> vector<512xi32>
    %broadcast_in_dim3A_315 = vector.shape_cast %argmax3A_314 : vector<512xi32> to vector<512x1xi32>
    %eq3A_316 = vector.broadcast %broadcast_in_dim3A_315 : vector<512x1xi32> to vector<512x2048xi32>
    %eq3A_317 = arith.cmpi eq, %iota3A, %eq3A_316 : vector<512x2048xi32>
    %jit3A_318 = arith.constant 0xFF800000 : f32
    %broadcast_in_dim3A_319 = vector.broadcast %jit3A_318 : f32 to vector<512x2048xf32>
    %select_n3A_320 = arith.select %eq3A_317, %broadcast_in_dim3A_319, %select_n3A_303 : vector<512x2048xi1>, vector<512x2048xf32>
    %mul3A_321 = arith.constant 2048 : i32
    %mul3A_322 = arith.muli %arg0, %mul3A_321 : i32
    %add3A_323 = vector.broadcast %mul3A_322 : i32 to vector<512x1xi32>
    %add3A_324 = arith.addi %broadcast_in_dim3A_315, %add3A_323 : vector<512x1xi32>
    %swap3A_325 = arith.constant 0 : index
    %swap3A_326 = arith.constant 0 : index
    %swap3A_327 = arith.constant 17 : index
    %swap3A_328 = vector.load %arg6[%swap3A_325, %swap3A_326, %swap3A_327] : memref<1x512x20xi32, #tpu.memory_space<vmem>>, vector<1x512x1xi32>
    %swap3A_329 = vector.shape_cast %swap3A_328 : vector<1x512x1xi32> to vector<512x1xi32>
    %swap3A_330 = vector.shape_cast %add3A_324 : vector<512x1xi32> to vector<1x512x1xi32>
    tpu.vector_store %arg6[%swap3A_325, %swap3A_326, %swap3A_327], %swap3A_330 {strides = array<i32>} : memref<1x512x20xi32, #tpu.memory_space<vmem>>, vector<1x512x1xi32>,
    %argmax3A_331 = tpu.reduce_index %select_n3A_320 {axis = 1 : i32, kind = #tpu.reduction_kind<arg_max>} : vector<512x2048xf32> -> vector<512xi32>
    %broadcast_in_dim3A_332 = vector.shape_cast %argmax3A_331 : vector<512xi32> to vector<512x1xi32>
    %eq3A_333 = vector.broadcast %broadcast_in_dim3A_332 : vector<512x1xi32> to vector<512x2048xi32>
    %eq3A_334 = arith.cmpi eq, %iota3A, %eq3A_333 : vector<512x2048xi32>
    %jit3A_335 = arith.constant 0xFF800000 : f32
    %broadcast_in_dim3A_336 = vector.broadcast %jit3A_335 : f32 to vector<512x2048xf32>
    %select_n3A_337 = arith.select %eq3A_334, %broadcast_in_dim3A_336, %select_n3A_320 : vector<512x2048xi1>, vector<512x2048xf32>
    %mul3A_338 = arith.constant 2048 : i32
    %mul3A_339 = arith.muli %arg0, %mul3A_338 : i32
    %add3A_340 = vector.broadcast %mul3A_339 : i32 to vector<512x1xi32>
    %add3A_341 = arith.addi %broadcast_in_dim3A_332, %add3A_340 : vector<512x1xi32>
    %swap3A_342 = arith.constant 0 : index
    %swap3A_343 = arith.constant 0 : index
    %swap3A_344 = arith.constant 18 : index
    %swap3A_345 = vector.load %arg6[%swap3A_342, %swap3A_343, %swap3A_344] : memref<1x512x20xi32, #tpu.memory_space<vmem>>, vector<1x512x1xi32>
    %swap3A_346 = vector.shape_cast %swap3A_345 : vector<1x512x1xi32> to vector<512x1xi32>
    %swap3A_347 = vector.shape_cast %add3A_341 : vector<512x1xi32> to vector<1x512x1xi32>
    tpu.vector_store %arg6[%swap3A_342, %swap3A_343, %swap3A_344], %swap3A_347 {strides = array<i32>} : memref<1x512x20xi32, #tpu.memory_space<vmem>>, vector<1x512x1xi32>,
    %argmax3A_348 = tpu.reduce_index %select_n3A_337 {axis = 1 : i32, kind = #tpu.reduction_kind<arg_max>} : vector<512x2048xf32> -> vector<512xi32>
    %broadcast_in_dim3A_349 = vector.shape_cast %argmax3A_348 : vector<512xi32> to vector<512x1xi32>
    %eq3A_350 = vector.broadcast %broadcast_in_dim3A_349 : vector<512x1xi32> to vector<512x2048xi32>
    %eq3A_351 = arith.cmpi eq, %iota3A, %eq3A_350 : vector<512x2048xi32>
    %jit3A_352 = arith.constant 0xFF800000 : f32
    %broadcast_in_dim3A_353 = vector.broadcast %jit3A_352 : f32 to vector<512x2048xf32>
    %select_n3A_354 = arith.select %eq3A_351, %broadcast_in_dim3A_353, %select_n3A_337 : vector<512x2048xi1>, vector<512x2048xf32>
    %mul3A_355 = arith.constant 2048 : i32
    %mul3A_356 = arith.muli %arg0, %mul3A_355 : i32
    %add3A_357 = vector.broadcast %mul3A_356 : i32 to vector<512x1xi32>
    %add3A_358 = arith.addi %broadcast_in_dim3A_349, %add3A_357 : vector<512x1xi32>
    %swap3A_359 = arith.constant 0 : index
    %swap3A_360 = arith.constant 0 : index
    %swap3A_361 = arith.constant 19 : index
    %swap3A_362 = vector.load %arg6[%swap3A_359, %swap3A_360, %swap3A_361] : memref<1x512x20xi32, #tpu.memory_space<vmem>>, vector<1x512x1xi32>
    %swap3A_363 = vector.shape_cast %swap3A_362 : vector<1x512x1xi32> to vector<512x1xi32>
    %swap3A_364 = vector.shape_cast %add3A_358 : vector<512x1xi32> to vector<1x512x1xi32>
    tpu.vector_store %arg6[%swap3A_359, %swap3A_360, %swap3A_361], %swap3A_364 {strides = array<i32>} : memref<1x512x20xi32, #tpu.memory_space<vmem>>, vector<1x512x1xi32>,
    %eq3A_365 = arith.constant 0xFF800000 : f32
    %eq3A_366 = vector.broadcast %eq3A_365 : f32 to vector<512x2048xf32>
    %eq3A_367 = arith.cmpf oeq, %select_n3A_354, %eq3A_366 : vector<512x2048xf32>
    %convert_element_type3A = arith.extui %eq3A_367 : vector<512x2048xi1> to vector<512x2048xi32>
    %convert_element_type3A_368 = arith.sitofp %convert_element_type3A : vector<512x2048xi32> to vector<512x2048xf32>
    %dot_general3A_369 = arith.constant dense<0.000000e+00> : vector<512x64xf32>
    %dot_general3A_370 = tpu.matmul %convert_element_type3A_368, %get3A_13, %dot_general3A_369 {dimension_numbers = #tpu.dot_dimension_numbers<[1], [0], [0], [1], [0, 0, 1, 1], [], []>, transpose_lhs_hint = false} : vector<512x2048xf32>, vector<2048x64xf32>, vector<512x64xf32> -> vector<512x64xf32>
    %mul3A_371 = arith.mulf %get3A_13, %get3A_13 : vector<2048x64xf32>
    %dot_general3A_372 = arith.constant dense<0.000000e+00> : vector<512x64xf32>
    %dot_general3A_373 = tpu.matmul %convert_element_type3A_368, %mul3A_371, %dot_general3A_372 {dimension_numbers = #tpu.dot_dimension_numbers<[1], [0], [0], [1], [0, 0, 1, 1], [], []>, transpose_lhs_hint = false} : vector<512x2048xf32>, vector<2048x64xf32>, vector<512x64xf32> -> vector<512x64xf32>
    %reduce_sum3A_374 = arith.constant dense<0.000000e+00> : vector<64xf32>
    %reduce_sum3A_375 = vector.multi_reduction <add>, %dot_general3A_370, %reduce_sum3A_374 [0] : vector<512x64xf32> to vector<64xf32>
    %reduce_sum3A_376 = arith.constant dense<0.000000e+00> : vector<64xf32>
    %reduce_sum3A_377 = vector.multi_reduction <add>, %get3A_18, %reduce_sum3A_376 [0] : vector<512x64xf32> to vector<64xf32>
    %mul3A_378 = arith.constant 2.000000e+01 : f32
    %mul3A_379 = vector.broadcast %mul3A_378 : f32 to vector<64xf32>
    %mul3A_380 = arith.mulf %mul3A_379, %reduce_sum3A_377 : vector<64xf32>
    %add3A_381 = arith.addf %reduce_sum3A_375, %mul3A_380 : vector<64xf32>
    %reduce_sum3A_382 = arith.constant dense<0.000000e+00> : vector<64xf32>
    %reduce_sum3A_383 = vector.multi_reduction <add>, %dot_general3A_373, %reduce_sum3A_382 [0] : vector<512x64xf32> to vector<64xf32>
    %mul3A_384 = arith.mulf %dot_general3A_370, %get3A_18 : vector<512x64xf32>
    %reduce_sum3A_385 = arith.constant dense<0.000000e+00> : vector<64xf32>
    %reduce_sum3A_386 = vector.multi_reduction <add>, %mul3A_384, %reduce_sum3A_385 [0] : vector<512x64xf32> to vector<64xf32>
    %mul3A_387 = arith.constant 2.000000e+00 : f32
    %mul3A_388 = vector.broadcast %mul3A_387 : f32 to vector<64xf32>
    %mul3A_389 = arith.mulf %mul3A_388, %reduce_sum3A_386 : vector<64xf32>
    %add3A_390 = arith.addf %reduce_sum3A_383, %mul3A_389 : vector<64xf32>
    %mul3A_391 = arith.mulf %get3A_18, %get3A_18 : vector<512x64xf32>
    %reduce_sum3A_392 = arith.constant dense<0.000000e+00> : vector<64xf32>
    %reduce_sum3A_393 = vector.multi_reduction <add>, %mul3A_391, %reduce_sum3A_392 [0] : vector<512x64xf32> to vector<64xf32>
    %mul3A_394 = arith.constant 2.000000e+01 : f32
    %mul3A_395 = vector.broadcast %mul3A_394 : f32 to vector<64xf32>
    %mul3A_396 = arith.mulf %mul3A_395, %reduce_sum3A_393 : vector<64xf32>
    %add3A_397 = arith.addf %add3A_390, %mul3A_396 : vector<64xf32>
    %eq3A_398 = arith.constant 0 : i32
    %eq3A_399 = arith.cmpi eq, %arg0, %eq3A_398 : i32
    %eq3A_400 = arith.constant 0 : i32
    %eq3A_401 = arith.cmpi eq, %arg1, %eq3A_400 : i32
    %and3A = arith.andi %eq3A_399, %eq3A_401 : i1
    %convert_element_type3A_402 = arith.extui %and3A : i1 to i32
    %cond3A = arith.constant 0 : i32
    %cond3A_403 = arith.cmpi ne, %convert_element_type3A_402, %cond3A : i32
    scf.if %cond3A_403 {
      %broadcast_in_dim3A_424 = arith.constant 0.000000e+00 : f32
      %broadcast_in_dim3A_425 = vector.broadcast %broadcast_in_dim3A_424 : f32 to vector<1x64xf32>
      %swap3A_426 = arith.constant 0 : index
      %swap3A_427 = arith.constant 0 : index
      %swap3A_428 = vector.load %arg7[%swap3A_426, %swap3A_427] : memref<1x64xf32, #tpu.memory_space<vmem>>, vector<1x64xf32>
      tpu.vector_store %arg7[%swap3A_426, %swap3A_427], %broadcast_in_dim3A_425 {strides = array<i32>} : memref<1x64xf32, #tpu.memory_space<vmem>>, vector<1x64xf32>,
      %broadcast_in_dim3A_429 = arith.constant 0.000000e+00 : f32
      %broadcast_in_dim3A_430 = vector.broadcast %broadcast_in_dim3A_429 : f32 to vector<1x64xf32>
      %swap3A_431 = arith.constant 0 : index
      %swap3A_432 = arith.constant 0 : index
      %swap3A_433 = vector.load %arg8[%swap3A_431, %swap3A_432] : memref<1x64xf32, #tpu.memory_space<vmem>>, vector<1x64xf32>
      tpu.vector_store %arg8[%swap3A_431, %swap3A_432], %broadcast_in_dim3A_430 {strides = array<i32>} : memref<1x64xf32, #tpu.memory_space<vmem>>, vector<1x64xf32>,
    } else {
    }
    %get3A_404 = arith.constant 0 : index
    %get3A_405 = arith.constant 0 : index
    %get3A_406 = vector.load %arg7[%get3A_404, %get3A_405] : memref<1x64xf32, #tpu.memory_space<vmem>>, vector<1x64xf32>
    %get3A_407 = vector.shape_cast %get3A_406 : vector<1x64xf32> to vector<64xf32>
    %add3A_408 = arith.addf %get3A_407, %add3A_381 : vector<64xf32>
    %swap3A_409 = arith.constant 0 : index
    %swap3A_410 = arith.constant 0 : index
    %swap3A_411 = vector.load %arg7[%swap3A_409, %swap3A_410] : memref<1x64xf32, #tpu.memory_space<vmem>>, vector<1x64xf32>
    %swap3A_412 = vector.shape_cast %swap3A_411 : vector<1x64xf32> to vector<64xf32>
    %swap3A_413 = vector.shape_cast %add3A_408 : vector<64xf32> to vector<1x64xf32>
    tpu.vector_store %arg7[%swap3A_409, %swap3A_410], %swap3A_413 {strides = array<i32>} : memref<1x64xf32, #tpu.memory_space<vmem>>, vector<1x64xf32>,
    %get3A_414 = arith.constant 0 : index
    %get3A_415 = arith.constant 0 : index
    %get3A_416 = vector.load %arg8[%get3A_414, %get3A_415] : memref<1x64xf32, #tpu.memory_space<vmem>>, vector<1x64xf32>
    %get3A_417 = vector.shape_cast %get3A_416 : vector<1x64xf32> to vector<64xf32>
    %add3A_418 = arith.addf %get3A_417, %add3A_397 : vector<64xf32>
    %swap3A_419 = arith.constant 0 : index
    %swap3A_420 = arith.constant 0 : index
    %swap3A_421 = vector.load %arg8[%swap3A_419, %swap3A_420] : memref<1x64xf32, #tpu.memory_space<vmem>>, vector<1x64xf32>
    %swap3A_422 = vector.shape_cast %swap3A_421 : vector<1x64xf32> to vector<64xf32>
    %swap3A_423 = vector.shape_cast %add3A_418 : vector<64xf32> to vector<1x64xf32>
    tpu.vector_store %arg8[%swap3A_419, %swap3A_420], %swap3A_423 {strides = array<i32>} : memref<1x64xf32, #tpu.memory_space<vmem>>, vector<1x64xf32>,
    return
  }
  func.func @transform_0(%arg0: i32, %arg1: i32) -> (i32, i32, i32) {
    %c0_i32 = arith.constant 0 : i32
    %c0_i32_0 = arith.constant 0 : i32
    return %arg0, %c0_i32, %arg1 : i32, i32, i32
  }
  func.func @transform_1(%arg0: i32, %arg1: i32) -> (i32, i32, i32) {
    %c0_i32 = arith.constant 0 : i32
    %c0_i32_0 = arith.constant 0 : i32
    %c0_i32_1 = arith.constant 0 : i32
    return %arg0, %c0_i32, %c0_i32_0 : i32, i32, i32
  }
  func.func @transform_2(%arg0: i32, %arg1: i32) -> (i32, i32, i32) {
    %c0_i32 = arith.constant 0 : i32
    %c0_i32_0 = arith.constant 0 : i32
    %c0_i32_1 = arith.constant 0 : i32
    return %arg0, %c0_i32, %c0_i32_0 : i32, i32, i32
  }
  func.func @transform_3(%arg0: i32, %arg1: i32) -> (i32, i32, i32) {
    %c0_i32 = arith.constant 0 : i32
    %c0_i32_0 = arith.constant 0 : i32
    return %arg0, %arg1, %c0_i32 : i32, i32, i32
  }
  func.func @transform_4(%arg0: i32, %arg1: i32) -> (i32, i32, i32) {
    %c0_i32 = arith.constant 0 : i32
    %c0_i32_0 = arith.constant 0 : i32
    return %arg0, %arg1, %c0_i32 : i32, i32, i32
  }
  func.func @transform_5(%arg0: i32, %arg1: i32) -> (i32, i32) {
    %c0_i32 = arith.constant 0 : i32
    %c0_i32_0 = arith.constant 0 : i32
    %c0_i32_1 = arith.constant 0 : i32
    return %c0_i32, %c0_i32_0 : i32, i32
  }
  func.func @transform_6(%arg0: i32, %arg1: i32) -> (i32, i32) {
    %c0_i32 = arith.constant 0 : i32
    %c0_i32_0 = arith.constant 0 : i32
    %c0_i32_1 = arith.constant 0 : i32
    return %c0_i32, %c0_i32_0 : i32, i32
  }
}

module attributes {stable_mosaic.version = 14 : i64} {
  func.func @_p2_kernel(%arg0: i32, %arg1: i32, %arg2: memref<1x10x512x128xf32, #tpu.memory_space<vmem>>, %arg3: memref<1x512x64xf32, #tpu.memory_space<vmem>>, %arg4: memref<1x64xf32, #tpu.memory_space<vmem>>, %arg5: memref<1x64xf32, #tpu.memory_space<vmem>>, %arg6: memref<1x512x64xf32, #tpu.memory_space<vmem>>, %arg7: memref<1x128xf32, #tpu.memory_space<vmem>>, %arg8: memref<128x128xf32, #tpu.memory_space<vmem>>) attributes {dimension_semantics = [#tpu.dimension_semantics<arbitrary>, #tpu.dimension_semantics<arbitrary>], iteration_bounds = array<i64: 8, 4>, scalar_prefetch = 0 : i64, scratch_operands = 0 : i64, tpu.core_type = #tpu.core_type<tc>, window_params = [{transform_indices = @transform_0, window_bounds = array<i64: 1, 10, 512, 128>}, {transform_indices = @transform_1, window_bounds = array<i64: 1, 512, 64>}, {pipeline_mode = #tpu.pipeline_mode<synchronous>, transform_indices = @transform_2, window_bounds = array<i64: 1, 64>}, {pipeline_mode = #tpu.pipeline_mode<synchronous>, transform_indices = @transform_3, window_bounds = array<i64: 1, 64>}, {transform_indices = @transform_4, window_bounds = array<i64: 1, 512, 64>}, {pipeline_mode = #tpu.pipeline_mode<synchronous>, transform_indices = @transform_5, window_bounds = array<i64: 1, 128>}, {pipeline_mode = #tpu.pipeline_mode<synchronous>, transform_indices = @transform_6, window_bounds = array<i64: 128, 128>}]} {
    %get3A = arith.constant 0 : index
    %get3A_0 = arith.constant 0 : index
    %get3A_1 = arith.constant 0 : index
    %get3A_2 = vector.load %arg3[%get3A, %get3A_0, %get3A_1] : memref<1x512x64xf32, #tpu.memory_space<vmem>>, vector<1x512x64xf32>
    %get3A_3 = vector.shape_cast %get3A_2 : vector<1x512x64xf32> to vector<512x64xf32>
    %concatenate3A = tpu.concatenate %get3A_3, %get3A_3 in 1 : vector<512x64xf32>, vector<512x64xf32> -> vector<512x128xf32>
    %get3A_4 = arith.constant 0 : index
    %get3A_5 = arith.constant 0 : index
    %get3A_6 = vector.load %arg4[%get3A_4, %get3A_5] : memref<1x64xf32, #tpu.memory_space<vmem>>, vector<1x64xf32>
    %get3A_7 = arith.constant 0 : index
    %get3A_8 = arith.constant 0 : index
    %get3A_9 = vector.load %arg5[%get3A_7, %get3A_8] : memref<1x64xf32, #tpu.memory_space<vmem>>, vector<1x64xf32>
    %concatenate3A_10 = tpu.concatenate %get3A_6, %get3A_6 in 1 : vector<1x64xf32>, vector<1x64xf32> -> vector<1x128xf32>
    %concatenate3A_11 = tpu.concatenate %get3A_9, %get3A_9 in 1 : vector<1x64xf32>, vector<1x64xf32> -> vector<1x128xf32>
    %get3A_12 = arith.constant 0 : index
    %get3A_13 = arith.constant 0 : index
    %get3A_14 = arith.constant 0 : index
    %get3A_15 = arith.constant 0 : index
    %get3A_16 = vector.load %arg2[%get3A_12, %get3A_13, %get3A_14, %get3A_15] : memref<1x10x512x128xf32, #tpu.memory_space<vmem>>, vector<1x1x512x128xf32>
    %get3A_17 = vector.shape_cast %get3A_16 : vector<1x1x512x128xf32> to vector<512x128xf32>
    %add3A = arith.addf %get3A_17, %concatenate3A : vector<512x128xf32>
    %mul3A = vector.broadcast %concatenate3A_10 : vector<1x128xf32> to vector<512x128xf32>
    %mul3A_18 = arith.mulf %add3A, %mul3A : vector<512x128xf32>
    %add3A_19 = vector.broadcast %concatenate3A_11 : vector<1x128xf32> to vector<512x128xf32>
    %add3A_20 = arith.addf %mul3A_18, %add3A_19 : vector<512x128xf32>
    %max3A = arith.constant 0.000000e+00 : f32
    %max3A_21 = vector.broadcast %max3A : f32 to vector<512x128xf32>
    %max3A_22 = arith.maximumf %add3A_20, %max3A_21 : vector<512x128xf32>
    %get3A_23 = arith.constant 0 : index
    %get3A_24 = arith.constant 1 : index
    %get3A_25 = arith.constant 0 : index
    %get3A_26 = arith.constant 0 : index
    %get3A_27 = vector.load %arg2[%get3A_23, %get3A_24, %get3A_25, %get3A_26] : memref<1x10x512x128xf32, #tpu.memory_space<vmem>>, vector<1x1x512x128xf32>
    %get3A_28 = vector.shape_cast %get3A_27 : vector<1x1x512x128xf32> to vector<512x128xf32>
    %add3A_29 = arith.addf %get3A_28, %concatenate3A : vector<512x128xf32>
    %mul3A_30 = vector.broadcast %concatenate3A_10 : vector<1x128xf32> to vector<512x128xf32>
    %mul3A_31 = arith.mulf %add3A_29, %mul3A_30 : vector<512x128xf32>
    %add3A_32 = vector.broadcast %concatenate3A_11 : vector<1x128xf32> to vector<512x128xf32>
    %add3A_33 = arith.addf %mul3A_31, %add3A_32 : vector<512x128xf32>
    %max3A_34 = arith.constant 0.000000e+00 : f32
    %max3A_35 = vector.broadcast %max3A_34 : f32 to vector<512x128xf32>
    %max3A_36 = arith.maximumf %add3A_33, %max3A_35 : vector<512x128xf32>
    %get3A_37 = arith.constant 0 : index
    %get3A_38 = arith.constant 2 : index
    %get3A_39 = arith.constant 0 : index
    %get3A_40 = arith.constant 0 : index
    %get3A_41 = vector.load %arg2[%get3A_37, %get3A_38, %get3A_39, %get3A_40] : memref<1x10x512x128xf32, #tpu.memory_space<vmem>>, vector<1x1x512x128xf32>
    %get3A_42 = vector.shape_cast %get3A_41 : vector<1x1x512x128xf32> to vector<512x128xf32>
    %add3A_43 = arith.addf %get3A_42, %concatenate3A : vector<512x128xf32>
    %mul3A_44 = vector.broadcast %concatenate3A_10 : vector<1x128xf32> to vector<512x128xf32>
    %mul3A_45 = arith.mulf %add3A_43, %mul3A_44 : vector<512x128xf32>
    %add3A_46 = vector.broadcast %concatenate3A_11 : vector<1x128xf32> to vector<512x128xf32>
    %add3A_47 = arith.addf %mul3A_45, %add3A_46 : vector<512x128xf32>
    %max3A_48 = arith.constant 0.000000e+00 : f32
    %max3A_49 = vector.broadcast %max3A_48 : f32 to vector<512x128xf32>
    %max3A_50 = arith.maximumf %add3A_47, %max3A_49 : vector<512x128xf32>
    %get3A_51 = arith.constant 0 : index
    %get3A_52 = arith.constant 3 : index
    %get3A_53 = arith.constant 0 : index
    %get3A_54 = arith.constant 0 : index
    %get3A_55 = vector.load %arg2[%get3A_51, %get3A_52, %get3A_53, %get3A_54] : memref<1x10x512x128xf32, #tpu.memory_space<vmem>>, vector<1x1x512x128xf32>
    %get3A_56 = vector.shape_cast %get3A_55 : vector<1x1x512x128xf32> to vector<512x128xf32>
    %add3A_57 = arith.addf %get3A_56, %concatenate3A : vector<512x128xf32>
    %mul3A_58 = vector.broadcast %concatenate3A_10 : vector<1x128xf32> to vector<512x128xf32>
    %mul3A_59 = arith.mulf %add3A_57, %mul3A_58 : vector<512x128xf32>
    %add3A_60 = vector.broadcast %concatenate3A_11 : vector<1x128xf32> to vector<512x128xf32>
    %add3A_61 = arith.addf %mul3A_59, %add3A_60 : vector<512x128xf32>
    %max3A_62 = arith.constant 0.000000e+00 : f32
    %max3A_63 = vector.broadcast %max3A_62 : f32 to vector<512x128xf32>
    %max3A_64 = arith.maximumf %add3A_61, %max3A_63 : vector<512x128xf32>
    %get3A_65 = arith.constant 0 : index
    %get3A_66 = arith.constant 4 : index
    %get3A_67 = arith.constant 0 : index
    %get3A_68 = arith.constant 0 : index
    %get3A_69 = vector.load %arg2[%get3A_65, %get3A_66, %get3A_67, %get3A_68] : memref<1x10x512x128xf32, #tpu.memory_space<vmem>>, vector<1x1x512x128xf32>
    %get3A_70 = vector.shape_cast %get3A_69 : vector<1x1x512x128xf32> to vector<512x128xf32>
    %add3A_71 = arith.addf %get3A_70, %concatenate3A : vector<512x128xf32>
    %mul3A_72 = vector.broadcast %concatenate3A_10 : vector<1x128xf32> to vector<512x128xf32>
    %mul3A_73 = arith.mulf %add3A_71, %mul3A_72 : vector<512x128xf32>
    %add3A_74 = vector.broadcast %concatenate3A_11 : vector<1x128xf32> to vector<512x128xf32>
    %add3A_75 = arith.addf %mul3A_73, %add3A_74 : vector<512x128xf32>
    %max3A_76 = arith.constant 0.000000e+00 : f32
    %max3A_77 = vector.broadcast %max3A_76 : f32 to vector<512x128xf32>
    %max3A_78 = arith.maximumf %add3A_75, %max3A_77 : vector<512x128xf32>
    %get3A_79 = arith.constant 0 : index
    %get3A_80 = arith.constant 5 : index
    %get3A_81 = arith.constant 0 : index
    %get3A_82 = arith.constant 0 : index
    %get3A_83 = vector.load %arg2[%get3A_79, %get3A_80, %get3A_81, %get3A_82] : memref<1x10x512x128xf32, #tpu.memory_space<vmem>>, vector<1x1x512x128xf32>
    %get3A_84 = vector.shape_cast %get3A_83 : vector<1x1x512x128xf32> to vector<512x128xf32>
    %add3A_85 = arith.addf %get3A_84, %concatenate3A : vector<512x128xf32>
    %mul3A_86 = vector.broadcast %concatenate3A_10 : vector<1x128xf32> to vector<512x128xf32>
    %mul3A_87 = arith.mulf %add3A_85, %mul3A_86 : vector<512x128xf32>
    %add3A_88 = vector.broadcast %concatenate3A_11 : vector<1x128xf32> to vector<512x128xf32>
    %add3A_89 = arith.addf %mul3A_87, %add3A_88 : vector<512x128xf32>
    %max3A_90 = arith.constant 0.000000e+00 : f32
    %max3A_91 = vector.broadcast %max3A_90 : f32 to vector<512x128xf32>
    %max3A_92 = arith.maximumf %add3A_89, %max3A_91 : vector<512x128xf32>
    %get3A_93 = arith.constant 0 : index
    %get3A_94 = arith.constant 6 : index
    %get3A_95 = arith.constant 0 : index
    %get3A_96 = arith.constant 0 : index
    %get3A_97 = vector.load %arg2[%get3A_93, %get3A_94, %get3A_95, %get3A_96] : memref<1x10x512x128xf32, #tpu.memory_space<vmem>>, vector<1x1x512x128xf32>
    %get3A_98 = vector.shape_cast %get3A_97 : vector<1x1x512x128xf32> to vector<512x128xf32>
    %add3A_99 = arith.addf %get3A_98, %concatenate3A : vector<512x128xf32>
    %mul3A_100 = vector.broadcast %concatenate3A_10 : vector<1x128xf32> to vector<512x128xf32>
    %mul3A_101 = arith.mulf %add3A_99, %mul3A_100 : vector<512x128xf32>
    %add3A_102 = vector.broadcast %concatenate3A_11 : vector<1x128xf32> to vector<512x128xf32>
    %add3A_103 = arith.addf %mul3A_101, %add3A_102 : vector<512x128xf32>
    %max3A_104 = arith.constant 0.000000e+00 : f32
    %max3A_105 = vector.broadcast %max3A_104 : f32 to vector<512x128xf32>
    %max3A_106 = arith.maximumf %add3A_103, %max3A_105 : vector<512x128xf32>
    %get3A_107 = arith.constant 0 : index
    %get3A_108 = arith.constant 7 : index
    %get3A_109 = arith.constant 0 : index
    %get3A_110 = arith.constant 0 : index
    %get3A_111 = vector.load %arg2[%get3A_107, %get3A_108, %get3A_109, %get3A_110] : memref<1x10x512x128xf32, #tpu.memory_space<vmem>>, vector<1x1x512x128xf32>
    %get3A_112 = vector.shape_cast %get3A_111 : vector<1x1x512x128xf32> to vector<512x128xf32>
    %add3A_113 = arith.addf %get3A_112, %concatenate3A : vector<512x128xf32>
    %mul3A_114 = vector.broadcast %concatenate3A_10 : vector<1x128xf32> to vector<512x128xf32>
    %mul3A_115 = arith.mulf %add3A_113, %mul3A_114 : vector<512x128xf32>
    %add3A_116 = vector.broadcast %concatenate3A_11 : vector<1x128xf32> to vector<512x128xf32>
    %add3A_117 = arith.addf %mul3A_115, %add3A_116 : vector<512x128xf32>
    %max3A_118 = arith.constant 0.000000e+00 : f32
    %max3A_119 = vector.broadcast %max3A_118 : f32 to vector<512x128xf32>
    %max3A_120 = arith.maximumf %add3A_117, %max3A_119 : vector<512x128xf32>
    %get3A_121 = arith.constant 0 : index
    %get3A_122 = arith.constant 8 : index
    %get3A_123 = arith.constant 0 : index
    %get3A_124 = arith.constant 0 : index
    %get3A_125 = vector.load %arg2[%get3A_121, %get3A_122, %get3A_123, %get3A_124] : memref<1x10x512x128xf32, #tpu.memory_space<vmem>>, vector<1x1x512x128xf32>
    %get3A_126 = vector.shape_cast %get3A_125 : vector<1x1x512x128xf32> to vector<512x128xf32>
    %add3A_127 = arith.addf %get3A_126, %concatenate3A : vector<512x128xf32>
    %mul3A_128 = vector.broadcast %concatenate3A_10 : vector<1x128xf32> to vector<512x128xf32>
    %mul3A_129 = arith.mulf %add3A_127, %mul3A_128 : vector<512x128xf32>
    %add3A_130 = vector.broadcast %concatenate3A_11 : vector<1x128xf32> to vector<512x128xf32>
    %add3A_131 = arith.addf %mul3A_129, %add3A_130 : vector<512x128xf32>
    %max3A_132 = arith.constant 0.000000e+00 : f32
    %max3A_133 = vector.broadcast %max3A_132 : f32 to vector<512x128xf32>
    %max3A_134 = arith.maximumf %add3A_131, %max3A_133 : vector<512x128xf32>
    %get3A_135 = arith.constant 0 : index
    %get3A_136 = arith.constant 9 : index
    %get3A_137 = arith.constant 0 : index
    %get3A_138 = arith.constant 0 : index
    %get3A_139 = vector.load %arg2[%get3A_135, %get3A_136, %get3A_137, %get3A_138] : memref<1x10x512x128xf32, #tpu.memory_space<vmem>>, vector<1x1x512x128xf32>
    %get3A_140 = vector.shape_cast %get3A_139 : vector<1x1x512x128xf32> to vector<512x128xf32>
    %add3A_141 = arith.addf %get3A_140, %concatenate3A : vector<512x128xf32>
    %mul3A_142 = vector.broadcast %concatenate3A_10 : vector<1x128xf32> to vector<512x128xf32>
    %mul3A_143 = arith.mulf %add3A_141, %mul3A_142 : vector<512x128xf32>
    %add3A_144 = vector.broadcast %concatenate3A_11 : vector<1x128xf32> to vector<512x128xf32>
    %add3A_145 = arith.addf %mul3A_143, %add3A_144 : vector<512x128xf32>
    %max3A_146 = arith.constant 0.000000e+00 : f32
    %max3A_147 = vector.broadcast %max3A_146 : f32 to vector<512x128xf32>
    %max3A_148 = arith.maximumf %add3A_145, %max3A_147 : vector<512x128xf32>
    %max3A_149 = arith.maximumf %max3A_22, %max3A_36 : vector<512x128xf32>
    %max3A_150 = arith.maximumf %max3A_149, %max3A_50 : vector<512x128xf32>
    %max3A_151 = arith.maximumf %max3A_150, %max3A_64 : vector<512x128xf32>
    %max3A_152 = arith.maximumf %max3A_151, %max3A_78 : vector<512x128xf32>
    %max3A_153 = arith.maximumf %max3A_152, %max3A_92 : vector<512x128xf32>
    %max3A_154 = arith.maximumf %max3A_153, %max3A_106 : vector<512x128xf32>
    %max3A_155 = arith.maximumf %max3A_154, %max3A_120 : vector<512x128xf32>
    %max3A_156 = arith.maximumf %max3A_155, %max3A_134 : vector<512x128xf32>
    %max3A_157 = arith.maximumf %max3A_156, %max3A_148 : vector<512x128xf32>
    %slice3A = vector.extract_strided_slice %max3A_157 {offsets = [0, 0], sizes = [512, 64], strides = [1, 1]} : vector<512x128xf32> to vector<512x64xf32>
    %slice3A_158 = vector.extract_strided_slice %max3A_157 {offsets = [0, 64], sizes = [512, 64], strides = [1, 1]} : vector<512x128xf32> to vector<512x64xf32>
    %max3A_159 = arith.maximumf %slice3A, %slice3A_158 : vector<512x64xf32>
    %concatenate3A_160 = tpu.concatenate %max3A_159, %max3A_159 in 1 : vector<512x64xf32>, vector<512x64xf32> -> vector<512x128xf32>
    %broadcast_in_dim3A = arith.constant 0.000000e+00 : f32
    %broadcast_in_dim3A_161 = vector.broadcast %broadcast_in_dim3A : f32 to vector<512x128xf32>
    %broadcast_in_dim3A_162 = arith.constant 0.000000e+00 : f32
    %broadcast_in_dim3A_163 = vector.broadcast %broadcast_in_dim3A_162 : f32 to vector<512x128xf32>
    %broadcast_in_dim3A_164 = arith.constant 0.000000e+00 : f32
    %broadcast_in_dim3A_165 = vector.broadcast %broadcast_in_dim3A_164 : f32 to vector<128xf32>
    %broadcast_in_dim3A_166 = arith.constant 0.000000e+00 : f32
    %broadcast_in_dim3A_167 = vector.broadcast %broadcast_in_dim3A_166 : f32 to vector<128x128xf32>
    %sub3A = arith.subf %max3A_22, %concatenate3A_160 : vector<512x128xf32>
    %exp3A = math.exp %sub3A : vector<512x128xf32>
    %add3A_168 = arith.addf %broadcast_in_dim3A_161, %exp3A : vector<512x128xf32>
    %mul3A_169 = arith.mulf %max3A_22, %exp3A : vector<512x128xf32>
    %add3A_170 = arith.addf %broadcast_in_dim3A_163, %mul3A_169 : vector<512x128xf32>
    %reduce_sum3A = arith.constant dense<0.000000e+00> : vector<128xf32>
    %reduce_sum3A_171 = vector.multi_reduction <add>, %max3A_22, %reduce_sum3A [0] : vector<512x128xf32> to vector<128xf32>
    %add3A_172 = arith.addf %broadcast_in_dim3A_165, %reduce_sum3A_171 : vector<128xf32>
    %dot_general3A = arith.constant dense<0.000000e+00> : vector<128x128xf32>
    %dot_general3A_173 = tpu.matmul %max3A_22, %max3A_22, %dot_general3A {dimension_numbers = #tpu.dot_dimension_numbers<[0], [0], [1], [1], [0, 1, 1, 1], [], []>, transpose_lhs_hint = false} : vector<512x128xf32>, vector<512x128xf32>, vector<128x128xf32> -> vector<128x128xf32>
    %add3A_174 = arith.addf %broadcast_in_dim3A_167, %dot_general3A_173 : vector<128x128xf32>
    %sub3A_175 = arith.subf %max3A_36, %concatenate3A_160 : vector<512x128xf32>
    %exp3A_176 = math.exp %sub3A_175 : vector<512x128xf32>
    %add3A_177 = arith.addf %add3A_168, %exp3A_176 : vector<512x128xf32>
    %mul3A_178 = arith.mulf %max3A_36, %exp3A_176 : vector<512x128xf32>
    %add3A_179 = arith.addf %add3A_170, %mul3A_178 : vector<512x128xf32>
    %reduce_sum3A_180 = arith.constant dense<0.000000e+00> : vector<128xf32>
    %reduce_sum3A_181 = vector.multi_reduction <add>, %max3A_36, %reduce_sum3A_180 [0] : vector<512x128xf32> to vector<128xf32>
    %add3A_182 = arith.addf %add3A_172, %reduce_sum3A_181 : vector<128xf32>
    %dot_general3A_183 = arith.constant dense<0.000000e+00> : vector<128x128xf32>
    %dot_general3A_184 = tpu.matmul %max3A_36, %max3A_36, %dot_general3A_183 {dimension_numbers = #tpu.dot_dimension_numbers<[0], [0], [1], [1], [0, 1, 1, 1], [], []>, transpose_lhs_hint = false} : vector<512x128xf32>, vector<512x128xf32>, vector<128x128xf32> -> vector<128x128xf32>
    %add3A_185 = arith.addf %add3A_174, %dot_general3A_184 : vector<128x128xf32>
    %sub3A_186 = arith.subf %max3A_50, %concatenate3A_160 : vector<512x128xf32>
    %exp3A_187 = math.exp %sub3A_186 : vector<512x128xf32>
    %add3A_188 = arith.addf %add3A_177, %exp3A_187 : vector<512x128xf32>
    %mul3A_189 = arith.mulf %max3A_50, %exp3A_187 : vector<512x128xf32>
    %add3A_190 = arith.addf %add3A_179, %mul3A_189 : vector<512x128xf32>
    %reduce_sum3A_191 = arith.constant dense<0.000000e+00> : vector<128xf32>
    %reduce_sum3A_192 = vector.multi_reduction <add>, %max3A_50, %reduce_sum3A_191 [0] : vector<512x128xf32> to vector<128xf32>
    %add3A_193 = arith.addf %add3A_182, %reduce_sum3A_192 : vector<128xf32>
    %dot_general3A_194 = arith.constant dense<0.000000e+00> : vector<128x128xf32>
    %dot_general3A_195 = tpu.matmul %max3A_50, %max3A_50, %dot_general3A_194 {dimension_numbers = #tpu.dot_dimension_numbers<[0], [0], [1], [1], [0, 1, 1, 1], [], []>, transpose_lhs_hint = false} : vector<512x128xf32>, vector<512x128xf32>, vector<128x128xf32> -> vector<128x128xf32>
    %add3A_196 = arith.addf %add3A_185, %dot_general3A_195 : vector<128x128xf32>
    %sub3A_197 = arith.subf %max3A_64, %concatenate3A_160 : vector<512x128xf32>
    %exp3A_198 = math.exp %sub3A_197 : vector<512x128xf32>
    %add3A_199 = arith.addf %add3A_188, %exp3A_198 : vector<512x128xf32>
    %mul3A_200 = arith.mulf %max3A_64, %exp3A_198 : vector<512x128xf32>
    %add3A_201 = arith.addf %add3A_190, %mul3A_200 : vector<512x128xf32>
    %reduce_sum3A_202 = arith.constant dense<0.000000e+00> : vector<128xf32>
    %reduce_sum3A_203 = vector.multi_reduction <add>, %max3A_64, %reduce_sum3A_202 [0] : vector<512x128xf32> to vector<128xf32>
    %add3A_204 = arith.addf %add3A_193, %reduce_sum3A_203 : vector<128xf32>
    %dot_general3A_205 = arith.constant dense<0.000000e+00> : vector<128x128xf32>
    %dot_general3A_206 = tpu.matmul %max3A_64, %max3A_64, %dot_general3A_205 {dimension_numbers = #tpu.dot_dimension_numbers<[0], [0], [1], [1], [0, 1, 1, 1], [], []>, transpose_lhs_hint = false} : vector<512x128xf32>, vector<512x128xf32>, vector<128x128xf32> -> vector<128x128xf32>
    %add3A_207 = arith.addf %add3A_196, %dot_general3A_206 : vector<128x128xf32>
    %sub3A_208 = arith.subf %max3A_78, %concatenate3A_160 : vector<512x128xf32>
    %exp3A_209 = math.exp %sub3A_208 : vector<512x128xf32>
    %add3A_210 = arith.addf %add3A_199, %exp3A_209 : vector<512x128xf32>
    %mul3A_211 = arith.mulf %max3A_78, %exp3A_209 : vector<512x128xf32>
    %add3A_212 = arith.addf %add3A_201, %mul3A_211 : vector<512x128xf32>
    %reduce_sum3A_213 = arith.constant dense<0.000000e+00> : vector<128xf32>
    %reduce_sum3A_214 = vector.multi_reduction <add>, %max3A_78, %reduce_sum3A_213 [0] : vector<512x128xf32> to vector<128xf32>
    %add3A_215 = arith.addf %add3A_204, %reduce_sum3A_214 : vector<128xf32>
    %dot_general3A_216 = arith.constant dense<0.000000e+00> : vector<128x128xf32>
    %dot_general3A_217 = tpu.matmul %max3A_78, %max3A_78, %dot_general3A_216 {dimension_numbers = #tpu.dot_dimension_numbers<[0], [0], [1], [1], [0, 1, 1, 1], [], []>, transpose_lhs_hint = false} : vector<512x128xf32>, vector<512x128xf32>, vector<128x128xf32> -> vector<128x128xf32>
    %add3A_218 = arith.addf %add3A_207, %dot_general3A_217 : vector<128x128xf32>
    %sub3A_219 = arith.subf %max3A_92, %concatenate3A_160 : vector<512x128xf32>
    %exp3A_220 = math.exp %sub3A_219 : vector<512x128xf32>
    %add3A_221 = arith.addf %add3A_210, %exp3A_220 : vector<512x128xf32>
    %mul3A_222 = arith.mulf %max3A_92, %exp3A_220 : vector<512x128xf32>
    %add3A_223 = arith.addf %add3A_212, %mul3A_222 : vector<512x128xf32>
    %reduce_sum3A_224 = arith.constant dense<0.000000e+00> : vector<128xf32>
    %reduce_sum3A_225 = vector.multi_reduction <add>, %max3A_92, %reduce_sum3A_224 [0] : vector<512x128xf32> to vector<128xf32>
    %add3A_226 = arith.addf %add3A_215, %reduce_sum3A_225 : vector<128xf32>
    %dot_general3A_227 = arith.constant dense<0.000000e+00> : vector<128x128xf32>
    %dot_general3A_228 = tpu.matmul %max3A_92, %max3A_92, %dot_general3A_227 {dimension_numbers = #tpu.dot_dimension_numbers<[0], [0], [1], [1], [0, 1, 1, 1], [], []>, transpose_lhs_hint = false} : vector<512x128xf32>, vector<512x128xf32>, vector<128x128xf32> -> vector<128x128xf32>
    %add3A_229 = arith.addf %add3A_218, %dot_general3A_228 : vector<128x128xf32>
    %sub3A_230 = arith.subf %max3A_106, %concatenate3A_160 : vector<512x128xf32>
    %exp3A_231 = math.exp %sub3A_230 : vector<512x128xf32>
    %add3A_232 = arith.addf %add3A_221, %exp3A_231 : vector<512x128xf32>
    %mul3A_233 = arith.mulf %max3A_106, %exp3A_231 : vector<512x128xf32>
    %add3A_234 = arith.addf %add3A_223, %mul3A_233 : vector<512x128xf32>
    %reduce_sum3A_235 = arith.constant dense<0.000000e+00> : vector<128xf32>
    %reduce_sum3A_236 = vector.multi_reduction <add>, %max3A_106, %reduce_sum3A_235 [0] : vector<512x128xf32> to vector<128xf32>
    %add3A_237 = arith.addf %add3A_226, %reduce_sum3A_236 : vector<128xf32>
    %dot_general3A_238 = arith.constant dense<0.000000e+00> : vector<128x128xf32>
    %dot_general3A_239 = tpu.matmul %max3A_106, %max3A_106, %dot_general3A_238 {dimension_numbers = #tpu.dot_dimension_numbers<[0], [0], [1], [1], [0, 1, 1, 1], [], []>, transpose_lhs_hint = false} : vector<512x128xf32>, vector<512x128xf32>, vector<128x128xf32> -> vector<128x128xf32>
    %add3A_240 = arith.addf %add3A_229, %dot_general3A_239 : vector<128x128xf32>
    %sub3A_241 = arith.subf %max3A_120, %concatenate3A_160 : vector<512x128xf32>
    %exp3A_242 = math.exp %sub3A_241 : vector<512x128xf32>
    %add3A_243 = arith.addf %add3A_232, %exp3A_242 : vector<512x128xf32>
    %mul3A_244 = arith.mulf %max3A_120, %exp3A_242 : vector<512x128xf32>
    %add3A_245 = arith.addf %add3A_234, %mul3A_244 : vector<512x128xf32>
    %reduce_sum3A_246 = arith.constant dense<0.000000e+00> : vector<128xf32>
    %reduce_sum3A_247 = vector.multi_reduction <add>, %max3A_120, %reduce_sum3A_246 [0] : vector<512x128xf32> to vector<128xf32>
    %add3A_248 = arith.addf %add3A_237, %reduce_sum3A_247 : vector<128xf32>
    %dot_general3A_249 = arith.constant dense<0.000000e+00> : vector<128x128xf32>
    %dot_general3A_250 = tpu.matmul %max3A_120, %max3A_120, %dot_general3A_249 {dimension_numbers = #tpu.dot_dimension_numbers<[0], [0], [1], [1], [0, 1, 1, 1], [], []>, transpose_lhs_hint = false} : vector<512x128xf32>, vector<512x128xf32>, vector<128x128xf32> -> vector<128x128xf32>
    %add3A_251 = arith.addf %add3A_240, %dot_general3A_250 : vector<128x128xf32>
    %sub3A_252 = arith.subf %max3A_134, %concatenate3A_160 : vector<512x128xf32>
    %exp3A_253 = math.exp %sub3A_252 : vector<512x128xf32>
    %add3A_254 = arith.addf %add3A_243, %exp3A_253 : vector<512x128xf32>
    %mul3A_255 = arith.mulf %max3A_134, %exp3A_253 : vector<512x128xf32>
    %add3A_256 = arith.addf %add3A_245, %mul3A_255 : vector<512x128xf32>
    %reduce_sum3A_257 = arith.constant dense<0.000000e+00> : vector<128xf32>
    %reduce_sum3A_258 = vector.multi_reduction <add>, %max3A_134, %reduce_sum3A_257 [0] : vector<512x128xf32> to vector<128xf32>
    %add3A_259 = arith.addf %add3A_248, %reduce_sum3A_258 : vector<128xf32>
    %dot_general3A_260 = arith.constant dense<0.000000e+00> : vector<128x128xf32>
    %dot_general3A_261 = tpu.matmul %max3A_134, %max3A_134, %dot_general3A_260 {dimension_numbers = #tpu.dot_dimension_numbers<[0], [0], [1], [1], [0, 1, 1, 1], [], []>, transpose_lhs_hint = false} : vector<512x128xf32>, vector<512x128xf32>, vector<128x128xf32> -> vector<128x128xf32>
    %add3A_262 = arith.addf %add3A_251, %dot_general3A_261 : vector<128x128xf32>
    %sub3A_263 = arith.subf %max3A_148, %concatenate3A_160 : vector<512x128xf32>
    %exp3A_264 = math.exp %sub3A_263 : vector<512x128xf32>
    %add3A_265 = arith.addf %add3A_254, %exp3A_264 : vector<512x128xf32>
    %mul3A_266 = arith.mulf %max3A_148, %exp3A_264 : vector<512x128xf32>
    %add3A_267 = arith.addf %add3A_256, %mul3A_266 : vector<512x128xf32>
    %reduce_sum3A_268 = arith.constant dense<0.000000e+00> : vector<128xf32>
    %reduce_sum3A_269 = vector.multi_reduction <add>, %max3A_148, %reduce_sum3A_268 [0] : vector<512x128xf32> to vector<128xf32>
    %add3A_270 = arith.addf %add3A_259, %reduce_sum3A_269 : vector<128xf32>
    %dot_general3A_271 = arith.constant dense<0.000000e+00> : vector<128x128xf32>
    %dot_general3A_272 = tpu.matmul %max3A_148, %max3A_148, %dot_general3A_271 {dimension_numbers = #tpu.dot_dimension_numbers<[0], [0], [1], [1], [0, 1, 1, 1], [], []>, transpose_lhs_hint = false} : vector<512x128xf32>, vector<512x128xf32>, vector<128x128xf32> -> vector<128x128xf32>
    %add3A_273 = arith.addf %add3A_262, %dot_general3A_272 : vector<128x128xf32>
    %slice3A_274 = vector.extract_strided_slice %add3A_267 {offsets = [0, 0], sizes = [512, 64], strides = [1, 1]} : vector<512x128xf32> to vector<512x64xf32>
    %slice3A_275 = vector.extract_strided_slice %add3A_267 {offsets = [0, 64], sizes = [512, 64], strides = [1, 1]} : vector<512x128xf32> to vector<512x64xf32>
    %add3A_276 = arith.addf %slice3A_274, %slice3A_275 : vector<512x64xf32>
    %slice3A_277 = vector.extract_strided_slice %add3A_265 {offsets = [0, 0], sizes = [512, 64], strides = [1, 1]} : vector<512x128xf32> to vector<512x64xf32>
    %slice3A_278 = vector.extract_strided_slice %add3A_265 {offsets = [0, 64], sizes = [512, 64], strides = [1, 1]} : vector<512x128xf32> to vector<512x64xf32>
    %add3A_279 = arith.addf %slice3A_277, %slice3A_278 : vector<512x64xf32>
    %div3A = arith.divf %add3A_276, %add3A_279 : vector<512x64xf32>
    %swap3A = arith.constant 0 : index
    %swap3A_280 = arith.constant 0 : index
    %swap3A_281 = arith.constant 0 : index
    %swap3A_282 = vector.load %arg6[%swap3A, %swap3A_280, %swap3A_281] : memref<1x512x64xf32, #tpu.memory_space<vmem>>, vector<1x512x64xf32>
    %swap3A_283 = vector.shape_cast %swap3A_282 : vector<1x512x64xf32> to vector<512x64xf32>
    %swap3A_284 = vector.shape_cast %div3A : vector<512x64xf32> to vector<1x512x64xf32>
    tpu.vector_store %arg6[%swap3A, %swap3A_280, %swap3A_281], %swap3A_284 {strides = array<i32>} : memref<1x512x64xf32, #tpu.memory_space<vmem>>, vector<1x512x64xf32>,
    %eq3A = arith.constant 0 : i32
    %eq3A_285 = arith.cmpi eq, %arg0, %eq3A : i32
    %eq3A_286 = arith.constant 0 : i32
    %eq3A_287 = arith.cmpi eq, %arg1, %eq3A_286 : i32
    %and3A = arith.andi %eq3A_285, %eq3A_287 : i1
    %convert_element_type3A = arith.extui %and3A : i1 to i32
    %cond3A = arith.constant 0 : i32
    %cond3A_288 = arith.cmpi ne, %convert_element_type3A, %cond3A : i32
    scf.if %cond3A_288 {
      %broadcast_in_dim3A_306 = arith.constant 0.000000e+00 : f32
      %broadcast_in_dim3A_307 = vector.broadcast %broadcast_in_dim3A_306 : f32 to vector<1x128xf32>
      %swap3A_308 = arith.constant 0 : index
      %swap3A_309 = arith.constant 0 : index
      %swap3A_310 = vector.load %arg7[%swap3A_308, %swap3A_309] : memref<1x128xf32, #tpu.memory_space<vmem>>, vector<1x128xf32>
      tpu.vector_store %arg7[%swap3A_308, %swap3A_309], %broadcast_in_dim3A_307 {strides = array<i32>} : memref<1x128xf32, #tpu.memory_space<vmem>>, vector<1x128xf32>,
      %broadcast_in_dim3A_311 = arith.constant 0.000000e+00 : f32
      %broadcast_in_dim3A_312 = vector.broadcast %broadcast_in_dim3A_311 : f32 to vector<128x128xf32>
      %swap3A_313 = arith.constant 0 : index
      %swap3A_314 = arith.constant 0 : index
      %swap3A_315 = vector.load %arg8[%swap3A_313, %swap3A_314] : memref<128x128xf32, #tpu.memory_space<vmem>>, vector<128x128xf32>
      tpu.vector_store %arg8[%swap3A_313, %swap3A_314], %broadcast_in_dim3A_312 {strides = array<i32>} : memref<128x128xf32, #tpu.memory_space<vmem>>, vector<128x128xf32>,
    } else {
    }
    %get3A_289 = arith.constant 0 : index
    %get3A_290 = arith.constant 0 : index
    %get3A_291 = vector.load %arg7[%get3A_289, %get3A_290] : memref<1x128xf32, #tpu.memory_space<vmem>>, vector<1x128xf32>
    %get3A_292 = vector.shape_cast %get3A_291 : vector<1x128xf32> to vector<128xf32>
    %add3A_293 = arith.addf %get3A_292, %add3A_270 : vector<128xf32>
    %swap3A_294 = arith.constant 0 : index
    %swap3A_295 = arith.constant 0 : index
    %swap3A_296 = vector.load %arg7[%swap3A_294, %swap3A_295] : memref<1x128xf32, #tpu.memory_space<vmem>>, vector<1x128xf32>
    %swap3A_297 = vector.shape_cast %swap3A_296 : vector<1x128xf32> to vector<128xf32>
    %swap3A_298 = vector.shape_cast %add3A_293 : vector<128xf32> to vector<1x128xf32>
    tpu.vector_store %arg7[%swap3A_294, %swap3A_295], %swap3A_298 {strides = array<i32>} : memref<1x128xf32, #tpu.memory_space<vmem>>, vector<1x128xf32>,
    %get3A_299 = arith.constant 0 : index
    %get3A_300 = arith.constant 0 : index
    %get3A_301 = vector.load %arg8[%get3A_299, %get3A_300] : memref<128x128xf32, #tpu.memory_space<vmem>>, vector<128x128xf32>
    %add3A_302 = arith.addf %get3A_301, %add3A_273 : vector<128x128xf32>
    %swap3A_303 = arith.constant 0 : index
    %swap3A_304 = arith.constant 0 : index
    %swap3A_305 = vector.load %arg8[%swap3A_303, %swap3A_304] : memref<128x128xf32, #tpu.memory_space<vmem>>, vector<128x128xf32>
    tpu.vector_store %arg8[%swap3A_303, %swap3A_304], %add3A_302 {strides = array<i32>} : memref<128x128xf32, #tpu.memory_space<vmem>>, vector<128x128xf32>,
    return
  }
  func.func @transform_0(%arg0: i32, %arg1: i32) -> (i32, i32, i32, i32) {
    %c0_i32 = arith.constant 0 : i32
    %c0_i32_0 = arith.constant 0 : i32
    %c0_i32_1 = arith.constant 0 : i32
    return %arg0, %c0_i32, %arg1, %c0_i32_0 : i32, i32, i32, i32
  }
  func.func @transform_1(%arg0: i32, %arg1: i32) -> (i32, i32, i32) {
    %c0_i32 = arith.constant 0 : i32
    %c0_i32_0 = arith.constant 0 : i32
    return %arg0, %arg1, %c0_i32 : i32, i32, i32
  }
  func.func @transform_2(%arg0: i32, %arg1: i32) -> (i32, i32) {
    %c0_i32 = arith.constant 0 : i32
    %c0_i32_0 = arith.constant 0 : i32
    %c0_i32_1 = arith.constant 0 : i32
    return %c0_i32, %c0_i32_0 : i32, i32
  }
  func.func @transform_3(%arg0: i32, %arg1: i32) -> (i32, i32) {
    %c0_i32 = arith.constant 0 : i32
    %c0_i32_0 = arith.constant 0 : i32
    %c0_i32_1 = arith.constant 0 : i32
    return %c0_i32, %c0_i32_0 : i32, i32
  }
  func.func @transform_4(%arg0: i32, %arg1: i32) -> (i32, i32, i32) {
    %c0_i32 = arith.constant 0 : i32
    %c0_i32_0 = arith.constant 0 : i32
    return %arg0, %arg1, %c0_i32 : i32, i32, i32
  }
  func.func @transform_5(%arg0: i32, %arg1: i32) -> (i32, i32) {
    %c0_i32 = arith.constant 0 : i32
    %c0_i32_0 = arith.constant 0 : i32
    %c0_i32_1 = arith.constant 0 : i32
    return %c0_i32, %c0_i32_0 : i32, i32
  }
  func.func @transform_6(%arg0: i32, %arg1: i32) -> (i32, i32) {
    %c0_i32 = arith.constant 0 : i32
    %c0_i32_0 = arith.constant 0 : i32
    %c0_i32_1 = arith.constant 0 : i32
    return %c0_i32, %c0_i32_0 : i32, i32
  }
}

module attributes {stable_mosaic.version = 14 : i64} {
  func.func @_lambda_(%arg0: memref<1x128xf32, #tpu.memory_space<vmem>>, %arg1: memref<128x128xf32, #tpu.memory_space<vmem>>, %arg2: memref<128x64xf32, #tpu.memory_space<vmem>>, %arg3: memref<128x1xf32, #tpu.memory_space<vmem>>, %arg4: memref<128x1xf32, #tpu.memory_space<vmem>>, %arg5: memref<1x128xf32, #tpu.memory_space<vmem>>, %arg6: memref<1x128xf32, #tpu.memory_space<vmem>>) attributes {dimension_semantics = [], scalar_prefetch = 0 : i64, scratch_operands = 0 : i64, tpu.core_type = #tpu.core_type<tc>} {
    %get3A = arith.constant 0 : index
    %get3A_0 = arith.constant 0 : index
    %get3A_1 = vector.load %arg2[%get3A, %get3A_0] : memref<128x64xf32, #tpu.memory_space<vmem>>, vector<128x64xf32>
    %get3A_2 = arith.constant 0 : index
    %get3A_3 = arith.constant 0 : index
    %get3A_4 = vector.load %arg0[%get3A_2, %get3A_3] : memref<1x128xf32, #tpu.memory_space<vmem>>, vector<1x128xf32>
    %get3A_5 = arith.constant 0 : index
    %get3A_6 = arith.constant 0 : index
    %get3A_7 = vector.load %arg1[%get3A_5, %get3A_6] : memref<128x128xf32, #tpu.memory_space<vmem>>, vector<128x128xf32>
    %slice3A = vector.extract_strided_slice %get3A_4 {offsets = [0, 0], sizes = [1, 64], strides = [1, 1]} : vector<1x128xf32> to vector<1x64xf32>
    %slice3A_8 = vector.extract_strided_slice %get3A_4 {offsets = [0, 64], sizes = [1, 64], strides = [1, 1]} : vector<1x128xf32> to vector<1x64xf32>
    %add3A = arith.addf %slice3A, %slice3A_8 : vector<1x64xf32>
    %mul3A = arith.constant 3.05175786E-6 : f32
    %mul3A_9 = vector.broadcast %mul3A : f32 to vector<1x64xf32>
    %mul3A_10 = arith.mulf %add3A, %mul3A_9 : vector<1x64xf32>
    %slice3A_11 = vector.extract_strided_slice %get3A_7 {offsets = [0, 0], sizes = [64, 64], strides = [1, 1]} : vector<128x128xf32> to vector<64x64xf32>
    %slice3A_12 = vector.extract_strided_slice %get3A_7 {offsets = [64, 64], sizes = [64, 64], strides = [1, 1]} : vector<128x128xf32> to vector<64x64xf32>
    %add3A_13 = arith.addf %slice3A_11, %slice3A_12 : vector<64x64xf32>
    %mul3A_14 = arith.constant 3.05175786E-6 : f32
    %mul3A_15 = vector.broadcast %mul3A_14 : f32 to vector<64x64xf32>
    %mul3A_16 = arith.mulf %add3A_13, %mul3A_15 : vector<64x64xf32>
    %dot_general3A = arith.constant dense<0.000000e+00> : vector<128x1xf32>
    %dot_general3A_17 = tpu.matmul %get3A_1, %mul3A_10, %dot_general3A {dimension_numbers = #tpu.dot_dimension_numbers<[1], [1], [0], [0], [0, 0, 1, 0], [], []>, transpose_lhs_hint = false} : vector<128x64xf32>, vector<1x64xf32>, vector<128x1xf32> -> vector<128x1xf32>
    %dot_general3A_18 = arith.constant dense<0.000000e+00> : vector<128x64xf32>
    %dot_general3A_19 = tpu.matmul %get3A_1, %mul3A_16, %dot_general3A_18 {dimension_numbers = #tpu.dot_dimension_numbers<[1], [0], [0], [1], [0, 0, 1, 1], [], []>, transpose_lhs_hint = false} : vector<128x64xf32>, vector<64x64xf32>, vector<128x64xf32> -> vector<128x64xf32>
    %mul3A_20 = arith.mulf %dot_general3A_19, %get3A_1 : vector<128x64xf32>
    %reduce_sum3A = arith.constant dense<0.000000e+00> : vector<128xf32>
    %reduce_sum3A_21 = vector.multi_reduction <add>, %mul3A_20, %reduce_sum3A [1] : vector<128x64xf32> to vector<128xf32>
    %broadcast_in_dim3A = vector.shape_cast %reduce_sum3A_21 : vector<128xf32> to vector<128x1xf32>
    %mul3A_22 = arith.mulf %dot_general3A_17, %dot_general3A_17 : vector<128x1xf32>
    %sub3A = arith.subf %broadcast_in_dim3A, %mul3A_22 : vector<128x1xf32>
    %add3A_23 = arith.constant 9.99999974E-6 : f32
    %add3A_24 = vector.broadcast %add3A_23 : f32 to vector<128x1xf32>
    %add3A_25 = arith.addf %sub3A, %add3A_24 : vector<128x1xf32>
    %rsqrt3A = math.rsqrt %add3A_25 : vector<128x1xf32>
    %get3A_26 = arith.constant 0 : index
    %get3A_27 = arith.constant 0 : index
    %get3A_28 = vector.load %arg3[%get3A_26, %get3A_27] : memref<128x1xf32, #tpu.memory_space<vmem>>, vector<128x1xf32>
    %mul3A_29 = arith.mulf %get3A_28, %rsqrt3A : vector<128x1xf32>
    %get3A_30 = arith.constant 0 : index
    %get3A_31 = arith.constant 0 : index
    %get3A_32 = vector.load %arg4[%get3A_30, %get3A_31] : memref<128x1xf32, #tpu.memory_space<vmem>>, vector<128x1xf32>
    %mul3A_33 = arith.mulf %dot_general3A_17, %mul3A_29 : vector<128x1xf32>
    %sub3A_34 = arith.subf %get3A_32, %mul3A_33 : vector<128x1xf32>
    %reshape3A = vector.shape_cast %mul3A_29 : vector<128x1xf32> to vector<1x128xf32>
    %swap3A = arith.constant 0 : index
    %swap3A_35 = arith.constant 0 : index
    %swap3A_36 = vector.load %arg5[%swap3A, %swap3A_35] : memref<1x128xf32, #tpu.memory_space<vmem>>, vector<1x128xf32>
    tpu.vector_store %arg5[%swap3A, %swap3A_35], %reshape3A {strides = array<i32>} : memref<1x128xf32, #tpu.memory_space<vmem>>, vector<1x128xf32>,
    %reshape3A_37 = vector.shape_cast %sub3A_34 : vector<128x1xf32> to vector<1x128xf32>
    %swap3A_38 = arith.constant 0 : index
    %swap3A_39 = arith.constant 0 : index
    %swap3A_40 = vector.load %arg6[%swap3A_38, %swap3A_39] : memref<1x128xf32, #tpu.memory_space<vmem>>, vector<1x128xf32>
    tpu.vector_store %arg6[%swap3A_38, %swap3A_39], %reshape3A_37 {strides = array<i32>} : memref<1x128xf32, #tpu.memory_space<vmem>>, vector<1x128xf32>,
    return
  }
}

module attributes {stable_mosaic.version = 14 : i64} {
  func.func @_p3_kernel(%arg0: i32, %arg1: i32, %arg2: memref<1x10x512x128xf32, #tpu.memory_space<vmem>>, %arg3: memref<1x512x64xf32, #tpu.memory_space<vmem>>, %arg4: memref<1x64xf32, #tpu.memory_space<vmem>>, %arg5: memref<1x64xf32, #tpu.memory_space<vmem>>, %arg6: memref<1x128xf32, #tpu.memory_space<vmem>>, %arg7: memref<1x128xf32, #tpu.memory_space<vmem>>, %arg8: memref<128x256xf32, #tpu.memory_space<vmem>>, %arg9: memref<1x512x64xf32, #tpu.memory_space<vmem>>, %arg10: memref<1x512x128xf32, #tpu.memory_space<vmem>>, %arg11: memref<1x192xf32, #tpu.memory_space<vmem>>, %arg12: memref<192x192xf32, #tpu.memory_space<vmem>>) attributes {dimension_semantics = [#tpu.dimension_semantics<arbitrary>, #tpu.dimension_semantics<arbitrary>], iteration_bounds = array<i64: 8, 4>, scalar_prefetch = 0 : i64, scratch_operands = 0 : i64, tpu.core_type = #tpu.core_type<tc>, window_params = [{transform_indices = @transform_0, window_bounds = array<i64: 1, 10, 512, 128>}, {transform_indices = @transform_1, window_bounds = array<i64: 1, 512, 64>}, {pipeline_mode = #tpu.pipeline_mode<synchronous>, transform_indices = @transform_2, window_bounds = array<i64: 1, 64>}, {pipeline_mode = #tpu.pipeline_mode<synchronous>, transform_indices = @transform_3, window_bounds = array<i64: 1, 64>}, {pipeline_mode = #tpu.pipeline_mode<synchronous>, transform_indices = @transform_4, window_bounds = array<i64: 1, 128>}, {pipeline_mode = #tpu.pipeline_mode<synchronous>, transform_indices = @transform_5, window_bounds = array<i64: 1, 128>}, {pipeline_mode = #tpu.pipeline_mode<synchronous>, transform_indices = @transform_6, window_bounds = array<i64: 128, 256>}, {transform_indices = @transform_7, window_bounds = array<i64: 1, 512, 64>}, {transform_indices = @transform_8, window_bounds = array<i64: 1, 512, 128>}, {pipeline_mode = #tpu.pipeline_mode<synchronous>, transform_indices = @transform_9, window_bounds = array<i64: 1, 192>}, {pipeline_mode = #tpu.pipeline_mode<synchronous>, transform_indices = @transform_10, window_bounds = array<i64: 192, 192>}]} {
    %get3A = arith.constant 0 : index
    %get3A_0 = arith.constant 0 : index
    %get3A_1 = arith.constant 0 : index
    %get3A_2 = vector.load %arg3[%get3A, %get3A_0, %get3A_1] : memref<1x512x64xf32, #tpu.memory_space<vmem>>, vector<1x512x64xf32>
    %get3A_3 = vector.shape_cast %get3A_2 : vector<1x512x64xf32> to vector<512x64xf32>
    %concatenate3A = tpu.concatenate %get3A_3, %get3A_3 in 1 : vector<512x64xf32>, vector<512x64xf32> -> vector<512x128xf32>
    %get3A_4 = arith.constant 0 : index
    %get3A_5 = arith.constant 0 : index
    %get3A_6 = vector.load %arg4[%get3A_4, %get3A_5] : memref<1x64xf32, #tpu.memory_space<vmem>>, vector<1x64xf32>
    %get3A_7 = arith.constant 0 : index
    %get3A_8 = arith.constant 0 : index
    %get3A_9 = vector.load %arg5[%get3A_7, %get3A_8] : memref<1x64xf32, #tpu.memory_space<vmem>>, vector<1x64xf32>
    %concatenate3A_10 = tpu.concatenate %get3A_6, %get3A_6 in 1 : vector<1x64xf32>, vector<1x64xf32> -> vector<1x128xf32>
    %concatenate3A_11 = tpu.concatenate %get3A_9, %get3A_9 in 1 : vector<1x64xf32>, vector<1x64xf32> -> vector<1x128xf32>
    %get3A_12 = arith.constant 0 : index
    %get3A_13 = arith.constant 0 : index
    %get3A_14 = vector.load %arg6[%get3A_12, %get3A_13] : memref<1x128xf32, #tpu.memory_space<vmem>>, vector<1x128xf32>
    %get3A_15 = arith.constant 0 : index
    %get3A_16 = arith.constant 0 : index
    %get3A_17 = vector.load %arg7[%get3A_15, %get3A_16] : memref<1x128xf32, #tpu.memory_space<vmem>>, vector<1x128xf32>
    %concatenate3A_18 = tpu.concatenate %get3A_14, %get3A_14 in 1 : vector<1x128xf32>, vector<1x128xf32> -> vector<1x256xf32>
    %concatenate3A_19 = tpu.concatenate %get3A_17, %get3A_17 in 1 : vector<1x128xf32>, vector<1x128xf32> -> vector<1x256xf32>
    %get3A_20 = arith.constant 0 : index
    %get3A_21 = arith.constant 0 : index
    %get3A_22 = vector.load %arg8[%get3A_20, %get3A_21] : memref<128x256xf32, #tpu.memory_space<vmem>>, vector<128x256xf32>
    %get3A_23 = arith.constant 0 : index
    %get3A_24 = arith.constant 0 : index
    %get3A_25 = arith.constant 0 : index
    %get3A_26 = arith.constant 0 : index
    %get3A_27 = vector.load %arg2[%get3A_23, %get3A_24, %get3A_25, %get3A_26] : memref<1x10x512x128xf32, #tpu.memory_space<vmem>>, vector<1x1x512x128xf32>
    %get3A_28 = vector.shape_cast %get3A_27 : vector<1x1x512x128xf32> to vector<512x128xf32>
    %add3A = arith.addf %get3A_28, %concatenate3A : vector<512x128xf32>
    %mul3A = vector.broadcast %concatenate3A_10 : vector<1x128xf32> to vector<512x128xf32>
    %mul3A_29 = arith.mulf %add3A, %mul3A : vector<512x128xf32>
    %add3A_30 = vector.broadcast %concatenate3A_11 : vector<1x128xf32> to vector<512x128xf32>
    %add3A_31 = arith.addf %mul3A_29, %add3A_30 : vector<512x128xf32>
    %max3A = arith.constant 0.000000e+00 : f32
    %max3A_32 = vector.broadcast %max3A : f32 to vector<512x128xf32>
    %max3A_33 = arith.maximumf %add3A_31, %max3A_32 : vector<512x128xf32>
    %dot_general3A = arith.constant dense<0.000000e+00> : vector<512x256xf32>
    %dot_general3A_34 = tpu.matmul %max3A_33, %get3A_22, %dot_general3A {dimension_numbers = #tpu.dot_dimension_numbers<[1], [0], [0], [1], [0, 0, 1, 1], [], []>, transpose_lhs_hint = false} : vector<512x128xf32>, vector<128x256xf32>, vector<512x256xf32> -> vector<512x256xf32>
    %mul3A_35 = vector.broadcast %concatenate3A_18 : vector<1x256xf32> to vector<512x256xf32>
    %mul3A_36 = arith.mulf %dot_general3A_34, %mul3A_35 : vector<512x256xf32>
    %add3A_37 = vector.broadcast %concatenate3A_19 : vector<1x256xf32> to vector<512x256xf32>
    %add3A_38 = arith.addf %mul3A_36, %add3A_37 : vector<512x256xf32>
    %max3A_39 = arith.constant 0.000000e+00 : f32
    %max3A_40 = vector.broadcast %max3A_39 : f32 to vector<512x256xf32>
    %max3A_41 = arith.maximumf %add3A_38, %max3A_40 : vector<512x256xf32>
    %get3A_42 = arith.constant 0 : index
    %get3A_43 = arith.constant 1 : index
    %get3A_44 = arith.constant 0 : index
    %get3A_45 = arith.constant 0 : index
    %get3A_46 = vector.load %arg2[%get3A_42, %get3A_43, %get3A_44, %get3A_45] : memref<1x10x512x128xf32, #tpu.memory_space<vmem>>, vector<1x1x512x128xf32>
    %get3A_47 = vector.shape_cast %get3A_46 : vector<1x1x512x128xf32> to vector<512x128xf32>
    %add3A_48 = arith.addf %get3A_47, %concatenate3A : vector<512x128xf32>
    %mul3A_49 = vector.broadcast %concatenate3A_10 : vector<1x128xf32> to vector<512x128xf32>
    %mul3A_50 = arith.mulf %add3A_48, %mul3A_49 : vector<512x128xf32>
    %add3A_51 = vector.broadcast %concatenate3A_11 : vector<1x128xf32> to vector<512x128xf32>
    %add3A_52 = arith.addf %mul3A_50, %add3A_51 : vector<512x128xf32>
    %max3A_53 = arith.constant 0.000000e+00 : f32
    %max3A_54 = vector.broadcast %max3A_53 : f32 to vector<512x128xf32>
    %max3A_55 = arith.maximumf %add3A_52, %max3A_54 : vector<512x128xf32>
    %dot_general3A_56 = arith.constant dense<0.000000e+00> : vector<512x256xf32>
    %dot_general3A_57 = tpu.matmul %max3A_55, %get3A_22, %dot_general3A_56 {dimension_numbers = #tpu.dot_dimension_numbers<[1], [0], [0], [1], [0, 0, 1, 1], [], []>, transpose_lhs_hint = false} : vector<512x128xf32>, vector<128x256xf32>, vector<512x256xf32> -> vector<512x256xf32>
    %mul3A_58 = vector.broadcast %concatenate3A_18 : vector<1x256xf32> to vector<512x256xf32>
    %mul3A_59 = arith.mulf %dot_general3A_57, %mul3A_58 : vector<512x256xf32>
    %add3A_60 = vector.broadcast %concatenate3A_19 : vector<1x256xf32> to vector<512x256xf32>
    %add3A_61 = arith.addf %mul3A_59, %add3A_60 : vector<512x256xf32>
    %max3A_62 = arith.constant 0.000000e+00 : f32
    %max3A_63 = vector.broadcast %max3A_62 : f32 to vector<512x256xf32>
    %max3A_64 = arith.maximumf %add3A_61, %max3A_63 : vector<512x256xf32>
    %get3A_65 = arith.constant 0 : index
    %get3A_66 = arith.constant 2 : index
    %get3A_67 = arith.constant 0 : index
    %get3A_68 = arith.constant 0 : index
    %get3A_69 = vector.load %arg2[%get3A_65, %get3A_66, %get3A_67, %get3A_68] : memref<1x10x512x128xf32, #tpu.memory_space<vmem>>, vector<1x1x512x128xf32>
    %get3A_70 = vector.shape_cast %get3A_69 : vector<1x1x512x128xf32> to vector<512x128xf32>
    %add3A_71 = arith.addf %get3A_70, %concatenate3A : vector<512x128xf32>
    %mul3A_72 = vector.broadcast %concatenate3A_10 : vector<1x128xf32> to vector<512x128xf32>
    %mul3A_73 = arith.mulf %add3A_71, %mul3A_72 : vector<512x128xf32>
    %add3A_74 = vector.broadcast %concatenate3A_11 : vector<1x128xf32> to vector<512x128xf32>
    %add3A_75 = arith.addf %mul3A_73, %add3A_74 : vector<512x128xf32>
    %max3A_76 = arith.constant 0.000000e+00 : f32
    %max3A_77 = vector.broadcast %max3A_76 : f32 to vector<512x128xf32>
    %max3A_78 = arith.maximumf %add3A_75, %max3A_77 : vector<512x128xf32>
    %dot_general3A_79 = arith.constant dense<0.000000e+00> : vector<512x256xf32>
    %dot_general3A_80 = tpu.matmul %max3A_78, %get3A_22, %dot_general3A_79 {dimension_numbers = #tpu.dot_dimension_numbers<[1], [0], [0], [1], [0, 0, 1, 1], [], []>, transpose_lhs_hint = false} : vector<512x128xf32>, vector<128x256xf32>, vector<512x256xf32> -> vector<512x256xf32>
    %mul3A_81 = vector.broadcast %concatenate3A_18 : vector<1x256xf32> to vector<512x256xf32>
    %mul3A_82 = arith.mulf %dot_general3A_80, %mul3A_81 : vector<512x256xf32>
    %add3A_83 = vector.broadcast %concatenate3A_19 : vector<1x256xf32> to vector<512x256xf32>
    %add3A_84 = arith.addf %mul3A_82, %add3A_83 : vector<512x256xf32>
    %max3A_85 = arith.constant 0.000000e+00 : f32
    %max3A_86 = vector.broadcast %max3A_85 : f32 to vector<512x256xf32>
    %max3A_87 = arith.maximumf %add3A_84, %max3A_86 : vector<512x256xf32>
    %get3A_88 = arith.constant 0 : index
    %get3A_89 = arith.constant 3 : index
    %get3A_90 = arith.constant 0 : index
    %get3A_91 = arith.constant 0 : index
    %get3A_92 = vector.load %arg2[%get3A_88, %get3A_89, %get3A_90, %get3A_91] : memref<1x10x512x128xf32, #tpu.memory_space<vmem>>, vector<1x1x512x128xf32>
    %get3A_93 = vector.shape_cast %get3A_92 : vector<1x1x512x128xf32> to vector<512x128xf32>
    %add3A_94 = arith.addf %get3A_93, %concatenate3A : vector<512x128xf32>
    %mul3A_95 = vector.broadcast %concatenate3A_10 : vector<1x128xf32> to vector<512x128xf32>
    %mul3A_96 = arith.mulf %add3A_94, %mul3A_95 : vector<512x128xf32>
    %add3A_97 = vector.broadcast %concatenate3A_11 : vector<1x128xf32> to vector<512x128xf32>
    %add3A_98 = arith.addf %mul3A_96, %add3A_97 : vector<512x128xf32>
    %max3A_99 = arith.constant 0.000000e+00 : f32
    %max3A_100 = vector.broadcast %max3A_99 : f32 to vector<512x128xf32>
    %max3A_101 = arith.maximumf %add3A_98, %max3A_100 : vector<512x128xf32>
    %dot_general3A_102 = arith.constant dense<0.000000e+00> : vector<512x256xf32>
    %dot_general3A_103 = tpu.matmul %max3A_101, %get3A_22, %dot_general3A_102 {dimension_numbers = #tpu.dot_dimension_numbers<[1], [0], [0], [1], [0, 0, 1, 1], [], []>, transpose_lhs_hint = false} : vector<512x128xf32>, vector<128x256xf32>, vector<512x256xf32> -> vector<512x256xf32>
    %mul3A_104 = vector.broadcast %concatenate3A_18 : vector<1x256xf32> to vector<512x256xf32>
    %mul3A_105 = arith.mulf %dot_general3A_103, %mul3A_104 : vector<512x256xf32>
    %add3A_106 = vector.broadcast %concatenate3A_19 : vector<1x256xf32> to vector<512x256xf32>
    %add3A_107 = arith.addf %mul3A_105, %add3A_106 : vector<512x256xf32>
    %max3A_108 = arith.constant 0.000000e+00 : f32
    %max3A_109 = vector.broadcast %max3A_108 : f32 to vector<512x256xf32>
    %max3A_110 = arith.maximumf %add3A_107, %max3A_109 : vector<512x256xf32>
    %get3A_111 = arith.constant 0 : index
    %get3A_112 = arith.constant 4 : index
    %get3A_113 = arith.constant 0 : index
    %get3A_114 = arith.constant 0 : index
    %get3A_115 = vector.load %arg2[%get3A_111, %get3A_112, %get3A_113, %get3A_114] : memref<1x10x512x128xf32, #tpu.memory_space<vmem>>, vector<1x1x512x128xf32>
    %get3A_116 = vector.shape_cast %get3A_115 : vector<1x1x512x128xf32> to vector<512x128xf32>
    %add3A_117 = arith.addf %get3A_116, %concatenate3A : vector<512x128xf32>
    %mul3A_118 = vector.broadcast %concatenate3A_10 : vector<1x128xf32> to vector<512x128xf32>
    %mul3A_119 = arith.mulf %add3A_117, %mul3A_118 : vector<512x128xf32>
    %add3A_120 = vector.broadcast %concatenate3A_11 : vector<1x128xf32> to vector<512x128xf32>
    %add3A_121 = arith.addf %mul3A_119, %add3A_120 : vector<512x128xf32>
    %max3A_122 = arith.constant 0.000000e+00 : f32
    %max3A_123 = vector.broadcast %max3A_122 : f32 to vector<512x128xf32>
    %max3A_124 = arith.maximumf %add3A_121, %max3A_123 : vector<512x128xf32>
    %dot_general3A_125 = arith.constant dense<0.000000e+00> : vector<512x256xf32>
    %dot_general3A_126 = tpu.matmul %max3A_124, %get3A_22, %dot_general3A_125 {dimension_numbers = #tpu.dot_dimension_numbers<[1], [0], [0], [1], [0, 0, 1, 1], [], []>, transpose_lhs_hint = false} : vector<512x128xf32>, vector<128x256xf32>, vector<512x256xf32> -> vector<512x256xf32>
    %mul3A_127 = vector.broadcast %concatenate3A_18 : vector<1x256xf32> to vector<512x256xf32>
    %mul3A_128 = arith.mulf %dot_general3A_126, %mul3A_127 : vector<512x256xf32>
    %add3A_129 = vector.broadcast %concatenate3A_19 : vector<1x256xf32> to vector<512x256xf32>
    %add3A_130 = arith.addf %mul3A_128, %add3A_129 : vector<512x256xf32>
    %max3A_131 = arith.constant 0.000000e+00 : f32
    %max3A_132 = vector.broadcast %max3A_131 : f32 to vector<512x256xf32>
    %max3A_133 = arith.maximumf %add3A_130, %max3A_132 : vector<512x256xf32>
    %get3A_134 = arith.constant 0 : index
    %get3A_135 = arith.constant 5 : index
    %get3A_136 = arith.constant 0 : index
    %get3A_137 = arith.constant 0 : index
    %get3A_138 = vector.load %arg2[%get3A_134, %get3A_135, %get3A_136, %get3A_137] : memref<1x10x512x128xf32, #tpu.memory_space<vmem>>, vector<1x1x512x128xf32>
    %get3A_139 = vector.shape_cast %get3A_138 : vector<1x1x512x128xf32> to vector<512x128xf32>
    %add3A_140 = arith.addf %get3A_139, %concatenate3A : vector<512x128xf32>
    %mul3A_141 = vector.broadcast %concatenate3A_10 : vector<1x128xf32> to vector<512x128xf32>
    %mul3A_142 = arith.mulf %add3A_140, %mul3A_141 : vector<512x128xf32>
    %add3A_143 = vector.broadcast %concatenate3A_11 : vector<1x128xf32> to vector<512x128xf32>
    %add3A_144 = arith.addf %mul3A_142, %add3A_143 : vector<512x128xf32>
    %max3A_145 = arith.constant 0.000000e+00 : f32
    %max3A_146 = vector.broadcast %max3A_145 : f32 to vector<512x128xf32>
    %max3A_147 = arith.maximumf %add3A_144, %max3A_146 : vector<512x128xf32>
    %dot_general3A_148 = arith.constant dense<0.000000e+00> : vector<512x256xf32>
    %dot_general3A_149 = tpu.matmul %max3A_147, %get3A_22, %dot_general3A_148 {dimension_numbers = #tpu.dot_dimension_numbers<[1], [0], [0], [1], [0, 0, 1, 1], [], []>, transpose_lhs_hint = false} : vector<512x128xf32>, vector<128x256xf32>, vector<512x256xf32> -> vector<512x256xf32>
    %mul3A_150 = vector.broadcast %concatenate3A_18 : vector<1x256xf32> to vector<512x256xf32>
    %mul3A_151 = arith.mulf %dot_general3A_149, %mul3A_150 : vector<512x256xf32>
    %add3A_152 = vector.broadcast %concatenate3A_19 : vector<1x256xf32> to vector<512x256xf32>
    %add3A_153 = arith.addf %mul3A_151, %add3A_152 : vector<512x256xf32>
    %max3A_154 = arith.constant 0.000000e+00 : f32
    %max3A_155 = vector.broadcast %max3A_154 : f32 to vector<512x256xf32>
    %max3A_156 = arith.maximumf %add3A_153, %max3A_155 : vector<512x256xf32>
    %get3A_157 = arith.constant 0 : index
    %get3A_158 = arith.constant 6 : index
    %get3A_159 = arith.constant 0 : index
    %get3A_160 = arith.constant 0 : index
    %get3A_161 = vector.load %arg2[%get3A_157, %get3A_158, %get3A_159, %get3A_160] : memref<1x10x512x128xf32, #tpu.memory_space<vmem>>, vector<1x1x512x128xf32>
    %get3A_162 = vector.shape_cast %get3A_161 : vector<1x1x512x128xf32> to vector<512x128xf32>
    %add3A_163 = arith.addf %get3A_162, %concatenate3A : vector<512x128xf32>
    %mul3A_164 = vector.broadcast %concatenate3A_10 : vector<1x128xf32> to vector<512x128xf32>
    %mul3A_165 = arith.mulf %add3A_163, %mul3A_164 : vector<512x128xf32>
    %add3A_166 = vector.broadcast %concatenate3A_11 : vector<1x128xf32> to vector<512x128xf32>
    %add3A_167 = arith.addf %mul3A_165, %add3A_166 : vector<512x128xf32>
    %max3A_168 = arith.constant 0.000000e+00 : f32
    %max3A_169 = vector.broadcast %max3A_168 : f32 to vector<512x128xf32>
    %max3A_170 = arith.maximumf %add3A_167, %max3A_169 : vector<512x128xf32>
    %dot_general3A_171 = arith.constant dense<0.000000e+00> : vector<512x256xf32>
    %dot_general3A_172 = tpu.matmul %max3A_170, %get3A_22, %dot_general3A_171 {dimension_numbers = #tpu.dot_dimension_numbers<[1], [0], [0], [1], [0, 0, 1, 1], [], []>, transpose_lhs_hint = false} : vector<512x128xf32>, vector<128x256xf32>, vector<512x256xf32> -> vector<512x256xf32>
    %mul3A_173 = vector.broadcast %concatenate3A_18 : vector<1x256xf32> to vector<512x256xf32>
    %mul3A_174 = arith.mulf %dot_general3A_172, %mul3A_173 : vector<512x256xf32>
    %add3A_175 = vector.broadcast %concatenate3A_19 : vector<1x256xf32> to vector<512x256xf32>
    %add3A_176 = arith.addf %mul3A_174, %add3A_175 : vector<512x256xf32>
    %max3A_177 = arith.constant 0.000000e+00 : f32
    %max3A_178 = vector.broadcast %max3A_177 : f32 to vector<512x256xf32>
    %max3A_179 = arith.maximumf %add3A_176, %max3A_178 : vector<512x256xf32>
    %get3A_180 = arith.constant 0 : index
    %get3A_181 = arith.constant 7 : index
    %get3A_182 = arith.constant 0 : index
    %get3A_183 = arith.constant 0 : index
    %get3A_184 = vector.load %arg2[%get3A_180, %get3A_181, %get3A_182, %get3A_183] : memref<1x10x512x128xf32, #tpu.memory_space<vmem>>, vector<1x1x512x128xf32>
    %get3A_185 = vector.shape_cast %get3A_184 : vector<1x1x512x128xf32> to vector<512x128xf32>
    %add3A_186 = arith.addf %get3A_185, %concatenate3A : vector<512x128xf32>
    %mul3A_187 = vector.broadcast %concatenate3A_10 : vector<1x128xf32> to vector<512x128xf32>
    %mul3A_188 = arith.mulf %add3A_186, %mul3A_187 : vector<512x128xf32>
    %add3A_189 = vector.broadcast %concatenate3A_11 : vector<1x128xf32> to vector<512x128xf32>
    %add3A_190 = arith.addf %mul3A_188, %add3A_189 : vector<512x128xf32>
    %max3A_191 = arith.constant 0.000000e+00 : f32
    %max3A_192 = vector.broadcast %max3A_191 : f32 to vector<512x128xf32>
    %max3A_193 = arith.maximumf %add3A_190, %max3A_192 : vector<512x128xf32>
    %dot_general3A_194 = arith.constant dense<0.000000e+00> : vector<512x256xf32>
    %dot_general3A_195 = tpu.matmul %max3A_193, %get3A_22, %dot_general3A_194 {dimension_numbers = #tpu.dot_dimension_numbers<[1], [0], [0], [1], [0, 0, 1, 1], [], []>, transpose_lhs_hint = false} : vector<512x128xf32>, vector<128x256xf32>, vector<512x256xf32> -> vector<512x256xf32>
    %mul3A_196 = vector.broadcast %concatenate3A_18 : vector<1x256xf32> to vector<512x256xf32>
    %mul3A_197 = arith.mulf %dot_general3A_195, %mul3A_196 : vector<512x256xf32>
    %add3A_198 = vector.broadcast %concatenate3A_19 : vector<1x256xf32> to vector<512x256xf32>
    %add3A_199 = arith.addf %mul3A_197, %add3A_198 : vector<512x256xf32>
    %max3A_200 = arith.constant 0.000000e+00 : f32
    %max3A_201 = vector.broadcast %max3A_200 : f32 to vector<512x256xf32>
    %max3A_202 = arith.maximumf %add3A_199, %max3A_201 : vector<512x256xf32>
    %get3A_203 = arith.constant 0 : index
    %get3A_204 = arith.constant 8 : index
    %get3A_205 = arith.constant 0 : index
    %get3A_206 = arith.constant 0 : index
    %get3A_207 = vector.load %arg2[%get3A_203, %get3A_204, %get3A_205, %get3A_206] : memref<1x10x512x128xf32, #tpu.memory_space<vmem>>, vector<1x1x512x128xf32>
    %get3A_208 = vector.shape_cast %get3A_207 : vector<1x1x512x128xf32> to vector<512x128xf32>
    %add3A_209 = arith.addf %get3A_208, %concatenate3A : vector<512x128xf32>
    %mul3A_210 = vector.broadcast %concatenate3A_10 : vector<1x128xf32> to vector<512x128xf32>
    %mul3A_211 = arith.mulf %add3A_209, %mul3A_210 : vector<512x128xf32>
    %add3A_212 = vector.broadcast %concatenate3A_11 : vector<1x128xf32> to vector<512x128xf32>
    %add3A_213 = arith.addf %mul3A_211, %add3A_212 : vector<512x128xf32>
    %max3A_214 = arith.constant 0.000000e+00 : f32
    %max3A_215 = vector.broadcast %max3A_214 : f32 to vector<512x128xf32>
    %max3A_216 = arith.maximumf %add3A_213, %max3A_215 : vector<512x128xf32>
    %dot_general3A_217 = arith.constant dense<0.000000e+00> : vector<512x256xf32>
    %dot_general3A_218 = tpu.matmul %max3A_216, %get3A_22, %dot_general3A_217 {dimension_numbers = #tpu.dot_dimension_numbers<[1], [0], [0], [1], [0, 0, 1, 1], [], []>, transpose_lhs_hint = false} : vector<512x128xf32>, vector<128x256xf32>, vector<512x256xf32> -> vector<512x256xf32>
    %mul3A_219 = vector.broadcast %concatenate3A_18 : vector<1x256xf32> to vector<512x256xf32>
    %mul3A_220 = arith.mulf %dot_general3A_218, %mul3A_219 : vector<512x256xf32>
    %add3A_221 = vector.broadcast %concatenate3A_19 : vector<1x256xf32> to vector<512x256xf32>
    %add3A_222 = arith.addf %mul3A_220, %add3A_221 : vector<512x256xf32>
    %max3A_223 = arith.constant 0.000000e+00 : f32
    %max3A_224 = vector.broadcast %max3A_223 : f32 to vector<512x256xf32>
    %max3A_225 = arith.maximumf %add3A_222, %max3A_224 : vector<512x256xf32>
    %get3A_226 = arith.constant 0 : index
    %get3A_227 = arith.constant 9 : index
    %get3A_228 = arith.constant 0 : index
    %get3A_229 = arith.constant 0 : index
    %get3A_230 = vector.load %arg2[%get3A_226, %get3A_227, %get3A_228, %get3A_229] : memref<1x10x512x128xf32, #tpu.memory_space<vmem>>, vector<1x1x512x128xf32>
    %get3A_231 = vector.shape_cast %get3A_230 : vector<1x1x512x128xf32> to vector<512x128xf32>
    %add3A_232 = arith.addf %get3A_231, %concatenate3A : vector<512x128xf32>
    %mul3A_233 = vector.broadcast %concatenate3A_10 : vector<1x128xf32> to vector<512x128xf32>
    %mul3A_234 = arith.mulf %add3A_232, %mul3A_233 : vector<512x128xf32>
    %add3A_235 = vector.broadcast %concatenate3A_11 : vector<1x128xf32> to vector<512x128xf32>
    %add3A_236 = arith.addf %mul3A_234, %add3A_235 : vector<512x128xf32>
    %max3A_237 = arith.constant 0.000000e+00 : f32
    %max3A_238 = vector.broadcast %max3A_237 : f32 to vector<512x128xf32>
    %max3A_239 = arith.maximumf %add3A_236, %max3A_238 : vector<512x128xf32>
    %dot_general3A_240 = arith.constant dense<0.000000e+00> : vector<512x256xf32>
    %dot_general3A_241 = tpu.matmul %max3A_239, %get3A_22, %dot_general3A_240 {dimension_numbers = #tpu.dot_dimension_numbers<[1], [0], [0], [1], [0, 0, 1, 1], [], []>, transpose_lhs_hint = false} : vector<512x128xf32>, vector<128x256xf32>, vector<512x256xf32> -> vector<512x256xf32>
    %mul3A_242 = vector.broadcast %concatenate3A_18 : vector<1x256xf32> to vector<512x256xf32>
    %mul3A_243 = arith.mulf %dot_general3A_241, %mul3A_242 : vector<512x256xf32>
    %add3A_244 = vector.broadcast %concatenate3A_19 : vector<1x256xf32> to vector<512x256xf32>
    %add3A_245 = arith.addf %mul3A_243, %add3A_244 : vector<512x256xf32>
    %max3A_246 = arith.constant 0.000000e+00 : f32
    %max3A_247 = vector.broadcast %max3A_246 : f32 to vector<512x256xf32>
    %max3A_248 = arith.maximumf %add3A_245, %max3A_247 : vector<512x256xf32>
    %max3A_249 = arith.maximumf %max3A_41, %max3A_64 : vector<512x256xf32>
    %max3A_250 = arith.maximumf %max3A_249, %max3A_87 : vector<512x256xf32>
    %max3A_251 = arith.maximumf %max3A_250, %max3A_110 : vector<512x256xf32>
    %max3A_252 = arith.maximumf %max3A_251, %max3A_133 : vector<512x256xf32>
    %max3A_253 = arith.maximumf %max3A_252, %max3A_156 : vector<512x256xf32>
    %max3A_254 = arith.maximumf %max3A_253, %max3A_179 : vector<512x256xf32>
    %max3A_255 = arith.maximumf %max3A_254, %max3A_202 : vector<512x256xf32>
    %max3A_256 = arith.maximumf %max3A_255, %max3A_225 : vector<512x256xf32>
    %max3A_257 = arith.maximumf %max3A_256, %max3A_248 : vector<512x256xf32>
    %slice3A = vector.extract_strided_slice %max3A_257 {offsets = [0, 0], sizes = [512, 128], strides = [1, 1]} : vector<512x256xf32> to vector<512x128xf32>
    %slice3A_258 = vector.extract_strided_slice %max3A_257 {offsets = [0, 128], sizes = [512, 128], strides = [1, 1]} : vector<512x256xf32> to vector<512x128xf32>
    %max3A_259 = arith.maximumf %slice3A, %slice3A_258 : vector<512x128xf32>
    %concatenate3A_260 = tpu.concatenate %max3A_259, %max3A_259 in 1 : vector<512x128xf32>, vector<512x128xf32> -> vector<512x256xf32>
    %broadcast_in_dim3A = arith.constant 0.000000e+00 : f32
    %broadcast_in_dim3A_261 = vector.broadcast %broadcast_in_dim3A : f32 to vector<512x256xf32>
    %broadcast_in_dim3A_262 = arith.constant 0.000000e+00 : f32
    %broadcast_in_dim3A_263 = vector.broadcast %broadcast_in_dim3A_262 : f32 to vector<512x256xf32>
    %sub3A = arith.subf %max3A_41, %concatenate3A_260 : vector<512x256xf32>
    %exp3A = math.exp %sub3A : vector<512x256xf32>
    %add3A_264 = arith.addf %broadcast_in_dim3A_261, %exp3A : vector<512x256xf32>
    %mul3A_265 = arith.mulf %max3A_41, %exp3A : vector<512x256xf32>
    %add3A_266 = arith.addf %broadcast_in_dim3A_263, %mul3A_265 : vector<512x256xf32>
    %sub3A_267 = arith.subf %max3A_64, %concatenate3A_260 : vector<512x256xf32>
    %exp3A_268 = math.exp %sub3A_267 : vector<512x256xf32>
    %add3A_269 = arith.addf %add3A_264, %exp3A_268 : vector<512x256xf32>
    %mul3A_270 = arith.mulf %max3A_64, %exp3A_268 : vector<512x256xf32>
    %add3A_271 = arith.addf %add3A_266, %mul3A_270 : vector<512x256xf32>
    %sub3A_272 = arith.subf %max3A_87, %concatenate3A_260 : vector<512x256xf32>
    %exp3A_273 = math.exp %sub3A_272 : vector<512x256xf32>
    %add3A_274 = arith.addf %add3A_269, %exp3A_273 : vector<512x256xf32>
    %mul3A_275 = arith.mulf %max3A_87, %exp3A_273 : vector<512x256xf32>
    %add3A_276 = arith.addf %add3A_271, %mul3A_275 : vector<512x256xf32>
    %sub3A_277 = arith.subf %max3A_110, %concatenate3A_260 : vector<512x256xf32>
    %exp3A_278 = math.exp %sub3A_277 : vector<512x256xf32>
    %add3A_279 = arith.addf %add3A_274, %exp3A_278 : vector<512x256xf32>
    %mul3A_280 = arith.mulf %max3A_110, %exp3A_278 : vector<512x256xf32>
    %add3A_281 = arith.addf %add3A_276, %mul3A_280 : vector<512x256xf32>
    %sub3A_282 = arith.subf %max3A_133, %concatenate3A_260 : vector<512x256xf32>
    %exp3A_283 = math.exp %sub3A_282 : vector<512x256xf32>
    %add3A_284 = arith.addf %add3A_279, %exp3A_283 : vector<512x256xf32>
    %mul3A_285 = arith.mulf %max3A_133, %exp3A_283 : vector<512x256xf32>
    %add3A_286 = arith.addf %add3A_281, %mul3A_285 : vector<512x256xf32>
    %sub3A_287 = arith.subf %max3A_156, %concatenate3A_260 : vector<512x256xf32>
    %exp3A_288 = math.exp %sub3A_287 : vector<512x256xf32>
    %add3A_289 = arith.addf %add3A_284, %exp3A_288 : vector<512x256xf32>
    %mul3A_290 = arith.mulf %max3A_156, %exp3A_288 : vector<512x256xf32>
    %add3A_291 = arith.addf %add3A_286, %mul3A_290 : vector<512x256xf32>
    %sub3A_292 = arith.subf %max3A_179, %concatenate3A_260 : vector<512x256xf32>
    %exp3A_293 = math.exp %sub3A_292 : vector<512x256xf32>
    %add3A_294 = arith.addf %add3A_289, %exp3A_293 : vector<512x256xf32>
    %mul3A_295 = arith.mulf %max3A_179, %exp3A_293 : vector<512x256xf32>
    %add3A_296 = arith.addf %add3A_291, %mul3A_295 : vector<512x256xf32>
    %sub3A_297 = arith.subf %max3A_202, %concatenate3A_260 : vector<512x256xf32>
    %exp3A_298 = math.exp %sub3A_297 : vector<512x256xf32>
    %add3A_299 = arith.addf %add3A_294, %exp3A_298 : vector<512x256xf32>
    %mul3A_300 = arith.mulf %max3A_202, %exp3A_298 : vector<512x256xf32>
    %add3A_301 = arith.addf %add3A_296, %mul3A_300 : vector<512x256xf32>
    %sub3A_302 = arith.subf %max3A_225, %concatenate3A_260 : vector<512x256xf32>
    %exp3A_303 = math.exp %sub3A_302 : vector<512x256xf32>
    %add3A_304 = arith.addf %add3A_299, %exp3A_303 : vector<512x256xf32>
    %mul3A_305 = arith.mulf %max3A_225, %exp3A_303 : vector<512x256xf32>
    %add3A_306 = arith.addf %add3A_301, %mul3A_305 : vector<512x256xf32>
    %sub3A_307 = arith.subf %max3A_248, %concatenate3A_260 : vector<512x256xf32>
    %exp3A_308 = math.exp %sub3A_307 : vector<512x256xf32>
    %add3A_309 = arith.addf %add3A_304, %exp3A_308 : vector<512x256xf32>
    %mul3A_310 = arith.mulf %max3A_248, %exp3A_308 : vector<512x256xf32>
    %add3A_311 = arith.addf %add3A_306, %mul3A_310 : vector<512x256xf32>
    %slice3A_312 = vector.extract_strided_slice %add3A_311 {offsets = [0, 0], sizes = [512, 128], strides = [1, 1]} : vector<512x256xf32> to vector<512x128xf32>
    %slice3A_313 = vector.extract_strided_slice %add3A_311 {offsets = [0, 128], sizes = [512, 128], strides = [1, 1]} : vector<512x256xf32> to vector<512x128xf32>
    %add3A_314 = arith.addf %slice3A_312, %slice3A_313 : vector<512x128xf32>
    %slice3A_315 = vector.extract_strided_slice %add3A_309 {offsets = [0, 0], sizes = [512, 128], strides = [1, 1]} : vector<512x256xf32> to vector<512x128xf32>
    %slice3A_316 = vector.extract_strided_slice %add3A_309 {offsets = [0, 128], sizes = [512, 128], strides = [1, 1]} : vector<512x256xf32> to vector<512x128xf32>
    %add3A_317 = arith.addf %slice3A_315, %slice3A_316 : vector<512x128xf32>
    %div3A = arith.divf %add3A_314, %add3A_317 : vector<512x128xf32>
    %swap3A = arith.constant 0 : index
    %swap3A_318 = arith.constant 0 : index
    %swap3A_319 = arith.constant 0 : index
    %swap3A_320 = vector.load %arg10[%swap3A, %swap3A_318, %swap3A_319] : memref<1x512x128xf32, #tpu.memory_space<vmem>>, vector<1x512x128xf32>
    %swap3A_321 = vector.shape_cast %swap3A_320 : vector<1x512x128xf32> to vector<512x128xf32>
    %swap3A_322 = vector.shape_cast %div3A : vector<512x128xf32> to vector<1x512x128xf32>
    tpu.vector_store %arg10[%swap3A, %swap3A_318, %swap3A_319], %swap3A_322 {strides = array<i32>} : memref<1x512x128xf32, #tpu.memory_space<vmem>>, vector<1x512x128xf32>,
    %get3A_323 = arith.constant 0 : index
    %get3A_324 = arith.constant 0 : index
    %get3A_325 = arith.constant 0 : index
    %get3A_326 = vector.load %arg9[%get3A_323, %get3A_324, %get3A_325] : memref<1x512x64xf32, #tpu.memory_space<vmem>>, vector<1x512x64xf32>
    %get3A_327 = vector.shape_cast %get3A_326 : vector<1x512x64xf32> to vector<512x64xf32>
    %concatenate3A_328 = tpu.concatenate %get3A_327, %div3A in 1 : vector<512x64xf32>, vector<512x128xf32> -> vector<512x192xf32>
    %reduce_sum3A = arith.constant dense<0.000000e+00> : vector<192xf32>
    %reduce_sum3A_329 = vector.multi_reduction <add>, %concatenate3A_328, %reduce_sum3A [0] : vector<512x192xf32> to vector<192xf32>
    %dot_general3A_330 = arith.constant dense<0.000000e+00> : vector<192x192xf32>
    %dot_general3A_331 = tpu.matmul %concatenate3A_328, %concatenate3A_328, %dot_general3A_330 {dimension_numbers = #tpu.dot_dimension_numbers<[0], [0], [1], [1], [0, 1, 1, 1], [], []>, transpose_lhs_hint = false} : vector<512x192xf32>, vector<512x192xf32>, vector<192x192xf32> -> vector<192x192xf32>
    %eq3A = arith.constant 0 : i32
    %eq3A_332 = arith.cmpi eq, %arg0, %eq3A : i32
    %eq3A_333 = arith.constant 0 : i32
    %eq3A_334 = arith.cmpi eq, %arg1, %eq3A_333 : i32
    %and3A = arith.andi %eq3A_332, %eq3A_334 : i1
    %convert_element_type3A = arith.extui %and3A : i1 to i32
    %cond3A = arith.constant 0 : i32
    %cond3A_335 = arith.cmpi ne, %convert_element_type3A, %cond3A : i32
    scf.if %cond3A_335 {
      %broadcast_in_dim3A_353 = arith.constant 0.000000e+00 : f32
      %broadcast_in_dim3A_354 = vector.broadcast %broadcast_in_dim3A_353 : f32 to vector<1x192xf32>
      %swap3A_355 = arith.constant 0 : index
      %swap3A_356 = arith.constant 0 : index
      %swap3A_357 = vector.load %arg11[%swap3A_355, %swap3A_356] : memref<1x192xf32, #tpu.memory_space<vmem>>, vector<1x192xf32>
      tpu.vector_store %arg11[%swap3A_355, %swap3A_356], %broadcast_in_dim3A_354 {strides = array<i32>} : memref<1x192xf32, #tpu.memory_space<vmem>>, vector<1x192xf32>,
      %broadcast_in_dim3A_358 = arith.constant 0.000000e+00 : f32
      %broadcast_in_dim3A_359 = vector.broadcast %broadcast_in_dim3A_358 : f32 to vector<192x192xf32>
      %swap3A_360 = arith.constant 0 : index
      %swap3A_361 = arith.constant 0 : index
      %swap3A_362 = vector.load %arg12[%swap3A_360, %swap3A_361] : memref<192x192xf32, #tpu.memory_space<vmem>>, vector<192x192xf32>
      tpu.vector_store %arg12[%swap3A_360, %swap3A_361], %broadcast_in_dim3A_359 {strides = array<i32>} : memref<192x192xf32, #tpu.memory_space<vmem>>, vector<192x192xf32>,
    } else {
    }
    %get3A_336 = arith.constant 0 : index
    %get3A_337 = arith.constant 0 : index
    %get3A_338 = vector.load %arg11[%get3A_336, %get3A_337] : memref<1x192xf32, #tpu.memory_space<vmem>>, vector<1x192xf32>
    %get3A_339 = vector.shape_cast %get3A_338 : vector<1x192xf32> to vector<192xf32>
    %add3A_340 = arith.addf %get3A_339, %reduce_sum3A_329 : vector<192xf32>
    %swap3A_341 = arith.constant 0 : index
    %swap3A_342 = arith.constant 0 : index
    %swap3A_343 = vector.load %arg11[%swap3A_341, %swap3A_342] : memref<1x192xf32, #tpu.memory_space<vmem>>, vector<1x192xf32>
    %swap3A_344 = vector.shape_cast %swap3A_343 : vector<1x192xf32> to vector<192xf32>
    %swap3A_345 = vector.shape_cast %add3A_340 : vector<192xf32> to vector<1x192xf32>
    tpu.vector_store %arg11[%swap3A_341, %swap3A_342], %swap3A_345 {strides = array<i32>} : memref<1x192xf32, #tpu.memory_space<vmem>>, vector<1x192xf32>,
    %get3A_346 = arith.constant 0 : index
    %get3A_347 = arith.constant 0 : index
    %get3A_348 = vector.load %arg12[%get3A_346, %get3A_347] : memref<192x192xf32, #tpu.memory_space<vmem>>, vector<192x192xf32>
    %add3A_349 = arith.addf %get3A_348, %dot_general3A_331 : vector<192x192xf32>
    %swap3A_350 = arith.constant 0 : index
    %swap3A_351 = arith.constant 0 : index
    %swap3A_352 = vector.load %arg12[%swap3A_350, %swap3A_351] : memref<192x192xf32, #tpu.memory_space<vmem>>, vector<192x192xf32>
    tpu.vector_store %arg12[%swap3A_350, %swap3A_351], %add3A_349 {strides = array<i32>} : memref<192x192xf32, #tpu.memory_space<vmem>>, vector<192x192xf32>,
    return
  }
  func.func @transform_0(%arg0: i32, %arg1: i32) -> (i32, i32, i32, i32) {
    %c0_i32 = arith.constant 0 : i32
    %c0_i32_0 = arith.constant 0 : i32
    %c0_i32_1 = arith.constant 0 : i32
    return %arg0, %c0_i32, %arg1, %c0_i32_0 : i32, i32, i32, i32
  }
  func.func @transform_1(%arg0: i32, %arg1: i32) -> (i32, i32, i32) {
    %c0_i32 = arith.constant 0 : i32
    %c0_i32_0 = arith.constant 0 : i32
    return %arg0, %arg1, %c0_i32 : i32, i32, i32
  }
  func.func @transform_2(%arg0: i32, %arg1: i32) -> (i32, i32) {
    %c0_i32 = arith.constant 0 : i32
    %c0_i32_0 = arith.constant 0 : i32
    %c0_i32_1 = arith.constant 0 : i32
    return %c0_i32, %c0_i32_0 : i32, i32
  }
  func.func @transform_3(%arg0: i32, %arg1: i32) -> (i32, i32) {
    %c0_i32 = arith.constant 0 : i32
    %c0_i32_0 = arith.constant 0 : i32
    %c0_i32_1 = arith.constant 0 : i32
    return %c0_i32, %c0_i32_0 : i32, i32
  }
  func.func @transform_4(%arg0: i32, %arg1: i32) -> (i32, i32) {
    %c0_i32 = arith.constant 0 : i32
    %c0_i32_0 = arith.constant 0 : i32
    %c0_i32_1 = arith.constant 0 : i32
    return %c0_i32, %c0_i32_0 : i32, i32
  }
  func.func @transform_5(%arg0: i32, %arg1: i32) -> (i32, i32) {
    %c0_i32 = arith.constant 0 : i32
    %c0_i32_0 = arith.constant 0 : i32
    %c0_i32_1 = arith.constant 0 : i32
    return %c0_i32, %c0_i32_0 : i32, i32
  }
  func.func @transform_6(%arg0: i32, %arg1: i32) -> (i32, i32) {
    %c0_i32 = arith.constant 0 : i32
    %c0_i32_0 = arith.constant 0 : i32
    %c0_i32_1 = arith.constant 0 : i32
    return %c0_i32, %c0_i32_0 : i32, i32
  }
  func.func @transform_7(%arg0: i32, %arg1: i32) -> (i32, i32, i32) {
    %c0_i32 = arith.constant 0 : i32
    %c0_i32_0 = arith.constant 0 : i32
    return %arg0, %arg1, %c0_i32 : i32, i32, i32
  }
  func.func @transform_8(%arg0: i32, %arg1: i32) -> (i32, i32, i32) {
    %c0_i32 = arith.constant 0 : i32
    %c0_i32_0 = arith.constant 0 : i32
    return %arg0, %arg1, %c0_i32 : i32, i32, i32
  }
  func.func @transform_9(%arg0: i32, %arg1: i32) -> (i32, i32) {
    %c0_i32 = arith.constant 0 : i32
    %c0_i32_0 = arith.constant 0 : i32
    %c0_i32_1 = arith.constant 0 : i32
    return %c0_i32, %c0_i32_0 : i32, i32
  }
  func.func @transform_10(%arg0: i32, %arg1: i32) -> (i32, i32) {
    %c0_i32 = arith.constant 0 : i32
    %c0_i32_0 = arith.constant 0 : i32
    %c0_i32_1 = arith.constant 0 : i32
    return %c0_i32, %c0_i32_0 : i32, i32
  }
}

module attributes {stable_mosaic.version = 14 : i64} {
  func.func @_lambda_(%arg0: memref<1x192xf32, #tpu.memory_space<vmem>>, %arg1: memref<192x192xf32, #tpu.memory_space<vmem>>, %arg2: memref<256x192xf32, #tpu.memory_space<vmem>>, %arg3: memref<256x1xf32, #tpu.memory_space<vmem>>, %arg4: memref<256x1xf32, #tpu.memory_space<vmem>>, %arg5: memref<256x1xf32, #tpu.memory_space<vmem>>, %arg6: memref<256x1xf32, #tpu.memory_space<vmem>>) attributes {dimension_semantics = [], scalar_prefetch = 0 : i64, scratch_operands = 0 : i64, tpu.core_type = #tpu.core_type<tc>} {
    %get3A = arith.constant 0 : index
    %get3A_0 = arith.constant 0 : index
    %get3A_1 = vector.load %arg2[%get3A, %get3A_0] : memref<256x192xf32, #tpu.memory_space<vmem>>, vector<256x192xf32>
    %get3A_2 = arith.constant 0 : index
    %get3A_3 = arith.constant 0 : index
    %get3A_4 = vector.load %arg0[%get3A_2, %get3A_3] : memref<1x192xf32, #tpu.memory_space<vmem>>, vector<1x192xf32>
    %mul3A = arith.constant 6.10351563E-5 : f32
    %mul3A_5 = vector.broadcast %mul3A : f32 to vector<1x192xf32>
    %mul3A_6 = arith.mulf %get3A_4, %mul3A_5 : vector<1x192xf32>
    %dot_general3A = arith.constant dense<0.000000e+00> : vector<256x1xf32>
    %dot_general3A_7 = tpu.matmul %get3A_1, %mul3A_6, %dot_general3A {dimension_numbers = #tpu.dot_dimension_numbers<[1], [1], [0], [0], [0, 0, 1, 0], [], []>, transpose_lhs_hint = false} : vector<256x192xf32>, vector<1x192xf32>, vector<256x1xf32> -> vector<256x1xf32>
    %get3A_8 = arith.constant 0 : index
    %get3A_9 = arith.constant 0 : index
    %get3A_10 = vector.load %arg1[%get3A_8, %get3A_9] : memref<192x192xf32, #tpu.memory_space<vmem>>, vector<192x192xf32>
    %mul3A_11 = arith.constant 6.10351563E-5 : f32
    %mul3A_12 = vector.broadcast %mul3A_11 : f32 to vector<192x192xf32>
    %mul3A_13 = arith.mulf %get3A_10, %mul3A_12 : vector<192x192xf32>
    %dot_general3A_14 = arith.constant dense<0.000000e+00> : vector<256x192xf32>
    %dot_general3A_15 = tpu.matmul %get3A_1, %mul3A_13, %dot_general3A_14 {dimension_numbers = #tpu.dot_dimension_numbers<[1], [0], [0], [1], [0, 0, 1, 1], [], []>, transpose_lhs_hint = false} : vector<256x192xf32>, vector<192x192xf32>, vector<256x192xf32> -> vector<256x192xf32>
    %mul3A_16 = arith.mulf %dot_general3A_15, %get3A_1 : vector<256x192xf32>
    %reduce_sum3A = arith.constant dense<0.000000e+00> : vector<256xf32>
    %reduce_sum3A_17 = vector.multi_reduction <add>, %mul3A_16, %reduce_sum3A [1] : vector<256x192xf32> to vector<256xf32>
    %broadcast_in_dim3A = vector.shape_cast %reduce_sum3A_17 : vector<256xf32> to vector<256x1xf32>
    %mul3A_18 = arith.mulf %dot_general3A_7, %dot_general3A_7 : vector<256x1xf32>
    %sub3A = arith.subf %broadcast_in_dim3A, %mul3A_18 : vector<256x1xf32>
    %add3A = arith.constant 9.99999974E-6 : f32
    %add3A_19 = vector.broadcast %add3A : f32 to vector<256x1xf32>
    %add3A_20 = arith.addf %sub3A, %add3A_19 : vector<256x1xf32>
    %rsqrt3A = math.rsqrt %add3A_20 : vector<256x1xf32>
    %get3A_21 = arith.constant 0 : index
    %get3A_22 = arith.constant 0 : index
    %get3A_23 = vector.load %arg3[%get3A_21, %get3A_22] : memref<256x1xf32, #tpu.memory_space<vmem>>, vector<256x1xf32>
    %mul3A_24 = arith.mulf %get3A_23, %rsqrt3A : vector<256x1xf32>
    %swap3A = arith.constant 0 : index
    %swap3A_25 = arith.constant 0 : index
    %swap3A_26 = vector.load %arg5[%swap3A, %swap3A_25] : memref<256x1xf32, #tpu.memory_space<vmem>>, vector<256x1xf32>
    tpu.vector_store %arg5[%swap3A, %swap3A_25], %mul3A_24 {strides = array<i32>} : memref<256x1xf32, #tpu.memory_space<vmem>>, vector<256x1xf32>,
    %get3A_27 = arith.constant 0 : index
    %get3A_28 = arith.constant 0 : index
    %get3A_29 = vector.load %arg4[%get3A_27, %get3A_28] : memref<256x1xf32, #tpu.memory_space<vmem>>, vector<256x1xf32>
    %mul3A_30 = arith.mulf %dot_general3A_7, %get3A_23 : vector<256x1xf32>
    %mul3A_31 = arith.mulf %mul3A_30, %rsqrt3A : vector<256x1xf32>
    %sub3A_32 = arith.subf %get3A_29, %mul3A_31 : vector<256x1xf32>
    %swap3A_33 = arith.constant 0 : index
    %swap3A_34 = arith.constant 0 : index
    %swap3A_35 = vector.load %arg6[%swap3A_33, %swap3A_34] : memref<256x1xf32, #tpu.memory_space<vmem>>, vector<256x1xf32>
    tpu.vector_store %arg6[%swap3A_33, %swap3A_34], %sub3A_32 {strides = array<i32>} : memref<256x1xf32, #tpu.memory_space<vmem>>, vector<256x1xf32>,
    return
  }
}

module attributes {stable_mosaic.version = 14 : i64} {
  func.func @_p4_kernel(%arg0: i32, %arg1: i32, %arg2: memref<1x512x64xf32, #tpu.memory_space<vmem>>, %arg3: memref<1x512x128xf32, #tpu.memory_space<vmem>>, %arg4: memref<256x192xf32, #tpu.memory_space<vmem>>, %arg5: memref<256x1xf32, #tpu.memory_space<vmem>>, %arg6: memref<256x1xf32, #tpu.memory_space<vmem>>, %arg7: memref<1x256x512xf32, #tpu.memory_space<vmem>>) attributes {dimension_semantics = [#tpu.dimension_semantics<arbitrary>, #tpu.dimension_semantics<arbitrary>], iteration_bounds = array<i64: 8, 4>, scalar_prefetch = 0 : i64, scratch_operands = 0 : i64, tpu.core_type = #tpu.core_type<tc>, window_params = [{transform_indices = @transform_0, window_bounds = array<i64: 1, 512, 64>}, {transform_indices = @transform_1, window_bounds = array<i64: 1, 512, 128>}, {pipeline_mode = #tpu.pipeline_mode<synchronous>, transform_indices = @transform_2, window_bounds = array<i64: 256, 192>}, {pipeline_mode = #tpu.pipeline_mode<synchronous>, transform_indices = @transform_3, window_bounds = array<i64: 256, 1>}, {pipeline_mode = #tpu.pipeline_mode<synchronous>, transform_indices = @transform_4, window_bounds = array<i64: 256, 1>}, {transform_indices = @transform_5, window_bounds = array<i64: 1, 256, 512>}]} {
    %get3A = arith.constant 0 : index
    %get3A_0 = arith.constant 0 : index
    %get3A_1 = arith.constant 0 : index
    %get3A_2 = vector.load %arg2[%get3A, %get3A_0, %get3A_1] : memref<1x512x64xf32, #tpu.memory_space<vmem>>, vector<1x512x64xf32>
    %get3A_3 = vector.shape_cast %get3A_2 : vector<1x512x64xf32> to vector<512x64xf32>
    %get3A_4 = arith.constant 0 : index
    %get3A_5 = arith.constant 0 : index
    %get3A_6 = arith.constant 0 : index
    %get3A_7 = vector.load %arg3[%get3A_4, %get3A_5, %get3A_6] : memref<1x512x128xf32, #tpu.memory_space<vmem>>, vector<1x512x128xf32>
    %get3A_8 = vector.shape_cast %get3A_7 : vector<1x512x128xf32> to vector<512x128xf32>
    %concatenate3A = tpu.concatenate %get3A_3, %get3A_8 in 1 : vector<512x64xf32>, vector<512x128xf32> -> vector<512x192xf32>
    %get3A_9 = arith.constant 0 : index
    %get3A_10 = arith.constant 0 : index
    %get3A_11 = vector.load %arg4[%get3A_9, %get3A_10] : memref<256x192xf32, #tpu.memory_space<vmem>>, vector<256x192xf32>
    %dot_general3A = arith.constant dense<0.000000e+00> : vector<256x512xf32>
    %dot_general3A_12 = tpu.matmul %get3A_11, %concatenate3A, %dot_general3A {dimension_numbers = #tpu.dot_dimension_numbers<[1], [1], [0], [0], [0, 0, 1, 0], [], []>, transpose_lhs_hint = false} : vector<256x192xf32>, vector<512x192xf32>, vector<256x512xf32> -> vector<256x512xf32>
    %get3A_13 = arith.constant 0 : index
    %get3A_14 = arith.constant 0 : index
    %get3A_15 = vector.load %arg5[%get3A_13, %get3A_14] : memref<256x1xf32, #tpu.memory_space<vmem>>, vector<256x1xf32>
    %mul3A = vector.broadcast %get3A_15 : vector<256x1xf32> to vector<256x512xf32>
    %mul3A_16 = arith.mulf %dot_general3A_12, %mul3A : vector<256x512xf32>
    %get3A_17 = arith.constant 0 : index
    %get3A_18 = arith.constant 0 : index
    %get3A_19 = vector.load %arg6[%get3A_17, %get3A_18] : memref<256x1xf32, #tpu.memory_space<vmem>>, vector<256x1xf32>
    %add3A = vector.broadcast %get3A_19 : vector<256x1xf32> to vector<256x512xf32>
    %add3A_20 = arith.addf %mul3A_16, %add3A : vector<256x512xf32>
    %max3A = arith.constant 0.000000e+00 : f32
    %max3A_21 = vector.broadcast %max3A : f32 to vector<256x512xf32>
    %max3A_22 = arith.maximumf %add3A_20, %max3A_21 : vector<256x512xf32>
    %swap3A = arith.constant 0 : index
    %swap3A_23 = arith.constant 0 : index
    %swap3A_24 = arith.constant 0 : index
    %swap3A_25 = vector.load %arg7[%swap3A, %swap3A_23, %swap3A_24] : memref<1x256x512xf32, #tpu.memory_space<vmem>>, vector<1x256x512xf32>
    %swap3A_26 = vector.shape_cast %swap3A_25 : vector<1x256x512xf32> to vector<256x512xf32>
    %swap3A_27 = vector.shape_cast %max3A_22 : vector<256x512xf32> to vector<1x256x512xf32>
    tpu.vector_store %arg7[%swap3A, %swap3A_23, %swap3A_24], %swap3A_27 {strides = array<i32>} : memref<1x256x512xf32, #tpu.memory_space<vmem>>, vector<1x256x512xf32>,
    return
  }
  func.func @transform_0(%arg0: i32, %arg1: i32) -> (i32, i32, i32) {
    %c0_i32 = arith.constant 0 : i32
    %c0_i32_0 = arith.constant 0 : i32
    return %arg0, %arg1, %c0_i32 : i32, i32, i32
  }
  func.func @transform_1(%arg0: i32, %arg1: i32) -> (i32, i32, i32) {
    %c0_i32 = arith.constant 0 : i32
    %c0_i32_0 = arith.constant 0 : i32
    return %arg0, %arg1, %c0_i32 : i32, i32, i32
  }
  func.func @transform_2(%arg0: i32, %arg1: i32) -> (i32, i32) {
    %c0_i32 = arith.constant 0 : i32
    %c0_i32_0 = arith.constant 0 : i32
    %c0_i32_1 = arith.constant 0 : i32
    return %c0_i32, %c0_i32_0 : i32, i32
  }
  func.func @transform_3(%arg0: i32, %arg1: i32) -> (i32, i32) {
    %c0_i32 = arith.constant 0 : i32
    %c0_i32_0 = arith.constant 0 : i32
    %c0_i32_1 = arith.constant 0 : i32
    return %c0_i32, %c0_i32_0 : i32, i32
  }
  func.func @transform_4(%arg0: i32, %arg1: i32) -> (i32, i32) {
    %c0_i32 = arith.constant 0 : i32
    %c0_i32_0 = arith.constant 0 : i32
    %c0_i32_1 = arith.constant 0 : i32
    return %c0_i32, %c0_i32_0 : i32, i32
  }
  func.func @transform_5(%arg0: i32, %arg1: i32) -> (i32, i32, i32) {
    %c0_i32 = arith.constant 0 : i32
    %c0_i32_0 = arith.constant 0 : i32
    return %arg0, %c0_i32, %arg1 : i32, i32, i32
  }
}

</mosaic_0001>

<sc_bundles>
// kernel: kernel.10.cloned.1.call-start
scs
__scs_entry_jumppad:
0x0: {  	(pc) =	sbr.rel $0x88, $3  }
0x1: {  	(tag) =	ssettag $0x0;
	lr =	simm.s32 $0x1  }
0x2: {  	[smem:$0x3F97] =	sst lr;
	_ =	strace $0xD0000000  }
0x3: {  	_ = 	snop  }
0x4: {  	_ = 	snop  }
0x5: {  	_ = 	snop  }
0x6: {  	_ = 	snop  }
0x7: {  	_ = 	snop  }
__scs_overlays_trampoline_lowered:
0x8: {  	[smem:$0x3FA6] =	sst s0  }
0x9: {  	[smem:$0x3FA7] =	sst s1  }
0xa: {  	[smem:$0x3FA8] =	sst s2  }
0xb: {  	[smem:$0x3FA9] =	sst s3  }
0xc: {  	[smem:$0x3FAA] =	sst s4  }
0xd: {  	[smem:$0x3FAB] =	sst s5  }
0xe: {  	[smem:$0x3FAC] =	sst s6  }
0xf: {  	[smem:$0x3FAD] =	sst s7  }
0x10: {  	[smem:$0x3FAE] =	sst s8  }
0x11: {  	[smem:$0x3FAF] =	sst s9;
	s0 =	simm.s32 @!p0 $0x0  }
0x12: {  	s1 =	sld [smem:$0x3F95];
	s0 =	simm.s32 @p0 $0x1  }
0x13: {  	[smem:$0x3FB0] =	sst s0;
	s0 =	simm.s32 @!p1 $0x0  }
0x14: {  	s2 =	sld [smem:$0x3F94];
	s0 =	simm.s32 @p1 $0x1  }
0x15: {  	[smem:$0x3FB1] =	sst s0;
	s0 =	simm.s32 @!p2 $0x0  }
0x16: {  	s3 =	sld [smem:$0x3FDB];
	s0 =	simm.s32 @p2 $0x1  }
0x17: {  	s4 =	simm.s32 $0x1BF5;
	[smem:$0x3FB3] =	sst s0  }
0x18: {  	s0 =	sld [smem:$0x3F96];
	_ =	swait.ge [sflag:s4], $0x0  }
0x19: {  	s7 =	sld [smem:$0x3F97]  }
0x1a: {  	s8 =	sadd.s32 $0xFFFFE003, lr  }
0x1b: {  	s9 =	sadd.s32 $0xFFFFFEF7, lr;
	s5 =	simm.s32 $0xFFFFFFFF;
	p2 =	slt.u32 s8, $0xFFFFF086  }
0x1c: {  	p1 =	slt.u32 s9, $0xF7A;
	s5 =	simm.s32 @!p2 $0x0  }
0x1d: {  	s5 =	simm.s32 @p1 $0x1;
	p0 =	seq.s32 s7, s2  }
0x1e: {  	s7 =	smul.u32 @!p0 $0xF7A, s2;
	p2 =	seq.s32 @!p0 s5, $0x0  }
0x1f: {  	s9 =	smul.u32 $0xF7A, s1;
	s8 =	simm.s32 @!p0 $0x1BF5;
	p2 =	por !p2, p0  }
0x20: {  	[sflag:s8] =	ssyncset.s32 @!p0 $0xFFFFF086;
	s6 =	sadd.s32 @!p0 s3, s7;
	s7 =	simm.s32 @!p0 $0x108  }
0x21: {  	s3 =	sadd.s32 s3, s9;
	s6 =	sadd.s32 @!p0 $0x88, s6;
	s7 =	simm.s32 @p2 $0x1082  }
0x22: {  	[simem:s7], [sflag:s8] =	dma.local @!p0 [hbm:s6], $0xF7A  }
0x23: {  	s9 =	sor.u32 $0xD0000000, s2;
	s6 =	simm.s32 $0x108;
	_ =	swait.ge @!p0 [sflag:s8], $0x0  }
0x24: {  	s3 =	sadd.s32 $0x88, s3;
	s6 =	simm.s32 @!p1 $0x1082;
	[sflag:s4] =	ssyncset.s32 $0xFFFFF086  }
0x25: {  	[simem:s6], [sflag:s4] =	dma.local [hbm:s3], $0xF7A  }
0x26: {  	[smem:$0x3F97] =	sst s1;
	(tag) =	ssettag s2;
	_ =	strace s9  }
0x27: {  	s1 =	sld [smem:$0x3FA7]  }
0x28: {  	s2 =	sld [smem:$0x3FA8]  }
0x29: {  	s4 =	sld [smem:$0x3FAA]  }
0x2a: {  	p0 =	seq.s32 s5, $0x0;
	s5 =	sld [smem:$0x3FAB]  }
0x2b: {  	s6 =	sld [smem:$0x3FAC]  }
0x2c: {  	s7 =	sld [smem:$0x3FAD]  }
0x2d: {  	s3 =	simm.s32 $0x108;
	s8 =	sld [smem:$0x3FAE]  }
0x2e: {  	s3 =	simm.s32 @!p0 $0x1082;
	s9 =	sld [smem:$0x3FAF]  }
0x2f: {  	lr =	sadd.s32 s0, s3;
	s0 =	sld [smem:$0x3FA6]  }
0x30: {  	s3 =	sld [smem:$0x3FA9]  }
0x31: {  	[smem:$0x3FB2] =	sst s10  }
0x32: {  	s10 =	sld [smem:$0x3FB0];
	_ =	sdelay $0x3  }
0x33: {  	p0 =	seq.s32 s10, $0x1;
	s10 =	sld [smem:$0x3FB2];
	_ =	sdelay $0x3  }
0x34: {  	[smem:$0x3FB2] =	sst s10  }
0x35: {  	s10 =	sld [smem:$0x3FB1];
	_ =	sdelay $0x3  }
0x36: {  	p1 =	seq.s32 s10, $0x1;
	s10 =	sld [smem:$0x3FB2];
	_ =	sdelay $0x3  }
0x37: {  	[smem:$0x3FB2] =	sst s10  }
0x38: {  	s10 =	sld [smem:$0x3FB3]  }
0x39: {  	_ = 	snop;
	(pc) =	sbr.ind lr, $3  }
0x3a: {  	_ = 	snop  }
0x3b: {  	_ = 	snop  }
0x3c: {  	p2 =	seq.s32 s10, $0x1;
	s10 =	sld [smem:$0x3FB2]  }
0x3d: {  	_ =	shalt  }
0x3e: {  	_ =	shalt  }
0x3f: {  	_ =	shalt  }
0x40: {  	_ =	shalt  }
0x41: {  	_ =	shalt  }
0x42: {  	_ =	shalt  }
0x43: {  	_ =	shalt  }
0x44: {  	_ =	shalt  }
0x45: {  	_ =	shalt  }
0x46: {  	_ =	shalt  }
0x47: {  	_ =	shalt  }
0x48: {  	_ =	shalt  }
0x49: {  	_ =	shalt  }
0x4a: {  	_ =	shalt  }
0x4b: {  	_ =	shalt  }
0x4c: {  	_ =	shalt  }
0x4d: {  	_ =	shalt  }
0x4e: {  	_ =	shalt  }
0x4f: {  	_ =	shalt  }
0x50: {  	_ =	shalt  }
0x51: {  	_ =	shalt  }
0x52: {  	_ =	shalt  }
0x53: {  	_ =	shalt  }
0x54: {  	_ =	shalt  }
0x55: {  	_ =	shalt  }
0x56: {  	_ =	shalt  }
0x57: {  	_ =	shalt  }
0x58: {  	_ =	shalt  }
0x59: {  	_ =	shalt  }
0x5a: {  	_ =	shalt  }
0x5b: {  	_ =	shalt  }
0x5c: {  	_ =	shalt  }
0x5d: {  	_ =	shalt  }
0x5e: {  	_ =	shalt  }
0x5f: {  	_ =	shalt  }
0x60: {  	_ =	shalt  }
0x61: {  	_ =	shalt  }
0x62: {  	_ =	shalt  }
0x63: {  	_ =	shalt  }
0x64: {  	_ =	shalt  }
0x65: {  	_ =	shalt  }
0x66: {  	_ =	shalt  }
0x67: {  	_ =	shalt  }
0x68: {  	_ =	shalt  }
0x69: {  	_ =	shalt  }
0x6a: {  	_ =	shalt  }
0x6b: {  	_ =	shalt  }
0x6c: {  	_ =	shalt  }
0x6d: {  	_ =	shalt  }
0x6e: {  	_ =	shalt  }
0x6f: {  	_ =	shalt  }
0x70: {  	_ =	shalt  }
0x71: {  	_ =	shalt  }
0x72: {  	_ =	shalt  }
0x73: {  	_ =	shalt  }
0x74: {  	_ =	shalt  }
0x75: {  	_ =	shalt  }
0x76: {  	_ =	shalt  }
0x77: {  	_ =	shalt  }
0x78: {  	_ =	shalt  }
0x79: {  	_ =	shalt  }
0x7a: {  	_ =	shalt  }
0x7b: {  	_ =	shalt  }
0x7c: {  	_ =	shalt  }
0x7d: {  	_ =	shalt  }
0x7e: {  	_ =	shalt  }
0x7f: {  	_ =	shalt  }
0x80: {  	_ =	shalt  }
0x81: {  	_ =	shalt  }
0x82: {  	_ =	shalt  }
0x83: {  	_ =	shalt  }
0x84: {  	_ =	shalt  }
0x85: {  	_ =	shalt  }
0x86: {  	_ =	shalt  }
0x87: {  	_ =	shalt  }
.Lfunc_end0:
.L_simem_size_0:
called_computation_lowered:
.L_overlay_start_0:
0x88: {  	s2 =	sld [smem:$0x3FD9]  }
0x89: {  	s3 =	sld [smem:$0x3FFE];
	_ =	sdelay $0x1  }
0x8a: {  	s1 =	srdreg.scid  }
0x8b: {  	s0 =	sand.u32 $0x1, s1  }
0x8c: {  	s16 =	sshll.u32 s0, $0xA;
	s2 =	sadd.s32 s3, s2  }
0x8d: {  	s2 =	sadd.s32 s2, s16  }
0x8e: {  	[smem:$0x3FBE] =	sst s2  }
0x8f: {  	_ = 	snop  }
0x90: {  	(tm) =	ssettm $0x1  }
0x91: {  	s17 =	sld [smem:$0x3FFB];
	_ =	sdelay $0x3  }
0x92: {  	_ =	strace s17  }
0x93: {  	s2 =	sld [smem:$0x3FFC];
	_ =	sdelay $0x3  }
0x94: {  	_ =	strace s2  }
0x95: {  	s2 =	sld [smem:$0x3FFD];
	_ =	sdelay $0x3  }
0x96: {  	_ =	strace s2  }
0x97: {  	_ =	strace $0x8FFFFFFF  }
0x98: {  	s18 =	sld [smem:$0x3FDB];
	_ =	sdelay $0x1  }
0x99: {  	s19 =	simm.s32 $_scs_section_size  }
0x9a: {  	s4 =	simm.s32 $_size__tile_overlayer_lowered;
	s5 =	simm.s32 $_tile_overlayer_lowered  }
0x9b: {  	s22 =	simm.s32 $0x1BFF;
	s21 =	sshll.u32 s5, $0x1;
	s2 =	sadd.s32 s19, s18  }
0x9c: {  	s6 =	simm.s32 $0x0;
	s20 =	sshll.u32 s4, $0x1;
	s4 =	sadd.s32 s21, s2  }
0x9d: {  	[timem:s6], [sflag:s22] =	dma.local [hbm:s4], s20  }
0x9e: {  	_ =	swait.ge [sflag:s22], s20  }
0x9f: {  	s3 =	ssub.s32 $0x0, s20;
	[sflag:s22] =	ssyncset.done $0x0  }
0xa0: {  	[sflag:s22] =	ssyncadd.s32 s3;
	_ =	sdelay $0x1  }
0xa1: {  	s23 =	simm.s32 $0x1B8B  }
0xa2: {  	_ =	swait.ge [sflag:s23], $0x1  }
0xa3: {  	[sflag:s23] =	ssyncset.done $0x0  }
0xa4: {  	s25 =	simm.s32 $0x1B8E;
	s24 =	sld [smem:$0x3FFE];
	[sflag:s23] =	ssyncadd.s32 $0xFFFFFFFF  }
0xa5: {  	s26 =	simm.s32 $execute0_lowered;
	[smem:$0x3FD2] =	sst s25  }
0xa6: {  	s4 =	sshll.u32 s26, $0x1;
	_ =	strace $0x80000046;
	[dreg:$0x1] =	wrdreg $0xFFFFFFFF  }
0xa7: {  	s28 =	simm.s32 $_size_execute0_lowered;
	s2 =	sadd.s32 s2, s4;
	[dreg:$0x0] =	wrdreg $0x0  }
0xa8: {  	s4 =	sshll.u32 s28, $0x1;
	[dreg:$0x2] =	wrdreg s2  }
0xa9: {  	[dreg:$0x3] =	wrdreg s4  }
0xaa: {  	[dreg:$0x4] =	wrdreg $0xC0  }
0xab: {  	_ =	task [dreg:s6], $0x5FFFF  }
0xac: {  	[dreg:$0x1] =	wrdreg $0xFFFFFFFF  }
0xad: {  	[dreg:$0x0] =	wrdreg $0x60  }
0xae: {  	[dreg:$0x2] =	wrdreg s24  }
0xaf: {  	[dreg:$0x3] =	wrdreg $0x9  }
0xb0: {  	_ =	task.clear_ibuf [dreg:s6], $0x4FFFF;
	_ =	strace $0x90000046  }
0xb1: {  	s29 =	simm.s32 $0x9;
	_ =	strace $0x80000048  }
0xb2: {  	_ =	swait.ge [sflag:s29], $0x1  }
0xb3: {  	[sflag:s29] =	ssyncadd.s32 $0xFFFFFFFF  }
0xb4: {  	_ =	strace $0x90000048  }
0xb5: {  	_ =	sfence  }
0xb6: {  	s30 =	sld [smem:$0x0];
	_ =	sdelay $0x2  }
0xb7: {  	s31 =	sshll.u32 s1, $0xD;
	s1 =	sshrl.u32 s1, $0x2  }
0xb8: {  	s3 =	sand.u32 $0x4000, s31;
	s1 =	sadd.s32 s1, s30  }
0xb9: {  	s0 =	sor.u32 s3, s0;
	s1 =	sshll.u32 s1, $0x11  }
0xba: {  	s0 =	sor.u32 s1, s0  }
0xbb: {  	s0 =	sadd.s32 $0x8F2B, s0  }
0xbc: {  	[sflag:s0] =	ssyncadd.remote.s32 $0x1  }
0xbd: {  	_ =	sfence.sel $0xFFFF  }
0xbe: {  	[dreg:$0x0] =	wrdreg $0xFFFFFFFF;
	(pc) =	sbr.abs _section_cstart, $3  }
0xbf: {  	[dreg:$0x1] =	wrdreg $0xFFFFFFFF  }
0xc0: {  	_ =	task.clear_ibuf [dreg:s6], $0x2FFFF;
	_ =	strace $0x9FFFFFFF  }
0xc1: {  	(tm) =	ssettm $0x7FFFFFFF  }
tec
execute0_lowered:
.L_overlay_start_1:
0x0: {  	(tag) =	ssettag $0x1  }
0x1: {  	s0 =	srdreg.scid;
	s17 =	stileid.u32  }
0x2: {  	s1 =	sand.u32 $0x1, s0;
	s19 =	sshll.u32 s17, $0x1  }
0x3: {  	s0 =	sor.u32 s1, s19  }
0x4: {  	s4 =	smul.u32 $0x500, s0  }
0x5: {  	s3 =	rddreg [dreg:$0x0];
	s5 =	smul.u32 $0x14000, s0  }
0x6: {  	s2 =	simm.s32 $0x0;
	s6 =	sadd.s32 $0x28E400, s3;
	s4 =	sadd.s32 s4, s3  }
0x7: {  	[smem:$0x7FF] =	sst s2;
	s30 =	sadd.s32 s6, s5;
	s4 =	sadd.s32 $0x284400, s4  }
0x8: {  	_ =	strace $0x80000047;
	s20 =	sadd.s32 $0xA00, s30;
	[dreg:$0x2] =	wrdreg s4  }
0x9: {  	s21 =	sadd.s32 $0x1400, s30;
	[dreg:$0x3] =	wrdreg s20  }
0xa: {  	s0 =	smul.u32 $0xA0000, s0;
	s22 =	sadd.s32 $0x1E00, s30;
	[dreg:$0x4] =	wrdreg s21  }
0xb: {  	s23 =	sadd.s32 $0x2800, s30;
	[dreg:$0x5] =	wrdreg s22  }
0xc: {  	s0 =	sshrl.u32 s0, $0x3;
	s24 =	sadd.s32 $0x3200, s30;
	[dreg:$0x6] =	wrdreg s23  }
0xd: {  	s25 =	sadd.s32 $0x3C00, s30;
	s0 =	sadd.s32 s6, s0;
	[dreg:$0x7] =	wrdreg s24  }
0xe: {  	[dreg:$0x8] =	wrdreg s25;
	s26 =	sadd.s32 $0x4600, s0  }
0xf: {  	s5 =	sadd.s32 $0x5000, s0;
	[dreg:$0x9] =	wrdreg s26  }
0x10: {  	s6 =	sadd.s32 $0x5A00, s0;
	[dreg:$0xa] =	wrdreg s5  }
0x11: {  	s7 =	sadd.s32 $0x6400, s0;
	[dreg:$0xb] =	wrdreg s6  }
0x12: {  	s8 =	sadd.s32 $0x6E00, s0;
	[dreg:$0xc] =	wrdreg s7  }
0x13: {  	s9 =	sadd.s32 $0x7800, s0;
	[dreg:$0xd] =	wrdreg s8  }
0x14: {  	s10 =	sadd.s32 $0x8200, s0;
	[dreg:$0xe] =	wrdreg s9  }
0x15: {  	s11 =	sadd.s32 $0x8C00, s0;
	[dreg:$0xf] =	wrdreg s10  }
0x16: {  	s12 =	sadd.s32 $0x9600, s0;
	[dreg:$0x10] =	wrdreg s11  }
0x17: {  	s13 =	sadd.s32 $0xA000, s0;
	[dreg:$0x11] =	wrdreg s12  }
0x18: {  	s14 =	sadd.s32 $0xAA00, s0;
	[dreg:$0x12] =	wrdreg s13  }
0x19: {  	s15 =	sadd.s32 $0xB400, s0;
	[dreg:$0x13] =	wrdreg s14  }
0x1a: {  	s16 =	sadd.s32 $0xBE00, s0;
	[dreg:$0x14] =	wrdreg s15  }
0x1b: {  	s18 =	sadd.s32 $0xC800, s0;
	[dreg:$0x15] =	wrdreg s16  }
0x1c: {  	s19 =	sadd.s32 $0xD200, s0;
	[dreg:$0x16] =	wrdreg s18  }
0x1d: {  	s20 =	sadd.s32 $0xDC00, s0;
	[dreg:$0x17] =	wrdreg s19  }
0x1e: {  	s21 =	sadd.s32 $0xE600, s0;
	[dreg:$0x18] =	wrdreg s20  }
0x1f: {  	s22 =	sadd.s32 $0xF000, s0;
	[dreg:$0x19] =	wrdreg s21  }
0x20: {  	s23 =	sadd.s32 $0xFA00, s0;
	[dreg:$0x1a] =	wrdreg s22  }
0x21: {  	s24 =	sadd.s32 $0x10400, s0;
	[dreg:$0x1b] =	wrdreg s23  }
0x22: {  	s25 =	sadd.s32 $0x10E00, s0;
	[dreg:$0x1c] =	wrdreg s24  }
0x23: {  	[dreg:$0x1d] =	wrdreg s25;
	s26 =	sadd.s32 $0x11800, s0  }
0x24: {  	s31 =	simm.s32 $0x9;
	s5 =	sadd.s32 $0x12200, s0;
	[dreg:$0x1e] =	wrdreg s26  }
0x25: {  	s29 =	simm.s32 $0x1A40;
	s6 =	sadd.s32 $0x12C00, s0;
	[dreg:$0x1f] =	wrdreg s5  }
0x26: {  	s28 =	simm.s32 $0x1B80;
	s0 =	sadd.s32 $0x13600, s0;
	[smem:$0x7EA] =	sst s6  }
0x27: {  	p0 =	por $0x0, $0x0;
	s7 =	simm.s32 $0x280;
	[smem:$0x7EB] =	sst s0  }
0x28: {  	s1 =	ssub.s32 $0x2, s1;
	s8 =	simm.s32 $0x3C0;
	[smem:$0x7EC] =	sst s7  }
0x29: {  	s3 =	sadd.s32 $0x4400, s3;
	s10 =	simm.s32 $0x500;
	[smem:$0x7ED] =	sst s8  }
0x2a: {  	s4 =	simm.s32 $0x11800;
	s11 =	simm.s32 $0x640;
	[smem:$0x7EE] =	sst s10  }
0x2b: {  	s9 =	sshrl.u32 s1, $0x1;
	s12 =	simm.s32 $0x780;
	[smem:$0x7EF] =	sst s11  }
0x2c: {  	s13 =	simm.s32 $0x8C0;
	s14 =	simm.s32 $0xA00;
	[smem:$0x7F0] =	sst s12  }
0x2d: {  	s15 =	simm.s32 $0xB40;
	s16 =	simm.s32 $0xC80;
	[smem:$0x7F1] =	sst s13  }
0x2e: {  	s18 =	simm.s32 $0xDC0;
	s19 =	simm.s32 $0xF00;
	[smem:$0x7F2] =	sst s14  }
0x2f: {  	s20 =	simm.s32 $0x1040;
	s21 =	simm.s32 $0x1180;
	[smem:$0x7F3] =	sst s15  }
0x30: {  	s22 =	simm.s32 $0x12C0;
	s23 =	simm.s32 $0x1400;
	[smem:$0x7F4] =	sst s16  }
0x31: {  	s24 =	simm.s32 $0x1540;
	s25 =	simm.s32 $0x1680;
	[smem:$0x7F5] =	sst s18  }
0x32: {  	s1 =	ssub.s32 s1, s9;
	s10 =	simm.s32 $0x140;
	[smem:$0x7F6] =	sst s19  }
0x33: {  	s8 =	simm.s32 $0x2800;
	s7 =	simm.s32 $0x7800;
	[smem:$0x7F7] =	sst s20  }
0x34: {  	s5 =	simm.s32 $0xC800;
	s13 =	simm.s32 $0x1;
	[smem:$0x7F8] =	sst s21  }
0x35: {  	s6 =	simm.s32 $0x5;
	s14 =	simm.s32 $0x2;
	[smem:$0x7F9] =	sst s22  }
0x36: {  	s9 =	simm.s32 $0x6;
	s15 =	simm.s32 $0x3;
	[smem:$0x7FA] =	sst s23  }
0x37: {  	s11 =	simm.s32 $0x7;
	[smem:$0x7FB] =	sst s24;
	s1 =	smax.u32 s1, $0x1  }
0x38: {  	s16 =	simm.s32 $0x4;
	[smem:$0x7FC] =	sst s25;
	p1 =	sne.s32 s1, $0x1  }
.Ltmp0:
0x39: {  	s26 =	simm.s32 $0x17C0;
	s12 =	simm.s32 $0x8;
	(pc) =	sbr.rel @!p1 .LBB2_1-.Ltmp0, $4  }
0x3a: {  	s25 =	simm.s32 $0x1E00;
	s24 =	simm.s32 $0x1F40;
	s23 =	simm.s32 $0x2080  }
0x3b: {  	s22 =	simm.s32 $0x21C0;
	s21 =	simm.s32 $0x2300;
	s20 =	simm.s32 $0x2440  }
0x3c: {  	s19 =	simm.s32 $0x2580;
	s18 =	simm.s32 $0x26C0;
	s0 =	rddreg [dreg:$0x2]  }
0x3d: {  	[smem:$0x7FD] =	sst s26;
	s26 =	simm.s32 $0x1CC0;
	s1 =	sadd.s32 $0xFFFFFFFF, s1  }
0x3e: {  	[tilespmem:s2], [sflag:$0x9] =	stream.linear.gather [hbm4b:s0+s2], $0x2800, $0x38;
	[tilespmem:$0x16800] =	vst v63  }
0x3f: {  	_ =	swait.ge [sflag:s31], $0x2800  }
0x40: {  	[sflag:s31] =	ssyncset.done $0x0  }
0x41: {  	[sflag:s31] =	ssyncadd.s32 $0xFFFFD800  }
0x42: {  	[tilespmem:s8], [sflag:$0x1] =	stream.indirect.gather [hbm4b:s3+s10], $0x40, s2, s10, $0xb8;
	[tilespmem:$0x16800] =	vst v63  }
0x43: {  	s0 =	sld [smem:$0x7EC]  }
0x44: {  	[tilespmem:s7], [sflag:$0x2] =	stream.indirect.gather [hbm4b:s3+s10], $0x40, s10, s10, $0xb8;
	[tilespmem:$0x16800] =	vst v63  }
0x45: {  	s17 =	smov.u32 s1;
	s1 =	sld [smem:$0x7ED]  }
0x46: {  	[tilespmem:s5], [sflag:$0x3] =	stream.indirect.gather [hbm4b:s3+s10], $0x40, s0, s10, $0xb8;
	[tilespmem:$0x16800] =	vst v63  }
0x47: {  	_ = 	snop  }
0x48: {  	[tilespmem:s4], [sflag:$0x4] =	stream.indirect.gather [hbm4b:s3+s10], $0x40, s1, s10, $0xb8;
	[tilespmem:$0x16800] =	vst v63  }
0x49: {  	_ =	swait.ge [sflag:s13], $0x5000  }
0x4a: {  	[sflag:s13] =	ssyncset.done $0x0  }
0x4b: {  	[sflag:s13] =	ssyncadd.s32 $0xFFFFB000  }
0x4c: {  	[hbm4b:s30+s2] =	stream.linear.scatter [tilespmem:s8], [sflag:$0x5], $0x5000, $0x38;
	[tilespmem:$0x16800] =	vst v63  }
0x4d: {  	_ =	swait.ge [sflag:s6], $0x5000  }
0x4e: {  	s1 =	sld [smem:$0x7EE]  }
0x4f: {  	[sflag:s6] =	ssyncset.done $0x0  }
0x50: {  	[sflag:s6] =	ssyncadd.s32 $0xFFFFB000  }
0x51: {  	[tilespmem:s8], [sflag:$0x1] =	stream.indirect.gather [hbm4b:s3+s10], $0x40, s1, s10, $0xb8;
	[tilespmem:$0x16800] =	vst v63  }
0x52: {  	_ =	swait.ge [sflag:s14], $0x5000  }
0x53: {  	[sflag:s14] =	ssyncset.done $0x0  }
0x54: {  	s1 =	rddreg [dreg:$0x3];
	[sflag:s14] =	ssyncadd.s32 $0xFFFFB000  }
0x55: {  	[hbm4b:s1+s2] =	stream.linear.scatter [tilespmem:s7], [sflag:$0x6], $0x5000, $0x38;
	[tilespmem:$0x16800] =	vst v63  }
0x56: {  	_ =	swait.ge [sflag:s9], $0x5000  }
0x57: {  	s1 =	sld [smem:$0x7EF]  }
0x58: {  	[sflag:s9] =	ssyncset.done $0x0  }
0x59: {  	[sflag:s9] =	ssyncadd.s32 $0xFFFFB000  }
0x5a: {  	[tilespmem:s7], [sflag:$0x2] =	stream.indirect.gather [hbm4b:s3+s10], $0x40, s1, s10, $0xb8;
	[tilespmem:$0x16800] =	vst v63  }
0x5b: {  	_ =	swait.ge [sflag:s15], $0x5000  }
0x5c: {  	[sflag:s15] =	ssyncset.done $0x0  }
0x5d: {  	s1 =	rddreg [dreg:$0x4];
	[sflag:s15] =	ssyncadd.s32 $0xFFFFB000  }
0x5e: {  	[hbm4b:s1+s2] =	stream.linear.scatter [tilespmem:s5], [sflag:$0x7], $0x5000, $0x38;
	[tilespmem:$0x16800] =	vst v63  }
0x5f: {  	_ =	swait.ge [sflag:s11], $0x5000  }
0x60: {  	s1 =	sld [smem:$0x7F0]  }
0x61: {  	[sflag:s11] =	ssyncset.done $0x0  }
0x62: {  	[sflag:s11] =	ssyncadd.s32 $0xFFFFB000  }
0x63: {  	[tilespmem:s5], [sflag:$0x3] =	stream.indirect.gather [hbm4b:s3+s10], $0x40, s1, s10, $0xb8;
	[tilespmem:$0x16800] =	vst v63  }
0x64: {  	_ =	swait.ge [sflag:s16], $0x5000  }
0x65: {  	[sflag:s16] =	ssyncset.done $0x0  }
0x66: {  	s1 =	rddreg [dreg:$0x5];
	[sflag:s16] =	ssyncadd.s32 $0xFFFFB000  }
0x67: {  	[hbm4b:s1+s2] =	stream.linear.scatter [tilespmem:s4], [sflag:$0x8], $0x5000, $0x38;
	[tilespmem:$0x16800] =	vst v63  }
0x68: {  	_ =	swait.ge [sflag:s12], $0x5000  }
0x69: {  	s1 =	sld [smem:$0x7F1]  }
0x6a: {  	[sflag:s12] =	ssyncset.done $0x0  }
0x6b: {  	[sflag:s12] =	ssyncadd.s32 $0xFFFFB000  }
0x6c: {  	[tilespmem:s4], [sflag:$0x4] =	stream.indirect.gather [hbm4b:s3+s10], $0x40, s1, s10, $0xb8;
	[tilespmem:$0x16800] =	vst v63  }
0x6d: {  	_ =	swait.ge [sflag:s13], $0x5000  }
0x6e: {  	[sflag:s13] =	ssyncset.done $0x0  }
0x6f: {  	s1 =	rddreg [dreg:$0x6];
	[sflag:s13] =	ssyncadd.s32 $0xFFFFB000  }
0x70: {  	[hbm4b:s1+s2] =	stream.linear.scatter [tilespmem:s8], [sflag:$0x5], $0x5000, $0x38;
	[tilespmem:$0x16800] =	vst v63  }
0x71: {  	_ =	swait.ge [sflag:s6], $0x5000  }
0x72: {  	s1 =	sld [smem:$0x7F2]  }
0x73: {  	[sflag:s6] =	ssyncset.done $0x0  }
0x74: {  	[sflag:s6] =	ssyncadd.s32 $0xFFFFB000  }
0x75: {  	[tilespmem:s8], [sflag:$0x1] =	stream.indirect.gather [hbm4b:s3+s10], $0x40, s1, s10, $0xb8;
	[tilespmem:$0x16800] =	vst v63  }
0x76: {  	_ =	swait.ge [sflag:s14], $0x5000  }
0x77: {  	[sflag:s14] =	ssyncset.done $0x0  }
0x78: {  	s1 =	rddreg [dreg:$0x7];
	[sflag:s14] =	ssyncadd.s32 $0xFFFFB000  }
0x79: {  	[hbm4b:s1+s2] =	stream.linear.scatter [tilespmem:s7], [sflag:$0x6], $0x5000, $0x38;
	[tilespmem:$0x16800] =	vst v63  }
0x7a: {  	_ =	swait.ge [sflag:s9], $0x5000  }
0x7b: {  	s1 =	sld [smem:$0x7F3]  }
0x7c: {  	[sflag:s9] =	ssyncset.done $0x0  }
0x7d: {  	[sflag:s9] =	ssyncadd.s32 $0xFFFFB000  }
0x7e: {  	[tilespmem:s7], [sflag:$0x2] =	stream.indirect.gather [hbm4b:s3+s10], $0x40, s1, s10, $0xb8;
	[tilespmem:$0x16800] =	vst v63  }
0x7f: {  	_ =	swait.ge [sflag:s15], $0x5000  }
0x80: {  	[sflag:s15] =	ssyncset.done $0x0  }
0x81: {  	s1 =	rddreg [dreg:$0x8];
	[sflag:s15] =	ssyncadd.s32 $0xFFFFB000  }
0x82: {  	[hbm4b:s1+s2] =	stream.linear.scatter [tilespmem:s5], [sflag:$0x7], $0x5000, $0x38;
	[tilespmem:$0x16800] =	vst v63  }
0x83: {  	_ =	swait.ge [sflag:s11], $0x5000  }
0x84: {  	s1 =	sld [smem:$0x7F4]  }
0x85: {  	[sflag:s11] =	ssyncset.done $0x0  }
0x86: {  	[sflag:s11] =	ssyncadd.s32 $0xFFFFB000  }
0x87: {  	[tilespmem:s5], [sflag:$0x3] =	stream.indirect.gather [hbm4b:s3+s10], $0x40, s1, s10, $0xb8;
	[tilespmem:$0x16800] =	vst v63  }
0x88: {  	_ =	swait.ge [sflag:s16], $0x5000  }
0x89: {  	[sflag:s16] =	ssyncset.done $0x0  }
0x8a: {  	s1 =	rddreg [dreg:$0x9];
	[sflag:s16] =	ssyncadd.s32 $0xFFFFB000  }
0x8b: {  	[hbm4b:s1+s2] =	stream.linear.scatter [tilespmem:s4], [sflag:$0x8], $0x5000, $0x38;
	[tilespmem:$0x16800] =	vst v63  }
0x8c: {  	_ =	swait.ge [sflag:s12], $0x5000  }
0x8d: {  	s1 =	sld [smem:$0x7F5]  }
0x8e: {  	[sflag:s12] =	ssyncset.done $0x0  }
0x8f: {  	[sflag:s12] =	ssyncadd.s32 $0xFFFFB000  }
0x90: {  	[tilespmem:s4], [sflag:$0x4] =	stream.indirect.gather [hbm4b:s3+s10], $0x40, s1, s10, $0xb8;
	[tilespmem:$0x16800] =	vst v63  }
0x91: {  	_ =	swait.ge [sflag:s13], $0x5000  }
0x92: {  	[sflag:s13] =	ssyncset.done $0x0  }
0x93: {  	s1 =	rddreg [dreg:$0xa];
	[sflag:s13] =	ssyncadd.s32 $0xFFFFB000  }
0x94: {  	[hbm4b:s1+s2] =	stream.linear.scatter [tilespmem:s8], [sflag:$0x5], $0x5000, $0x38;
	[tilespmem:$0x16800] =	vst v63  }
0x95: {  	_ =	swait.ge [sflag:s6], $0x5000  }
0x96: {  	s1 =	sld [smem:$0x7F6]  }
0x97: {  	[sflag:s6] =	ssyncset.done $0x0  }
0x98: {  	[sflag:s6] =	ssyncadd.s32 $0xFFFFB000  }
0x99: {  	[tilespmem:s8], [sflag:$0x1] =	stream.indirect.gather [hbm4b:s3+s10], $0x40, s1, s10, $0xb8;
	[tilespmem:$0x16800] =	vst v63  }
0x9a: {  	_ =	swait.ge [sflag:s14], $0x5000  }
0x9b: {  	[sflag:s14] =	ssyncset.done $0x0  }
0x9c: {  	s1 =	rddreg [dreg:$0xb];
	[sflag:s14] =	ssyncadd.s32 $0xFFFFB000  }
0x9d: {  	[hbm4b:s1+s2] =	stream.linear.scatter [tilespmem:s7], [sflag:$0x6], $0x5000, $0x38;
	[tilespmem:$0x16800] =	vst v63  }
0x9e: {  	_ =	swait.ge [sflag:s9], $0x5000  }
0x9f: {  	s1 =	sld [smem:$0x7F7]  }
0xa0: {  	[sflag:s9] =	ssyncset.done $0x0  }
0xa1: {  	[sflag:s9] =	ssyncadd.s32 $0xFFFFB000  }
0xa2: {  	[tilespmem:s7], [sflag:$0x2] =	stream.indirect.gather [hbm4b:s3+s10], $0x40, s1, s10, $0xb8;
	[tilespmem:$0x16800] =	vst v63  }
0xa3: {  	_ =	swait.ge [sflag:s15], $0x5000  }
0xa4: {  	[sflag:s15] =	ssyncset.done $0x0  }
0xa5: {  	s1 =	rddreg [dreg:$0xc];
	[sflag:s15] =	ssyncadd.s32 $0xFFFFB000  }
0xa6: {  	[hbm4b:s1+s2] =	stream.linear.scatter [tilespmem:s5], [sflag:$0x7], $0x5000, $0x38;
	[tilespmem:$0x16800] =	vst v63  }
0xa7: {  	_ =	swait.ge [sflag:s11], $0x5000  }
0xa8: {  	s1 =	sld [smem:$0x7F8]  }
0xa9: {  	[sflag:s11] =	ssyncset.done $0x0  }
0xaa: {  	[sflag:s11] =	ssyncadd.s32 $0xFFFFB000  }
0xab: {  	[tilespmem:s5], [sflag:$0x3] =	stream.indirect.gather [hbm4b:s3+s10], $0x40, s1, s10, $0xb8;
	[tilespmem:$0x16800] =	vst v63  }
0xac: {  	_ =	swait.ge [sflag:s16], $0x5000  }
0xad: {  	[sflag:s16] =	ssyncset.done $0x0  }
0xae: {  	s1 =	rddreg [dreg:$0xd];
	[sflag:s16] =	ssyncadd.s32 $0xFFFFB000  }
0xaf: {  	[hbm4b:s1+s2] =	stream.linear.scatter [tilespmem:s4], [sflag:$0x8], $0x5000, $0x38;
	[tilespmem:$0x16800] =	vst v63  }
0xb0: {  	_ =	swait.ge [sflag:s12], $0x5000  }
0xb1: {  	s1 =	sld [smem:$0x7F9]  }
0xb2: {  	[sflag:s12] =	ssyncset.done $0x0  }
0xb3: {  	[sflag:s12] =	ssyncadd.s32 $0xFFFFB000  }
0xb4: {  	[tilespmem:s4], [sflag:$0x4] =	stream.indirect.gather [hbm4b:s3+s10], $0x40, s1, s10, $0xb8;
	[tilespmem:$0x16800] =	vst v63  }
0xb5: {  	_ =	swait.ge [sflag:s13], $0x5000  }
0xb6: {  	[sflag:s13] =	ssyncset.done $0x0  }
0xb7: {  	s1 =	rddreg [dreg:$0xe];
	[sflag:s13] =	ssyncadd.s32 $0xFFFFB000  }
0xb8: {  	[hbm4b:s1+s2] =	stream.linear.scatter [tilespmem:s8], [sflag:$0x5], $0x5000, $0x38;
	[tilespmem:$0x16800] =	vst v63  }
0xb9: {  	_ =	swait.ge [sflag:s6], $0x5000  }
0xba: {  	s1 =	sld [smem:$0x7FA]  }
0xbb: {  	[sflag:s6] =	ssyncset.done $0x0  }
0xbc: {  	[sflag:s6] =	ssyncadd.s32 $0xFFFFB000  }
0xbd: {  	[tilespmem:s8], [sflag:$0x1] =	stream.indirect.gather [hbm4b:s3+s10], $0x40, s1, s10, $0xb8;
	[tilespmem:$0x16800] =	vst v63  }
0xbe: {  	_ =	swait.ge [sflag:s14], $0x5000  }
0xbf: {  	[sflag:s14] =	ssyncset.done $0x0  }
0xc0: {  	s1 =	rddreg [dreg:$0xf];
	[sflag:s14] =	ssyncadd.s32 $0xFFFFB000  }
0xc1: {  	[hbm4b:s1+s2] =	stream.linear.scatter [tilespmem:s7], [sflag:$0x6], $0x5000, $0x38;
	[tilespmem:$0x16800] =	vst v63  }
0xc2: {  	_ =	swait.ge [sflag:s9], $0x5000  }
0xc3: {  	s1 =	sld [smem:$0x7FB]  }
0xc4: {  	[sflag:s9] =	ssyncset.done $0x0  }
0xc5: {  	[sflag:s9] =	ssyncadd.s32 $0xFFFFB000  }
0xc6: {  	[tilespmem:s7], [sflag:$0x2] =	stream.indirect.gather [hbm4b:s3+s10], $0x40, s1, s10, $0xb8;
	[tilespmem:$0x16800] =	vst v63  }
0xc7: {  	_ =	swait.ge [sflag:s15], $0x5000  }
0xc8: {  	[sflag:s15] =	ssyncset.done $0x0  }
0xc9: {  	s1 =	rddreg [dreg:$0x10];
	[sflag:s15] =	ssyncadd.s32 $0xFFFFB000  }
0xca: {  	[hbm4b:s1+s2] =	stream.linear.scatter [tilespmem:s5], [sflag:$0x7], $0x5000, $0x38;
	[tilespmem:$0x16800] =	vst v63  }
0xcb: {  	_ =	swait.ge [sflag:s11], $0x5000  }
0xcc: {  	s1 =	sld [smem:$0x7FC]  }
0xcd: {  	[sflag:s11] =	ssyncset.done $0x0  }
0xce: {  	[sflag:s11] =	ssyncadd.s32 $0xFFFFB000  }
0xcf: {  	[tilespmem:s5], [sflag:$0x3] =	stream.indirect.gather [hbm4b:s3+s10], $0x40, s1, s10, $0xb8;
	[tilespmem:$0x16800] =	vst v63  }
0xd0: {  	_ =	swait.ge [sflag:s16], $0x5000  }
0xd1: {  	[sflag:s16] =	ssyncset.done $0x0  }
0xd2: {  	s1 =	rddreg [dreg:$0x11];
	[sflag:s16] =	ssyncadd.s32 $0xFFFFB000  }
0xd3: {  	[hbm4b:s1+s2] =	stream.linear.scatter [tilespmem:s4], [sflag:$0x8], $0x5000, $0x38;
	[tilespmem:$0x16800] =	vst v63  }
0xd4: {  	_ =	swait.ge [sflag:s12], $0x5000  }
0xd5: {  	s1 =	sld [smem:$0x7FD]  }
0xd6: {  	[sflag:s12] =	ssyncset.done $0x0  }
0xd7: {  	[sflag:s12] =	ssyncadd.s32 $0xFFFFB000  }
0xd8: {  	[tilespmem:s4], [sflag:$0x4] =	stream.indirect.gather [hbm4b:s3+s10], $0x40, s1, s10, $0xb8;
	[tilespmem:$0x16800] =	vst v63  }
0xd9: {  	_ =	swait.ge [sflag:s13], $0x5000  }
0xda: {  	[sflag:s13] =	ssyncset.done $0x0  }
0xdb: {  	s1 =	rddreg [dreg:$0x12];
	[sflag:s13] =	ssyncadd.s32 $0xFFFFB000  }
0xdc: {  	[hbm4b:s1+s2] =	stream.linear.scatter [tilespmem:s8], [sflag:$0x5], $0x5000, $0x38;
	[tilespmem:$0x16800] =	vst v63  }
0xdd: {  	_ =	swait.ge [sflag:s6], $0x5000  }
0xde: {  	[sflag:s6] =	ssyncset.done $0x0  }
0xdf: {  	s1 =	simm.s32 $0x1900;
	[sflag:s6] =	ssyncadd.s32 $0xFFFFB000  }
0xe0: {  	[tilespmem:s8], [sflag:$0x1] =	stream.indirect.gather [hbm4b:s3+s10], $0x40, s1, s10, $0xb8;
	[tilespmem:$0x16800] =	vst v63  }
0xe1: {  	_ =	swait.ge [sflag:s14], $0x5000  }
0xe2: {  	[sflag:s14] =	ssyncset.done $0x0  }
0xe3: {  	s1 =	rddreg [dreg:$0x13];
	[sflag:s14] =	ssyncadd.s32 $0xFFFFB000  }
0xe4: {  	[hbm4b:s1+s2] =	stream.linear.scatter [tilespmem:s7], [sflag:$0x6], $0x5000, $0x38;
	[tilespmem:$0x16800] =	vst v63  }
0xe5: {  	_ =	swait.ge [sflag:s9], $0x5000  }
0xe6: {  	[sflag:s9] =	ssyncset.done $0x0  }
0xe7: {  	[sflag:s9] =	ssyncadd.s32 $0xFFFFB000  }
0xe8: {  	[tilespmem:s7], [sflag:$0x2] =	stream.indirect.gather [hbm4b:s3+s10], $0x40, s29, s10, $0xb8;
	[tilespmem:$0x16800] =	vst v63  }
0xe9: {  	_ =	swait.ge [sflag:s15], $0x5000  }
0xea: {  	[sflag:s15] =	ssyncset.done $0x0  }
0xeb: {  	s1 =	rddreg [dreg:$0x14];
	[sflag:s15] =	ssyncadd.s32 $0xFFFFB000  }
0xec: {  	[hbm4b:s1+s2] =	stream.linear.scatter [tilespmem:s5], [sflag:$0x7], $0x5000, $0x38;
	[tilespmem:$0x16800] =	vst v63  }
0xed: {  	_ =	swait.ge [sflag:s11], $0x5000  }
0xee: {  	[sflag:s11] =	ssyncset.done $0x0  }
0xef: {  	[sflag:s11] =	ssyncadd.s32 $0xFFFFB000  }
0xf0: {  	[tilespmem:s5], [sflag:$0x3] =	stream.indirect.gather [hbm4b:s3+s10], $0x40, s28, s10, $0xb8;
	[tilespmem:$0x16800] =	vst v63  }
0xf1: {  	_ =	swait.ge [sflag:s16], $0x5000  }
0xf2: {  	[sflag:s16] =	ssyncset.done $0x0  }
0xf3: {  	s1 =	rddreg [dreg:$0x15];
	[sflag:s16] =	ssyncadd.s32 $0xFFFFB000  }
0xf4: {  	[hbm4b:s1+s2] =	stream.linear.scatter [tilespmem:s4], [sflag:$0x8], $0x5000, $0x38;
	[tilespmem:$0x16800] =	vst v63  }
0xf5: {  	_ =	swait.ge [sflag:s12], $0x5000  }
0xf6: {  	[sflag:s12] =	ssyncset.done $0x0  }
0xf7: {  	[sflag:s12] =	ssyncadd.s32 $0xFFFFB000  }
0xf8: {  	[tilespmem:s4], [sflag:$0x4] =	stream.indirect.gather [hbm4b:s3+s10], $0x40, s26, s10, $0xb8;
	[tilespmem:$0x16800] =	vst v63  }
0xf9: {  	_ =	swait.ge [sflag:s13], $0x5000  }
0xfa: {  	[sflag:s13] =	ssyncset.done $0x0  }
0xfb: {  	s1 =	rddreg [dreg:$0x16];
	[sflag:s13] =	ssyncadd.s32 $0xFFFFB000  }
0xfc: {  	[hbm4b:s1+s2] =	stream.linear.scatter [tilespmem:s8], [sflag:$0x5], $0x5000, $0x38;
	[tilespmem:$0x16800] =	vst v63  }
0xfd: {  	_ =	swait.ge [sflag:s6], $0x5000  }
0xfe: {  	[sflag:s6] =	ssyncset.done $0x0  }
0xff: {  	[sflag:s6] =	ssyncadd.s32 $0xFFFFB000  }
0x100: {  	[tilespmem:s8], [sflag:$0x1] =	stream.indirect.gather [hbm4b:s3+s10], $0x40, s25, s10, $0xb8;
	[tilespmem:$0x16800] =	vst v63  }
0x101: {  	_ =	swait.ge [sflag:s14], $0x5000  }
0x102: {  	[sflag:s14] =	ssyncset.done $0x0  }
0x103: {  	s1 =	rddreg [dreg:$0x17];
	[sflag:s14] =	ssyncadd.s32 $0xFFFFB000  }
0x104: {  	[hbm4b:s1+s2] =	stream.linear.scatter [tilespmem:s7], [sflag:$0x6], $0x5000, $0x38;
	[tilespmem:$0x16800] =	vst v63  }
0x105: {  	_ =	swait.ge [sflag:s9], $0x5000  }
0x106: {  	[sflag:s9] =	ssyncset.done $0x0  }
0x107: {  	[sflag:s9] =	ssyncadd.s32 $0xFFFFB000  }
0x108: {  	[tilespmem:s7], [sflag:$0x2] =	stream.indirect.gather [hbm4b:s3+s10], $0x40, s24, s10, $0xb8;
	[tilespmem:$0x16800] =	vst v63  }
0x109: {  	_ =	swait.ge [sflag:s15], $0x5000  }
0x10a: {  	[sflag:s15] =	ssyncset.done $0x0  }
0x10b: {  	s1 =	rddreg [dreg:$0x18];
	[sflag:s15] =	ssyncadd.s32 $0xFFFFB000  }
0x10c: {  	[hbm4b:s1+s2] =	stream.linear.scatter [tilespmem:s5], [sflag:$0x7], $0x5000, $0x38;
	[tilespmem:$0x16800] =	vst v63  }
0x10d: {  	_ =	swait.ge [sflag:s11], $0x5000  }
0x10e: {  	[sflag:s11] =	ssyncset.done $0x0  }
0x10f: {  	[sflag:s11] =	ssyncadd.s32 $0xFFFFB000  }
0x110: {  	[tilespmem:s5], [sflag:$0x3] =	stream.indirect.gather [hbm4b:s3+s10], $0x40, s23, s10, $0xb8;
	[tilespmem:$0x16800] =	vst v63  }
0x111: {  	_ =	swait.ge [sflag:s16], $0x5000  }
0x112: {  	[sflag:s16] =	ssyncset.done $0x0  }
0x113: {  	s1 =	rddreg [dreg:$0x19];
	[sflag:s16] =	ssyncadd.s32 $0xFFFFB000  }
0x114: {  	[hbm4b:s1+s2] =	stream.linear.scatter [tilespmem:s4], [sflag:$0x8], $0x5000, $0x38;
	[tilespmem:$0x16800] =	vst v63  }
0x115: {  	_ =	swait.ge [sflag:s12], $0x5000  }
0x116: {  	[sflag:s12] =	ssyncset.done $0x0  }
0x117: {  	[sflag:s12] =	ssyncadd.s32 $0xFFFFB000  }
0x118: {  	[tilespmem:s4], [sflag:$0x4] =	stream.indirect.gather [hbm4b:s3+s10], $0x40, s22, s10, $0xb8;
	[tilespmem:$0x16800] =	vst v63  }
0x119: {  	_ =	swait.ge [sflag:s13], $0x5000  }
0x11a: {  	[sflag:s13] =	ssyncset.done $0x0  }
0x11b: {  	s1 =	rddreg [dreg:$0x1a];
	[sflag:s13] =	ssyncadd.s32 $0xFFFFB000  }
0x11c: {  	[hbm4b:s1+s2] =	stream.linear.scatter [tilespmem:s8], [sflag:$0x5], $0x5000, $0x38;
	[tilespmem:$0x16800] =	vst v63  }
0x11d: {  	_ =	swait.ge [sflag:s6], $0x5000  }
0x11e: {  	[sflag:s6] =	ssyncset.done $0x0  }
0x11f: {  	[sflag:s6] =	ssyncadd.s32 $0xFFFFB000  }
0x120: {  	[tilespmem:s8], [sflag:$0x1] =	stream.indirect.gather [hbm4b:s3+s10], $0x40, s21, s10, $0xb8;
	[tilespmem:$0x16800] =	vst v63  }
0x121: {  	_ =	swait.ge [sflag:s14], $0x5000  }
0x122: {  	[sflag:s14] =	ssyncset.done $0x0  }
0x123: {  	s1 =	rddreg [dreg:$0x1b];
	[sflag:s14] =	ssyncadd.s32 $0xFFFFB000  }
0x124: {  	[hbm4b:s1+s2] =	stream.linear.scatter [tilespmem:s7], [sflag:$0x6], $0x5000, $0x38;
	[tilespmem:$0x16800] =	vst v63  }
0x125: {  	_ =	swait.ge [sflag:s9], $0x5000  }
0x126: {  	[sflag:s9] =	ssyncset.done $0x0  }
0x127: {  	[sflag:s9] =	ssyncadd.s32 $0xFFFFB000  }
0x128: {  	[tilespmem:s7], [sflag:$0x2] =	stream.indirect.gather [hbm4b:s3+s10], $0x40, s20, s10, $0xb8;
	[tilespmem:$0x16800] =	vst v63  }
0x129: {  	_ =	swait.ge [sflag:s15], $0x5000  }
0x12a: {  	[sflag:s15] =	ssyncset.done $0x0  }
0x12b: {  	s1 =	rddreg [dreg:$0x1c];
	[sflag:s15] =	ssyncadd.s32 $0xFFFFB000  }
0x12c: {  	[hbm4b:s1+s2] =	stream.linear.scatter [tilespmem:s5], [sflag:$0x7], $0x5000, $0x38;
	[tilespmem:$0x16800] =	vst v63  }
0x12d: {  	_ =	swait.ge [sflag:s11], $0x5000  }
0x12e: {  	[sflag:s11] =	ssyncset.done $0x0  }
0x12f: {  	[sflag:s11] =	ssyncadd.s32 $0xFFFFB000  }
0x130: {  	[tilespmem:s5], [sflag:$0x3] =	stream.indirect.gather [hbm4b:s3+s10], $0x40, s19, s10, $0xb8;
	[tilespmem:$0x16800] =	vst v63  }
0x131: {  	_ =	swait.ge [sflag:s16], $0x5000  }
0x132: {  	[sflag:s16] =	ssyncset.done $0x0  }
0x133: {  	s1 =	rddreg [dreg:$0x1d];
	[sflag:s16] =	ssyncadd.s32 $0xFFFFB000  }
0x134: {  	[hbm4b:s1+s2] =	stream.linear.scatter [tilespmem:s4], [sflag:$0x8], $0x5000, $0x38;
	[tilespmem:$0x16800] =	vst v63  }
0x135: {  	_ =	swait.ge [sflag:s12], $0x5000  }
0x136: {  	[sflag:s12] =	ssyncset.done $0x0  }
0x137: {  	[sflag:s12] =	ssyncadd.s32 $0xFFFFB000  }
0x138: {  	[tilespmem:s4], [sflag:$0x4] =	stream.indirect.gather [hbm4b:s3+s10], $0x40, s18, s10, $0xb8;
	[tilespmem:$0x16800] =	vst v63  }
0x139: {  	_ =	swait.ge [sflag:s13], $0x5000  }
0x13a: {  	[sflag:s13] =	ssyncset.done $0x0  }
0x13b: {  	s1 =	rddreg [dreg:$0x1e];
	[sflag:s13] =	ssyncadd.s32 $0xFFFFB000  }
0x13c: {  	[hbm4b:s1+s2] =	stream.linear.scatter [tilespmem:s8], [sflag:$0x5], $0x5000, $0x38;
	[tilespmem:$0x16800] =	vst v63  }
0x13d: {  	_ =	swait.ge [sflag:s14], $0x5000  }
0x13e: {  	[sflag:s14] =	ssyncset.done $0x0  }
0x13f: {  	s1 =	rddreg [dreg:$0x1f];
	[sflag:s14] =	ssyncadd.s32 $0xFFFFB000  }
0x140: {  	[hbm4b:s1+s2] =	stream.linear.scatter [tilespmem:s7], [sflag:$0x6], $0x5000, $0x38;
	[tilespmem:$0x16800] =	vst v63  }
0x141: {  	_ =	swait.ge [sflag:s15], $0x5000  }
0x142: {  	s1 =	sld [smem:$0x7EA]  }
0x143: {  	[sflag:s15] =	ssyncset.done $0x0  }
0x144: {  	[sflag:s15] =	ssyncadd.s32 $0xFFFFB000  }
0x145: {  	[hbm4b:s1+s2] =	stream.linear.scatter [tilespmem:s5], [sflag:$0x7], $0x5000, $0x38;
	[tilespmem:$0x16800] =	vst v63  }
0x146: {  	_ =	swait.ge [sflag:s16], $0x5000  }
0x147: {  	s1 =	sld [smem:$0x7EB]  }
0x148: {  	[sflag:s16] =	ssyncset.done $0x0  }
0x149: {  	[sflag:s16] =	ssyncadd.s32 $0xFFFFB000  }
0x14a: {  	[hbm4b:s1+s2] =	stream.linear.scatter [tilespmem:s4], [sflag:$0x8], $0x5000, $0x38;
	[tilespmem:$0x16800] =	vst v63  }
0x14b: {  	_ =	swait.ge [sflag:s6], $0x5000  }
0x14c: {  	[sflag:s6] =	ssyncset.done $0x0  }
0x14d: {  	[sflag:s6] =	ssyncadd.s32 $0xFFFFB000  }
0x14e: {  	_ =	swait.ge [sflag:s9], $0x5000  }
0x14f: {  	[sflag:s9] =	ssyncset.done $0x0  }
0x150: {  	p1 =	sne.s32 s17, $0x1;
	[sflag:s9] =	ssyncadd.s32 $0xFFFFB000  }
.Ltmp1:
0x151: {  	_ =	swait.ge [sflag:s11], $0x5000;
	(pc) =	sbr.rel @!p1 .LBB2_3-.Ltmp1, $4  }
0x152: {  	[sflag:s11] =	ssyncset.done $0x0  }
0x153: {  	[sflag:s11] =	ssyncadd.s32 $0xFFFFB000  }
0x154: {  	p0 =	por $0x1, $0x1;
	_ =	swait.ge [sflag:s12], $0x5000  }
0x155: {  	s1 =	sadd.s32 $0xFFFFFFFF, s17;
	s0 =	rddreg [dreg:$0x2];
	[sflag:s12] =	ssyncset.done $0x0  }
.LBB2_4:
0x156: {  	[sflag:s12] =	ssyncadd.s32 $0xFFFFB000  }
0x157: {  	[tilespmem:s2], [sflag:$0x9] =	stream.linear.gather [hbm4b:s0+s2], $0x2800, $0x38;
	[tilespmem:$0x16800] =	vst v63  }
0x158: {  	_ =	swait.ge [sflag:s31], $0x2800  }
0x159: {  	[sflag:s31] =	ssyncset.done $0x0  }
0x15a: {  	[sflag:s31] =	ssyncadd.s32 $0xFFFFD800  }
0x15b: {  	[tilespmem:s8], [sflag:$0x1] =	stream.indirect.gather [hbm4b:s3+s10], $0x40, s2, s10, $0xb8;
	[tilespmem:$0x16800] =	vst v63  }
0x15c: {  	s0 =	sld [smem:$0x7EC]  }
0x15d: {  	[tilespmem:s7], [sflag:$0x2] =	stream.indirect.gather [hbm4b:s3+s10], $0x40, s10, s10, $0xb8;
	[tilespmem:$0x16800] =	vst v63  }
0x15e: {  	s17 =	sld [smem:$0x7ED]  }
0x15f: {  	[tilespmem:s5], [sflag:$0x3] =	stream.indirect.gather [hbm4b:s3+s10], $0x40, s0, s10, $0xb8;
	[tilespmem:$0x16800] =	vst v63  }
0x160: {  	_ = 	snop  }
0x161: {  	[tilespmem:s4], [sflag:$0x4] =	stream.indirect.gather [hbm4b:s3+s10], $0x40, s17, s10, $0xb8;
	[tilespmem:$0x16800] =	vst v63  }
0x162: {  	_ =	swait.ge [sflag:s13], $0x5000  }
0x163: {  	[sflag:s13] =	ssyncset.done $0x0  }
0x164: {  	[sflag:s13] =	ssyncadd.s32 $0xFFFFB000  }
0x165: {  	[hbm4b:s30+s2] =	stream.linear.scatter [tilespmem:s8], [sflag:$0x5], $0x5000, $0x38;
	[tilespmem:$0x16800] =	vst v63  }
0x166: {  	_ =	swait.ge [sflag:s6], $0x5000  }
0x167: {  	s17 =	sld [smem:$0x7EE]  }
0x168: {  	[sflag:s6] =	ssyncset.done $0x0  }
0x169: {  	[sflag:s6] =	ssyncadd.s32 $0xFFFFB000  }
0x16a: {  	[tilespmem:s8], [sflag:$0x1] =	stream.indirect.gather [hbm4b:s3+s10], $0x40, s17, s10, $0xb8;
	[tilespmem:$0x16800] =	vst v63  }
0x16b: {  	_ =	swait.ge [sflag:s14], $0x5000  }
0x16c: {  	[sflag:s14] =	ssyncset.done $0x0  }
0x16d: {  	s17 =	rddreg [dreg:$0x3];
	[sflag:s14] =	ssyncadd.s32 $0xFFFFB000  }
0x16e: {  	[hbm4b:s17+s2] =	stream.linear.scatter [tilespmem:s7], [sflag:$0x6], $0x5000, $0x38;
	[tilespmem:$0x16800] =	vst v63  }
0x16f: {  	_ =	swait.ge [sflag:s9], $0x5000  }
0x170: {  	s17 =	sld [smem:$0x7EF]  }
0x171: {  	[sflag:s9] =	ssyncset.done $0x0  }
0x172: {  	[sflag:s9] =	ssyncadd.s32 $0xFFFFB000  }
0x173: {  	[tilespmem:s7], [sflag:$0x2] =	stream.indirect.gather [hbm4b:s3+s10], $0x40, s17, s10, $0xb8;
	[tilespmem:$0x16800] =	vst v63  }
0x174: {  	_ =	swait.ge [sflag:s15], $0x5000  }
0x175: {  	[sflag:s15] =	ssyncset.done $0x0  }
0x176: {  	s17 =	rddreg [dreg:$0x4];
	[sflag:s15] =	ssyncadd.s32 $0xFFFFB000  }
0x177: {  	[hbm4b:s17+s2] =	stream.linear.scatter [tilespmem:s5], [sflag:$0x7], $0x5000, $0x38;
	[tilespmem:$0x16800] =	vst v63  }
0x178: {  	_ =	swait.ge [sflag:s11], $0x5000  }
0x179: {  	s17 =	sld [smem:$0x7F0]  }
0x17a: {  	[sflag:s11] =	ssyncset.done $0x0  }
0x17b: {  	[sflag:s11] =	ssyncadd.s32 $0xFFFFB000  }
0x17c: {  	[tilespmem:s5], [sflag:$0x3] =	stream.indirect.gather [hbm4b:s3+s10], $0x40, s17, s10, $0xb8;
	[tilespmem:$0x16800] =	vst v63  }
0x17d: {  	_ =	swait.ge [sflag:s16], $0x5000  }
0x17e: {  	[sflag:s16] =	ssyncset.done $0x0  }
0x17f: {  	s17 =	rddreg [dreg:$0x5];
	[sflag:s16] =	ssyncadd.s32 $0xFFFFB000  }
0x180: {  	[hbm4b:s17+s2] =	stream.linear.scatter [tilespmem:s4], [sflag:$0x8], $0x5000, $0x38;
	[tilespmem:$0x16800] =	vst v63  }
0x181: {  	_ =	swait.ge [sflag:s12], $0x5000  }
0x182: {  	s17 =	sld [smem:$0x7F1]  }
0x183: {  	[sflag:s12] =	ssyncset.done $0x0  }
0x184: {  	[sflag:s12] =	ssyncadd.s32 $0xFFFFB000  }
0x185: {  	[tilespmem:s4], [sflag:$0x4] =	stream.indirect.gather [hbm4b:s3+s10], $0x40, s17, s10, $0xb8;
	[tilespmem:$0x16800] =	vst v63  }
0x186: {  	_ =	swait.ge [sflag:s13], $0x5000  }
0x187: {  	[sflag:s13] =	ssyncset.done $0x0  }
0x188: {  	s17 =	rddreg [dreg:$0x6];
	[sflag:s13] =	ssyncadd.s32 $0xFFFFB000  }
0x189: {  	[hbm4b:s17+s2] =	stream.linear.scatter [tilespmem:s8], [sflag:$0x5], $0x5000, $0x38;
	[tilespmem:$0x16800] =	vst v63  }
0x18a: {  	_ =	swait.ge [sflag:s6], $0x5000  }
0x18b: {  	s17 =	sld [smem:$0x7F2]  }
0x18c: {  	[sflag:s6] =	ssyncset.done $0x0  }
0x18d: {  	[sflag:s6] =	ssyncadd.s32 $0xFFFFB000  }
0x18e: {  	[tilespmem:s8], [sflag:$0x1] =	stream.indirect.gather [hbm4b:s3+s10], $0x40, s17, s10, $0xb8;
	[tilespmem:$0x16800] =	vst v63  }
0x18f: {  	_ =	swait.ge [sflag:s14], $0x5000  }
0x190: {  	[sflag:s14] =	ssyncset.done $0x0  }
0x191: {  	s17 =	rddreg [dreg:$0x7];
	[sflag:s14] =	ssyncadd.s32 $0xFFFFB000  }
0x192: {  	[hbm4b:s17+s2] =	stream.linear.scatter [tilespmem:s7], [sflag:$0x6], $0x5000, $0x38;
	[tilespmem:$0x16800] =	vst v63  }
0x193: {  	_ =	swait.ge [sflag:s9], $0x5000  }
0x194: {  	s17 =	sld [smem:$0x7F3]  }
0x195: {  	[sflag:s9] =	ssyncset.done $0x0  }
0x196: {  	[sflag:s9] =	ssyncadd.s32 $0xFFFFB000  }
0x197: {  	[tilespmem:s7], [sflag:$0x2] =	stream.indirect.gather [hbm4b:s3+s10], $0x40, s17, s10, $0xb8;
	[tilespmem:$0x16800] =	vst v63  }
0x198: {  	_ =	swait.ge [sflag:s15], $0x5000  }
0x199: {  	[sflag:s15] =	ssyncset.done $0x0  }
0x19a: {  	s17 =	rddreg [dreg:$0x8];
	[sflag:s15] =	ssyncadd.s32 $0xFFFFB000  }
0x19b: {  	[hbm4b:s17+s2] =	stream.linear.scatter [tilespmem:s5], [sflag:$0x7], $0x5000, $0x38;
	[tilespmem:$0x16800] =	vst v63  }
0x19c: {  	_ =	swait.ge [sflag:s11], $0x5000  }
0x19d: {  	s17 =	sld [smem:$0x7F4]  }
0x19e: {  	[sflag:s11] =	ssyncset.done $0x0  }
0x19f: {  	[sflag:s11] =	ssyncadd.s32 $0xFFFFB000  }
0x1a0: {  	[tilespmem:s5], [sflag:$0x3] =	stream.indirect.gather [hbm4b:s3+s10], $0x40, s17, s10, $0xb8;
	[tilespmem:$0x16800] =	vst v63  }
0x1a1: {  	_ =	swait.ge [sflag:s16], $0x5000  }
0x1a2: {  	[sflag:s16] =	ssyncset.done $0x0  }
0x1a3: {  	s17 =	rddreg [dreg:$0x9];
	[sflag:s16] =	ssyncadd.s32 $0xFFFFB000  }
0x1a4: {  	[hbm4b:s17+s2] =	stream.linear.scatter [tilespmem:s4], [sflag:$0x8], $0x5000, $0x38;
	[tilespmem:$0x16800] =	vst v63  }
0x1a5: {  	_ =	swait.ge [sflag:s12], $0x5000  }
0x1a6: {  	s17 =	sld [smem:$0x7F5]  }
0x1a7: {  	[sflag:s12] =	ssyncset.done $0x0  }
0x1a8: {  	[sflag:s12] =	ssyncadd.s32 $0xFFFFB000  }
0x1a9: {  	[tilespmem:s4], [sflag:$0x4] =	stream.indirect.gather [hbm4b:s3+s10], $0x40, s17, s10, $0xb8;
	[tilespmem:$0x16800] =	vst v63  }
0x1aa: {  	_ =	swait.ge [sflag:s13], $0x5000  }
0x1ab: {  	[sflag:s13] =	ssyncset.done $0x0  }
0x1ac: {  	s17 =	rddreg [dreg:$0xa];
	[sflag:s13] =	ssyncadd.s32 $0xFFFFB000  }
0x1ad: {  	[hbm4b:s17+s2] =	stream.linear.scatter [tilespmem:s8], [sflag:$0x5], $0x5000, $0x38;
	[tilespmem:$0x16800] =	vst v63  }
0x1ae: {  	_ =	swait.ge [sflag:s6], $0x5000  }
0x1af: {  	s17 =	sld [smem:$0x7F6]  }
0x1b0: {  	[sflag:s6] =	ssyncset.done $0x0  }
0x1b1: {  	[sflag:s6] =	ssyncadd.s32 $0xFFFFB000  }
0x1b2: {  	[tilespmem:s8], [sflag:$0x1] =	stream.indirect.gather [hbm4b:s3+s10], $0x40, s17, s10, $0xb8;
	[tilespmem:$0x16800] =	vst v63  }
0x1b3: {  	_ =	swait.ge [sflag:s14], $0x5000  }
0x1b4: {  	[sflag:s14] =	ssyncset.done $0x0  }
0x1b5: {  	s17 =	rddreg [dreg:$0xb];
	[sflag:s14] =	ssyncadd.s32 $0xFFFFB000  }
0x1b6: {  	[hbm4b:s17+s2] =	stream.linear.scatter [tilespmem:s7], [sflag:$0x6], $0x5000, $0x38;
	[tilespmem:$0x16800] =	vst v63  }
0x1b7: {  	_ =	swait.ge [sflag:s9], $0x5000  }
0x1b8: {  	s17 =	sld [smem:$0x7F7]  }
0x1b9: {  	[sflag:s9] =	ssyncset.done $0x0  }
0x1ba: {  	[sflag:s9] =	ssyncadd.s32 $0xFFFFB000  }
0x1bb: {  	[tilespmem:s7], [sflag:$0x2] =	stream.indirect.gather [hbm4b:s3+s10], $0x40, s17, s10, $0xb8;
	[tilespmem:$0x16800] =	vst v63  }
0x1bc: {  	_ =	swait.ge [sflag:s15], $0x5000  }
0x1bd: {  	[sflag:s15] =	ssyncset.done $0x0  }
0x1be: {  	s17 =	rddreg [dreg:$0xc];
	[sflag:s15] =	ssyncadd.s32 $0xFFFFB000  }
0x1bf: {  	[hbm4b:s17+s2] =	stream.linear.scatter [tilespmem:s5], [sflag:$0x7], $0x5000, $0x38;
	[tilespmem:$0x16800] =	vst v63  }
0x1c0: {  	_ =	swait.ge [sflag:s11], $0x5000  }
0x1c1: {  	s17 =	sld [smem:$0x7F8]  }
0x1c2: {  	[sflag:s11] =	ssyncset.done $0x0  }
0x1c3: {  	[sflag:s11] =	ssyncadd.s32 $0xFFFFB000  }
0x1c4: {  	[tilespmem:s5], [sflag:$0x3] =	stream.indirect.gather [hbm4b:s3+s10], $0x40, s17, s10, $0xb8;
	[tilespmem:$0x16800] =	vst v63  }
0x1c5: {  	_ =	swait.ge [sflag:s16], $0x5000  }
0x1c6: {  	[sflag:s16] =	ssyncset.done $0x0  }
0x1c7: {  	s17 =	rddreg [dreg:$0xd];
	[sflag:s16] =	ssyncadd.s32 $0xFFFFB000  }
0x1c8: {  	[hbm4b:s17+s2] =	stream.linear.scatter [tilespmem:s4], [sflag:$0x8], $0x5000, $0x38;
	[tilespmem:$0x16800] =	vst v63  }
0x1c9: {  	_ =	swait.ge [sflag:s12], $0x5000  }
0x1ca: {  	s17 =	sld [smem:$0x7F9]  }
0x1cb: {  	[sflag:s12] =	ssyncset.done $0x0  }
0x1cc: {  	[sflag:s12] =	ssyncadd.s32 $0xFFFFB000  }
0x1cd: {  	[tilespmem:s4], [sflag:$0x4] =	stream.indirect.gather [hbm4b:s3+s10], $0x40, s17, s10, $0xb8;
	[tilespmem:$0x16800] =	vst v63  }
0x1ce: {  	_ =	swait.ge [sflag:s13], $0x5000  }
0x1cf: {  	[sflag:s13] =	ssyncset.done $0x0  }
0x1d0: {  	s17 =	rddreg [dreg:$0xe];
	[sflag:s13] =	ssyncadd.s32 $0xFFFFB000  }
0x1d1: {  	[hbm4b:s17+s2] =	stream.linear.scatter [tilespmem:s8], [sflag:$0x5], $0x5000, $0x38;
	[tilespmem:$0x16800] =	vst v63  }
0x1d2: {  	_ =	swait.ge [sflag:s6], $0x5000  }
0x1d3: {  	s17 =	sld [smem:$0x7FA]  }
0x1d4: {  	[sflag:s6] =	ssyncset.done $0x0  }
0x1d5: {  	[sflag:s6] =	ssyncadd.s32 $0xFFFFB000  }
0x1d6: {  	[tilespmem:s8], [sflag:$0x1] =	stream.indirect.gather [hbm4b:s3+s10], $0x40, s17, s10, $0xb8;
	[tilespmem:$0x16800] =	vst v63  }
0x1d7: {  	_ =	swait.ge [sflag:s14], $0x5000  }
0x1d8: {  	[sflag:s14] =	ssyncset.done $0x0  }
0x1d9: {  	s17 =	rddreg [dreg:$0xf];
	[sflag:s14] =	ssyncadd.s32 $0xFFFFB000  }
0x1da: {  	[hbm4b:s17+s2] =	stream.linear.scatter [tilespmem:s7], [sflag:$0x6], $0x5000, $0x38;
	[tilespmem:$0x16800] =	vst v63  }
0x1db: {  	_ =	swait.ge [sflag:s9], $0x5000  }
0x1dc: {  	s17 =	sld [smem:$0x7FB]  }
0x1dd: {  	[sflag:s9] =	ssyncset.done $0x0  }
0x1de: {  	[sflag:s9] =	ssyncadd.s32 $0xFFFFB000  }
0x1df: {  	[tilespmem:s7], [sflag:$0x2] =	stream.indirect.gather [hbm4b:s3+s10], $0x40, s17, s10, $0xb8;
	[tilespmem:$0x16800] =	vst v63  }
0x1e0: {  	_ =	swait.ge [sflag:s15], $0x5000  }
0x1e1: {  	[sflag:s15] =	ssyncset.done $0x0  }
0x1e2: {  	s17 =	rddreg [dreg:$0x10];
	[sflag:s15] =	ssyncadd.s32 $0xFFFFB000  }
0x1e3: {  	[hbm4b:s17+s2] =	stream.linear.scatter [tilespmem:s5], [sflag:$0x7], $0x5000, $0x38;
	[tilespmem:$0x16800] =	vst v63  }
0x1e4: {  	_ =	swait.ge [sflag:s11], $0x5000  }
0x1e5: {  	s17 =	sld [smem:$0x7FC]  }
0x1e6: {  	[sflag:s11] =	ssyncset.done $0x0  }
0x1e7: {  	[sflag:s11] =	ssyncadd.s32 $0xFFFFB000  }
0x1e8: {  	[tilespmem:s5], [sflag:$0x3] =	stream.indirect.gather [hbm4b:s3+s10], $0x40, s17, s10, $0xb8;
	[tilespmem:$0x16800] =	vst v63  }
0x1e9: {  	_ =	swait.ge [sflag:s16], $0x5000  }
0x1ea: {  	[sflag:s16] =	ssyncset.done $0x0  }
0x1eb: {  	s17 =	rddreg [dreg:$0x11];
	[sflag:s16] =	ssyncadd.s32 $0xFFFFB000  }
0x1ec: {  	[hbm4b:s17+s2] =	stream.linear.scatter [tilespmem:s4], [sflag:$0x8], $0x5000, $0x38;
	[tilespmem:$0x16800] =	vst v63  }
0x1ed: {  	_ =	swait.ge [sflag:s12], $0x5000  }
0x1ee: {  	s17 =	sld [smem:$0x7FD]  }
0x1ef: {  	[sflag:s12] =	ssyncset.done $0x0  }
0x1f0: {  	[sflag:s12] =	ssyncadd.s32 $0xFFFFB000  }
0x1f1: {  	[tilespmem:s4], [sflag:$0x4] =	stream.indirect.gather [hbm4b:s3+s10], $0x40, s17, s10, $0xb8;
	[tilespmem:$0x16800] =	vst v63  }
0x1f2: {  	_ =	swait.ge [sflag:s13], $0x5000  }
0x1f3: {  	[sflag:s13] =	ssyncset.done $0x0  }
0x1f4: {  	s17 =	rddreg [dreg:$0x12];
	[sflag:s13] =	ssyncadd.s32 $0xFFFFB000  }
0x1f5: {  	[hbm4b:s17+s2] =	stream.linear.scatter [tilespmem:s8], [sflag:$0x5], $0x5000, $0x38;
	[tilespmem:$0x16800] =	vst v63  }
0x1f6: {  	_ =	swait.ge [sflag:s6], $0x5000  }
0x1f7: {  	[sflag:s6] =	ssyncset.done $0x0  }
0x1f8: {  	s17 =	simm.s32 $0x1900;
	[sflag:s6] =	ssyncadd.s32 $0xFFFFB000  }
0x1f9: {  	[tilespmem:s8], [sflag:$0x1] =	stream.indirect.gather [hbm4b:s3+s10], $0x40, s17, s10, $0xb8;
	[tilespmem:$0x16800] =	vst v63  }
0x1fa: {  	_ =	swait.ge [sflag:s14], $0x5000  }
0x1fb: {  	[sflag:s14] =	ssyncset.done $0x0  }
0x1fc: {  	s17 =	rddreg [dreg:$0x13];
	[sflag:s14] =	ssyncadd.s32 $0xFFFFB000  }
0x1fd: {  	[hbm4b:s17+s2] =	stream.linear.scatter [tilespmem:s7], [sflag:$0x6], $0x5000, $0x38;
	[tilespmem:$0x16800] =	vst v63  }
0x1fe: {  	_ =	swait.ge [sflag:s9], $0x5000  }
0x1ff: {  	[sflag:s9] =	ssyncset.done $0x0  }
0x200: {  	[sflag:s9] =	ssyncadd.s32 $0xFFFFB000  }
0x201: {  	[tilespmem:s7], [sflag:$0x2] =	stream.indirect.gather [hbm4b:s3+s10], $0x40, s29, s10, $0xb8;
	[tilespmem:$0x16800] =	vst v63  }
0x202: {  	_ =	swait.ge [sflag:s15], $0x5000  }
0x203: {  	[sflag:s15] =	ssyncset.done $0x0  }
0x204: {  	s17 =	rddreg [dreg:$0x14];
	[sflag:s15] =	ssyncadd.s32 $0xFFFFB000  }
0x205: {  	[hbm4b:s17+s2] =	stream.linear.scatter [tilespmem:s5], [sflag:$0x7], $0x5000, $0x38;
	[tilespmem:$0x16800] =	vst v63  }
0x206: {  	_ =	swait.ge [sflag:s11], $0x5000  }
0x207: {  	[sflag:s11] =	ssyncset.done $0x0  }
0x208: {  	[sflag:s11] =	ssyncadd.s32 $0xFFFFB000  }
0x209: {  	[tilespmem:s5], [sflag:$0x3] =	stream.indirect.gather [hbm4b:s3+s10], $0x40, s28, s10, $0xb8;
	[tilespmem:$0x16800] =	vst v63  }
0x20a: {  	_ =	swait.ge [sflag:s16], $0x5000  }
0x20b: {  	[sflag:s16] =	ssyncset.done $0x0  }
0x20c: {  	s17 =	rddreg [dreg:$0x15];
	[sflag:s16] =	ssyncadd.s32 $0xFFFFB000  }
0x20d: {  	[hbm4b:s17+s2] =	stream.linear.scatter [tilespmem:s4], [sflag:$0x8], $0x5000, $0x38;
	[tilespmem:$0x16800] =	vst v63  }
0x20e: {  	_ =	swait.ge [sflag:s12], $0x5000  }
0x20f: {  	[sflag:s12] =	ssyncset.done $0x0  }
0x210: {  	[sflag:s12] =	ssyncadd.s32 $0xFFFFB000  }
0x211: {  	[tilespmem:s4], [sflag:$0x4] =	stream.indirect.gather [hbm4b:s3+s10], $0x40, s26, s10, $0xb8;
	[tilespmem:$0x16800] =	vst v63  }
0x212: {  	_ =	swait.ge [sflag:s13], $0x5000  }
0x213: {  	[sflag:s13] =	ssyncset.done $0x0  }
0x214: {  	s17 =	rddreg [dreg:$0x16];
	[sflag:s13] =	ssyncadd.s32 $0xFFFFB000  }
0x215: {  	[hbm4b:s17+s2] =	stream.linear.scatter [tilespmem:s8], [sflag:$0x5], $0x5000, $0x38;
	[tilespmem:$0x16800] =	vst v63  }
0x216: {  	_ =	swait.ge [sflag:s6], $0x5000  }
0x217: {  	[sflag:s6] =	ssyncset.done $0x0  }
0x218: {  	[sflag:s6] =	ssyncadd.s32 $0xFFFFB000  }
0x219: {  	[tilespmem:s8], [sflag:$0x1] =	stream.indirect.gather [hbm4b:s3+s10], $0x40, s25, s10, $0xb8;
	[tilespmem:$0x16800] =	vst v63  }
0x21a: {  	_ =	swait.ge [sflag:s14], $0x5000  }
0x21b: {  	[sflag:s14] =	ssyncset.done $0x0  }
0x21c: {  	s17 =	rddreg [dreg:$0x17];
	[sflag:s14] =	ssyncadd.s32 $0xFFFFB000  }
0x21d: {  	[hbm4b:s17+s2] =	stream.linear.scatter [tilespmem:s7], [sflag:$0x6], $0x5000, $0x38;
	[tilespmem:$0x16800] =	vst v63  }
0x21e: {  	_ =	swait.ge [sflag:s9], $0x5000  }
0x21f: {  	[sflag:s9] =	ssyncset.done $0x0  }
0x220: {  	[sflag:s9] =	ssyncadd.s32 $0xFFFFB000  }
0x221: {  	[tilespmem:s7], [sflag:$0x2] =	stream.indirect.gather [hbm4b:s3+s10], $0x40, s24, s10, $0xb8;
	[tilespmem:$0x16800] =	vst v63  }
0x222: {  	_ =	swait.ge [sflag:s15], $0x5000  }
0x223: {  	[sflag:s15] =	ssyncset.done $0x0  }
0x224: {  	s17 =	rddreg [dreg:$0x18];
	[sflag:s15] =	ssyncadd.s32 $0xFFFFB000  }
0x225: {  	[hbm4b:s17+s2] =	stream.linear.scatter [tilespmem:s5], [sflag:$0x7], $0x5000, $0x38;
	[tilespmem:$0x16800] =	vst v63  }
0x226: {  	_ =	swait.ge [sflag:s11], $0x5000  }
0x227: {  	[sflag:s11] =	ssyncset.done $0x0  }
0x228: {  	[sflag:s11] =	ssyncadd.s32 $0xFFFFB000  }
0x229: {  	[tilespmem:s5], [sflag:$0x3] =	stream.indirect.gather [hbm4b:s3+s10], $0x40, s23, s10, $0xb8;
	[tilespmem:$0x16800] =	vst v63  }
0x22a: {  	_ =	swait.ge [sflag:s16], $0x5000  }
0x22b: {  	[sflag:s16] =	ssyncset.done $0x0  }
0x22c: {  	s17 =	rddreg [dreg:$0x19];
	[sflag:s16] =	ssyncadd.s32 $0xFFFFB000  }
0x22d: {  	[hbm4b:s17+s2] =	stream.linear.scatter [tilespmem:s4], [sflag:$0x8], $0x5000, $0x38;
	[tilespmem:$0x16800] =	vst v63  }
0x22e: {  	_ =	swait.ge [sflag:s12], $0x5000  }
0x22f: {  	[sflag:s12] =	ssyncset.done $0x0  }
0x230: {  	[sflag:s12] =	ssyncadd.s32 $0xFFFFB000  }
0x231: {  	[tilespmem:s4], [sflag:$0x4] =	stream.indirect.gather [hbm4b:s3+s10], $0x40, s22, s10, $0xb8;
	[tilespmem:$0x16800] =	vst v63  }
0x232: {  	_ =	swait.ge [sflag:s13], $0x5000  }
0x233: {  	[sflag:s13] =	ssyncset.done $0x0  }
0x234: {  	s17 =	rddreg [dreg:$0x1a];
	[sflag:s13] =	ssyncadd.s32 $0xFFFFB000  }
0x235: {  	[hbm4b:s17+s2] =	stream.linear.scatter [tilespmem:s8], [sflag:$0x5], $0x5000, $0x38;
	[tilespmem:$0x16800] =	vst v63  }
0x236: {  	_ =	swait.ge [sflag:s6], $0x5000  }
0x237: {  	[sflag:s6] =	ssyncset.done $0x0  }
0x238: {  	[sflag:s6] =	ssyncadd.s32 $0xFFFFB000  }
0x239: {  	[tilespmem:s8], [sflag:$0x1] =	stream.indirect.gather [hbm4b:s3+s10], $0x40, s21, s10, $0xb8;
	[tilespmem:$0x16800] =	vst v63  }
0x23a: {  	_ =	swait.ge [sflag:s14], $0x5000  }
0x23b: {  	[sflag:s14] =	ssyncset.done $0x0  }
0x23c: {  	s17 =	rddreg [dreg:$0x1b];
	[sflag:s14] =	ssyncadd.s32 $0xFFFFB000  }
0x23d: {  	[hbm4b:s17+s2] =	stream.linear.scatter [tilespmem:s7], [sflag:$0x6], $0x5000, $0x38;
	[tilespmem:$0x16800] =	vst v63  }
0x23e: {  	_ =	swait.ge [sflag:s9], $0x5000  }
0x23f: {  	[sflag:s9] =	ssyncset.done $0x0  }
0x240: {  	[sflag:s9] =	ssyncadd.s32 $0xFFFFB000  }
0x241: {  	[tilespmem:s7], [sflag:$0x2] =	stream.indirect.gather [hbm4b:s3+s10], $0x40, s20, s10, $0xb8;
	[tilespmem:$0x16800] =	vst v63  }
0x242: {  	_ =	swait.ge [sflag:s15], $0x5000  }
0x243: {  	[sflag:s15] =	ssyncset.done $0x0  }
0x244: {  	s17 =	rddreg [dreg:$0x1c];
	[sflag:s15] =	ssyncadd.s32 $0xFFFFB000  }
0x245: {  	[hbm4b:s17+s2] =	stream.linear.scatter [tilespmem:s5], [sflag:$0x7], $0x5000, $0x38;
	[tilespmem:$0x16800] =	vst v63  }
0x246: {  	_ =	swait.ge [sflag:s11], $0x5000  }
0x247: {  	[sflag:s11] =	ssyncset.done $0x0  }
0x248: {  	[sflag:s11] =	ssyncadd.s32 $0xFFFFB000  }
0x249: {  	[tilespmem:s5], [sflag:$0x3] =	stream.indirect.gather [hbm4b:s3+s10], $0x40, s19, s10, $0xb8;
	[tilespmem:$0x16800] =	vst v63  }
0x24a: {  	_ =	swait.ge [sflag:s16], $0x5000  }
0x24b: {  	[sflag:s16] =	ssyncset.done $0x0  }
0x24c: {  	s17 =	rddreg [dreg:$0x1d];
	[sflag:s16] =	ssyncadd.s32 $0xFFFFB000  }
0x24d: {  	[hbm4b:s17+s2] =	stream.linear.scatter [tilespmem:s4], [sflag:$0x8], $0x5000, $0x38;
	[tilespmem:$0x16800] =	vst v63  }
0x24e: {  	_ =	swait.ge [sflag:s12], $0x5000  }
0x24f: {  	[sflag:s12] =	ssyncset.done $0x0  }
0x250: {  	[sflag:s12] =	ssyncadd.s32 $0xFFFFB000  }
0x251: {  	[tilespmem:s4], [sflag:$0x4] =	stream.indirect.gather [hbm4b:s3+s10], $0x40, s18, s10, $0xb8;
	[tilespmem:$0x16800] =	vst v63  }
0x252: {  	_ =	swait.ge [sflag:s13], $0x5000  }
0x253: {  	[sflag:s13] =	ssyncset.done $0x0  }
0x254: {  	s17 =	rddreg [dreg:$0x1e];
	[sflag:s13] =	ssyncadd.s32 $0xFFFFB000  }
0x255: {  	[hbm4b:s17+s2] =	stream.linear.scatter [tilespmem:s8], [sflag:$0x5], $0x5000, $0x38;
	[tilespmem:$0x16800] =	vst v63  }
0x256: {  	_ =	swait.ge [sflag:s14], $0x5000  }
0x257: {  	[sflag:s14] =	ssyncset.done $0x0  }
0x258: {  	s17 =	rddreg [dreg:$0x1f];
	[sflag:s14] =	ssyncadd.s32 $0xFFFFB000  }
0x259: {  	[hbm4b:s17+s2] =	stream.linear.scatter [tilespmem:s7], [sflag:$0x6], $0x5000, $0x38;
	[tilespmem:$0x16800] =	vst v63  }
0x25a: {  	_ =	swait.ge [sflag:s15], $0x5000  }
0x25b: {  	s17 =	sld [smem:$0x7EA]  }
0x25c: {  	[sflag:s15] =	ssyncset.done $0x0  }
0x25d: {  	[sflag:s15] =	ssyncadd.s32 $0xFFFFB000  }
0x25e: {  	[hbm4b:s17+s2] =	stream.linear.scatter [tilespmem:s5], [sflag:$0x7], $0x5000, $0x38;
	[tilespmem:$0x16800] =	vst v63  }
0x25f: {  	_ =	swait.ge [sflag:s16], $0x5000  }
0x260: {  	s17 =	sld [smem:$0x7EB]  }
0x261: {  	[sflag:s16] =	ssyncset.done $0x0  }
0x262: {  	[sflag:s16] =	ssyncadd.s32 $0xFFFFB000  }
0x263: {  	[hbm4b:s17+s2] =	stream.linear.scatter [tilespmem:s4], [sflag:$0x8], $0x5000, $0x38;
	[tilespmem:$0x16800] =	vst v63  }
0x264: {  	_ =	swait.ge [sflag:s6], $0x5000  }
0x265: {  	[sflag:s6] =	ssyncset.done $0x0  }
0x266: {  	[sflag:s6] =	ssyncadd.s32 $0xFFFFB000  }
0x267: {  	_ =	swait.ge [sflag:s9], $0x5000  }
0x268: {  	[sflag:s9] =	ssyncset.done $0x0  }
0x269: {  	p1 =	sne.s32 s1, $0x1;
	[sflag:s9] =	ssyncadd.s32 $0xFFFFB000  }
.Ltmp2:
0x26a: {  	_ =	swait.ge [sflag:s11], $0x5000;
	(pc) =	sbr.rel @p1 .LBB2_4-.Ltmp2, $4  }
0x26b: {  	[sflag:s11] =	ssyncset.done $0x0  }
0x26c: {  	[sflag:s11] =	ssyncadd.s32 $0xFFFFB000  }
0x26d: {  	_ =	swait.ge [sflag:s12], $0x5000  }
0x26e: {  	s1 =	sadd.s32 $0xFFFFFFFF, s1;
	s0 =	rddreg [dreg:$0x2];
	[sflag:s12] =	ssyncset.done $0x0  }
0x26f: {  	s18 =	simm.s32 $0x1900;
	s29 =	simm.s32 $0x1A40;
	s28 =	simm.s32 $0x1B80  }
0x270: {  	s26 =	simm.s32 $0x1CC0;
	s25 =	simm.s32 $0x1E00;
	s24 =	simm.s32 $0x1F40  }
0x271: {  	s23 =	simm.s32 $0x2080;
	s22 =	simm.s32 $0x21C0;
	s21 =	simm.s32 $0x2300  }
0x272: {  	s20 =	simm.s32 $0x2440;
	s19 =	simm.s32 $0x2580;
	s17 =	stileid.u32  }
.LBB2_6:
0x273: {  	[sflag:s12] =	ssyncadd.s32 @p0 $0xFFFFB000  }
0x274: {  	[tilespmem:s2], [sflag:$0x9] =	stream.linear.gather [hbm4b:s0+s2], $0x2800, $0x38;
	[tilespmem:$0x16800] =	vst v63  }
0x275: {  	_ =	swait.ge [sflag:s31], $0x2800  }
0x276: {  	[sflag:s31] =	ssyncset.done $0x0  }
0x277: {  	[sflag:s31] =	ssyncadd.s32 $0xFFFFD800  }
0x278: {  	[tilespmem:s8], [sflag:$0x1] =	stream.indirect.gather [hbm4b:s3+s10], $0x40, s2, s10, $0xb8;
	[tilespmem:$0x16800] =	vst v63  }
0x279: {  	s31 =	sld [smem:$0x7EC]  }
0x27a: {  	[tilespmem:s7], [sflag:$0x2] =	stream.indirect.gather [hbm4b:s3+s10], $0x40, s10, s10, $0xb8;
	[tilespmem:$0x16800] =	vst v63  }
0x27b: {  	s1 =	sld [smem:$0x7ED]  }
0x27c: {  	[tilespmem:s5], [sflag:$0x3] =	stream.indirect.gather [hbm4b:s3+s10], $0x40, s31, s10, $0xb8;
	[tilespmem:$0x16800] =	vst v63  }
0x27d: {  	_ = 	snop  }
0x27e: {  	[tilespmem:s4], [sflag:$0x4] =	stream.indirect.gather [hbm4b:s3+s10], $0x40, s1, s10, $0xb8;
	[tilespmem:$0x16800] =	vst v63  }
0x27f: {  	_ =	swait.ge [sflag:s13], $0x5000  }
0x280: {  	[sflag:s13] =	ssyncset.done $0x0  }
0x281: {  	[sflag:s13] =	ssyncadd.s32 $0xFFFFB000  }
0x282: {  	[hbm4b:s30+s2] =	stream.linear.scatter [tilespmem:s8], [sflag:$0x5], $0x5000, $0x38;
	[tilespmem:$0x16800] =	vst v63  }
0x283: {  	_ =	swait.ge [sflag:s6], $0x5000  }
0x284: {  	s30 =	sld [smem:$0x7EE]  }
0x285: {  	[sflag:s6] =	ssyncset.done $0x0  }
0x286: {  	[sflag:s6] =	ssyncadd.s32 $0xFFFFB000  }
0x287: {  	[tilespmem:s8], [sflag:$0x1] =	stream.indirect.gather [hbm4b:s3+s10], $0x40, s30, s10, $0xb8;
	[tilespmem:$0x16800] =	vst v63  }
0x288: {  	_ =	swait.ge [sflag:s14], $0x5000  }
0x289: {  	[sflag:s14] =	ssyncset.done $0x0  }
0x28a: {  	s31 =	rddreg [dreg:$0x3];
	[sflag:s14] =	ssyncadd.s32 $0xFFFFB000  }
0x28b: {  	[hbm4b:s31+s2] =	stream.linear.scatter [tilespmem:s7], [sflag:$0x6], $0x5000, $0x38;
	[tilespmem:$0x16800] =	vst v63  }
0x28c: {  	_ =	swait.ge [sflag:s9], $0x5000  }
0x28d: {  	s1 =	sld [smem:$0x7EF]  }
0x28e: {  	[sflag:s9] =	ssyncset.done $0x0  }
0x28f: {  	[sflag:s9] =	ssyncadd.s32 $0xFFFFB000  }
0x290: {  	[tilespmem:s7], [sflag:$0x2] =	stream.indirect.gather [hbm4b:s3+s10], $0x40, s1, s10, $0xb8;
	[tilespmem:$0x16800] =	vst v63  }
0x291: {  	_ =	swait.ge [sflag:s15], $0x5000  }
0x292: {  	[sflag:s15] =	ssyncset.done $0x0  }
0x293: {  	s30 =	rddreg [dreg:$0x4];
	[sflag:s15] =	ssyncadd.s32 $0xFFFFB000  }
0x294: {  	[hbm4b:s30+s2] =	stream.linear.scatter [tilespmem:s5], [sflag:$0x7], $0x5000, $0x38;
	[tilespmem:$0x16800] =	vst v63  }
0x295: {  	_ =	swait.ge [sflag:s11], $0x5000  }
0x296: {  	s31 =	sld [smem:$0x7F0]  }
0x297: {  	[sflag:s11] =	ssyncset.done $0x0  }
0x298: {  	[sflag:s11] =	ssyncadd.s32 $0xFFFFB000  }
0x299: {  	[tilespmem:s5], [sflag:$0x3] =	stream.indirect.gather [hbm4b:s3+s10], $0x40, s31, s10, $0xb8;
	[tilespmem:$0x16800] =	vst v63  }
0x29a: {  	_ =	swait.ge [sflag:s16], $0x5000  }
0x29b: {  	[sflag:s16] =	ssyncset.done $0x0  }
0x29c: {  	s1 =	rddreg [dreg:$0x5];
	[sflag:s16] =	ssyncadd.s32 $0xFFFFB000  }
0x29d: {  	[hbm4b:s1+s2] =	stream.linear.scatter [tilespmem:s4], [sflag:$0x8], $0x5000, $0x38;
	[tilespmem:$0x16800] =	vst v63  }
0x29e: {  	_ =	swait.ge [sflag:s12], $0x5000  }
0x29f: {  	s30 =	sld [smem:$0x7F1]  }
0x2a0: {  	[sflag:s12] =	ssyncset.done $0x0  }
0x2a1: {  	[sflag:s12] =	ssyncadd.s32 $0xFFFFB000  }
0x2a2: {  	[tilespmem:s4], [sflag:$0x4] =	stream.indirect.gather [hbm4b:s3+s10], $0x40, s30, s10, $0xb8;
	[tilespmem:$0x16800] =	vst v63  }
0x2a3: {  	_ =	swait.ge [sflag:s13], $0x5000  }
0x2a4: {  	[sflag:s13] =	ssyncset.done $0x0  }
0x2a5: {  	s31 =	rddreg [dreg:$0x6];
	[sflag:s13] =	ssyncadd.s32 $0xFFFFB000  }
0x2a6: {  	[hbm4b:s31+s2] =	stream.linear.scatter [tilespmem:s8], [sflag:$0x5], $0x5000, $0x38;
	[tilespmem:$0x16800] =	vst v63  }
0x2a7: {  	_ =	swait.ge [sflag:s6], $0x5000  }
0x2a8: {  	s1 =	sld [smem:$0x7F2]  }
0x2a9: {  	[sflag:s6] =	ssyncset.done $0x0  }
0x2aa: {  	[sflag:s6] =	ssyncadd.s32 $0xFFFFB000  }
0x2ab: {  	[tilespmem:s8], [sflag:$0x1] =	stream.indirect.gather [hbm4b:s3+s10], $0x40, s1, s10, $0xb8;
	[tilespmem:$0x16800] =	vst v63  }
0x2ac: {  	_ =	swait.ge [sflag:s14], $0x5000  }
0x2ad: {  	[sflag:s14] =	ssyncset.done $0x0  }
0x2ae: {  	s30 =	rddreg [dreg:$0x7];
	[sflag:s14] =	ssyncadd.s32 $0xFFFFB000  }
0x2af: {  	[hbm4b:s30+s2] =	stream.linear.scatter [tilespmem:s7], [sflag:$0x6], $0x5000, $0x38;
	[tilespmem:$0x16800] =	vst v63  }
0x2b0: {  	_ =	swait.ge [sflag:s9], $0x5000  }
0x2b1: {  	s31 =	sld [smem:$0x7F3]  }
0x2b2: {  	[sflag:s9] =	ssyncset.done $0x0  }
0x2b3: {  	[sflag:s9] =	ssyncadd.s32 $0xFFFFB000  }
0x2b4: {  	[tilespmem:s7], [sflag:$0x2] =	stream.indirect.gather [hbm4b:s3+s10], $0x40, s31, s10, $0xb8;
	[tilespmem:$0x16800] =	vst v63  }
0x2b5: {  	_ =	swait.ge [sflag:s15], $0x5000  }
0x2b6: {  	[sflag:s15] =	ssyncset.done $0x0  }
0x2b7: {  	s1 =	rddreg [dreg:$0x8];
	[sflag:s15] =	ssyncadd.s32 $0xFFFFB000  }
0x2b8: {  	[hbm4b:s1+s2] =	stream.linear.scatter [tilespmem:s5], [sflag:$0x7], $0x5000, $0x38;
	[tilespmem:$0x16800] =	vst v63  }
0x2b9: {  	_ =	swait.ge [sflag:s11], $0x5000  }
0x2ba: {  	s30 =	sld [smem:$0x7F4]  }
0x2bb: {  	[sflag:s11] =	ssyncset.done $0x0  }
0x2bc: {  	[sflag:s11] =	ssyncadd.s32 $0xFFFFB000  }
0x2bd: {  	[tilespmem:s5], [sflag:$0x3] =	stream.indirect.gather [hbm4b:s3+s10], $0x40, s30, s10, $0xb8;
	[tilespmem:$0x16800] =	vst v63  }
0x2be: {  	_ =	swait.ge [sflag:s16], $0x5000  }
0x2bf: {  	[sflag:s16] =	ssyncset.done $0x0  }
0x2c0: {  	s31 =	rddreg [dreg:$0x9];
	[sflag:s16] =	ssyncadd.s32 $0xFFFFB000  }
0x2c1: {  	[hbm4b:s31+s2] =	stream.linear.scatter [tilespmem:s4], [sflag:$0x8], $0x5000, $0x38;
	[tilespmem:$0x16800] =	vst v63  }
0x2c2: {  	_ =	swait.ge [sflag:s12], $0x5000  }
0x2c3: {  	s1 =	sld [smem:$0x7F5]  }
0x2c4: {  	[sflag:s12] =	ssyncset.done $0x0  }
0x2c5: {  	[sflag:s12] =	ssyncadd.s32 $0xFFFFB000  }
0x2c6: {  	[tilespmem:s4], [sflag:$0x4] =	stream.indirect.gather [hbm4b:s3+s10], $0x40, s1, s10, $0xb8;
	[tilespmem:$0x16800] =	vst v63  }
0x2c7: {  	_ =	swait.ge [sflag:s13], $0x5000  }
0x2c8: {  	[sflag:s13] =	ssyncset.done $0x0  }
0x2c9: {  	s30 =	rddreg [dreg:$0xa];
	[sflag:s13] =	ssyncadd.s32 $0xFFFFB000  }
0x2ca: {  	[hbm4b:s30+s2] =	stream.linear.scatter [tilespmem:s8], [sflag:$0x5], $0x5000, $0x38;
	[tilespmem:$0x16800] =	vst v63  }
0x2cb: {  	_ =	swait.ge [sflag:s6], $0x5000  }
0x2cc: {  	s31 =	sld [smem:$0x7F6]  }
0x2cd: {  	[sflag:s6] =	ssyncset.done $0x0  }
0x2ce: {  	[sflag:s6] =	ssyncadd.s32 $0xFFFFB000  }
0x2cf: {  	[tilespmem:s8], [sflag:$0x1] =	stream.indirect.gather [hbm4b:s3+s10], $0x40, s31, s10, $0xb8;
	[tilespmem:$0x16800] =	vst v63  }
0x2d0: {  	_ =	swait.ge [sflag:s14], $0x5000  }
0x2d1: {  	[sflag:s14] =	ssyncset.done $0x0  }
0x2d2: {  	s1 =	rddreg [dreg:$0xb];
	[sflag:s14] =	ssyncadd.s32 $0xFFFFB000  }
0x2d3: {  	[hbm4b:s1+s2] =	stream.linear.scatter [tilespmem:s7], [sflag:$0x6], $0x5000, $0x38;
	[tilespmem:$0x16800] =	vst v63  }
0x2d4: {  	_ =	swait.ge [sflag:s9], $0x5000  }
0x2d5: {  	s30 =	sld [smem:$0x7F7]  }
0x2d6: {  	[sflag:s9] =	ssyncset.done $0x0  }
0x2d7: {  	[sflag:s9] =	ssyncadd.s32 $0xFFFFB000  }
0x2d8: {  	[tilespmem:s7], [sflag:$0x2] =	stream.indirect.gather [hbm4b:s3+s10], $0x40, s30, s10, $0xb8;
	[tilespmem:$0x16800] =	vst v63  }
0x2d9: {  	_ =	swait.ge [sflag:s15], $0x5000  }
0x2da: {  	[sflag:s15] =	ssyncset.done $0x0  }
0x2db: {  	s31 =	rddreg [dreg:$0xc];
	[sflag:s15] =	ssyncadd.s32 $0xFFFFB000  }
0x2dc: {  	[hbm4b:s31+s2] =	stream.linear.scatter [tilespmem:s5], [sflag:$0x7], $0x5000, $0x38;
	[tilespmem:$0x16800] =	vst v63  }
0x2dd: {  	_ =	swait.ge [sflag:s11], $0x5000  }
0x2de: {  	s1 =	sld [smem:$0x7F8]  }
0x2df: {  	[sflag:s11] =	ssyncset.done $0x0  }
0x2e0: {  	[sflag:s11] =	ssyncadd.s32 $0xFFFFB000  }
0x2e1: {  	[tilespmem:s5], [sflag:$0x3] =	stream.indirect.gather [hbm4b:s3+s10], $0x40, s1, s10, $0xb8;
	[tilespmem:$0x16800] =	vst v63  }
0x2e2: {  	_ =	swait.ge [sflag:s16], $0x5000  }
0x2e3: {  	[sflag:s16] =	ssyncset.done $0x0  }
0x2e4: {  	s30 =	rddreg [dreg:$0xd];
	[sflag:s16] =	ssyncadd.s32 $0xFFFFB000  }
0x2e5: {  	[hbm4b:s30+s2] =	stream.linear.scatter [tilespmem:s4], [sflag:$0x8], $0x5000, $0x38;
	[tilespmem:$0x16800] =	vst v63  }
0x2e6: {  	_ =	swait.ge [sflag:s12], $0x5000  }
0x2e7: {  	s31 =	sld [smem:$0x7F9]  }
0x2e8: {  	[sflag:s12] =	ssyncset.done $0x0  }
0x2e9: {  	[sflag:s12] =	ssyncadd.s32 $0xFFFFB000  }
0x2ea: {  	[tilespmem:s4], [sflag:$0x4] =	stream.indirect.gather [hbm4b:s3+s10], $0x40, s31, s10, $0xb8;
	[tilespmem:$0x16800] =	vst v63  }
0x2eb: {  	_ =	swait.ge [sflag:s13], $0x5000  }
0x2ec: {  	[sflag:s13] =	ssyncset.done $0x0  }
0x2ed: {  	s1 =	rddreg [dreg:$0xe];
	[sflag:s13] =	ssyncadd.s32 $0xFFFFB000  }
0x2ee: {  	[hbm4b:s1+s2] =	stream.linear.scatter [tilespmem:s8], [sflag:$0x5], $0x5000, $0x38;
	[tilespmem:$0x16800] =	vst v63  }
0x2ef: {  	_ =	swait.ge [sflag:s6], $0x5000  }
0x2f0: {  	s30 =	sld [smem:$0x7FA]  }
0x2f1: {  	[sflag:s6] =	ssyncset.done $0x0  }
0x2f2: {  	[sflag:s6] =	ssyncadd.s32 $0xFFFFB000  }
0x2f3: {  	[tilespmem:s8], [sflag:$0x1] =	stream.indirect.gather [hbm4b:s3+s10], $0x40, s30, s10, $0xb8;
	[tilespmem:$0x16800] =	vst v63  }
0x2f4: {  	_ =	swait.ge [sflag:s14], $0x5000  }
0x2f5: {  	[sflag:s14] =	ssyncset.done $0x0  }
0x2f6: {  	s31 =	rddreg [dreg:$0xf];
	[sflag:s14] =	ssyncadd.s32 $0xFFFFB000  }
0x2f7: {  	[hbm4b:s31+s2] =	stream.linear.scatter [tilespmem:s7], [sflag:$0x6], $0x5000, $0x38;
	[tilespmem:$0x16800] =	vst v63  }
0x2f8: {  	_ =	swait.ge [sflag:s9], $0x5000  }
0x2f9: {  	s1 =	sld [smem:$0x7FB]  }
0x2fa: {  	[sflag:s9] =	ssyncset.done $0x0  }
0x2fb: {  	[sflag:s9] =	ssyncadd.s32 $0xFFFFB000  }
0x2fc: {  	[tilespmem:s7], [sflag:$0x2] =	stream.indirect.gather [hbm4b:s3+s10], $0x40, s1, s10, $0xb8;
	[tilespmem:$0x16800] =	vst v63  }
0x2fd: {  	_ =	swait.ge [sflag:s15], $0x5000  }
0x2fe: {  	[sflag:s15] =	ssyncset.done $0x0  }
0x2ff: {  	s30 =	rddreg [dreg:$0x10];
	[sflag:s15] =	ssyncadd.s32 $0xFFFFB000  }
0x300: {  	[hbm4b:s30+s2] =	stream.linear.scatter [tilespmem:s5], [sflag:$0x7], $0x5000, $0x38;
	[tilespmem:$0x16800] =	vst v63  }
0x301: {  	_ =	swait.ge [sflag:s11], $0x5000  }
0x302: {  	s31 =	sld [smem:$0x7FC]  }
0x303: {  	[sflag:s11] =	ssyncset.done $0x0  }
0x304: {  	[sflag:s11] =	ssyncadd.s32 $0xFFFFB000  }
0x305: {  	[tilespmem:s5], [sflag:$0x3] =	stream.indirect.gather [hbm4b:s3+s10], $0x40, s31, s10, $0xb8;
	[tilespmem:$0x16800] =	vst v63  }
0x306: {  	_ =	swait.ge [sflag:s16], $0x5000  }
0x307: {  	[sflag:s16] =	ssyncset.done $0x0  }
0x308: {  	s1 =	rddreg [dreg:$0x11];
	[sflag:s16] =	ssyncadd.s32 $0xFFFFB000  }
0x309: {  	[hbm4b:s1+s2] =	stream.linear.scatter [tilespmem:s4], [sflag:$0x8], $0x5000, $0x38;
	[tilespmem:$0x16800] =	vst v63  }
0x30a: {  	_ =	swait.ge [sflag:s12], $0x5000  }
0x30b: {  	s30 =	sld [smem:$0x7FD]  }
0x30c: {  	[sflag:s12] =	ssyncset.done $0x0  }
0x30d: {  	[sflag:s12] =	ssyncadd.s32 $0xFFFFB000  }
0x30e: {  	[tilespmem:s4], [sflag:$0x4] =	stream.indirect.gather [hbm4b:s3+s10], $0x40, s30, s10, $0xb8;
	[tilespmem:$0x16800] =	vst v63  }
0x30f: {  	_ =	swait.ge [sflag:s13], $0x5000  }
0x310: {  	[sflag:s13] =	ssyncset.done $0x0  }
0x311: {  	s31 =	rddreg [dreg:$0x12];
	[sflag:s13] =	ssyncadd.s32 $0xFFFFB000  }
0x312: {  	[hbm4b:s31+s2] =	stream.linear.scatter [tilespmem:s8], [sflag:$0x5], $0x5000, $0x38;
	[tilespmem:$0x16800] =	vst v63  }
0x313: {  	_ =	swait.ge [sflag:s6], $0x5000  }
0x314: {  	[sflag:s6] =	ssyncset.done $0x0  }
0x315: {  	[sflag:s6] =	ssyncadd.s32 $0xFFFFB000  }
0x316: {  	[tilespmem:s8], [sflag:$0x1] =	stream.indirect.gather [hbm4b:s3+s10], $0x40, s18, s10, $0xb8;
	[tilespmem:$0x16800] =	vst v63  }
0x317: {  	_ =	swait.ge [sflag:s14], $0x5000  }
0x318: {  	[sflag:s14] =	ssyncset.done $0x0  }
0x319: {  	s1 =	rddreg [dreg:$0x13];
	[sflag:s14] =	ssyncadd.s32 $0xFFFFB000  }
0x31a: {  	[hbm4b:s1+s2] =	stream.linear.scatter [tilespmem:s7], [sflag:$0x6], $0x5000, $0x38;
	[tilespmem:$0x16800] =	vst v63  }
0x31b: {  	_ =	swait.ge [sflag:s9], $0x5000  }
0x31c: {  	[sflag:s9] =	ssyncset.done $0x0  }
0x31d: {  	[sflag:s9] =	ssyncadd.s32 $0xFFFFB000  }
0x31e: {  	[tilespmem:s7], [sflag:$0x2] =	stream.indirect.gather [hbm4b:s3+s10], $0x40, s29, s10, $0xb8;
	[tilespmem:$0x16800] =	vst v63  }
0x31f: {  	_ =	swait.ge [sflag:s15], $0x5000  }
0x320: {  	[sflag:s15] =	ssyncset.done $0x0  }
0x321: {  	s18 =	rddreg [dreg:$0x14];
	[sflag:s15] =	ssyncadd.s32 $0xFFFFB000  }
0x322: {  	[hbm4b:s18+s2] =	stream.linear.scatter [tilespmem:s5], [sflag:$0x7], $0x5000, $0x38;
	[tilespmem:$0x16800] =	vst v63  }
0x323: {  	_ =	swait.ge [sflag:s11], $0x5000  }
0x324: {  	[sflag:s11] =	ssyncset.done $0x0  }
0x325: {  	[sflag:s11] =	ssyncadd.s32 $0xFFFFB000  }
0x326: {  	[tilespmem:s5], [sflag:$0x3] =	stream.indirect.gather [hbm4b:s3+s10], $0x40, s28, s10, $0xb8;
	[tilespmem:$0x16800] =	vst v63  }
0x327: {  	_ =	swait.ge [sflag:s16], $0x5000  }
0x328: {  	[sflag:s16] =	ssyncset.done $0x0  }
0x329: {  	s29 =	rddreg [dreg:$0x15];
	[sflag:s16] =	ssyncadd.s32 $0xFFFFB000  }
0x32a: {  	[hbm4b:s29+s2] =	stream.linear.scatter [tilespmem:s4], [sflag:$0x8], $0x5000, $0x38;
	[tilespmem:$0x16800] =	vst v63  }
0x32b: {  	_ =	swait.ge [sflag:s12], $0x5000  }
0x32c: {  	[sflag:s12] =	ssyncset.done $0x0  }
0x32d: {  	[sflag:s12] =	ssyncadd.s32 $0xFFFFB000  }
0x32e: {  	[tilespmem:s4], [sflag:$0x4] =	stream.indirect.gather [hbm4b:s3+s10], $0x40, s26, s10, $0xb8;
	[tilespmem:$0x16800] =	vst v63  }
0x32f: {  	_ =	swait.ge [sflag:s13], $0x5000  }
0x330: {  	[sflag:s13] =	ssyncset.done $0x0  }
0x331: {  	s30 =	rddreg [dreg:$0x16];
	[sflag:s13] =	ssyncadd.s32 $0xFFFFB000  }
0x332: {  	[hbm4b:s30+s2] =	stream.linear.scatter [tilespmem:s8], [sflag:$0x5], $0x5000, $0x38;
	[tilespmem:$0x16800] =	vst v63  }
0x333: {  	_ =	swait.ge [sflag:s6], $0x5000  }
0x334: {  	[sflag:s6] =	ssyncset.done $0x0  }
0x335: {  	[sflag:s6] =	ssyncadd.s32 $0xFFFFB000  }
0x336: {  	[tilespmem:s8], [sflag:$0x1] =	stream.indirect.gather [hbm4b:s3+s10], $0x40, s25, s10, $0xb8;
	[tilespmem:$0x16800] =	vst v63  }
0x337: {  	_ =	swait.ge [sflag:s14], $0x5000  }
0x338: {  	[sflag:s14] =	ssyncset.done $0x0  }
0x339: {  	s31 =	rddreg [dreg:$0x17];
	[sflag:s14] =	ssyncadd.s32 $0xFFFFB000  }
0x33a: {  	[hbm4b:s31+s2] =	stream.linear.scatter [tilespmem:s7], [sflag:$0x6], $0x5000, $0x38;
	[tilespmem:$0x16800] =	vst v63  }
0x33b: {  	_ =	swait.ge [sflag:s9], $0x5000  }
0x33c: {  	[sflag:s9] =	ssyncset.done $0x0  }
0x33d: {  	[sflag:s9] =	ssyncadd.s32 $0xFFFFB000  }
0x33e: {  	[tilespmem:s7], [sflag:$0x2] =	stream.indirect.gather [hbm4b:s3+s10], $0x40, s24, s10, $0xb8;
	[tilespmem:$0x16800] =	vst v63  }
0x33f: {  	_ =	swait.ge [sflag:s15], $0x5000  }
0x340: {  	[sflag:s15] =	ssyncset.done $0x0  }
0x341: {  	s1 =	rddreg [dreg:$0x18];
	[sflag:s15] =	ssyncadd.s32 $0xFFFFB000  }
0x342: {  	[hbm4b:s1+s2] =	stream.linear.scatter [tilespmem:s5], [sflag:$0x7], $0x5000, $0x38;
	[tilespmem:$0x16800] =	vst v63  }
0x343: {  	_ =	swait.ge [sflag:s11], $0x5000  }
0x344: {  	[sflag:s11] =	ssyncset.done $0x0  }
0x345: {  	[sflag:s11] =	ssyncadd.s32 $0xFFFFB000  }
0x346: {  	[tilespmem:s5], [sflag:$0x3] =	stream.indirect.gather [hbm4b:s3+s10], $0x40, s23, s10, $0xb8;
	[tilespmem:$0x16800] =	vst v63  }
0x347: {  	_ =	swait.ge [sflag:s16], $0x5000  }
0x348: {  	[sflag:s16] =	ssyncset.done $0x0  }
0x349: {  	s18 =	rddreg [dreg:$0x19];
	[sflag:s16] =	ssyncadd.s32 $0xFFFFB000  }
0x34a: {  	[hbm4b:s18+s2] =	stream.linear.scatter [tilespmem:s4], [sflag:$0x8], $0x5000, $0x38;
	[tilespmem:$0x16800] =	vst v63  }
0x34b: {  	_ =	swait.ge [sflag:s12], $0x5000  }
0x34c: {  	[sflag:s12] =	ssyncset.done $0x0  }
0x34d: {  	[sflag:s12] =	ssyncadd.s32 $0xFFFFB000  }
0x34e: {  	[tilespmem:s4], [sflag:$0x4] =	stream.indirect.gather [hbm4b:s3+s10], $0x40, s22, s10, $0xb8;
	[tilespmem:$0x16800] =	vst v63  }
0x34f: {  	_ =	swait.ge [sflag:s13], $0x5000  }
0x350: {  	[sflag:s13] =	ssyncset.done $0x0  }
0x351: {  	s22 =	rddreg [dreg:$0x1a];
	[sflag:s13] =	ssyncadd.s32 $0xFFFFB000  }
0x352: {  	[hbm4b:s22+s2] =	stream.linear.scatter [tilespmem:s8], [sflag:$0x5], $0x5000, $0x38;
	[tilespmem:$0x16800] =	vst v63  }
0x353: {  	_ =	swait.ge [sflag:s6], $0x5000  }
0x354: {  	[sflag:s6] =	ssyncset.done $0x0  }
0x355: {  	[sflag:s6] =	ssyncadd.s32 $0xFFFFB000  }
0x356: {  	[tilespmem:s8], [sflag:$0x1] =	stream.indirect.gather [hbm4b:s3+s10], $0x40, s21, s10, $0xb8;
	[tilespmem:$0x16800] =	vst v63  }
0x357: {  	_ =	swait.ge [sflag:s14], $0x5000  }
0x358: {  	[sflag:s14] =	ssyncset.done $0x0  }
0x359: {  	s23 =	rddreg [dreg:$0x1b];
	[sflag:s14] =	ssyncadd.s32 $0xFFFFB000  }
0x35a: {  	[hbm4b:s23+s2] =	stream.linear.scatter [tilespmem:s7], [sflag:$0x6], $0x5000, $0x38;
	[tilespmem:$0x16800] =	vst v63  }
0x35b: {  	_ =	swait.ge [sflag:s9], $0x5000  }
0x35c: {  	[sflag:s9] =	ssyncset.done $0x0  }
0x35d: {  	[sflag:s9] =	ssyncadd.s32 $0xFFFFB000  }
0x35e: {  	[tilespmem:s7], [sflag:$0x2] =	stream.indirect.gather [hbm4b:s3+s10], $0x40, s20, s10, $0xb8;
	[tilespmem:$0x16800] =	vst v63  }
0x35f: {  	_ =	swait.ge [sflag:s15], $0x5000  }
0x360: {  	[sflag:s15] =	ssyncset.done $0x0  }
0x361: {  	s24 =	rddreg [dreg:$0x1c];
	[sflag:s15] =	ssyncadd.s32 $0xFFFFB000  }
0x362: {  	[hbm4b:s24+s2] =	stream.linear.scatter [tilespmem:s5], [sflag:$0x7], $0x5000, $0x38;
	[tilespmem:$0x16800] =	vst v63  }
0x363: {  	_ =	swait.ge [sflag:s11], $0x5000  }
0x364: {  	[sflag:s11] =	ssyncset.done $0x0  }
0x365: {  	[sflag:s11] =	ssyncadd.s32 $0xFFFFB000  }
0x366: {  	[tilespmem:s5], [sflag:$0x3] =	stream.indirect.gather [hbm4b:s3+s10], $0x40, s19, s10, $0xb8;
	[tilespmem:$0x16800] =	vst v63  }
0x367: {  	_ =	swait.ge [sflag:s16], $0x5000  }
0x368: {  	[sflag:s16] =	ssyncset.done $0x0  }
0x369: {  	s25 =	rddreg [dreg:$0x1d];
	[sflag:s16] =	ssyncadd.s32 $0xFFFFB000  }
0x36a: {  	[hbm4b:s25+s2] =	stream.linear.scatter [tilespmem:s4], [sflag:$0x8], $0x5000, $0x38;
	[tilespmem:$0x16800] =	vst v63  }
0x36b: {  	_ =	swait.ge [sflag:s12], $0x5000  }
0x36c: {  	[sflag:s12] =	ssyncset.done $0x0  }
0x36d: {  	s26 =	simm.s32 $0x26C0;
	[sflag:s12] =	ssyncadd.s32 $0xFFFFB000  }
0x36e: {  	[tilespmem:s4], [sflag:$0x4] =	stream.indirect.gather [hbm4b:s3+s10], $0x40, s26, s10, $0xb8;
	[tilespmem:$0x16800] =	vst v63  }
0x36f: {  	_ =	swait.ge [sflag:s13], $0x5000  }
0x370: {  	[sflag:s13] =	ssyncset.done $0x0  }
0x371: {  	s28 =	rddreg [dreg:$0x1e];
	[sflag:s13] =	ssyncadd.s32 $0xFFFFB000  }
0x372: {  	[hbm4b:s28+s2] =	stream.linear.scatter [tilespmem:s8], [sflag:$0x5], $0x5000, $0x38;
	[tilespmem:$0x16800] =	vst v63  }
0x373: {  	_ =	swait.ge [sflag:s14], $0x5000  }
0x374: {  	[sflag:s14] =	ssyncset.done $0x0  }
0x375: {  	s29 =	rddreg [dreg:$0x1f];
	[sflag:s14] =	ssyncadd.s32 $0xFFFFB000  }
0x376: {  	[hbm4b:s29+s2] =	stream.linear.scatter [tilespmem:s7], [sflag:$0x6], $0x5000, $0x38;
	[tilespmem:$0x16800] =	vst v63  }
0x377: {  	_ =	swait.ge [sflag:s15], $0x5000  }
0x378: {  	s30 =	sld [smem:$0x7EA]  }
0x379: {  	[sflag:s15] =	ssyncset.done $0x0  }
0x37a: {  	[sflag:s15] =	ssyncadd.s32 $0xFFFFB000  }
0x37b: {  	[hbm4b:s30+s2] =	stream.linear.scatter [tilespmem:s5], [sflag:$0x7], $0x5000, $0x38;
	[tilespmem:$0x16800] =	vst v63  }
0x37c: {  	_ =	swait.ge [sflag:s16], $0x5000  }
0x37d: {  	s31 =	sld [smem:$0x7EB]  }
0x37e: {  	[sflag:s16] =	ssyncset.done $0x0  }
0x37f: {  	[sflag:s16] =	ssyncadd.s32 $0xFFFFB000  }
0x380: {  	[hbm4b:s31+s2] =	stream.linear.scatter [tilespmem:s4], [sflag:$0x8], $0x5000, $0x38;
	[tilespmem:$0x16800] =	vst v63  }
0x381: {  	_ =	swait.ge [sflag:s6], $0x5000  }
0x382: {  	[sflag:s6] =	ssyncset.done $0x0  }
0x383: {  	[sflag:s6] =	ssyncadd.s32 $0xFFFFB000  }
0x384: {  	_ =	swait.ge [sflag:s9], $0x5000  }
0x385: {  	[sflag:s9] =	ssyncset.done $0x0  }
0x386: {  	[sflag:s9] =	ssyncadd.s32 $0xFFFFB000  }
0x387: {  	_ =	swait.ge [sflag:s11], $0x5000  }
0x388: {  	[sflag:s11] =	ssyncset.done $0x0  }
0x389: {  	[sflag:s11] =	ssyncadd.s32 $0xFFFFB000  }
0x38a: {  	_ =	swait.ge [sflag:s12], $0x5000  }
0x38b: {  	[sflag:s12] =	ssyncset.done $0x0  }
0x38c: {  	[sflag:s12] =	ssyncadd.s32 $0xFFFFB000  }
0x38d: {  	_ =	sfence.sel $0x180000  }
0x38e: {  	[bflag:$0x0] =	sbarrier.arrive $0xFFFF  }
0x38f: {  	_ =	strace $0x90000047  }
0x390: {  	[bflag:$0x2] =	sbarrier.arrive $0xFFFF  }
0x391: {  	p0 =	sne.s32 s17, $0x0;
	s0 =	rddreg [dreg:$0x1]  }
0x392: {  	s0 =	sadd.s32 @!p0 $0x100000, s0  }
0x393: {  	[sflag:s0] =	ssyncadd.tile.s32 @!p0 $0x1;
	_ =	shalt  }
.LBB2_1:
.Ltmp3:
0x394: {  	(pc) =	sbr.rel .LBB2_6-.Ltmp3, $4  }
0x395: {  	s18 =	simm.s32 $0x1900;
	s29 =	simm.s32 $0x1A40  }
0x396: {  	s28 =	simm.s32 $0x1B80;
	s26 =	simm.s32 $0x1CC0;
	s25 =	simm.s32 $0x1E00  }
0x397: {  	s24 =	simm.s32 $0x1F40;
	s23 =	simm.s32 $0x2080;
	s22 =	simm.s32 $0x21C0  }
0x398: {  	s21 =	simm.s32 $0x2300;
	s20 =	simm.s32 $0x2440;
	s19 =	simm.s32 $0x2580  }
.LBB2_3:
.Ltmp4:
0x399: {  	(pc) =	sbr.rel .LBB2_6-.Ltmp4, $4  }
0x39a: {  	s18 =	simm.s32 $0x1900;
	s29 =	simm.s32 $0x1A40;
	s28 =	simm.s32 $0x1B80  }
0x39b: {  	s26 =	simm.s32 $0x1CC0;
	s25 =	simm.s32 $0x1E00;
	s24 =	simm.s32 $0x1F40  }
0x39c: {  	s23 =	simm.s32 $0x2080;
	s22 =	simm.s32 $0x21C0;
	s21 =	simm.s32 $0x2300  }
0x39d: {  	s20 =	simm.s32 $0x2440;
	s19 =	simm.s32 $0x2580;
	s17 =	stileid.u32  }
.Lfunc_end2:
_tile_overlayer_lowered:
.L_overlay_start_2:
0x39e: {  	(tag) =	ssettag $0x2  }
0x39f: {  	s0 =	rddreg [dreg:$0x0];
	s2 =	stileid.u32  }
0x3a0: {  	s1 =	rddreg [dreg:$0x1];
	p0 =	sne.s32 s2, $0x0  }
0x3a1: {  	s3 =	rddreg [dreg:$0x2];
	[bflag:$0x3] =	sbarrier.arrive $0xFFFF;
	s2 =	simm.s32 @!p0 $0x1C09  }
0x3a2: {  	[timem:s3], [sflag:s2] =	dma.local @!p0 [hbm:s0], s1  }
0x3a3: {  	s0 =	simm.s32 @!p0 $0x9  }
0x3a4: {  	_ =	swait.ge @!p0 [sflag:s0], s1  }
0x3a5: {  	s1 =	ssub.s32 @!p0 $0x0, s1;
	[sflag:s0] =	ssyncset.done @!p0 $0x0  }
0x3a6: {  	[sflag:s0] =	ssyncadd.s32 @!p0 s1  }
0x3a7: {  	[bflag:$0x3] =	sbarrier.arrive $0xFFFF  }
0x3a8: {  	_ =	shalt  }

</sc_bundles>
